<compile_context>
chip_gen: v7x
topology: tpu7x:2x2x1
jax: 0.10.2.dev20260603
libtpu: 0.0.44.dev20260713+nightly
codegen_flags: <defaults>
</compile_context>

<pallas_src>
import functools

import jax
import jax.numpy as jnp
from jax import lax
from jax.experimental import pallas as pl
from jax.experimental.pallas import tpu as pltpu
from jax.experimental.pallas import tpu_sc as plsc

N = 10000
D = 128
E = 320000

NUM_CORES = 2
NUM_SUBCORES = 16
NUM_WORKERS = NUM_CORES * NUM_SUBCORES
EDGES_PER_WORKER = E // NUM_WORKERS
CHUNK = 128
EDGES_PAD = 10240
CHUNKS_PER_WORKER = EDGES_PAD // CHUNK
N_PAD = 10240
ROWS_PER_TILE = N_PAD // NUM_SUBCORES
WB_ITERS = ROWS_PER_TILE // CHUNK
HALF_CHUNKS = CHUNKS_PER_WORKER // 2


def _sc_agg_kernel(x_hbm, src_hbm, dst_hbm, out_hbm,
                   src_idx, dst_idx, buf_a, buf_b, sem_a, sem_b, agg_sh):
    c = lax.axis_index("c")
    s = lax.axis_index("s")
    wid = c * NUM_SUBCORES + s

    def zrow(i, _):
        for j in range(D // 16):
            buf_a[i, pl.ds(j * 16, 16)] = jnp.zeros((16,), jnp.float32)
        return 0
    lax.fori_loop(0, CHUNK, zrow, 0)

    def zcopy(i, _):
        pltpu.sync_copy(buf_a,
                        agg_sh.at[pl.ds(s * ROWS_PER_TILE + i * CHUNK, CHUNK)])
        return 0
    lax.fori_loop(0, WB_ITERS, zcopy, 0)

    plsc.subcore_barrier()

    for h in range(2):
        pltpu.sync_copy(src_hbm.at[wid].at[pl.ds(h * HALF_CHUNKS, HALF_CHUNKS)],
                        src_idx)
        pltpu.sync_copy(dst_hbm.at[wid].at[pl.ds(h * HALF_CHUNKS, HALF_CHUNKS)],
                        dst_idx)
        pltpu.async_copy(x_hbm.at[src_idx.at[0]], buf_a, sem_a)

        def pair(i, _):
            t = 2 * i
            pltpu.make_async_copy(x_hbm.at[src_idx.at[t]], buf_a, sem_a).wait()
            pltpu.async_copy(x_hbm.at[src_idx.at[t + 1]], buf_b, sem_b)
            pltpu.sync_copy(buf_a, agg_sh.at[dst_idx.at[t]], add=True)

            pltpu.make_async_copy(x_hbm.at[src_idx.at[t + 1]], buf_b,
                                  sem_b).wait()

            @pl.when(t + 2 < HALF_CHUNKS)
            def _():
                pltpu.async_copy(x_hbm.at[src_idx.at[t + 2]], buf_a, sem_a)

            pltpu.sync_copy(buf_b, agg_sh.at[dst_idx.at[t + 1]], add=True)
            return 0

        lax.fori_loop(0, HALF_CHUNKS // 2, pair, 0)

    plsc.subcore_barrier()

    def wb(i, _):
        sl = pl.ds(s * ROWS_PER_TILE + i * CHUNK, CHUNK)
        pltpu.sync_copy(agg_sh.at[sl], out_hbm.at[c].at[sl])
        return 0
    lax.fori_loop(0, WB_ITERS, wb, 0)


def _sc_agg(h, src3, dst3):
    mesh = plsc.VectorSubcoreMesh(core_axis_name="c", subcore_axis_name="s")
    f = functools.partial(
        pl.kernel,
        mesh=mesh,
        out_type=jax.ShapeDtypeStruct((NUM_CORES, N_PAD, D), jnp.float32),
        scratch_types=[
            pltpu.VMEM((HALF_CHUNKS, CHUNK), jnp.int32),
            pltpu.VMEM((HALF_CHUNKS, CHUNK), jnp.int32),
            pltpu.VMEM((CHUNK, D), jnp.float32),
            pltpu.VMEM((CHUNK, D), jnp.float32),
            pltpu.SemaphoreType.DMA,
            pltpu.SemaphoreType.DMA,
            pltpu.VMEM_SHARED((N_PAD, D), jnp.float32),
        ],
    )(_sc_agg_kernel)
    p = f(h, src3, dst3)
    return p[0, :N], p[1, :N]


def _tc_layer_kernel(h_ref, p0_ref, p1_ref, w_ref, b_ref, g_ref, bt_ref, o_ref):
    hs = h_ref[...] + p0_ref[...] + p1_ref[...]
    z = lax.dot_general(hs, w_ref[...], (((1,), (1,)), ((), ())),
                        preferred_element_type=jnp.float32) + b_ref[...]
    r = jnp.maximum(z, 0.0)
    mu = jnp.mean(r, axis=0, keepdims=True)
    var = jnp.mean((r - mu) ** 2, axis=0, keepdims=True)
    o_ref[...] = (r - mu) * lax.rsqrt(var + 1e-5) * g_ref[...] + bt_ref[...]


def _tc_layer(h, p0, p1, w, b, g, bt):
    return pl.pallas_call(
        _tc_layer_kernel,
        out_shape=jax.ShapeDtypeStruct((N, D), jnp.float32),
    )(h, p0, p1, w, b.reshape(1, D), g.reshape(1, D), bt.reshape(1, D))


def _tc_final_kernel(h_ref, p0_ref, p1_ref, w_ref, b_ref, o_ref):
    hs = h_ref[...] + p0_ref[...] + p1_ref[...]
    z = lax.dot_general(hs, w_ref[...], (((1,), (1,)), ((), ())),
                        preferred_element_type=jnp.float32) + b_ref[...]
    m = jnp.max(z, axis=1, keepdims=True)
    e = jnp.exp(z - m)
    lse = jnp.log(jnp.sum(e, axis=1, keepdims=True)) + m
    o_ref[...] = z - lse


def _tc_final(h, p0, p1, w, b):
    c = w.shape[0]
    return pl.pallas_call(
        _tc_final_kernel,
        out_shape=jax.ShapeDtypeStruct((N, c), jnp.float32),
    )(h, p0, p1, w, b.reshape(1, c))


def _prep_edges(e, fill):
    e2 = e.reshape(NUM_WORKERS, EDGES_PER_WORKER)
    e2 = jnp.pad(e2, ((0, 0), (0, EDGES_PAD - EDGES_PER_WORKER)),
                 constant_values=fill)
    return e2.reshape(NUM_WORKERS, CHUNKS_PER_WORKER, CHUNK)


def kernel(x, edge_index, proj_W, proj_b, W0, b0, W1, b1, W2, b2,
           final_W, final_b, norm_g, norm_b,
           g0, bt0, g1, bt1, g2, bt2):
    src = _prep_edges(edge_index[0], 0)
    dst = _prep_edges(edge_index[1], N)

    h = x
    p0, p1 = _sc_agg(h, src, dst)
    h = _tc_layer(h, p0, p1, proj_W, proj_b, norm_g, norm_b)
    for w, b, g, bt in ((W0, b0, g0, bt0), (W1, b1, g1, bt1),
                        (W2, b2, g2, bt2)):
        p0, p1 = _sc_agg(h, src, dst)
        h = _tc_layer(h, p0, p1, w, b, g, bt)
    p0, p1 = _sc_agg(h, src, dst)
    return _tc_final(h, p0, p1, final_W, final_b)

# --- scband reference (transcript-rebuilt; emitter-appended) ---
"""Pipeline reference for scband-ginmodel-8701603742430 (READ-ONLY COPY).

The authoritative reference and input builder live on the scoring server;
editing this copy changes nothing except your own understanding.
"""

import jax, jax.numpy as jnp
import numpy as np

N = 10000
E = 320000
D = 128
C = 40


def _gin_conv(x, edge_index, W, b):
    # GINConv with eps=0, sum aggregation: nn(x_i + sum_{j->i} x_j)
    src = edge_index[0]
    dst = edge_index[1]
    agg = jnp.zeros_like(x).at[dst].add(x[src])
    h = x + agg
    return h @ W.T + b


def _batch_norm(x, gamma, beta, eps=1e-5):
    mu = jnp.mean(x, axis=0)
    var = jnp.mean((x - mu) ** 2, axis=0)
    xn = (x - mu) / jnp.sqrt(var + eps)
    return xn * gamma + beta


def setup_inputs(seed: int = 0) -> dict:
    key = jax.random.key(seed)
    ks = jax.random.split(key, 12)
    x = jax.random.normal(ks[0], (N, D), dtype=jnp.float32)
    edge_index = jax.random.randint(ks[1], (2, E), 0, N, dtype=jnp.int32)
    s = 1.0 / np.sqrt(D)
    proj_W = jax.random.uniform(ks[2], (D, D), jnp.float32, -s, s)
    proj_b = jnp.zeros((D,), jnp.float32)
    W0 = jax.random.uniform(ks[3], (D, D), jnp.float32, -s, s)
    b0 = jnp.zeros((D,), jnp.float32)
    W1 = jax.random.uniform(ks[4], (D, D), jnp.float32, -s, s)
    b1 = jnp.zeros((D,), jnp.float32)
    W2 = jax.random.uniform(ks[5], (D, D), jnp.float32, -s, s)
    b2 = jnp.zeros((D,), jnp.float32)
    final_W = jax.random.uniform(ks[6], (C, D), jnp.float32, -s, s)
    final_b = jnp.zeros((C,), jnp.float32)
    norm_g = jnp.ones((D,), jnp.float32)
    norm_b = jnp.zeros((D,), jnp.float32)
    g0 = jnp.ones((D,), jnp.float32); bt0 = jnp.zeros((D,), jnp.float32)
    g1 = jnp.ones((D,), jnp.float32); bt1 = jnp.zeros((D,), jnp.float32)
    g2 = jnp.ones((D,), jnp.float32); bt2 = jnp.zeros((D,), jnp.float32)
    return {
        "x": x, "edge_index": edge_index,
        "proj_W": proj_W, "proj_b": proj_b,
        "W0": W0, "b0": b0, "W1": W1, "b1": b1, "W2": W2, "b2": b2,
        "final_W": final_W, "final_b": final_b,
        "norm_g": norm_g, "norm_b": norm_b,
        "g0": g0, "bt0": bt0, "g1": g1, "bt1": bt1, "g2": g2, "bt2": bt2,
    }


def reference(x, edge_index, proj_W, proj_b, W0, b0, W1, b1, W2, b2,
              final_W, final_b, norm_g, norm_b,
              g0, bt0, g1, bt1, g2, bt2):
    h = _gin_conv(x, edge_index, proj_W, proj_b)
    h = jax.nn.relu(h)
    h = _batch_norm(h, norm_g, norm_b)
    Ws = (W0, W1, W2); bs = (b0, b1, b2)
    gs = (g0, g1, g2); bts = (bt0, bt1, bt2)
    for l in range(3):
        h = _gin_conv(h, edge_index, Ws[l], bs[l])
        h = jax.nn.relu(h)
        h = _batch_norm(h, gs[l], bts[l])
    h = _gin_conv(h, edge_index, final_W, final_b)
    return jax.nn.log_softmax(h, axis=1)

if __name__ == "__main__":
    import jax
    _d = setup_inputs()
    print(jax.jit(kernel)(*tuple(_d.values())))

</pallas_src>

<mosaic_0001>
#map = affine_map<(d0, d1) -> (0, 0)>
#map1 = affine_map<(d0, d1) -> (0, 0, 0)>
module attributes {stable_mosaic.version = 14 : i64} {
  func.func @_sc_agg_kernel(%arg0: i32, %arg1: i32, %arg2: memref<10000x128xf32, #tpu.memory_space<hbm>>, %arg3: memref<32x80x128xi32, #tpu.memory_space<hbm>>, %arg4: memref<32x80x128xi32, #tpu.memory_space<hbm>>, %arg5: memref<2x10240x128xf32, #tpu.memory_space<hbm>>, %arg6: memref<40x128xi32, #tpu.memory_space<vmem>>, %arg7: memref<40x128xi32, #tpu.memory_space<vmem>>, %arg8: memref<128x128xf32, #tpu.memory_space<vmem>>, %arg9: memref<128x128xf32, #tpu.memory_space<vmem>>, %arg10: memref<!tpu.dma_semaphore, #tpu.memory_space<semaphore_mem>>, %arg11: memref<!tpu.dma_semaphore, #tpu.memory_space<semaphore_mem>>, %arg12: memref<10240x128xf32, #tpu.memory_space<vmem_shared>>) attributes {dimension_semantics = [#tpu.dimension_semantics<core_parallel>, #tpu.dimension_semantics<subcore_parallel>], iteration_bounds = array<i64: 2, 16>, scalar_prefetch = 0 : i64, scratch_operands = 7 : i64, tpu.core_type = #tpu.core_type<sc_vector_subcore>, window_params = [{transform_indices = #map}, {transform_indices = #map1}, {transform_indices = #map1}, {transform_indices = #map1}]} {
    %mul3A = arith.constant 16 : i32
    %mul3A_0 = arith.muli %arg0, %mul3A : i32
    %add3A = arith.addi %mul3A_0, %arg1 : i32
    %scan3A = arith.constant 0 : i32
    %scan3A_1 = arith.constant 0 : i32
    %scan3A_2 = arith.constant 128 : i32
    %scan3A_3 = arith.addi %scan3A_1, %scan3A_2 : i32
    %scan3A_4 = arith.constant 1 : i32
    %scan3A_5 = scf.for %scan3A_49 = %scan3A_1 to %scan3A_3 step %scan3A_4 iter_args(%scan3A_50 = %scan3A) -> (i32)  : i32 {
      %broadcast_in_dim3A = arith.constant 0.000000e+00 : f32
      %broadcast_in_dim3A_51 = vector.broadcast %broadcast_in_dim3A : f32 to vector<16xf32>
      %swap3A = arith.index_cast %scan3A_49 : i32 to index
      %swap3A_52 = arith.constant 0 : index
      %swap3A_53 = tpu.vector_load %arg8[%swap3A, %swap3A_52] {strides = array<i32>} : memref<128x128xf32, #tpu.memory_space<vmem>>, vector<1x16xf32>,
      %swap3A_54 = vector.shape_cast %swap3A_53 : vector<1x16xf32> to vector<16xf32>
      %swap3A_55 = vector.shape_cast %broadcast_in_dim3A_51 : vector<16xf32> to vector<1x16xf32>
      tpu.vector_store %arg8[%swap3A, %swap3A_52], %swap3A_55 {strides = array<i32>} : memref<128x128xf32, #tpu.memory_space<vmem>>, vector<1x16xf32>,
      %broadcast_in_dim3A_56 = arith.constant 0.000000e+00 : f32
      %broadcast_in_dim3A_57 = vector.broadcast %broadcast_in_dim3A_56 : f32 to vector<16xf32>
      %swap3A_58 = arith.index_cast %scan3A_49 : i32 to index
      %swap3A_59 = arith.constant 16 : index
      %swap3A_60 = tpu.vector_load %arg8[%swap3A_58, %swap3A_59] {strides = array<i32>} : memref<128x128xf32, #tpu.memory_space<vmem>>, vector<1x16xf32>,
      %swap3A_61 = vector.shape_cast %swap3A_60 : vector<1x16xf32> to vector<16xf32>
      %swap3A_62 = vector.shape_cast %broadcast_in_dim3A_57 : vector<16xf32> to vector<1x16xf32>
      tpu.vector_store %arg8[%swap3A_58, %swap3A_59], %swap3A_62 {strides = array<i32>} : memref<128x128xf32, #tpu.memory_space<vmem>>, vector<1x16xf32>,
      %broadcast_in_dim3A_63 = arith.constant 0.000000e+00 : f32
      %broadcast_in_dim3A_64 = vector.broadcast %broadcast_in_dim3A_63 : f32 to vector<16xf32>
      %swap3A_65 = arith.index_cast %scan3A_49 : i32 to index
      %swap3A_66 = arith.constant 32 : index
      %swap3A_67 = tpu.vector_load %arg8[%swap3A_65, %swap3A_66] {strides = array<i32>} : memref<128x128xf32, #tpu.memory_space<vmem>>, vector<1x16xf32>,
      %swap3A_68 = vector.shape_cast %swap3A_67 : vector<1x16xf32> to vector<16xf32>
      %swap3A_69 = vector.shape_cast %broadcast_in_dim3A_64 : vector<16xf32> to vector<1x16xf32>
      tpu.vector_store %arg8[%swap3A_65, %swap3A_66], %swap3A_69 {strides = array<i32>} : memref<128x128xf32, #tpu.memory_space<vmem>>, vector<1x16xf32>,
      %broadcast_in_dim3A_70 = arith.constant 0.000000e+00 : f32
      %broadcast_in_dim3A_71 = vector.broadcast %broadcast_in_dim3A_70 : f32 to vector<16xf32>
      %swap3A_72 = arith.index_cast %scan3A_49 : i32 to index
      %swap3A_73 = arith.constant 48 : index
      %swap3A_74 = tpu.vector_load %arg8[%swap3A_72, %swap3A_73] {strides = array<i32>} : memref<128x128xf32, #tpu.memory_space<vmem>>, vector<1x16xf32>,
      %swap3A_75 = vector.shape_cast %swap3A_74 : vector<1x16xf32> to vector<16xf32>
      %swap3A_76 = vector.shape_cast %broadcast_in_dim3A_71 : vector<16xf32> to vector<1x16xf32>
      tpu.vector_store %arg8[%swap3A_72, %swap3A_73], %swap3A_76 {strides = array<i32>} : memref<128x128xf32, #tpu.memory_space<vmem>>, vector<1x16xf32>,
      %broadcast_in_dim3A_77 = arith.constant 0.000000e+00 : f32
      %broadcast_in_dim3A_78 = vector.broadcast %broadcast_in_dim3A_77 : f32 to vector<16xf32>
      %swap3A_79 = arith.index_cast %scan3A_49 : i32 to index
      %swap3A_80 = arith.constant 64 : index
      %swap3A_81 = tpu.vector_load %arg8[%swap3A_79, %swap3A_80] {strides = array<i32>} : memref<128x128xf32, #tpu.memory_space<vmem>>, vector<1x16xf32>,
      %swap3A_82 = vector.shape_cast %swap3A_81 : vector<1x16xf32> to vector<16xf32>
      %swap3A_83 = vector.shape_cast %broadcast_in_dim3A_78 : vector<16xf32> to vector<1x16xf32>
      tpu.vector_store %arg8[%swap3A_79, %swap3A_80], %swap3A_83 {strides = array<i32>} : memref<128x128xf32, #tpu.memory_space<vmem>>, vector<1x16xf32>,
      %broadcast_in_dim3A_84 = arith.constant 0.000000e+00 : f32
      %broadcast_in_dim3A_85 = vector.broadcast %broadcast_in_dim3A_84 : f32 to vector<16xf32>
      %swap3A_86 = arith.index_cast %scan3A_49 : i32 to index
      %swap3A_87 = arith.constant 80 : index
      %swap3A_88 = tpu.vector_load %arg8[%swap3A_86, %swap3A_87] {strides = array<i32>} : memref<128x128xf32, #tpu.memory_space<vmem>>, vector<1x16xf32>,
      %swap3A_89 = vector.shape_cast %swap3A_88 : vector<1x16xf32> to vector<16xf32>
      %swap3A_90 = vector.shape_cast %broadcast_in_dim3A_85 : vector<16xf32> to vector<1x16xf32>
      tpu.vector_store %arg8[%swap3A_86, %swap3A_87], %swap3A_90 {strides = array<i32>} : memref<128x128xf32, #tpu.memory_space<vmem>>, vector<1x16xf32>,
      %broadcast_in_dim3A_91 = arith.constant 0.000000e+00 : f32
      %broadcast_in_dim3A_92 = vector.broadcast %broadcast_in_dim3A_91 : f32 to vector<16xf32>
      %swap3A_93 = arith.index_cast %scan3A_49 : i32 to index
      %swap3A_94 = arith.constant 96 : index
      %swap3A_95 = tpu.vector_load %arg8[%swap3A_93, %swap3A_94] {strides = array<i32>} : memref<128x128xf32, #tpu.memory_space<vmem>>, vector<1x16xf32>,
      %swap3A_96 = vector.shape_cast %swap3A_95 : vector<1x16xf32> to vector<16xf32>
      %swap3A_97 = vector.shape_cast %broadcast_in_dim3A_92 : vector<16xf32> to vector<1x16xf32>
      tpu.vector_store %arg8[%swap3A_93, %swap3A_94], %swap3A_97 {strides = array<i32>} : memref<128x128xf32, #tpu.memory_space<vmem>>, vector<1x16xf32>,
      %broadcast_in_dim3A_98 = arith.constant 0.000000e+00 : f32
      %broadcast_in_dim3A_99 = vector.broadcast %broadcast_in_dim3A_98 : f32 to vector<16xf32>
      %swap3A_100 = arith.index_cast %scan3A_49 : i32 to index
      %swap3A_101 = arith.constant 112 : index
      %swap3A_102 = tpu.vector_load %arg8[%swap3A_100, %swap3A_101] {strides = array<i32>} : memref<128x128xf32, #tpu.memory_space<vmem>>, vector<1x16xf32>,
      %swap3A_103 = vector.shape_cast %swap3A_102 : vector<1x16xf32> to vector<16xf32>
      %swap3A_104 = vector.shape_cast %broadcast_in_dim3A_99 : vector<16xf32> to vector<1x16xf32>
      tpu.vector_store %arg8[%swap3A_100, %swap3A_101], %swap3A_104 {strides = array<i32>} : memref<128x128xf32, #tpu.memory_space<vmem>>, vector<1x16xf32>,
      %scan3A_105 = arith.constant 0 : i32
      scf.yield %scan3A_105 : i32
    }
    %scan3A_6 = arith.constant 128 : i32
    %scan3A_7 = arith.constant 0 : i32
    %scan3A_8 = arith.constant 0 : i32
    %scan3A_9 = arith.constant 5 : i32
    %scan3A_10 = arith.addi %scan3A_8, %scan3A_9 : i32
    %scan3A_11 = arith.constant 1 : i32
    %scan3A_12 = scf.for %scan3A_49 = %scan3A_8 to %scan3A_10 step %scan3A_11 iter_args(%scan3A_50 = %scan3A_7) -> (i32)  : i32 {
      %mul3A_51 = arith.constant 640 : i32
      %mul3A_52 = arith.muli %arg1, %mul3A_51 : i32
      %mul3A_53 = arith.constant 128 : i32
      %mul3A_54 = arith.muli %scan3A_49, %mul3A_53 : i32
      %add3A_55 = arith.addi %mul3A_52, %mul3A_54 : i32
      "tpu.region"() ({
        %run_scoped3A = tpu.sem_alloc : memref<!tpu.dma_semaphore, #tpu.memory_space<semaphore_mem>>
        %dma_start3A_57 = arith.constant 0 : i32
        %dma_start3A_58 = tpu.memref_slice %arg12[%add3A_55, %dma_start3A_57] : memref<10240x128xf32, #tpu.memory_space<vmem_shared>> -> memref<128x128xf32, #tpu.memory_space<vmem_shared>>
        %dma_start3A_59 = arith.constant 0 : i32
        %dma_start3A_60 = tpu.memref_slice %arg12[%add3A_55, %dma_start3A_59] : memref<10240x128xf32, #tpu.memory_space<vmem_shared>> -> memref<128x128xf32, #tpu.memory_space<vmem_shared>>
        tpu.enqueue_dma source(%arg8 : memref<128x128xf32, #tpu.memory_space<vmem>>) target(%dma_start3A_60 : memref<128x128xf32, #tpu.memory_space<vmem_shared>>) target_semaphore(%run_scoped3A : memref<!tpu.dma_semaphore, #tpu.memory_space<semaphore_mem>>)
        %dma_wait3A = arith.constant 0 : i32
        %dma_wait3A_61 = tpu.memref_slice %arg12[%add3A_55, %dma_wait3A] : memref<10240x128xf32, #tpu.memory_space<vmem_shared>> -> memref<128x128xf32, #tpu.memory_space<vmem_shared>>
        %dma_wait3A_62 = arith.constant 0 : i32
        %dma_wait3A_63 = tpu.memref_slice %arg12[%add3A_55, %dma_wait3A_62] : memref<10240x128xf32, #tpu.memory_space<vmem_shared>> -> memref<128x128xf32, #tpu.memory_space<vmem_shared>>
        tpu.wait_dma2 semaphore(%run_scoped3A : memref<!tpu.dma_semaphore, #tpu.memory_space<semaphore_mem>>) src(%arg8 : memref<128x128xf32, #tpu.memory_space<vmem>>) dst(%dma_wait3A_63 : memref<128x128xf32, #tpu.memory_space<vmem_shared>>)
        tpu.yield
      }) : () -> ()
      %scan3A_56 = arith.constant 0 : i32
      scf.yield %scan3A_56 : i32
    }
    %scan3A_13 = arith.constant 5 : i32
    %barrier3A = arith.constant 0 : index
    tpu.barrier barrier_id(%barrier3A)
    "tpu.region"() ({
      %run_scoped3A = tpu.sem_alloc : memref<!tpu.dma_semaphore, #tpu.memory_space<semaphore_mem>>
      %dma_start3A_49 = arith.constant 0 : i32
      %dma_start3A_50 = arith.constant 0 : i32
      %dma_start3A_51 = tpu.memref_slice %arg3[%add3A, %dma_start3A_49, %dma_start3A_50] : memref<32x80x128xi32, #tpu.memory_space<hbm>> -> memref<1x80x128xi32, #tpu.memory_space<hbm>>
      %dma_start3A_52 = tpu.memref_squeeze %dma_start3A_51 : memref<1x80x128xi32, #tpu.memory_space<hbm>> -> memref<80x128xi32, #tpu.memory_space<hbm>>
      %dma_start3A_53 = arith.constant 0 : i32
      %dma_start3A_54 = arith.constant 0 : i32
      %dma_start3A_55 = tpu.memref_slice %dma_start3A_52[%dma_start3A_53, %dma_start3A_54] : memref<80x128xi32, #tpu.memory_space<hbm>> -> memref<40x128xi32, #tpu.memory_space<hbm>>
      %dma_start3A_56 = arith.constant 0 : i32
      %dma_start3A_57 = arith.constant 0 : i32
      %dma_start3A_58 = tpu.memref_slice %arg3[%add3A, %dma_start3A_56, %dma_start3A_57] : memref<32x80x128xi32, #tpu.memory_space<hbm>> -> memref<1x80x128xi32, #tpu.memory_space<hbm>>
      %dma_start3A_59 = tpu.memref_squeeze %dma_start3A_58 : memref<1x80x128xi32, #tpu.memory_space<hbm>> -> memref<80x128xi32, #tpu.memory_space<hbm>>
      %dma_start3A_60 = arith.constant 0 : i32
      %dma_start3A_61 = arith.constant 0 : i32
      %dma_start3A_62 = tpu.memref_slice %dma_start3A_59[%dma_start3A_60, %dma_start3A_61] : memref<80x128xi32, #tpu.memory_space<hbm>> -> memref<40x128xi32, #tpu.memory_space<hbm>>
      tpu.enqueue_dma source(%dma_start3A_62 : memref<40x128xi32, #tpu.memory_space<hbm>>) target(%arg6 : memref<40x128xi32, #tpu.memory_space<vmem>>) target_semaphore(%run_scoped3A : memref<!tpu.dma_semaphore, #tpu.memory_space<semaphore_mem>>)
      %dma_wait3A = arith.constant 0 : i32
      %dma_wait3A_63 = arith.constant 0 : i32
      %dma_wait3A_64 = tpu.memref_slice %arg3[%add3A, %dma_wait3A, %dma_wait3A_63] : memref<32x80x128xi32, #tpu.memory_space<hbm>> -> memref<1x80x128xi32, #tpu.memory_space<hbm>>
      %dma_wait3A_65 = tpu.memref_squeeze %dma_wait3A_64 : memref<1x80x128xi32, #tpu.memory_space<hbm>> -> memref<80x128xi32, #tpu.memory_space<hbm>>
      %dma_wait3A_66 = arith.constant 0 : i32
      %dma_wait3A_67 = arith.constant 0 : i32
      %dma_wait3A_68 = tpu.memref_slice %dma_wait3A_65[%dma_wait3A_66, %dma_wait3A_67] : memref<80x128xi32, #tpu.memory_space<hbm>> -> memref<40x128xi32, #tpu.memory_space<hbm>>
      %dma_wait3A_69 = arith.constant 0 : i32
      %dma_wait3A_70 = arith.constant 0 : i32
      %dma_wait3A_71 = tpu.memref_slice %arg3[%add3A, %dma_wait3A_69, %dma_wait3A_70] : memref<32x80x128xi32, #tpu.memory_space<hbm>> -> memref<1x80x128xi32, #tpu.memory_space<hbm>>
      %dma_wait3A_72 = tpu.memref_squeeze %dma_wait3A_71 : memref<1x80x128xi32, #tpu.memory_space<hbm>> -> memref<80x128xi32, #tpu.memory_space<hbm>>
      %dma_wait3A_73 = arith.constant 0 : i32
      %dma_wait3A_74 = arith.constant 0 : i32
      %dma_wait3A_75 = tpu.memref_slice %dma_wait3A_72[%dma_wait3A_73, %dma_wait3A_74] : memref<80x128xi32, #tpu.memory_space<hbm>> -> memref<40x128xi32, #tpu.memory_space<hbm>>
      tpu.wait_dma2 semaphore(%run_scoped3A : memref<!tpu.dma_semaphore, #tpu.memory_space<semaphore_mem>>) src(%dma_wait3A_75 : memref<40x128xi32, #tpu.memory_space<hbm>>) dst(%arg6 : memref<40x128xi32, #tpu.memory_space<vmem>>)
      tpu.yield
    }) : () -> ()
    "tpu.region"() ({
      %run_scoped3A = tpu.sem_alloc : memref<!tpu.dma_semaphore, #tpu.memory_space<semaphore_mem>>
      %dma_start3A_49 = arith.constant 0 : i32
      %dma_start3A_50 = arith.constant 0 : i32
      %dma_start3A_51 = tpu.memref_slice %arg4[%add3A, %dma_start3A_49, %dma_start3A_50] : memref<32x80x128xi32, #tpu.memory_space<hbm>> -> memref<1x80x128xi32, #tpu.memory_space<hbm>>
      %dma_start3A_52 = tpu.memref_squeeze %dma_start3A_51 : memref<1x80x128xi32, #tpu.memory_space<hbm>> -> memref<80x128xi32, #tpu.memory_space<hbm>>
      %dma_start3A_53 = arith.constant 0 : i32
      %dma_start3A_54 = arith.constant 0 : i32
      %dma_start3A_55 = tpu.memref_slice %dma_start3A_52[%dma_start3A_53, %dma_start3A_54] : memref<80x128xi32, #tpu.memory_space<hbm>> -> memref<40x128xi32, #tpu.memory_space<hbm>>
      %dma_start3A_56 = arith.constant 0 : i32
      %dma_start3A_57 = arith.constant 0 : i32
      %dma_start3A_58 = tpu.memref_slice %arg4[%add3A, %dma_start3A_56, %dma_start3A_57] : memref<32x80x128xi32, #tpu.memory_space<hbm>> -> memref<1x80x128xi32, #tpu.memory_space<hbm>>
      %dma_start3A_59 = tpu.memref_squeeze %dma_start3A_58 : memref<1x80x128xi32, #tpu.memory_space<hbm>> -> memref<80x128xi32, #tpu.memory_space<hbm>>
      %dma_start3A_60 = arith.constant 0 : i32
      %dma_start3A_61 = arith.constant 0 : i32
      %dma_start3A_62 = tpu.memref_slice %dma_start3A_59[%dma_start3A_60, %dma_start3A_61] : memref<80x128xi32, #tpu.memory_space<hbm>> -> memref<40x128xi32, #tpu.memory_space<hbm>>
      tpu.enqueue_dma source(%dma_start3A_62 : memref<40x128xi32, #tpu.memory_space<hbm>>) target(%arg7 : memref<40x128xi32, #tpu.memory_space<vmem>>) target_semaphore(%run_scoped3A : memref<!tpu.dma_semaphore, #tpu.memory_space<semaphore_mem>>)
      %dma_wait3A = arith.constant 0 : i32
      %dma_wait3A_63 = arith.constant 0 : i32
      %dma_wait3A_64 = tpu.memref_slice %arg4[%add3A, %dma_wait3A, %dma_wait3A_63] : memref<32x80x128xi32, #tpu.memory_space<hbm>> -> memref<1x80x128xi32, #tpu.memory_space<hbm>>
      %dma_wait3A_65 = tpu.memref_squeeze %dma_wait3A_64 : memref<1x80x128xi32, #tpu.memory_space<hbm>> -> memref<80x128xi32, #tpu.memory_space<hbm>>
      %dma_wait3A_66 = arith.constant 0 : i32
      %dma_wait3A_67 = arith.constant 0 : i32
      %dma_wait3A_68 = tpu.memref_slice %dma_wait3A_65[%dma_wait3A_66, %dma_wait3A_67] : memref<80x128xi32, #tpu.memory_space<hbm>> -> memref<40x128xi32, #tpu.memory_space<hbm>>
      %dma_wait3A_69 = arith.constant 0 : i32
      %dma_wait3A_70 = arith.constant 0 : i32
      %dma_wait3A_71 = tpu.memref_slice %arg4[%add3A, %dma_wait3A_69, %dma_wait3A_70] : memref<32x80x128xi32, #tpu.memory_space<hbm>> -> memref<1x80x128xi32, #tpu.memory_space<hbm>>
      %dma_wait3A_72 = tpu.memref_squeeze %dma_wait3A_71 : memref<1x80x128xi32, #tpu.memory_space<hbm>> -> memref<80x128xi32, #tpu.memory_space<hbm>>
      %dma_wait3A_73 = arith.constant 0 : i32
      %dma_wait3A_74 = arith.constant 0 : i32
      %dma_wait3A_75 = tpu.memref_slice %dma_wait3A_72[%dma_wait3A_73, %dma_wait3A_74] : memref<80x128xi32, #tpu.memory_space<hbm>> -> memref<40x128xi32, #tpu.memory_space<hbm>>
      tpu.wait_dma2 semaphore(%run_scoped3A : memref<!tpu.dma_semaphore, #tpu.memory_space<semaphore_mem>>) src(%dma_wait3A_75 : memref<40x128xi32, #tpu.memory_space<hbm>>) dst(%arg7 : memref<40x128xi32, #tpu.memory_space<vmem>>)
      tpu.yield
    }) : () -> ()
    %dma_start3A = arith.constant 0 : i32
    %dma_start3A_14 = arith.constant 0 : i32
    %dma_start3A_15 = tpu.memref_slice %arg6[%dma_start3A, %dma_start3A_14] : memref<40x128xi32, #tpu.memory_space<vmem>> -> memref<1x128xi32, #tpu.memory_space<vmem>>
    %dma_start3A_16 = tpu.memref_squeeze %dma_start3A_15 : memref<1x128xi32, #tpu.memory_space<vmem>> -> memref<128xi32, #tpu.memory_space<vmem>>
    %dma_start3A_17 = arith.constant 0 : i32
    %dma_start3A_18 = arith.constant 0 : i32
    %dma_start3A_19 = tpu.memref_slice %arg2[%dma_start3A_17, %dma_start3A_18] : memref<10000x128xf32, #tpu.memory_space<hbm>> -> memref<10000x128xf32, #tpu.memory_space<hbm>>
    tpu.enqueue_indirect_dma source(%dma_start3A_19 : memref<10000x128xf32, #tpu.memory_space<hbm>>) target(%arg8 : memref<128x128xf32, #tpu.memory_space<vmem>>) offsets(%dma_start3A_16 : memref<128xi32, #tpu.memory_space<vmem>>) semaphore(%arg10 : memref<!tpu.dma_semaphore, #tpu.memory_space<semaphore_mem>>)
    %scan3A_20 = arith.constant 0 : i32
    %scan3A_21 = arith.constant 0 : i32
    %scan3A_22 = arith.constant 20 : i32
    %scan3A_23 = arith.addi %scan3A_21, %scan3A_22 : i32
    %scan3A_24 = arith.constant 1 : i32
    %scan3A_25 = scf.for %scan3A_49 = %scan3A_21 to %scan3A_23 step %scan3A_24 iter_args(%scan3A_50 = %scan3A_20) -> (i32)  : i32 {
      %mul3A_51 = arith.constant 2 : i32
      %mul3A_52 = arith.muli %mul3A_51, %scan3A_49 : i32
      %dma_wait3A = arith.constant 0 : i32
      %dma_wait3A_53 = tpu.memref_slice %arg6[%mul3A_52, %dma_wait3A] : memref<40x128xi32, #tpu.memory_space<vmem>> -> memref<1x128xi32, #tpu.memory_space<vmem>>
      %dma_wait3A_54 = tpu.memref_squeeze %dma_wait3A_53 : memref<1x128xi32, #tpu.memory_space<vmem>> -> memref<128xi32, #tpu.memory_space<vmem>>
      %dma_wait3A_55 = arith.constant 0 : i32
      %dma_wait3A_56 = arith.constant 0 : i32
      %dma_wait3A_57 = tpu.memref_slice %arg2[%dma_wait3A_55, %dma_wait3A_56] : memref<10000x128xf32, #tpu.memory_space<hbm>> -> memref<10000x128xf32, #tpu.memory_space<hbm>>
      tpu.wait_indirect_dma semaphore(%arg10 : memref<!tpu.dma_semaphore, #tpu.memory_space<semaphore_mem>>) src(%dma_wait3A_57 : memref<10000x128xf32, #tpu.memory_space<hbm>>) dst(%arg8 : memref<128x128xf32, #tpu.memory_space<vmem>>)
      %add3A_58 = arith.constant 1 : i32
      %add3A_59 = arith.addi %mul3A_52, %add3A_58 : i32
      %dma_start3A_60 = arith.constant 0 : i32
      %dma_start3A_61 = tpu.memref_slice %arg6[%add3A_59, %dma_start3A_60] : memref<40x128xi32, #tpu.memory_space<vmem>> -> memref<1x128xi32, #tpu.memory_space<vmem>>
      %dma_start3A_62 = tpu.memref_squeeze %dma_start3A_61 : memref<1x128xi32, #tpu.memory_space<vmem>> -> memref<128xi32, #tpu.memory_space<vmem>>
      %dma_start3A_63 = arith.constant 0 : i32
      %dma_start3A_64 = arith.constant 0 : i32
      %dma_start3A_65 = tpu.memref_slice %arg2[%dma_start3A_63, %dma_start3A_64] : memref<10000x128xf32, #tpu.memory_space<hbm>> -> memref<10000x128xf32, #tpu.memory_space<hbm>>
      tpu.enqueue_indirect_dma source(%dma_start3A_65 : memref<10000x128xf32, #tpu.memory_space<hbm>>) target(%arg9 : memref<128x128xf32, #tpu.memory_space<vmem>>) offsets(%dma_start3A_62 : memref<128xi32, #tpu.memory_space<vmem>>) semaphore(%arg11 : memref<!tpu.dma_semaphore, #tpu.memory_space<semaphore_mem>>)
      "tpu.region"() ({
        %run_scoped3A = tpu.sem_alloc : memref<!tpu.dma_semaphore, #tpu.memory_space<semaphore_mem>>
        %dma_start3A_81 = arith.constant 0 : i32
        %dma_start3A_82 = tpu.memref_slice %arg7[%mul3A_52, %dma_start3A_81] : memref<40x128xi32, #tpu.memory_space<vmem>> -> memref<1x128xi32, #tpu.memory_space<vmem>>
        %dma_start3A_83 = tpu.memref_squeeze %dma_start3A_82 : memref<1x128xi32, #tpu.memory_space<vmem>> -> memref<128xi32, #tpu.memory_space<vmem>>
        %dma_start3A_84 = arith.constant 0 : i32
        %dma_start3A_85 = arith.constant 0 : i32
        %dma_start3A_86 = tpu.memref_slice %arg12[%dma_start3A_84, %dma_start3A_85] : memref<10240x128xf32, #tpu.memory_space<vmem_shared>> -> memref<10240x128xf32, #tpu.memory_space<vmem_shared>>
        tpu.enqueue_indirect_dma source(%arg8 : memref<128x128xf32, #tpu.memory_space<vmem>>) target(%dma_start3A_86 : memref<10240x128xf32, #tpu.memory_space<vmem_shared>>) offsets(%dma_start3A_83 : memref<128xi32, #tpu.memory_space<vmem>>) semaphore(%run_scoped3A : memref<!tpu.dma_semaphore, #tpu.memory_space<semaphore_mem>>) {add = true}
        %dma_wait3A_87 = arith.constant 0 : i32
        %dma_wait3A_88 = tpu.memref_slice %arg7[%mul3A_52, %dma_wait3A_87] : memref<40x128xi32, #tpu.memory_space<vmem>> -> memref<1x128xi32, #tpu.memory_space<vmem>>
        %dma_wait3A_89 = tpu.memref_squeeze %dma_wait3A_88 : memref<1x128xi32, #tpu.memory_space<vmem>> -> memref<128xi32, #tpu.memory_space<vmem>>
        %dma_wait3A_90 = arith.constant 0 : i32
        %dma_wait3A_91 = arith.constant 0 : i32
        %dma_wait3A_92 = tpu.memref_slice %arg12[%dma_wait3A_90, %dma_wait3A_91] : memref<10240x128xf32, #tpu.memory_space<vmem_shared>> -> memref<10240x128xf32, #tpu.memory_space<vmem_shared>>
        tpu.wait_indirect_dma semaphore(%run_scoped3A : memref<!tpu.dma_semaphore, #tpu.memory_space<semaphore_mem>>) src(%arg8 : memref<128x128xf32, #tpu.memory_space<vmem>>) dst(%dma_wait3A_92 : memref<10240x128xf32, #tpu.memory_space<vmem_shared>>)
        tpu.yield
      }) : () -> ()
      %add3A_66 = arith.constant 1 : i32
      %add3A_67 = arith.addi %mul3A_52, %add3A_66 : i32
      %dma_wait3A_68 = arith.constant 0 : i32
      %dma_wait3A_69 = tpu.memref_slice %arg6[%add3A_67, %dma_wait3A_68] : memref<40x128xi32, #tpu.memory_space<vmem>> -> memref<1x128xi32, #tpu.memory_space<vmem>>
      %dma_wait3A_70 = tpu.memref_squeeze %dma_wait3A_69 : memref<1x128xi32, #tpu.memory_space<vmem>> -> memref<128xi32, #tpu.memory_space<vmem>>
      %dma_wait3A_71 = arith.constant 0 : i32
      %dma_wait3A_72 = arith.constant 0 : i32
      %dma_wait3A_73 = tpu.memref_slice %arg2[%dma_wait3A_71, %dma_wait3A_72] : memref<10000x128xf32, #tpu.memory_space<hbm>> -> memref<10000x128xf32, #tpu.memory_space<hbm>>
      tpu.wait_indirect_dma semaphore(%arg11 : memref<!tpu.dma_semaphore, #tpu.memory_space<semaphore_mem>>) src(%dma_wait3A_73 : memref<10000x128xf32, #tpu.memory_space<hbm>>) dst(%arg9 : memref<128x128xf32, #tpu.memory_space<vmem>>)
      %add3A_74 = arith.constant 2 : i32
      %add3A_75 = arith.addi %mul3A_52, %add3A_74 : i32
      %lt3A = arith.constant 40 : i32
      %lt3A_76 = arith.cmpi slt, %add3A_75, %lt3A : i32
      %convert_element_type3A = arith.extui %lt3A_76 : i1 to i32
      %cond3A = arith.constant 0 : i32
      %cond3A_77 = arith.cmpi ne, %convert_element_type3A, %cond3A : i32
      scf.if %cond3A_77 {
        %add3A_81 = arith.constant 2 : i32
        %add3A_82 = arith.addi %mul3A_52, %add3A_81 : i32
        %dma_start3A_83 = arith.constant 0 : i32
        %dma_start3A_84 = tpu.memref_slice %arg6[%add3A_82, %dma_start3A_83] : memref<40x128xi32, #tpu.memory_space<vmem>> -> memref<1x128xi32, #tpu.memory_space<vmem>>
        %dma_start3A_85 = tpu.memref_squeeze %dma_start3A_84 : memref<1x128xi32, #tpu.memory_space<vmem>> -> memref<128xi32, #tpu.memory_space<vmem>>
        %dma_start3A_86 = arith.constant 0 : i32
        %dma_start3A_87 = arith.constant 0 : i32
        %dma_start3A_88 = tpu.memref_slice %arg2[%dma_start3A_86, %dma_start3A_87] : memref<10000x128xf32, #tpu.memory_space<hbm>> -> memref<10000x128xf32, #tpu.memory_space<hbm>>
        tpu.enqueue_indirect_dma source(%dma_start3A_88 : memref<10000x128xf32, #tpu.memory_space<hbm>>) target(%arg8 : memref<128x128xf32, #tpu.memory_space<vmem>>) offsets(%dma_start3A_85 : memref<128xi32, #tpu.memory_space<vmem>>) semaphore(%arg10 : memref<!tpu.dma_semaphore, #tpu.memory_space<semaphore_mem>>)
      } else {
      }
      %add3A_78 = arith.constant 1 : i32
      %add3A_79 = arith.addi %mul3A_52, %add3A_78 : i32
      "tpu.region"() ({
        %run_scoped3A = tpu.sem_alloc : memref<!tpu.dma_semaphore, #tpu.memory_space<semaphore_mem>>
        %dma_start3A_81 = arith.constant 0 : i32
        %dma_start3A_82 = tpu.memref_slice %arg7[%add3A_79, %dma_start3A_81] : memref<40x128xi32, #tpu.memory_space<vmem>> -> memref<1x128xi32, #tpu.memory_space<vmem>>
        %dma_start3A_83 = tpu.memref_squeeze %dma_start3A_82 : memref<1x128xi32, #tpu.memory_space<vmem>> -> memref<128xi32, #tpu.memory_space<vmem>>
        %dma_start3A_84 = arith.constant 0 : i32
        %dma_start3A_85 = arith.constant 0 : i32
        %dma_start3A_86 = tpu.memref_slice %arg12[%dma_start3A_84, %dma_start3A_85] : memref<10240x128xf32, #tpu.memory_space<vmem_shared>> -> memref<10240x128xf32, #tpu.memory_space<vmem_shared>>
        tpu.enqueue_indirect_dma source(%arg9 : memref<128x128xf32, #tpu.memory_space<vmem>>) target(%dma_start3A_86 : memref<10240x128xf32, #tpu.memory_space<vmem_shared>>) offsets(%dma_start3A_83 : memref<128xi32, #tpu.memory_space<vmem>>) semaphore(%run_scoped3A : memref<!tpu.dma_semaphore, #tpu.memory_space<semaphore_mem>>) {add = true}
        %dma_wait3A_87 = arith.constant 0 : i32
        %dma_wait3A_88 = tpu.memref_slice %arg7[%add3A_79, %dma_wait3A_87] : memref<40x128xi32, #tpu.memory_space<vmem>> -> memref<1x128xi32, #tpu.memory_space<vmem>>
        %dma_wait3A_89 = tpu.memref_squeeze %dma_wait3A_88 : memref<1x128xi32, #tpu.memory_space<vmem>> -> memref<128xi32, #tpu.memory_space<vmem>>
        %dma_wait3A_90 = arith.constant 0 : i32
        %dma_wait3A_91 = arith.constant 0 : i32
        %dma_wait3A_92 = tpu.memref_slice %arg12[%dma_wait3A_90, %dma_wait3A_91] : memref<10240x128xf32, #tpu.memory_space<vmem_shared>> -> memref<10240x128xf32, #tpu.memory_space<vmem_shared>>
        tpu.wait_indirect_dma semaphore(%run_scoped3A : memref<!tpu.dma_semaphore, #tpu.memory_space<semaphore_mem>>) src(%arg9 : memref<128x128xf32, #tpu.memory_space<vmem>>) dst(%dma_wait3A_92 : memref<10240x128xf32, #tpu.memory_space<vmem_shared>>)
        tpu.yield
      }) : () -> ()
      %scan3A_80 = arith.constant 0 : i32
      scf.yield %scan3A_80 : i32
    }
    %scan3A_26 = arith.constant 20 : i32
    "tpu.region"() ({
      %run_scoped3A = tpu.sem_alloc : memref<!tpu.dma_semaphore, #tpu.memory_space<semaphore_mem>>
      %dma_start3A_49 = arith.constant 0 : i32
      %dma_start3A_50 = arith.constant 0 : i32
      %dma_start3A_51 = tpu.memref_slice %arg3[%add3A, %dma_start3A_49, %dma_start3A_50] : memref<32x80x128xi32, #tpu.memory_space<hbm>> -> memref<1x80x128xi32, #tpu.memory_space<hbm>>
      %dma_start3A_52 = tpu.memref_squeeze %dma_start3A_51 : memref<1x80x128xi32, #tpu.memory_space<hbm>> -> memref<80x128xi32, #tpu.memory_space<hbm>>
      %dma_start3A_53 = arith.constant 40 : i32
      %dma_start3A_54 = arith.constant 0 : i32
      %dma_start3A_55 = tpu.memref_slice %dma_start3A_52[%dma_start3A_53, %dma_start3A_54] : memref<80x128xi32, #tpu.memory_space<hbm>> -> memref<40x128xi32, #tpu.memory_space<hbm>>
      %dma_start3A_56 = arith.constant 0 : i32
      %dma_start3A_57 = arith.constant 0 : i32
      %dma_start3A_58 = tpu.memref_slice %arg3[%add3A, %dma_start3A_56, %dma_start3A_57] : memref<32x80x128xi32, #tpu.memory_space<hbm>> -> memref<1x80x128xi32, #tpu.memory_space<hbm>>
      %dma_start3A_59 = tpu.memref_squeeze %dma_start3A_58 : memref<1x80x128xi32, #tpu.memory_space<hbm>> -> memref<80x128xi32, #tpu.memory_space<hbm>>
      %dma_start3A_60 = arith.constant 40 : i32
      %dma_start3A_61 = arith.constant 0 : i32
      %dma_start3A_62 = tpu.memref_slice %dma_start3A_59[%dma_start3A_60, %dma_start3A_61] : memref<80x128xi32, #tpu.memory_space<hbm>> -> memref<40x128xi32, #tpu.memory_space<hbm>>
      tpu.enqueue_dma source(%dma_start3A_62 : memref<40x128xi32, #tpu.memory_space<hbm>>) target(%arg6 : memref<40x128xi32, #tpu.memory_space<vmem>>) target_semaphore(%run_scoped3A : memref<!tpu.dma_semaphore, #tpu.memory_space<semaphore_mem>>)
      %dma_wait3A = arith.constant 0 : i32
      %dma_wait3A_63 = arith.constant 0 : i32
      %dma_wait3A_64 = tpu.memref_slice %arg3[%add3A, %dma_wait3A, %dma_wait3A_63] : memref<32x80x128xi32, #tpu.memory_space<hbm>> -> memref<1x80x128xi32, #tpu.memory_space<hbm>>
      %dma_wait3A_65 = tpu.memref_squeeze %dma_wait3A_64 : memref<1x80x128xi32, #tpu.memory_space<hbm>> -> memref<80x128xi32, #tpu.memory_space<hbm>>
      %dma_wait3A_66 = arith.constant 40 : i32
      %dma_wait3A_67 = arith.constant 0 : i32
      %dma_wait3A_68 = tpu.memref_slice %dma_wait3A_65[%dma_wait3A_66, %dma_wait3A_67] : memref<80x128xi32, #tpu.memory_space<hbm>> -> memref<40x128xi32, #tpu.memory_space<hbm>>
      %dma_wait3A_69 = arith.constant 0 : i32
      %dma_wait3A_70 = arith.constant 0 : i32
      %dma_wait3A_71 = tpu.memref_slice %arg3[%add3A, %dma_wait3A_69, %dma_wait3A_70] : memref<32x80x128xi32, #tpu.memory_space<hbm>> -> memref<1x80x128xi32, #tpu.memory_space<hbm>>
      %dma_wait3A_72 = tpu.memref_squeeze %dma_wait3A_71 : memref<1x80x128xi32, #tpu.memory_space<hbm>> -> memref<80x128xi32, #tpu.memory_space<hbm>>
      %dma_wait3A_73 = arith.constant 40 : i32
      %dma_wait3A_74 = arith.constant 0 : i32
      %dma_wait3A_75 = tpu.memref_slice %dma_wait3A_72[%dma_wait3A_73, %dma_wait3A_74] : memref<80x128xi32, #tpu.memory_space<hbm>> -> memref<40x128xi32, #tpu.memory_space<hbm>>
      tpu.wait_dma2 semaphore(%run_scoped3A : memref<!tpu.dma_semaphore, #tpu.memory_space<semaphore_mem>>) src(%dma_wait3A_75 : memref<40x128xi32, #tpu.memory_space<hbm>>) dst(%arg6 : memref<40x128xi32, #tpu.memory_space<vmem>>)
      tpu.yield
    }) : () -> ()
    "tpu.region"() ({
      %run_scoped3A = tpu.sem_alloc : memref<!tpu.dma_semaphore, #tpu.memory_space<semaphore_mem>>
      %dma_start3A_49 = arith.constant 0 : i32
      %dma_start3A_50 = arith.constant 0 : i32
      %dma_start3A_51 = tpu.memref_slice %arg4[%add3A, %dma_start3A_49, %dma_start3A_50] : memref<32x80x128xi32, #tpu.memory_space<hbm>> -> memref<1x80x128xi32, #tpu.memory_space<hbm>>
      %dma_start3A_52 = tpu.memref_squeeze %dma_start3A_51 : memref<1x80x128xi32, #tpu.memory_space<hbm>> -> memref<80x128xi32, #tpu.memory_space<hbm>>
      %dma_start3A_53 = arith.constant 40 : i32
      %dma_start3A_54 = arith.constant 0 : i32
      %dma_start3A_55 = tpu.memref_slice %dma_start3A_52[%dma_start3A_53, %dma_start3A_54] : memref<80x128xi32, #tpu.memory_space<hbm>> -> memref<40x128xi32, #tpu.memory_space<hbm>>
      %dma_start3A_56 = arith.constant 0 : i32
      %dma_start3A_57 = arith.constant 0 : i32
      %dma_start3A_58 = tpu.memref_slice %arg4[%add3A, %dma_start3A_56, %dma_start3A_57] : memref<32x80x128xi32, #tpu.memory_space<hbm>> -> memref<1x80x128xi32, #tpu.memory_space<hbm>>
      %dma_start3A_59 = tpu.memref_squeeze %dma_start3A_58 : memref<1x80x128xi32, #tpu.memory_space<hbm>> -> memref<80x128xi32, #tpu.memory_space<hbm>>
      %dma_start3A_60 = arith.constant 40 : i32
      %dma_start3A_61 = arith.constant 0 : i32
      %dma_start3A_62 = tpu.memref_slice %dma_start3A_59[%dma_start3A_60, %dma_start3A_61] : memref<80x128xi32, #tpu.memory_space<hbm>> -> memref<40x128xi32, #tpu.memory_space<hbm>>
      tpu.enqueue_dma source(%dma_start3A_62 : memref<40x128xi32, #tpu.memory_space<hbm>>) target(%arg7 : memref<40x128xi32, #tpu.memory_space<vmem>>) target_semaphore(%run_scoped3A : memref<!tpu.dma_semaphore, #tpu.memory_space<semaphore_mem>>)
      %dma_wait3A = arith.constant 0 : i32
      %dma_wait3A_63 = arith.constant 0 : i32
      %dma_wait3A_64 = tpu.memref_slice %arg4[%add3A, %dma_wait3A, %dma_wait3A_63] : memref<32x80x128xi32, #tpu.memory_space<hbm>> -> memref<1x80x128xi32, #tpu.memory_space<hbm>>
      %dma_wait3A_65 = tpu.memref_squeeze %dma_wait3A_64 : memref<1x80x128xi32, #tpu.memory_space<hbm>> -> memref<80x128xi32, #tpu.memory_space<hbm>>
      %dma_wait3A_66 = arith.constant 40 : i32
      %dma_wait3A_67 = arith.constant 0 : i32
      %dma_wait3A_68 = tpu.memref_slice %dma_wait3A_65[%dma_wait3A_66, %dma_wait3A_67] : memref<80x128xi32, #tpu.memory_space<hbm>> -> memref<40x128xi32, #tpu.memory_space<hbm>>
      %dma_wait3A_69 = arith.constant 0 : i32
      %dma_wait3A_70 = arith.constant 0 : i32
      %dma_wait3A_71 = tpu.memref_slice %arg4[%add3A, %dma_wait3A_69, %dma_wait3A_70] : memref<32x80x128xi32, #tpu.memory_space<hbm>> -> memref<1x80x128xi32, #tpu.memory_space<hbm>>
      %dma_wait3A_72 = tpu.memref_squeeze %dma_wait3A_71 : memref<1x80x128xi32, #tpu.memory_space<hbm>> -> memref<80x128xi32, #tpu.memory_space<hbm>>
      %dma_wait3A_73 = arith.constant 40 : i32
      %dma_wait3A_74 = arith.constant 0 : i32
      %dma_wait3A_75 = tpu.memref_slice %dma_wait3A_72[%dma_wait3A_73, %dma_wait3A_74] : memref<80x128xi32, #tpu.memory_space<hbm>> -> memref<40x128xi32, #tpu.memory_space<hbm>>
      tpu.wait_dma2 semaphore(%run_scoped3A : memref<!tpu.dma_semaphore, #tpu.memory_space<semaphore_mem>>) src(%dma_wait3A_75 : memref<40x128xi32, #tpu.memory_space<hbm>>) dst(%arg7 : memref<40x128xi32, #tpu.memory_space<vmem>>)
      tpu.yield
    }) : () -> ()
    %dma_start3A_27 = arith.constant 0 : i32
    %dma_start3A_28 = arith.constant 0 : i32
    %dma_start3A_29 = tpu.memref_slice %arg6[%dma_start3A_27, %dma_start3A_28] : memref<40x128xi32, #tpu.memory_space<vmem>> -> memref<1x128xi32, #tpu.memory_space<vmem>>
    %dma_start3A_30 = tpu.memref_squeeze %dma_start3A_29 : memref<1x128xi32, #tpu.memory_space<vmem>> -> memref<128xi32, #tpu.memory_space<vmem>>
    %dma_start3A_31 = arith.constant 0 : i32
    %dma_start3A_32 = arith.constant 0 : i32
    %dma_start3A_33 = tpu.memref_slice %arg2[%dma_start3A_31, %dma_start3A_32] : memref<10000x128xf32, #tpu.memory_space<hbm>> -> memref<10000x128xf32, #tpu.memory_space<hbm>>
    tpu.enqueue_indirect_dma source(%dma_start3A_33 : memref<10000x128xf32, #tpu.memory_space<hbm>>) target(%arg8 : memref<128x128xf32, #tpu.memory_space<vmem>>) offsets(%dma_start3A_30 : memref<128xi32, #tpu.memory_space<vmem>>) semaphore(%arg10 : memref<!tpu.dma_semaphore, #tpu.memory_space<semaphore_mem>>)
    %scan3A_34 = arith.constant 0 : i32
    %scan3A_35 = arith.constant 0 : i32
    %scan3A_36 = arith.constant 20 : i32
    %scan3A_37 = arith.addi %scan3A_35, %scan3A_36 : i32
    %scan3A_38 = arith.constant 1 : i32
    %scan3A_39 = scf.for %scan3A_49 = %scan3A_35 to %scan3A_37 step %scan3A_38 iter_args(%scan3A_50 = %scan3A_34) -> (i32)  : i32 {
      %mul3A_51 = arith.constant 2 : i32
      %mul3A_52 = arith.muli %mul3A_51, %scan3A_49 : i32
      %dma_wait3A = arith.constant 0 : i32
      %dma_wait3A_53 = tpu.memref_slice %arg6[%mul3A_52, %dma_wait3A] : memref<40x128xi32, #tpu.memory_space<vmem>> -> memref<1x128xi32, #tpu.memory_space<vmem>>
      %dma_wait3A_54 = tpu.memref_squeeze %dma_wait3A_53 : memref<1x128xi32, #tpu.memory_space<vmem>> -> memref<128xi32, #tpu.memory_space<vmem>>
      %dma_wait3A_55 = arith.constant 0 : i32
      %dma_wait3A_56 = arith.constant 0 : i32
      %dma_wait3A_57 = tpu.memref_slice %arg2[%dma_wait3A_55, %dma_wait3A_56] : memref<10000x128xf32, #tpu.memory_space<hbm>> -> memref<10000x128xf32, #tpu.memory_space<hbm>>
      tpu.wait_indirect_dma semaphore(%arg10 : memref<!tpu.dma_semaphore, #tpu.memory_space<semaphore_mem>>) src(%dma_wait3A_57 : memref<10000x128xf32, #tpu.memory_space<hbm>>) dst(%arg8 : memref<128x128xf32, #tpu.memory_space<vmem>>)
      %add3A_58 = arith.constant 1 : i32
      %add3A_59 = arith.addi %mul3A_52, %add3A_58 : i32
      %dma_start3A_60 = arith.constant 0 : i32
      %dma_start3A_61 = tpu.memref_slice %arg6[%add3A_59, %dma_start3A_60] : memref<40x128xi32, #tpu.memory_space<vmem>> -> memref<1x128xi32, #tpu.memory_space<vmem>>
      %dma_start3A_62 = tpu.memref_squeeze %dma_start3A_61 : memref<1x128xi32, #tpu.memory_space<vmem>> -> memref<128xi32, #tpu.memory_space<vmem>>
      %dma_start3A_63 = arith.constant 0 : i32
      %dma_start3A_64 = arith.constant 0 : i32
      %dma_start3A_65 = tpu.memref_slice %arg2[%dma_start3A_63, %dma_start3A_64] : memref<10000x128xf32, #tpu.memory_space<hbm>> -> memref<10000x128xf32, #tpu.memory_space<hbm>>
      tpu.enqueue_indirect_dma source(%dma_start3A_65 : memref<10000x128xf32, #tpu.memory_space<hbm>>) target(%arg9 : memref<128x128xf32, #tpu.memory_space<vmem>>) offsets(%dma_start3A_62 : memref<128xi32, #tpu.memory_space<vmem>>) semaphore(%arg11 : memref<!tpu.dma_semaphore, #tpu.memory_space<semaphore_mem>>)
      "tpu.region"() ({
        %run_scoped3A = tpu.sem_alloc : memref<!tpu.dma_semaphore, #tpu.memory_space<semaphore_mem>>
        %dma_start3A_81 = arith.constant 0 : i32
        %dma_start3A_82 = tpu.memref_slice %arg7[%mul3A_52, %dma_start3A_81] : memref<40x128xi32, #tpu.memory_space<vmem>> -> memref<1x128xi32, #tpu.memory_space<vmem>>
        %dma_start3A_83 = tpu.memref_squeeze %dma_start3A_82 : memref<1x128xi32, #tpu.memory_space<vmem>> -> memref<128xi32, #tpu.memory_space<vmem>>
        %dma_start3A_84 = arith.constant 0 : i32
        %dma_start3A_85 = arith.constant 0 : i32
        %dma_start3A_86 = tpu.memref_slice %arg12[%dma_start3A_84, %dma_start3A_85] : memref<10240x128xf32, #tpu.memory_space<vmem_shared>> -> memref<10240x128xf32, #tpu.memory_space<vmem_shared>>
        tpu.enqueue_indirect_dma source(%arg8 : memref<128x128xf32, #tpu.memory_space<vmem>>) target(%dma_start3A_86 : memref<10240x128xf32, #tpu.memory_space<vmem_shared>>) offsets(%dma_start3A_83 : memref<128xi32, #tpu.memory_space<vmem>>) semaphore(%run_scoped3A : memref<!tpu.dma_semaphore, #tpu.memory_space<semaphore_mem>>) {add = true}
        %dma_wait3A_87 = arith.constant 0 : i32
        %dma_wait3A_88 = tpu.memref_slice %arg7[%mul3A_52, %dma_wait3A_87] : memref<40x128xi32, #tpu.memory_space<vmem>> -> memref<1x128xi32, #tpu.memory_space<vmem>>
        %dma_wait3A_89 = tpu.memref_squeeze %dma_wait3A_88 : memref<1x128xi32, #tpu.memory_space<vmem>> -> memref<128xi32, #tpu.memory_space<vmem>>
        %dma_wait3A_90 = arith.constant 0 : i32
        %dma_wait3A_91 = arith.constant 0 : i32
        %dma_wait3A_92 = tpu.memref_slice %arg12[%dma_wait3A_90, %dma_wait3A_91] : memref<10240x128xf32, #tpu.memory_space<vmem_shared>> -> memref<10240x128xf32, #tpu.memory_space<vmem_shared>>
        tpu.wait_indirect_dma semaphore(%run_scoped3A : memref<!tpu.dma_semaphore, #tpu.memory_space<semaphore_mem>>) src(%arg8 : memref<128x128xf32, #tpu.memory_space<vmem>>) dst(%dma_wait3A_92 : memref<10240x128xf32, #tpu.memory_space<vmem_shared>>)
        tpu.yield
      }) : () -> ()
      %add3A_66 = arith.constant 1 : i32
      %add3A_67 = arith.addi %mul3A_52, %add3A_66 : i32
      %dma_wait3A_68 = arith.constant 0 : i32
      %dma_wait3A_69 = tpu.memref_slice %arg6[%add3A_67, %dma_wait3A_68] : memref<40x128xi32, #tpu.memory_space<vmem>> -> memref<1x128xi32, #tpu.memory_space<vmem>>
      %dma_wait3A_70 = tpu.memref_squeeze %dma_wait3A_69 : memref<1x128xi32, #tpu.memory_space<vmem>> -> memref<128xi32, #tpu.memory_space<vmem>>
      %dma_wait3A_71 = arith.constant 0 : i32
      %dma_wait3A_72 = arith.constant 0 : i32
      %dma_wait3A_73 = tpu.memref_slice %arg2[%dma_wait3A_71, %dma_wait3A_72] : memref<10000x128xf32, #tpu.memory_space<hbm>> -> memref<10000x128xf32, #tpu.memory_space<hbm>>
      tpu.wait_indirect_dma semaphore(%arg11 : memref<!tpu.dma_semaphore, #tpu.memory_space<semaphore_mem>>) src(%dma_wait3A_73 : memref<10000x128xf32, #tpu.memory_space<hbm>>) dst(%arg9 : memref<128x128xf32, #tpu.memory_space<vmem>>)
      %add3A_74 = arith.constant 2 : i32
      %add3A_75 = arith.addi %mul3A_52, %add3A_74 : i32
      %lt3A = arith.constant 40 : i32
      %lt3A_76 = arith.cmpi slt, %add3A_75, %lt3A : i32
      %convert_element_type3A = arith.extui %lt3A_76 : i1 to i32
      %cond3A = arith.constant 0 : i32
      %cond3A_77 = arith.cmpi ne, %convert_element_type3A, %cond3A : i32
      scf.if %cond3A_77 {
        %add3A_81 = arith.constant 2 : i32
        %add3A_82 = arith.addi %mul3A_52, %add3A_81 : i32
        %dma_start3A_83 = arith.constant 0 : i32
        %dma_start3A_84 = tpu.memref_slice %arg6[%add3A_82, %dma_start3A_83] : memref<40x128xi32, #tpu.memory_space<vmem>> -> memref<1x128xi32, #tpu.memory_space<vmem>>
        %dma_start3A_85 = tpu.memref_squeeze %dma_start3A_84 : memref<1x128xi32, #tpu.memory_space<vmem>> -> memref<128xi32, #tpu.memory_space<vmem>>
        %dma_start3A_86 = arith.constant 0 : i32
        %dma_start3A_87 = arith.constant 0 : i32
        %dma_start3A_88 = tpu.memref_slice %arg2[%dma_start3A_86, %dma_start3A_87] : memref<10000x128xf32, #tpu.memory_space<hbm>> -> memref<10000x128xf32, #tpu.memory_space<hbm>>
        tpu.enqueue_indirect_dma source(%dma_start3A_88 : memref<10000x128xf32, #tpu.memory_space<hbm>>) target(%arg8 : memref<128x128xf32, #tpu.memory_space<vmem>>) offsets(%dma_start3A_85 : memref<128xi32, #tpu.memory_space<vmem>>) semaphore(%arg10 : memref<!tpu.dma_semaphore, #tpu.memory_space<semaphore_mem>>)
      } else {
      }
      %add3A_78 = arith.constant 1 : i32
      %add3A_79 = arith.addi %mul3A_52, %add3A_78 : i32
      "tpu.region"() ({
        %run_scoped3A = tpu.sem_alloc : memref<!tpu.dma_semaphore, #tpu.memory_space<semaphore_mem>>
        %dma_start3A_81 = arith.constant 0 : i32
        %dma_start3A_82 = tpu.memref_slice %arg7[%add3A_79, %dma_start3A_81] : memref<40x128xi32, #tpu.memory_space<vmem>> -> memref<1x128xi32, #tpu.memory_space<vmem>>
        %dma_start3A_83 = tpu.memref_squeeze %dma_start3A_82 : memref<1x128xi32, #tpu.memory_space<vmem>> -> memref<128xi32, #tpu.memory_space<vmem>>
        %dma_start3A_84 = arith.constant 0 : i32
        %dma_start3A_85 = arith.constant 0 : i32
        %dma_start3A_86 = tpu.memref_slice %arg12[%dma_start3A_84, %dma_start3A_85] : memref<10240x128xf32, #tpu.memory_space<vmem_shared>> -> memref<10240x128xf32, #tpu.memory_space<vmem_shared>>
        tpu.enqueue_indirect_dma source(%arg9 : memref<128x128xf32, #tpu.memory_space<vmem>>) target(%dma_start3A_86 : memref<10240x128xf32, #tpu.memory_space<vmem_shared>>) offsets(%dma_start3A_83 : memref<128xi32, #tpu.memory_space<vmem>>) semaphore(%run_scoped3A : memref<!tpu.dma_semaphore, #tpu.memory_space<semaphore_mem>>) {add = true}
        %dma_wait3A_87 = arith.constant 0 : i32
        %dma_wait3A_88 = tpu.memref_slice %arg7[%add3A_79, %dma_wait3A_87] : memref<40x128xi32, #tpu.memory_space<vmem>> -> memref<1x128xi32, #tpu.memory_space<vmem>>
        %dma_wait3A_89 = tpu.memref_squeeze %dma_wait3A_88 : memref<1x128xi32, #tpu.memory_space<vmem>> -> memref<128xi32, #tpu.memory_space<vmem>>
        %dma_wait3A_90 = arith.constant 0 : i32
        %dma_wait3A_91 = arith.constant 0 : i32
        %dma_wait3A_92 = tpu.memref_slice %arg12[%dma_wait3A_90, %dma_wait3A_91] : memref<10240x128xf32, #tpu.memory_space<vmem_shared>> -> memref<10240x128xf32, #tpu.memory_space<vmem_shared>>
        tpu.wait_indirect_dma semaphore(%run_scoped3A : memref<!tpu.dma_semaphore, #tpu.memory_space<semaphore_mem>>) src(%arg9 : memref<128x128xf32, #tpu.memory_space<vmem>>) dst(%dma_wait3A_92 : memref<10240x128xf32, #tpu.memory_space<vmem_shared>>)
        tpu.yield
      }) : () -> ()
      %scan3A_80 = arith.constant 0 : i32
      scf.yield %scan3A_80 : i32
    }
    %scan3A_40 = arith.constant 20 : i32
    %barrier3A_41 = arith.constant 0 : index
    tpu.barrier barrier_id(%barrier3A_41)
    %scan3A_42 = arith.constant 0 : i32
    %scan3A_43 = arith.constant 0 : i32
    %scan3A_44 = arith.constant 5 : i32
    %scan3A_45 = arith.addi %scan3A_43, %scan3A_44 : i32
    %scan3A_46 = arith.constant 1 : i32
    %scan3A_47 = scf.for %scan3A_49 = %scan3A_43 to %scan3A_45 step %scan3A_46 iter_args(%scan3A_50 = %scan3A_42) -> (i32)  : i32 {
      %mul3A_51 = arith.constant 640 : i32
      %mul3A_52 = arith.muli %arg1, %mul3A_51 : i32
      %mul3A_53 = arith.constant 128 : i32
      %mul3A_54 = arith.muli %scan3A_49, %mul3A_53 : i32
      %add3A_55 = arith.addi %mul3A_52, %mul3A_54 : i32
      "tpu.region"() ({
        %run_scoped3A = tpu.sem_alloc : memref<!tpu.dma_semaphore, #tpu.memory_space<semaphore_mem>>
        %dma_start3A_57 = arith.constant 0 : i32
        %dma_start3A_58 = arith.constant 0 : i32
        %dma_start3A_59 = tpu.memref_slice %arg5[%arg0, %dma_start3A_57, %dma_start3A_58] : memref<2x10240x128xf32, #tpu.memory_space<hbm>> -> memref<1x10240x128xf32, #tpu.memory_space<hbm>>
        %dma_start3A_60 = tpu.memref_squeeze %dma_start3A_59 : memref<1x10240x128xf32, #tpu.memory_space<hbm>> -> memref<10240x128xf32, #tpu.memory_space<hbm>>
        %dma_start3A_61 = arith.constant 0 : i32
        %dma_start3A_62 = tpu.memref_slice %dma_start3A_60[%add3A_55, %dma_start3A_61] : memref<10240x128xf32, #tpu.memory_space<hbm>> -> memref<128x128xf32, #tpu.memory_space<hbm>>
        %dma_start3A_63 = arith.constant 0 : i32
        %dma_start3A_64 = tpu.memref_slice %arg12[%add3A_55, %dma_start3A_63] : memref<10240x128xf32, #tpu.memory_space<vmem_shared>> -> memref<128x128xf32, #tpu.memory_space<vmem_shared>>
        tpu.enqueue_dma source(%dma_start3A_64 : memref<128x128xf32, #tpu.memory_space<vmem_shared>>) target(%dma_start3A_62 : memref<128x128xf32, #tpu.memory_space<hbm>>) target_semaphore(%run_scoped3A : memref<!tpu.dma_semaphore, #tpu.memory_space<semaphore_mem>>)
        %dma_wait3A = arith.constant 0 : i32
        %dma_wait3A_65 = arith.constant 0 : i32
        %dma_wait3A_66 = tpu.memref_slice %arg5[%arg0, %dma_wait3A, %dma_wait3A_65] : memref<2x10240x128xf32, #tpu.memory_space<hbm>> -> memref<1x10240x128xf32, #tpu.memory_space<hbm>>
        %dma_wait3A_67 = tpu.memref_squeeze %dma_wait3A_66 : memref<1x10240x128xf32, #tpu.memory_space<hbm>> -> memref<10240x128xf32, #tpu.memory_space<hbm>>
        %dma_wait3A_68 = arith.constant 0 : i32
        %dma_wait3A_69 = tpu.memref_slice %dma_wait3A_67[%add3A_55, %dma_wait3A_68] : memref<10240x128xf32, #tpu.memory_space<hbm>> -> memref<128x128xf32, #tpu.memory_space<hbm>>
        %dma_wait3A_70 = arith.constant 0 : i32
        %dma_wait3A_71 = tpu.memref_slice %arg12[%add3A_55, %dma_wait3A_70] : memref<10240x128xf32, #tpu.memory_space<vmem_shared>> -> memref<128x128xf32, #tpu.memory_space<vmem_shared>>
        tpu.wait_dma2 semaphore(%run_scoped3A : memref<!tpu.dma_semaphore, #tpu.memory_space<semaphore_mem>>) src(%dma_wait3A_71 : memref<128x128xf32, #tpu.memory_space<vmem_shared>>) dst(%dma_wait3A_69 : memref<128x128xf32, #tpu.memory_space<hbm>>)
        tpu.yield
      }) : () -> ()
      %scan3A_56 = arith.constant 0 : i32
      scf.yield %scan3A_56 : i32
    }
    %scan3A_48 = arith.constant 5 : i32
    return
  }
}

#map = affine_map<(d0, d1) -> (0, 0)>
#map1 = affine_map<(d0, d1) -> (0, 0, 0)>
module attributes {stable_mosaic.version = 14 : i64} {
  func.func @_sc_agg_kernel(%arg0: i32, %arg1: i32, %arg2: memref<10000x128xf32, #tpu.memory_space<hbm>>, %arg3: memref<32x80x128xi32, #tpu.memory_space<hbm>>, %arg4: memref<32x80x128xi32, #tpu.memory_space<hbm>>, %arg5: memref<2x10240x128xf32, #tpu.memory_space<hbm>>, %arg6: memref<40x128xi32, #tpu.memory_space<vmem>>, %arg7: memref<40x128xi32, #tpu.memory_space<vmem>>, %arg8: memref<128x128xf32, #tpu.memory_space<vmem>>, %arg9: memref<128x128xf32, #tpu.memory_space<vmem>>, %arg10: memref<!tpu.dma_semaphore, #tpu.memory_space<semaphore_mem>>, %arg11: memref<!tpu.dma_semaphore, #tpu.memory_space<semaphore_mem>>, %arg12: memref<10240x128xf32, #tpu.memory_space<vmem_shared>>) attributes {dimension_semantics = [#tpu.dimension_semantics<core_parallel>, #tpu.dimension_semantics<subcore_parallel>], iteration_bounds = array<i64: 2, 16>, scalar_prefetch = 0 : i64, scratch_operands = 7 : i64, tpu.core_type = #tpu.core_type<sc_vector_subcore>, window_params = [{transform_indices = #map}, {transform_indices = #map1}, {transform_indices = #map1}, {transform_indices = #map1}]} {
    %mul3A = arith.constant 16 : i32
    %mul3A_0 = arith.muli %arg0, %mul3A : i32
    %add3A = arith.addi %mul3A_0, %arg1 : i32
    %scan3A = arith.constant 0 : i32
    %scan3A_1 = arith.constant 0 : i32
    %scan3A_2 = arith.constant 128 : i32
    %scan3A_3 = arith.addi %scan3A_1, %scan3A_2 : i32
    %scan3A_4 = arith.constant 1 : i32
    %scan3A_5 = scf.for %scan3A_49 = %scan3A_1 to %scan3A_3 step %scan3A_4 iter_args(%scan3A_50 = %scan3A) -> (i32)  : i32 {
      %broadcast_in_dim3A = arith.constant 0.000000e+00 : f32
      %broadcast_in_dim3A_51 = vector.broadcast %broadcast_in_dim3A : f32 to vector<16xf32>
      %swap3A = arith.index_cast %scan3A_49 : i32 to index
      %swap3A_52 = arith.constant 0 : index
      %swap3A_53 = tpu.vector_load %arg8[%swap3A, %swap3A_52] {strides = array<i32>} : memref<128x128xf32, #tpu.memory_space<vmem>>, vector<1x16xf32>,
      %swap3A_54 = vector.shape_cast %swap3A_53 : vector<1x16xf32> to vector<16xf32>
      %swap3A_55 = vector.shape_cast %broadcast_in_dim3A_51 : vector<16xf32> to vector<1x16xf32>
      tpu.vector_store %arg8[%swap3A, %swap3A_52], %swap3A_55 {strides = array<i32>} : memref<128x128xf32, #tpu.memory_space<vmem>>, vector<1x16xf32>,
      %broadcast_in_dim3A_56 = arith.constant 0.000000e+00 : f32
      %broadcast_in_dim3A_57 = vector.broadcast %broadcast_in_dim3A_56 : f32 to vector<16xf32>
      %swap3A_58 = arith.index_cast %scan3A_49 : i32 to index
      %swap3A_59 = arith.constant 16 : index
      %swap3A_60 = tpu.vector_load %arg8[%swap3A_58, %swap3A_59] {strides = array<i32>} : memref<128x128xf32, #tpu.memory_space<vmem>>, vector<1x16xf32>,
      %swap3A_61 = vector.shape_cast %swap3A_60 : vector<1x16xf32> to vector<16xf32>
      %swap3A_62 = vector.shape_cast %broadcast_in_dim3A_57 : vector<16xf32> to vector<1x16xf32>
      tpu.vector_store %arg8[%swap3A_58, %swap3A_59], %swap3A_62 {strides = array<i32>} : memref<128x128xf32, #tpu.memory_space<vmem>>, vector<1x16xf32>,
      %broadcast_in_dim3A_63 = arith.constant 0.000000e+00 : f32
      %broadcast_in_dim3A_64 = vector.broadcast %broadcast_in_dim3A_63 : f32 to vector<16xf32>
      %swap3A_65 = arith.index_cast %scan3A_49 : i32 to index
      %swap3A_66 = arith.constant 32 : index
      %swap3A_67 = tpu.vector_load %arg8[%swap3A_65, %swap3A_66] {strides = array<i32>} : memref<128x128xf32, #tpu.memory_space<vmem>>, vector<1x16xf32>,
      %swap3A_68 = vector.shape_cast %swap3A_67 : vector<1x16xf32> to vector<16xf32>
      %swap3A_69 = vector.shape_cast %broadcast_in_dim3A_64 : vector<16xf32> to vector<1x16xf32>
      tpu.vector_store %arg8[%swap3A_65, %swap3A_66], %swap3A_69 {strides = array<i32>} : memref<128x128xf32, #tpu.memory_space<vmem>>, vector<1x16xf32>,
      %broadcast_in_dim3A_70 = arith.constant 0.000000e+00 : f32
      %broadcast_in_dim3A_71 = vector.broadcast %broadcast_in_dim3A_70 : f32 to vector<16xf32>
      %swap3A_72 = arith.index_cast %scan3A_49 : i32 to index
      %swap3A_73 = arith.constant 48 : index
      %swap3A_74 = tpu.vector_load %arg8[%swap3A_72, %swap3A_73] {strides = array<i32>} : memref<128x128xf32, #tpu.memory_space<vmem>>, vector<1x16xf32>,
      %swap3A_75 = vector.shape_cast %swap3A_74 : vector<1x16xf32> to vector<16xf32>
      %swap3A_76 = vector.shape_cast %broadcast_in_dim3A_71 : vector<16xf32> to vector<1x16xf32>
      tpu.vector_store %arg8[%swap3A_72, %swap3A_73], %swap3A_76 {strides = array<i32>} : memref<128x128xf32, #tpu.memory_space<vmem>>, vector<1x16xf32>,
      %broadcast_in_dim3A_77 = arith.constant 0.000000e+00 : f32
      %broadcast_in_dim3A_78 = vector.broadcast %broadcast_in_dim3A_77 : f32 to vector<16xf32>
      %swap3A_79 = arith.index_cast %scan3A_49 : i32 to index
      %swap3A_80 = arith.constant 64 : index
      %swap3A_81 = tpu.vector_load %arg8[%swap3A_79, %swap3A_80] {strides = array<i32>} : memref<128x128xf32, #tpu.memory_space<vmem>>, vector<1x16xf32>,
      %swap3A_82 = vector.shape_cast %swap3A_81 : vector<1x16xf32> to vector<16xf32>
      %swap3A_83 = vector.shape_cast %broadcast_in_dim3A_78 : vector<16xf32> to vector<1x16xf32>
      tpu.vector_store %arg8[%swap3A_79, %swap3A_80], %swap3A_83 {strides = array<i32>} : memref<128x128xf32, #tpu.memory_space<vmem>>, vector<1x16xf32>,
      %broadcast_in_dim3A_84 = arith.constant 0.000000e+00 : f32
      %broadcast_in_dim3A_85 = vector.broadcast %broadcast_in_dim3A_84 : f32 to vector<16xf32>
      %swap3A_86 = arith.index_cast %scan3A_49 : i32 to index
      %swap3A_87 = arith.constant 80 : index
      %swap3A_88 = tpu.vector_load %arg8[%swap3A_86, %swap3A_87] {strides = array<i32>} : memref<128x128xf32, #tpu.memory_space<vmem>>, vector<1x16xf32>,
      %swap3A_89 = vector.shape_cast %swap3A_88 : vector<1x16xf32> to vector<16xf32>
      %swap3A_90 = vector.shape_cast %broadcast_in_dim3A_85 : vector<16xf32> to vector<1x16xf32>
      tpu.vector_store %arg8[%swap3A_86, %swap3A_87], %swap3A_90 {strides = array<i32>} : memref<128x128xf32, #tpu.memory_space<vmem>>, vector<1x16xf32>,
      %broadcast_in_dim3A_91 = arith.constant 0.000000e+00 : f32
      %broadcast_in_dim3A_92 = vector.broadcast %broadcast_in_dim3A_91 : f32 to vector<16xf32>
      %swap3A_93 = arith.index_cast %scan3A_49 : i32 to index
      %swap3A_94 = arith.constant 96 : index
      %swap3A_95 = tpu.vector_load %arg8[%swap3A_93, %swap3A_94] {strides = array<i32>} : memref<128x128xf32, #tpu.memory_space<vmem>>, vector<1x16xf32>,
      %swap3A_96 = vector.shape_cast %swap3A_95 : vector<1x16xf32> to vector<16xf32>
      %swap3A_97 = vector.shape_cast %broadcast_in_dim3A_92 : vector<16xf32> to vector<1x16xf32>
      tpu.vector_store %arg8[%swap3A_93, %swap3A_94], %swap3A_97 {strides = array<i32>} : memref<128x128xf32, #tpu.memory_space<vmem>>, vector<1x16xf32>,
      %broadcast_in_dim3A_98 = arith.constant 0.000000e+00 : f32
      %broadcast_in_dim3A_99 = vector.broadcast %broadcast_in_dim3A_98 : f32 to vector<16xf32>
      %swap3A_100 = arith.index_cast %scan3A_49 : i32 to index
      %swap3A_101 = arith.constant 112 : index
      %swap3A_102 = tpu.vector_load %arg8[%swap3A_100, %swap3A_101] {strides = array<i32>} : memref<128x128xf32, #tpu.memory_space<vmem>>, vector<1x16xf32>,
      %swap3A_103 = vector.shape_cast %swap3A_102 : vector<1x16xf32> to vector<16xf32>
      %swap3A_104 = vector.shape_cast %broadcast_in_dim3A_99 : vector<16xf32> to vector<1x16xf32>
      tpu.vector_store %arg8[%swap3A_100, %swap3A_101], %swap3A_104 {strides = array<i32>} : memref<128x128xf32, #tpu.memory_space<vmem>>, vector<1x16xf32>,
      %scan3A_105 = arith.constant 0 : i32
      scf.yield %scan3A_105 : i32
    }
    %scan3A_6 = arith.constant 128 : i32
    %scan3A_7 = arith.constant 0 : i32
    %scan3A_8 = arith.constant 0 : i32
    %scan3A_9 = arith.constant 5 : i32
    %scan3A_10 = arith.addi %scan3A_8, %scan3A_9 : i32
    %scan3A_11 = arith.constant 1 : i32
    %scan3A_12 = scf.for %scan3A_49 = %scan3A_8 to %scan3A_10 step %scan3A_11 iter_args(%scan3A_50 = %scan3A_7) -> (i32)  : i32 {
      %mul3A_51 = arith.constant 640 : i32
      %mul3A_52 = arith.muli %arg1, %mul3A_51 : i32
      %mul3A_53 = arith.constant 128 : i32
      %mul3A_54 = arith.muli %scan3A_49, %mul3A_53 : i32
      %add3A_55 = arith.addi %mul3A_52, %mul3A_54 : i32
      "tpu.region"() ({
        %run_scoped3A = tpu.sem_alloc : memref<!tpu.dma_semaphore, #tpu.memory_space<semaphore_mem>>
        %dma_start3A_57 = arith.constant 0 : i32
        %dma_start3A_58 = tpu.memref_slice %arg12[%add3A_55, %dma_start3A_57] : memref<10240x128xf32, #tpu.memory_space<vmem_shared>> -> memref<128x128xf32, #tpu.memory_space<vmem_shared>>
        %dma_start3A_59 = arith.constant 0 : i32
        %dma_start3A_60 = tpu.memref_slice %arg12[%add3A_55, %dma_start3A_59] : memref<10240x128xf32, #tpu.memory_space<vmem_shared>> -> memref<128x128xf32, #tpu.memory_space<vmem_shared>>
        tpu.enqueue_dma source(%arg8 : memref<128x128xf32, #tpu.memory_space<vmem>>) target(%dma_start3A_60 : memref<128x128xf32, #tpu.memory_space<vmem_shared>>) target_semaphore(%run_scoped3A : memref<!tpu.dma_semaphore, #tpu.memory_space<semaphore_mem>>)
        %dma_wait3A = arith.constant 0 : i32
        %dma_wait3A_61 = tpu.memref_slice %arg12[%add3A_55, %dma_wait3A] : memref<10240x128xf32, #tpu.memory_space<vmem_shared>> -> memref<128x128xf32, #tpu.memory_space<vmem_shared>>
        %dma_wait3A_62 = arith.constant 0 : i32
        %dma_wait3A_63 = tpu.memref_slice %arg12[%add3A_55, %dma_wait3A_62] : memref<10240x128xf32, #tpu.memory_space<vmem_shared>> -> memref<128x128xf32, #tpu.memory_space<vmem_shared>>
        tpu.wait_dma2 semaphore(%run_scoped3A : memref<!tpu.dma_semaphore, #tpu.memory_space<semaphore_mem>>) src(%arg8 : memref<128x128xf32, #tpu.memory_space<vmem>>) dst(%dma_wait3A_63 : memref<128x128xf32, #tpu.memory_space<vmem_shared>>)
        tpu.yield
      }) : () -> ()
      %scan3A_56 = arith.constant 0 : i32
      scf.yield %scan3A_56 : i32
    }
    %scan3A_13 = arith.constant 5 : i32
    %barrier3A = arith.constant 0 : index
    tpu.barrier barrier_id(%barrier3A)
    "tpu.region"() ({
      %run_scoped3A = tpu.sem_alloc : memref<!tpu.dma_semaphore, #tpu.memory_space<semaphore_mem>>
      %dma_start3A_49 = arith.constant 0 : i32
      %dma_start3A_50 = arith.constant 0 : i32
      %dma_start3A_51 = tpu.memref_slice %arg3[%add3A, %dma_start3A_49, %dma_start3A_50] : memref<32x80x128xi32, #tpu.memory_space<hbm>> -> memref<1x80x128xi32, #tpu.memory_space<hbm>>
      %dma_start3A_52 = tpu.memref_squeeze %dma_start3A_51 : memref<1x80x128xi32, #tpu.memory_space<hbm>> -> memref<80x128xi32, #tpu.memory_space<hbm>>
      %dma_start3A_53 = arith.constant 0 : i32
      %dma_start3A_54 = arith.constant 0 : i32
      %dma_start3A_55 = tpu.memref_slice %dma_start3A_52[%dma_start3A_53, %dma_start3A_54] : memref<80x128xi32, #tpu.memory_space<hbm>> -> memref<40x128xi32, #tpu.memory_space<hbm>>
      %dma_start3A_56 = arith.constant 0 : i32
      %dma_start3A_57 = arith.constant 0 : i32
      %dma_start3A_58 = tpu.memref_slice %arg3[%add3A, %dma_start3A_56, %dma_start3A_57] : memref<32x80x128xi32, #tpu.memory_space<hbm>> -> memref<1x80x128xi32, #tpu.memory_space<hbm>>
      %dma_start3A_59 = tpu.memref_squeeze %dma_start3A_58 : memref<1x80x128xi32, #tpu.memory_space<hbm>> -> memref<80x128xi32, #tpu.memory_space<hbm>>
      %dma_start3A_60 = arith.constant 0 : i32
      %dma_start3A_61 = arith.constant 0 : i32
      %dma_start3A_62 = tpu.memref_slice %dma_start3A_59[%dma_start3A_60, %dma_start3A_61] : memref<80x128xi32, #tpu.memory_space<hbm>> -> memref<40x128xi32, #tpu.memory_space<hbm>>
      tpu.enqueue_dma source(%dma_start3A_62 : memref<40x128xi32, #tpu.memory_space<hbm>>) target(%arg6 : memref<40x128xi32, #tpu.memory_space<vmem>>) target_semaphore(%run_scoped3A : memref<!tpu.dma_semaphore, #tpu.memory_space<semaphore_mem>>)
      %dma_wait3A = arith.constant 0 : i32
      %dma_wait3A_63 = arith.constant 0 : i32
      %dma_wait3A_64 = tpu.memref_slice %arg3[%add3A, %dma_wait3A, %dma_wait3A_63] : memref<32x80x128xi32, #tpu.memory_space<hbm>> -> memref<1x80x128xi32, #tpu.memory_space<hbm>>
      %dma_wait3A_65 = tpu.memref_squeeze %dma_wait3A_64 : memref<1x80x128xi32, #tpu.memory_space<hbm>> -> memref<80x128xi32, #tpu.memory_space<hbm>>
      %dma_wait3A_66 = arith.constant 0 : i32
      %dma_wait3A_67 = arith.constant 0 : i32
      %dma_wait3A_68 = tpu.memref_slice %dma_wait3A_65[%dma_wait3A_66, %dma_wait3A_67] : memref<80x128xi32, #tpu.memory_space<hbm>> -> memref<40x128xi32, #tpu.memory_space<hbm>>
      %dma_wait3A_69 = arith.constant 0 : i32
      %dma_wait3A_70 = arith.constant 0 : i32
      %dma_wait3A_71 = tpu.memref_slice %arg3[%add3A, %dma_wait3A_69, %dma_wait3A_70] : memref<32x80x128xi32, #tpu.memory_space<hbm>> -> memref<1x80x128xi32, #tpu.memory_space<hbm>>
      %dma_wait3A_72 = tpu.memref_squeeze %dma_wait3A_71 : memref<1x80x128xi32, #tpu.memory_space<hbm>> -> memref<80x128xi32, #tpu.memory_space<hbm>>
      %dma_wait3A_73 = arith.constant 0 : i32
      %dma_wait3A_74 = arith.constant 0 : i32
      %dma_wait3A_75 = tpu.memref_slice %dma_wait3A_72[%dma_wait3A_73, %dma_wait3A_74] : memref<80x128xi32, #tpu.memory_space<hbm>> -> memref<40x128xi32, #tpu.memory_space<hbm>>
      tpu.wait_dma2 semaphore(%run_scoped3A : memref<!tpu.dma_semaphore, #tpu.memory_space<semaphore_mem>>) src(%dma_wait3A_75 : memref<40x128xi32, #tpu.memory_space<hbm>>) dst(%arg6 : memref<40x128xi32, #tpu.memory_space<vmem>>)
      tpu.yield
    }) : () -> ()
    "tpu.region"() ({
      %run_scoped3A = tpu.sem_alloc : memref<!tpu.dma_semaphore, #tpu.memory_space<semaphore_mem>>
      %dma_start3A_49 = arith.constant 0 : i32
      %dma_start3A_50 = arith.constant 0 : i32
      %dma_start3A_51 = tpu.memref_slice %arg4[%add3A, %dma_start3A_49, %dma_start3A_50] : memref<32x80x128xi32, #tpu.memory_space<hbm>> -> memref<1x80x128xi32, #tpu.memory_space<hbm>>
      %dma_start3A_52 = tpu.memref_squeeze %dma_start3A_51 : memref<1x80x128xi32, #tpu.memory_space<hbm>> -> memref<80x128xi32, #tpu.memory_space<hbm>>
      %dma_start3A_53 = arith.constant 0 : i32
      %dma_start3A_54 = arith.constant 0 : i32
      %dma_start3A_55 = tpu.memref_slice %dma_start3A_52[%dma_start3A_53, %dma_start3A_54] : memref<80x128xi32, #tpu.memory_space<hbm>> -> memref<40x128xi32, #tpu.memory_space<hbm>>
      %dma_start3A_56 = arith.constant 0 : i32
      %dma_start3A_57 = arith.constant 0 : i32
      %dma_start3A_58 = tpu.memref_slice %arg4[%add3A, %dma_start3A_56, %dma_start3A_57] : memref<32x80x128xi32, #tpu.memory_space<hbm>> -> memref<1x80x128xi32, #tpu.memory_space<hbm>>
      %dma_start3A_59 = tpu.memref_squeeze %dma_start3A_58 : memref<1x80x128xi32, #tpu.memory_space<hbm>> -> memref<80x128xi32, #tpu.memory_space<hbm>>
      %dma_start3A_60 = arith.constant 0 : i32
      %dma_start3A_61 = arith.constant 0 : i32
      %dma_start3A_62 = tpu.memref_slice %dma_start3A_59[%dma_start3A_60, %dma_start3A_61] : memref<80x128xi32, #tpu.memory_space<hbm>> -> memref<40x128xi32, #tpu.memory_space<hbm>>
      tpu.enqueue_dma source(%dma_start3A_62 : memref<40x128xi32, #tpu.memory_space<hbm>>) target(%arg7 : memref<40x128xi32, #tpu.memory_space<vmem>>) target_semaphore(%run_scoped3A : memref<!tpu.dma_semaphore, #tpu.memory_space<semaphore_mem>>)
      %dma_wait3A = arith.constant 0 : i32
      %dma_wait3A_63 = arith.constant 0 : i32
      %dma_wait3A_64 = tpu.memref_slice %arg4[%add3A, %dma_wait3A, %dma_wait3A_63] : memref<32x80x128xi32, #tpu.memory_space<hbm>> -> memref<1x80x128xi32, #tpu.memory_space<hbm>>
      %dma_wait3A_65 = tpu.memref_squeeze %dma_wait3A_64 : memref<1x80x128xi32, #tpu.memory_space<hbm>> -> memref<80x128xi32, #tpu.memory_space<hbm>>
      %dma_wait3A_66 = arith.constant 0 : i32
      %dma_wait3A_67 = arith.constant 0 : i32
      %dma_wait3A_68 = tpu.memref_slice %dma_wait3A_65[%dma_wait3A_66, %dma_wait3A_67] : memref<80x128xi32, #tpu.memory_space<hbm>> -> memref<40x128xi32, #tpu.memory_space<hbm>>
      %dma_wait3A_69 = arith.constant 0 : i32
      %dma_wait3A_70 = arith.constant 0 : i32
      %dma_wait3A_71 = tpu.memref_slice %arg4[%add3A, %dma_wait3A_69, %dma_wait3A_70] : memref<32x80x128xi32, #tpu.memory_space<hbm>> -> memref<1x80x128xi32, #tpu.memory_space<hbm>>
      %dma_wait3A_72 = tpu.memref_squeeze %dma_wait3A_71 : memref<1x80x128xi32, #tpu.memory_space<hbm>> -> memref<80x128xi32, #tpu.memory_space<hbm>>
      %dma_wait3A_73 = arith.constant 0 : i32
      %dma_wait3A_74 = arith.constant 0 : i32
      %dma_wait3A_75 = tpu.memref_slice %dma_wait3A_72[%dma_wait3A_73, %dma_wait3A_74] : memref<80x128xi32, #tpu.memory_space<hbm>> -> memref<40x128xi32, #tpu.memory_space<hbm>>
      tpu.wait_dma2 semaphore(%run_scoped3A : memref<!tpu.dma_semaphore, #tpu.memory_space<semaphore_mem>>) src(%dma_wait3A_75 : memref<40x128xi32, #tpu.memory_space<hbm>>) dst(%arg7 : memref<40x128xi32, #tpu.memory_space<vmem>>)
      tpu.yield
    }) : () -> ()
    %dma_start3A = arith.constant 0 : i32
    %dma_start3A_14 = arith.constant 0 : i32
    %dma_start3A_15 = tpu.memref_slice %arg6[%dma_start3A, %dma_start3A_14] : memref<40x128xi32, #tpu.memory_space<vmem>> -> memref<1x128xi32, #tpu.memory_space<vmem>>
    %dma_start3A_16 = tpu.memref_squeeze %dma_start3A_15 : memref<1x128xi32, #tpu.memory_space<vmem>> -> memref<128xi32, #tpu.memory_space<vmem>>
    %dma_start3A_17 = arith.constant 0 : i32
    %dma_start3A_18 = arith.constant 0 : i32
    %dma_start3A_19 = tpu.memref_slice %arg2[%dma_start3A_17, %dma_start3A_18] : memref<10000x128xf32, #tpu.memory_space<hbm>> -> memref<10000x128xf32, #tpu.memory_space<hbm>>
    tpu.enqueue_indirect_dma source(%dma_start3A_19 : memref<10000x128xf32, #tpu.memory_space<hbm>>) target(%arg8 : memref<128x128xf32, #tpu.memory_space<vmem>>) offsets(%dma_start3A_16 : memref<128xi32, #tpu.memory_space<vmem>>) semaphore(%arg10 : memref<!tpu.dma_semaphore, #tpu.memory_space<semaphore_mem>>)
    %scan3A_20 = arith.constant 0 : i32
    %scan3A_21 = arith.constant 0 : i32
    %scan3A_22 = arith.constant 20 : i32
    %scan3A_23 = arith.addi %scan3A_21, %scan3A_22 : i32
    %scan3A_24 = arith.constant 1 : i32
    %scan3A_25 = scf.for %scan3A_49 = %scan3A_21 to %scan3A_23 step %scan3A_24 iter_args(%scan3A_50 = %scan3A_20) -> (i32)  : i32 {
      %mul3A_51 = arith.constant 2 : i32
      %mul3A_52 = arith.muli %mul3A_51, %scan3A_49 : i32
      %dma_wait3A = arith.constant 0 : i32
      %dma_wait3A_53 = tpu.memref_slice %arg6[%mul3A_52, %dma_wait3A] : memref<40x128xi32, #tpu.memory_space<vmem>> -> memref<1x128xi32, #tpu.memory_space<vmem>>
      %dma_wait3A_54 = tpu.memref_squeeze %dma_wait3A_53 : memref<1x128xi32, #tpu.memory_space<vmem>> -> memref<128xi32, #tpu.memory_space<vmem>>
      %dma_wait3A_55 = arith.constant 0 : i32
      %dma_wait3A_56 = arith.constant 0 : i32
      %dma_wait3A_57 = tpu.memref_slice %arg2[%dma_wait3A_55, %dma_wait3A_56] : memref<10000x128xf32, #tpu.memory_space<hbm>> -> memref<10000x128xf32, #tpu.memory_space<hbm>>
      tpu.wait_indirect_dma semaphore(%arg10 : memref<!tpu.dma_semaphore, #tpu.memory_space<semaphore_mem>>) src(%dma_wait3A_57 : memref<10000x128xf32, #tpu.memory_space<hbm>>) dst(%arg8 : memref<128x128xf32, #tpu.memory_space<vmem>>)
      %add3A_58 = arith.constant 1 : i32
      %add3A_59 = arith.addi %mul3A_52, %add3A_58 : i32
      %dma_start3A_60 = arith.constant 0 : i32
      %dma_start3A_61 = tpu.memref_slice %arg6[%add3A_59, %dma_start3A_60] : memref<40x128xi32, #tpu.memory_space<vmem>> -> memref<1x128xi32, #tpu.memory_space<vmem>>
      %dma_start3A_62 = tpu.memref_squeeze %dma_start3A_61 : memref<1x128xi32, #tpu.memory_space<vmem>> -> memref<128xi32, #tpu.memory_space<vmem>>
      %dma_start3A_63 = arith.constant 0 : i32
      %dma_start3A_64 = arith.constant 0 : i32
      %dma_start3A_65 = tpu.memref_slice %arg2[%dma_start3A_63, %dma_start3A_64] : memref<10000x128xf32, #tpu.memory_space<hbm>> -> memref<10000x128xf32, #tpu.memory_space<hbm>>
      tpu.enqueue_indirect_dma source(%dma_start3A_65 : memref<10000x128xf32, #tpu.memory_space<hbm>>) target(%arg9 : memref<128x128xf32, #tpu.memory_space<vmem>>) offsets(%dma_start3A_62 : memref<128xi32, #tpu.memory_space<vmem>>) semaphore(%arg11 : memref<!tpu.dma_semaphore, #tpu.memory_space<semaphore_mem>>)
      "tpu.region"() ({
        %run_scoped3A = tpu.sem_alloc : memref<!tpu.dma_semaphore, #tpu.memory_space<semaphore_mem>>
        %dma_start3A_81 = arith.constant 0 : i32
        %dma_start3A_82 = tpu.memref_slice %arg7[%mul3A_52, %dma_start3A_81] : memref<40x128xi32, #tpu.memory_space<vmem>> -> memref<1x128xi32, #tpu.memory_space<vmem>>
        %dma_start3A_83 = tpu.memref_squeeze %dma_start3A_82 : memref<1x128xi32, #tpu.memory_space<vmem>> -> memref<128xi32, #tpu.memory_space<vmem>>
        %dma_start3A_84 = arith.constant 0 : i32
        %dma_start3A_85 = arith.constant 0 : i32
        %dma_start3A_86 = tpu.memref_slice %arg12[%dma_start3A_84, %dma_start3A_85] : memref<10240x128xf32, #tpu.memory_space<vmem_shared>> -> memref<10240x128xf32, #tpu.memory_space<vmem_shared>>
        tpu.enqueue_indirect_dma source(%arg8 : memref<128x128xf32, #tpu.memory_space<vmem>>) target(%dma_start3A_86 : memref<10240x128xf32, #tpu.memory_space<vmem_shared>>) offsets(%dma_start3A_83 : memref<128xi32, #tpu.memory_space<vmem>>) semaphore(%run_scoped3A : memref<!tpu.dma_semaphore, #tpu.memory_space<semaphore_mem>>) {add = true}
        %dma_wait3A_87 = arith.constant 0 : i32
        %dma_wait3A_88 = tpu.memref_slice %arg7[%mul3A_52, %dma_wait3A_87] : memref<40x128xi32, #tpu.memory_space<vmem>> -> memref<1x128xi32, #tpu.memory_space<vmem>>
        %dma_wait3A_89 = tpu.memref_squeeze %dma_wait3A_88 : memref<1x128xi32, #tpu.memory_space<vmem>> -> memref<128xi32, #tpu.memory_space<vmem>>
        %dma_wait3A_90 = arith.constant 0 : i32
        %dma_wait3A_91 = arith.constant 0 : i32
        %dma_wait3A_92 = tpu.memref_slice %arg12[%dma_wait3A_90, %dma_wait3A_91] : memref<10240x128xf32, #tpu.memory_space<vmem_shared>> -> memref<10240x128xf32, #tpu.memory_space<vmem_shared>>
        tpu.wait_indirect_dma semaphore(%run_scoped3A : memref<!tpu.dma_semaphore, #tpu.memory_space<semaphore_mem>>) src(%arg8 : memref<128x128xf32, #tpu.memory_space<vmem>>) dst(%dma_wait3A_92 : memref<10240x128xf32, #tpu.memory_space<vmem_shared>>)
        tpu.yield
      }) : () -> ()
      %add3A_66 = arith.constant 1 : i32
      %add3A_67 = arith.addi %mul3A_52, %add3A_66 : i32
      %dma_wait3A_68 = arith.constant 0 : i32
      %dma_wait3A_69 = tpu.memref_slice %arg6[%add3A_67, %dma_wait3A_68] : memref<40x128xi32, #tpu.memory_space<vmem>> -> memref<1x128xi32, #tpu.memory_space<vmem>>
      %dma_wait3A_70 = tpu.memref_squeeze %dma_wait3A_69 : memref<1x128xi32, #tpu.memory_space<vmem>> -> memref<128xi32, #tpu.memory_space<vmem>>
      %dma_wait3A_71 = arith.constant 0 : i32
      %dma_wait3A_72 = arith.constant 0 : i32
      %dma_wait3A_73 = tpu.memref_slice %arg2[%dma_wait3A_71, %dma_wait3A_72] : memref<10000x128xf32, #tpu.memory_space<hbm>> -> memref<10000x128xf32, #tpu.memory_space<hbm>>
      tpu.wait_indirect_dma semaphore(%arg11 : memref<!tpu.dma_semaphore, #tpu.memory_space<semaphore_mem>>) src(%dma_wait3A_73 : memref<10000x128xf32, #tpu.memory_space<hbm>>) dst(%arg9 : memref<128x128xf32, #tpu.memory_space<vmem>>)
      %add3A_74 = arith.constant 2 : i32
      %add3A_75 = arith.addi %mul3A_52, %add3A_74 : i32
      %lt3A = arith.constant 40 : i32
      %lt3A_76 = arith.cmpi slt, %add3A_75, %lt3A : i32
      %convert_element_type3A = arith.extui %lt3A_76 : i1 to i32
      %cond3A = arith.constant 0 : i32
      %cond3A_77 = arith.cmpi ne, %convert_element_type3A, %cond3A : i32
      scf.if %cond3A_77 {
        %add3A_81 = arith.constant 2 : i32
        %add3A_82 = arith.addi %mul3A_52, %add3A_81 : i32
        %dma_start3A_83 = arith.constant 0 : i32
        %dma_start3A_84 = tpu.memref_slice %arg6[%add3A_82, %dma_start3A_83] : memref<40x128xi32, #tpu.memory_space<vmem>> -> memref<1x128xi32, #tpu.memory_space<vmem>>
        %dma_start3A_85 = tpu.memref_squeeze %dma_start3A_84 : memref<1x128xi32, #tpu.memory_space<vmem>> -> memref<128xi32, #tpu.memory_space<vmem>>
        %dma_start3A_86 = arith.constant 0 : i32
        %dma_start3A_87 = arith.constant 0 : i32
        %dma_start3A_88 = tpu.memref_slice %arg2[%dma_start3A_86, %dma_start3A_87] : memref<10000x128xf32, #tpu.memory_space<hbm>> -> memref<10000x128xf32, #tpu.memory_space<hbm>>
        tpu.enqueue_indirect_dma source(%dma_start3A_88 : memref<10000x128xf32, #tpu.memory_space<hbm>>) target(%arg8 : memref<128x128xf32, #tpu.memory_space<vmem>>) offsets(%dma_start3A_85 : memref<128xi32, #tpu.memory_space<vmem>>) semaphore(%arg10 : memref<!tpu.dma_semaphore, #tpu.memory_space<semaphore_mem>>)
      } else {
      }
      %add3A_78 = arith.constant 1 : i32
      %add3A_79 = arith.addi %mul3A_52, %add3A_78 : i32
      "tpu.region"() ({
        %run_scoped3A = tpu.sem_alloc : memref<!tpu.dma_semaphore, #tpu.memory_space<semaphore_mem>>
        %dma_start3A_81 = arith.constant 0 : i32
        %dma_start3A_82 = tpu.memref_slice %arg7[%add3A_79, %dma_start3A_81] : memref<40x128xi32, #tpu.memory_space<vmem>> -> memref<1x128xi32, #tpu.memory_space<vmem>>
        %dma_start3A_83 = tpu.memref_squeeze %dma_start3A_82 : memref<1x128xi32, #tpu.memory_space<vmem>> -> memref<128xi32, #tpu.memory_space<vmem>>
        %dma_start3A_84 = arith.constant 0 : i32
        %dma_start3A_85 = arith.constant 0 : i32
        %dma_start3A_86 = tpu.memref_slice %arg12[%dma_start3A_84, %dma_start3A_85] : memref<10240x128xf32, #tpu.memory_space<vmem_shared>> -> memref<10240x128xf32, #tpu.memory_space<vmem_shared>>
        tpu.enqueue_indirect_dma source(%arg9 : memref<128x128xf32, #tpu.memory_space<vmem>>) target(%dma_start3A_86 : memref<10240x128xf32, #tpu.memory_space<vmem_shared>>) offsets(%dma_start3A_83 : memref<128xi32, #tpu.memory_space<vmem>>) semaphore(%run_scoped3A : memref<!tpu.dma_semaphore, #tpu.memory_space<semaphore_mem>>) {add = true}
        %dma_wait3A_87 = arith.constant 0 : i32
        %dma_wait3A_88 = tpu.memref_slice %arg7[%add3A_79, %dma_wait3A_87] : memref<40x128xi32, #tpu.memory_space<vmem>> -> memref<1x128xi32, #tpu.memory_space<vmem>>
        %dma_wait3A_89 = tpu.memref_squeeze %dma_wait3A_88 : memref<1x128xi32, #tpu.memory_space<vmem>> -> memref<128xi32, #tpu.memory_space<vmem>>
        %dma_wait3A_90 = arith.constant 0 : i32
        %dma_wait3A_91 = arith.constant 0 : i32
        %dma_wait3A_92 = tpu.memref_slice %arg12[%dma_wait3A_90, %dma_wait3A_91] : memref<10240x128xf32, #tpu.memory_space<vmem_shared>> -> memref<10240x128xf32, #tpu.memory_space<vmem_shared>>
        tpu.wait_indirect_dma semaphore(%run_scoped3A : memref<!tpu.dma_semaphore, #tpu.memory_space<semaphore_mem>>) src(%arg9 : memref<128x128xf32, #tpu.memory_space<vmem>>) dst(%dma_wait3A_92 : memref<10240x128xf32, #tpu.memory_space<vmem_shared>>)
        tpu.yield
      }) : () -> ()
      %scan3A_80 = arith.constant 0 : i32
      scf.yield %scan3A_80 : i32
    }
    %scan3A_26 = arith.constant 20 : i32
    "tpu.region"() ({
      %run_scoped3A = tpu.sem_alloc : memref<!tpu.dma_semaphore, #tpu.memory_space<semaphore_mem>>
      %dma_start3A_49 = arith.constant 0 : i32
      %dma_start3A_50 = arith.constant 0 : i32
      %dma_start3A_51 = tpu.memref_slice %arg3[%add3A, %dma_start3A_49, %dma_start3A_50] : memref<32x80x128xi32, #tpu.memory_space<hbm>> -> memref<1x80x128xi32, #tpu.memory_space<hbm>>
      %dma_start3A_52 = tpu.memref_squeeze %dma_start3A_51 : memref<1x80x128xi32, #tpu.memory_space<hbm>> -> memref<80x128xi32, #tpu.memory_space<hbm>>
      %dma_start3A_53 = arith.constant 40 : i32
      %dma_start3A_54 = arith.constant 0 : i32
      %dma_start3A_55 = tpu.memref_slice %dma_start3A_52[%dma_start3A_53, %dma_start3A_54] : memref<80x128xi32, #tpu.memory_space<hbm>> -> memref<40x128xi32, #tpu.memory_space<hbm>>
      %dma_start3A_56 = arith.constant 0 : i32
      %dma_start3A_57 = arith.constant 0 : i32
      %dma_start3A_58 = tpu.memref_slice %arg3[%add3A, %dma_start3A_56, %dma_start3A_57] : memref<32x80x128xi32, #tpu.memory_space<hbm>> -> memref<1x80x128xi32, #tpu.memory_space<hbm>>
      %dma_start3A_59 = tpu.memref_squeeze %dma_start3A_58 : memref<1x80x128xi32, #tpu.memory_space<hbm>> -> memref<80x128xi32, #tpu.memory_space<hbm>>
      %dma_start3A_60 = arith.constant 40 : i32
      %dma_start3A_61 = arith.constant 0 : i32
      %dma_start3A_62 = tpu.memref_slice %dma_start3A_59[%dma_start3A_60, %dma_start3A_61] : memref<80x128xi32, #tpu.memory_space<hbm>> -> memref<40x128xi32, #tpu.memory_space<hbm>>
      tpu.enqueue_dma source(%dma_start3A_62 : memref<40x128xi32, #tpu.memory_space<hbm>>) target(%arg6 : memref<40x128xi32, #tpu.memory_space<vmem>>) target_semaphore(%run_scoped3A : memref<!tpu.dma_semaphore, #tpu.memory_space<semaphore_mem>>)
      %dma_wait3A = arith.constant 0 : i32
      %dma_wait3A_63 = arith.constant 0 : i32
      %dma_wait3A_64 = tpu.memref_slice %arg3[%add3A, %dma_wait3A, %dma_wait3A_63] : memref<32x80x128xi32, #tpu.memory_space<hbm>> -> memref<1x80x128xi32, #tpu.memory_space<hbm>>
      %dma_wait3A_65 = tpu.memref_squeeze %dma_wait3A_64 : memref<1x80x128xi32, #tpu.memory_space<hbm>> -> memref<80x128xi32, #tpu.memory_space<hbm>>
      %dma_wait3A_66 = arith.constant 40 : i32
      %dma_wait3A_67 = arith.constant 0 : i32
      %dma_wait3A_68 = tpu.memref_slice %dma_wait3A_65[%dma_wait3A_66, %dma_wait3A_67] : memref<80x128xi32, #tpu.memory_space<hbm>> -> memref<40x128xi32, #tpu.memory_space<hbm>>
      %dma_wait3A_69 = arith.constant 0 : i32
      %dma_wait3A_70 = arith.constant 0 : i32
      %dma_wait3A_71 = tpu.memref_slice %arg3[%add3A, %dma_wait3A_69, %dma_wait3A_70] : memref<32x80x128xi32, #tpu.memory_space<hbm>> -> memref<1x80x128xi32, #tpu.memory_space<hbm>>
      %dma_wait3A_72 = tpu.memref_squeeze %dma_wait3A_71 : memref<1x80x128xi32, #tpu.memory_space<hbm>> -> memref<80x128xi32, #tpu.memory_space<hbm>>
      %dma_wait3A_73 = arith.constant 40 : i32
      %dma_wait3A_74 = arith.constant 0 : i32
      %dma_wait3A_75 = tpu.memref_slice %dma_wait3A_72[%dma_wait3A_73, %dma_wait3A_74] : memref<80x128xi32, #tpu.memory_space<hbm>> -> memref<40x128xi32, #tpu.memory_space<hbm>>
      tpu.wait_dma2 semaphore(%run_scoped3A : memref<!tpu.dma_semaphore, #tpu.memory_space<semaphore_mem>>) src(%dma_wait3A_75 : memref<40x128xi32, #tpu.memory_space<hbm>>) dst(%arg6 : memref<40x128xi32, #tpu.memory_space<vmem>>)
      tpu.yield
    }) : () -> ()
    "tpu.region"() ({
      %run_scoped3A = tpu.sem_alloc : memref<!tpu.dma_semaphore, #tpu.memory_space<semaphore_mem>>
      %dma_start3A_49 = arith.constant 0 : i32
      %dma_start3A_50 = arith.constant 0 : i32
      %dma_start3A_51 = tpu.memref_slice %arg4[%add3A, %dma_start3A_49, %dma_start3A_50] : memref<32x80x128xi32, #tpu.memory_space<hbm>> -> memref<1x80x128xi32, #tpu.memory_space<hbm>>
      %dma_start3A_52 = tpu.memref_squeeze %dma_start3A_51 : memref<1x80x128xi32, #tpu.memory_space<hbm>> -> memref<80x128xi32, #tpu.memory_space<hbm>>
      %dma_start3A_53 = arith.constant 40 : i32
      %dma_start3A_54 = arith.constant 0 : i32
      %dma_start3A_55 = tpu.memref_slice %dma_start3A_52[%dma_start3A_53, %dma_start3A_54] : memref<80x128xi32, #tpu.memory_space<hbm>> -> memref<40x128xi32, #tpu.memory_space<hbm>>
      %dma_start3A_56 = arith.constant 0 : i32
      %dma_start3A_57 = arith.constant 0 : i32
      %dma_start3A_58 = tpu.memref_slice %arg4[%add3A, %dma_start3A_56, %dma_start3A_57] : memref<32x80x128xi32, #tpu.memory_space<hbm>> -> memref<1x80x128xi32, #tpu.memory_space<hbm>>
      %dma_start3A_59 = tpu.memref_squeeze %dma_start3A_58 : memref<1x80x128xi32, #tpu.memory_space<hbm>> -> memref<80x128xi32, #tpu.memory_space<hbm>>
      %dma_start3A_60 = arith.constant 40 : i32
      %dma_start3A_61 = arith.constant 0 : i32
      %dma_start3A_62 = tpu.memref_slice %dma_start3A_59[%dma_start3A_60, %dma_start3A_61] : memref<80x128xi32, #tpu.memory_space<hbm>> -> memref<40x128xi32, #tpu.memory_space<hbm>>
      tpu.enqueue_dma source(%dma_start3A_62 : memref<40x128xi32, #tpu.memory_space<hbm>>) target(%arg7 : memref<40x128xi32, #tpu.memory_space<vmem>>) target_semaphore(%run_scoped3A : memref<!tpu.dma_semaphore, #tpu.memory_space<semaphore_mem>>)
      %dma_wait3A = arith.constant 0 : i32
      %dma_wait3A_63 = arith.constant 0 : i32
      %dma_wait3A_64 = tpu.memref_slice %arg4[%add3A, %dma_wait3A, %dma_wait3A_63] : memref<32x80x128xi32, #tpu.memory_space<hbm>> -> memref<1x80x128xi32, #tpu.memory_space<hbm>>
      %dma_wait3A_65 = tpu.memref_squeeze %dma_wait3A_64 : memref<1x80x128xi32, #tpu.memory_space<hbm>> -> memref<80x128xi32, #tpu.memory_space<hbm>>
      %dma_wait3A_66 = arith.constant 40 : i32
      %dma_wait3A_67 = arith.constant 0 : i32
      %dma_wait3A_68 = tpu.memref_slice %dma_wait3A_65[%dma_wait3A_66, %dma_wait3A_67] : memref<80x128xi32, #tpu.memory_space<hbm>> -> memref<40x128xi32, #tpu.memory_space<hbm>>
      %dma_wait3A_69 = arith.constant 0 : i32
      %dma_wait3A_70 = arith.constant 0 : i32
      %dma_wait3A_71 = tpu.memref_slice %arg4[%add3A, %dma_wait3A_69, %dma_wait3A_70] : memref<32x80x128xi32, #tpu.memory_space<hbm>> -> memref<1x80x128xi32, #tpu.memory_space<hbm>>
      %dma_wait3A_72 = tpu.memref_squeeze %dma_wait3A_71 : memref<1x80x128xi32, #tpu.memory_space<hbm>> -> memref<80x128xi32, #tpu.memory_space<hbm>>
      %dma_wait3A_73 = arith.constant 40 : i32
      %dma_wait3A_74 = arith.constant 0 : i32
      %dma_wait3A_75 = tpu.memref_slice %dma_wait3A_72[%dma_wait3A_73, %dma_wait3A_74] : memref<80x128xi32, #tpu.memory_space<hbm>> -> memref<40x128xi32, #tpu.memory_space<hbm>>
      tpu.wait_dma2 semaphore(%run_scoped3A : memref<!tpu.dma_semaphore, #tpu.memory_space<semaphore_mem>>) src(%dma_wait3A_75 : memref<40x128xi32, #tpu.memory_space<hbm>>) dst(%arg7 : memref<40x128xi32, #tpu.memory_space<vmem>>)
      tpu.yield
    }) : () -> ()
    %dma_start3A_27 = arith.constant 0 : i32
    %dma_start3A_28 = arith.constant 0 : i32
    %dma_start3A_29 = tpu.memref_slice %arg6[%dma_start3A_27, %dma_start3A_28] : memref<40x128xi32, #tpu.memory_space<vmem>> -> memref<1x128xi32, #tpu.memory_space<vmem>>
    %dma_start3A_30 = tpu.memref_squeeze %dma_start3A_29 : memref<1x128xi32, #tpu.memory_space<vmem>> -> memref<128xi32, #tpu.memory_space<vmem>>
    %dma_start3A_31 = arith.constant 0 : i32
    %dma_start3A_32 = arith.constant 0 : i32
    %dma_start3A_33 = tpu.memref_slice %arg2[%dma_start3A_31, %dma_start3A_32] : memref<10000x128xf32, #tpu.memory_space<hbm>> -> memref<10000x128xf32, #tpu.memory_space<hbm>>
    tpu.enqueue_indirect_dma source(%dma_start3A_33 : memref<10000x128xf32, #tpu.memory_space<hbm>>) target(%arg8 : memref<128x128xf32, #tpu.memory_space<vmem>>) offsets(%dma_start3A_30 : memref<128xi32, #tpu.memory_space<vmem>>) semaphore(%arg10 : memref<!tpu.dma_semaphore, #tpu.memory_space<semaphore_mem>>)
    %scan3A_34 = arith.constant 0 : i32
    %scan3A_35 = arith.constant 0 : i32
    %scan3A_36 = arith.constant 20 : i32
    %scan3A_37 = arith.addi %scan3A_35, %scan3A_36 : i32
    %scan3A_38 = arith.constant 1 : i32
    %scan3A_39 = scf.for %scan3A_49 = %scan3A_35 to %scan3A_37 step %scan3A_38 iter_args(%scan3A_50 = %scan3A_34) -> (i32)  : i32 {
      %mul3A_51 = arith.constant 2 : i32
      %mul3A_52 = arith.muli %mul3A_51, %scan3A_49 : i32
      %dma_wait3A = arith.constant 0 : i32
      %dma_wait3A_53 = tpu.memref_slice %arg6[%mul3A_52, %dma_wait3A] : memref<40x128xi32, #tpu.memory_space<vmem>> -> memref<1x128xi32, #tpu.memory_space<vmem>>
      %dma_wait3A_54 = tpu.memref_squeeze %dma_wait3A_53 : memref<1x128xi32, #tpu.memory_space<vmem>> -> memref<128xi32, #tpu.memory_space<vmem>>
      %dma_wait3A_55 = arith.constant 0 : i32
      %dma_wait3A_56 = arith.constant 0 : i32
      %dma_wait3A_57 = tpu.memref_slice %arg2[%dma_wait3A_55, %dma_wait3A_56] : memref<10000x128xf32, #tpu.memory_space<hbm>> -> memref<10000x128xf32, #tpu.memory_space<hbm>>
      tpu.wait_indirect_dma semaphore(%arg10 : memref<!tpu.dma_semaphore, #tpu.memory_space<semaphore_mem>>) src(%dma_wait3A_57 : memref<10000x128xf32, #tpu.memory_space<hbm>>) dst(%arg8 : memref<128x128xf32, #tpu.memory_space<vmem>>)
      %add3A_58 = arith.constant 1 : i32
      %add3A_59 = arith.addi %mul3A_52, %add3A_58 : i32
      %dma_start3A_60 = arith.constant 0 : i32
      %dma_start3A_61 = tpu.memref_slice %arg6[%add3A_59, %dma_start3A_60] : memref<40x128xi32, #tpu.memory_space<vmem>> -> memref<1x128xi32, #tpu.memory_space<vmem>>
      %dma_start3A_62 = tpu.memref_squeeze %dma_start3A_61 : memref<1x128xi32, #tpu.memory_space<vmem>> -> memref<128xi32, #tpu.memory_space<vmem>>
      %dma_start3A_63 = arith.constant 0 : i32
      %dma_start3A_64 = arith.constant 0 : i32
      %dma_start3A_65 = tpu.memref_slice %arg2[%dma_start3A_63, %dma_start3A_64] : memref<10000x128xf32, #tpu.memory_space<hbm>> -> memref<10000x128xf32, #tpu.memory_space<hbm>>
      tpu.enqueue_indirect_dma source(%dma_start3A_65 : memref<10000x128xf32, #tpu.memory_space<hbm>>) target(%arg9 : memref<128x128xf32, #tpu.memory_space<vmem>>) offsets(%dma_start3A_62 : memref<128xi32, #tpu.memory_space<vmem>>) semaphore(%arg11 : memref<!tpu.dma_semaphore, #tpu.memory_space<semaphore_mem>>)
      "tpu.region"() ({
        %run_scoped3A = tpu.sem_alloc : memref<!tpu.dma_semaphore, #tpu.memory_space<semaphore_mem>>
        %dma_start3A_81 = arith.constant 0 : i32
        %dma_start3A_82 = tpu.memref_slice %arg7[%mul3A_52, %dma_start3A_81] : memref<40x128xi32, #tpu.memory_space<vmem>> -> memref<1x128xi32, #tpu.memory_space<vmem>>
        %dma_start3A_83 = tpu.memref_squeeze %dma_start3A_82 : memref<1x128xi32, #tpu.memory_space<vmem>> -> memref<128xi32, #tpu.memory_space<vmem>>
        %dma_start3A_84 = arith.constant 0 : i32
        %dma_start3A_85 = arith.constant 0 : i32
        %dma_start3A_86 = tpu.memref_slice %arg12[%dma_start3A_84, %dma_start3A_85] : memref<10240x128xf32, #tpu.memory_space<vmem_shared>> -> memref<10240x128xf32, #tpu.memory_space<vmem_shared>>
        tpu.enqueue_indirect_dma source(%arg8 : memref<128x128xf32, #tpu.memory_space<vmem>>) target(%dma_start3A_86 : memref<10240x128xf32, #tpu.memory_space<vmem_shared>>) offsets(%dma_start3A_83 : memref<128xi32, #tpu.memory_space<vmem>>) semaphore(%run_scoped3A : memref<!tpu.dma_semaphore, #tpu.memory_space<semaphore_mem>>) {add = true}
        %dma_wait3A_87 = arith.constant 0 : i32
        %dma_wait3A_88 = tpu.memref_slice %arg7[%mul3A_52, %dma_wait3A_87] : memref<40x128xi32, #tpu.memory_space<vmem>> -> memref<1x128xi32, #tpu.memory_space<vmem>>
        %dma_wait3A_89 = tpu.memref_squeeze %dma_wait3A_88 : memref<1x128xi32, #tpu.memory_space<vmem>> -> memref<128xi32, #tpu.memory_space<vmem>>
        %dma_wait3A_90 = arith.constant 0 : i32
        %dma_wait3A_91 = arith.constant 0 : i32
        %dma_wait3A_92 = tpu.memref_slice %arg12[%dma_wait3A_90, %dma_wait3A_91] : memref<10240x128xf32, #tpu.memory_space<vmem_shared>> -> memref<10240x128xf32, #tpu.memory_space<vmem_shared>>
        tpu.wait_indirect_dma semaphore(%run_scoped3A : memref<!tpu.dma_semaphore, #tpu.memory_space<semaphore_mem>>) src(%arg8 : memref<128x128xf32, #tpu.memory_space<vmem>>) dst(%dma_wait3A_92 : memref<10240x128xf32, #tpu.memory_space<vmem_shared>>)
        tpu.yield
      }) : () -> ()
      %add3A_66 = arith.constant 1 : i32
      %add3A_67 = arith.addi %mul3A_52, %add3A_66 : i32
      %dma_wait3A_68 = arith.constant 0 : i32
      %dma_wait3A_69 = tpu.memref_slice %arg6[%add3A_67, %dma_wait3A_68] : memref<40x128xi32, #tpu.memory_space<vmem>> -> memref<1x128xi32, #tpu.memory_space<vmem>>
      %dma_wait3A_70 = tpu.memref_squeeze %dma_wait3A_69 : memref<1x128xi32, #tpu.memory_space<vmem>> -> memref<128xi32, #tpu.memory_space<vmem>>
      %dma_wait3A_71 = arith.constant 0 : i32
      %dma_wait3A_72 = arith.constant 0 : i32
      %dma_wait3A_73 = tpu.memref_slice %arg2[%dma_wait3A_71, %dma_wait3A_72] : memref<10000x128xf32, #tpu.memory_space<hbm>> -> memref<10000x128xf32, #tpu.memory_space<hbm>>
      tpu.wait_indirect_dma semaphore(%arg11 : memref<!tpu.dma_semaphore, #tpu.memory_space<semaphore_mem>>) src(%dma_wait3A_73 : memref<10000x128xf32, #tpu.memory_space<hbm>>) dst(%arg9 : memref<128x128xf32, #tpu.memory_space<vmem>>)
      %add3A_74 = arith.constant 2 : i32
      %add3A_75 = arith.addi %mul3A_52, %add3A_74 : i32
      %lt3A = arith.constant 40 : i32
      %lt3A_76 = arith.cmpi slt, %add3A_75, %lt3A : i32
      %convert_element_type3A = arith.extui %lt3A_76 : i1 to i32
      %cond3A = arith.constant 0 : i32
      %cond3A_77 = arith.cmpi ne, %convert_element_type3A, %cond3A : i32
      scf.if %cond3A_77 {
        %add3A_81 = arith.constant 2 : i32
        %add3A_82 = arith.addi %mul3A_52, %add3A_81 : i32
        %dma_start3A_83 = arith.constant 0 : i32
        %dma_start3A_84 = tpu.memref_slice %arg6[%add3A_82, %dma_start3A_83] : memref<40x128xi32, #tpu.memory_space<vmem>> -> memref<1x128xi32, #tpu.memory_space<vmem>>
        %dma_start3A_85 = tpu.memref_squeeze %dma_start3A_84 : memref<1x128xi32, #tpu.memory_space<vmem>> -> memref<128xi32, #tpu.memory_space<vmem>>
        %dma_start3A_86 = arith.constant 0 : i32
        %dma_start3A_87 = arith.constant 0 : i32
        %dma_start3A_88 = tpu.memref_slice %arg2[%dma_start3A_86, %dma_start3A_87] : memref<10000x128xf32, #tpu.memory_space<hbm>> -> memref<10000x128xf32, #tpu.memory_space<hbm>>
        tpu.enqueue_indirect_dma source(%dma_start3A_88 : memref<10000x128xf32, #tpu.memory_space<hbm>>) target(%arg8 : memref<128x128xf32, #tpu.memory_space<vmem>>) offsets(%dma_start3A_85 : memref<128xi32, #tpu.memory_space<vmem>>) semaphore(%arg10 : memref<!tpu.dma_semaphore, #tpu.memory_space<semaphore_mem>>)
      } else {
      }
      %add3A_78 = arith.constant 1 : i32
      %add3A_79 = arith.addi %mul3A_52, %add3A_78 : i32
      "tpu.region"() ({
        %run_scoped3A = tpu.sem_alloc : memref<!tpu.dma_semaphore, #tpu.memory_space<semaphore_mem>>
        %dma_start3A_81 = arith.constant 0 : i32
        %dma_start3A_82 = tpu.memref_slice %arg7[%add3A_79, %dma_start3A_81] : memref<40x128xi32, #tpu.memory_space<vmem>> -> memref<1x128xi32, #tpu.memory_space<vmem>>
        %dma_start3A_83 = tpu.memref_squeeze %dma_start3A_82 : memref<1x128xi32, #tpu.memory_space<vmem>> -> memref<128xi32, #tpu.memory_space<vmem>>
        %dma_start3A_84 = arith.constant 0 : i32
        %dma_start3A_85 = arith.constant 0 : i32
        %dma_start3A_86 = tpu.memref_slice %arg12[%dma_start3A_84, %dma_start3A_85] : memref<10240x128xf32, #tpu.memory_space<vmem_shared>> -> memref<10240x128xf32, #tpu.memory_space<vmem_shared>>
        tpu.enqueue_indirect_dma source(%arg9 : memref<128x128xf32, #tpu.memory_space<vmem>>) target(%dma_start3A_86 : memref<10240x128xf32, #tpu.memory_space<vmem_shared>>) offsets(%dma_start3A_83 : memref<128xi32, #tpu.memory_space<vmem>>) semaphore(%run_scoped3A : memref<!tpu.dma_semaphore, #tpu.memory_space<semaphore_mem>>) {add = true}
        %dma_wait3A_87 = arith.constant 0 : i32
        %dma_wait3A_88 = tpu.memref_slice %arg7[%add3A_79, %dma_wait3A_87] : memref<40x128xi32, #tpu.memory_space<vmem>> -> memref<1x128xi32, #tpu.memory_space<vmem>>
        %dma_wait3A_89 = tpu.memref_squeeze %dma_wait3A_88 : memref<1x128xi32, #tpu.memory_space<vmem>> -> memref<128xi32, #tpu.memory_space<vmem>>
        %dma_wait3A_90 = arith.constant 0 : i32
        %dma_wait3A_91 = arith.constant 0 : i32
        %dma_wait3A_92 = tpu.memref_slice %arg12[%dma_wait3A_90, %dma_wait3A_91] : memref<10240x128xf32, #tpu.memory_space<vmem_shared>> -> memref<10240x128xf32, #tpu.memory_space<vmem_shared>>
        tpu.wait_indirect_dma semaphore(%run_scoped3A : memref<!tpu.dma_semaphore, #tpu.memory_space<semaphore_mem>>) src(%arg9 : memref<128x128xf32, #tpu.memory_space<vmem>>) dst(%dma_wait3A_92 : memref<10240x128xf32, #tpu.memory_space<vmem_shared>>)
        tpu.yield
      }) : () -> ()
      %scan3A_80 = arith.constant 0 : i32
      scf.yield %scan3A_80 : i32
    }
    %scan3A_40 = arith.constant 20 : i32
    %barrier3A_41 = arith.constant 0 : index
    tpu.barrier barrier_id(%barrier3A_41)
    %scan3A_42 = arith.constant 0 : i32
    %scan3A_43 = arith.constant 0 : i32
    %scan3A_44 = arith.constant 5 : i32
    %scan3A_45 = arith.addi %scan3A_43, %scan3A_44 : i32
    %scan3A_46 = arith.constant 1 : i32
    %scan3A_47 = scf.for %scan3A_49 = %scan3A_43 to %scan3A_45 step %scan3A_46 iter_args(%scan3A_50 = %scan3A_42) -> (i32)  : i32 {
      %mul3A_51 = arith.constant 640 : i32
      %mul3A_52 = arith.muli %arg1, %mul3A_51 : i32
      %mul3A_53 = arith.constant 128 : i32
      %mul3A_54 = arith.muli %scan3A_49, %mul3A_53 : i32
      %add3A_55 = arith.addi %mul3A_52, %mul3A_54 : i32
      "tpu.region"() ({
        %run_scoped3A = tpu.sem_alloc : memref<!tpu.dma_semaphore, #tpu.memory_space<semaphore_mem>>
        %dma_start3A_57 = arith.constant 0 : i32
        %dma_start3A_58 = arith.constant 0 : i32
        %dma_start3A_59 = tpu.memref_slice %arg5[%arg0, %dma_start3A_57, %dma_start3A_58] : memref<2x10240x128xf32, #tpu.memory_space<hbm>> -> memref<1x10240x128xf32, #tpu.memory_space<hbm>>
        %dma_start3A_60 = tpu.memref_squeeze %dma_start3A_59 : memref<1x10240x128xf32, #tpu.memory_space<hbm>> -> memref<10240x128xf32, #tpu.memory_space<hbm>>
        %dma_start3A_61 = arith.constant 0 : i32
        %dma_start3A_62 = tpu.memref_slice %dma_start3A_60[%add3A_55, %dma_start3A_61] : memref<10240x128xf32, #tpu.memory_space<hbm>> -> memref<128x128xf32, #tpu.memory_space<hbm>>
        %dma_start3A_63 = arith.constant 0 : i32
        %dma_start3A_64 = tpu.memref_slice %arg12[%add3A_55, %dma_start3A_63] : memref<10240x128xf32, #tpu.memory_space<vmem_shared>> -> memref<128x128xf32, #tpu.memory_space<vmem_shared>>
        tpu.enqueue_dma source(%dma_start3A_64 : memref<128x128xf32, #tpu.memory_space<vmem_shared>>) target(%dma_start3A_62 : memref<128x128xf32, #tpu.memory_space<hbm>>) target_semaphore(%run_scoped3A : memref<!tpu.dma_semaphore, #tpu.memory_space<semaphore_mem>>)
        %dma_wait3A = arith.constant 0 : i32
        %dma_wait3A_65 = arith.constant 0 : i32
        %dma_wait3A_66 = tpu.memref_slice %arg5[%arg0, %dma_wait3A, %dma_wait3A_65] : memref<2x10240x128xf32, #tpu.memory_space<hbm>> -> memref<1x10240x128xf32, #tpu.memory_space<hbm>>
        %dma_wait3A_67 = tpu.memref_squeeze %dma_wait3A_66 : memref<1x10240x128xf32, #tpu.memory_space<hbm>> -> memref<10240x128xf32, #tpu.memory_space<hbm>>
        %dma_wait3A_68 = arith.constant 0 : i32
        %dma_wait3A_69 = tpu.memref_slice %dma_wait3A_67[%add3A_55, %dma_wait3A_68] : memref<10240x128xf32, #tpu.memory_space<hbm>> -> memref<128x128xf32, #tpu.memory_space<hbm>>
        %dma_wait3A_70 = arith.constant 0 : i32
        %dma_wait3A_71 = tpu.memref_slice %arg12[%add3A_55, %dma_wait3A_70] : memref<10240x128xf32, #tpu.memory_space<vmem_shared>> -> memref<128x128xf32, #tpu.memory_space<vmem_shared>>
        tpu.wait_dma2 semaphore(%run_scoped3A : memref<!tpu.dma_semaphore, #tpu.memory_space<semaphore_mem>>) src(%dma_wait3A_71 : memref<128x128xf32, #tpu.memory_space<vmem_shared>>) dst(%dma_wait3A_69 : memref<128x128xf32, #tpu.memory_space<hbm>>)
        tpu.yield
      }) : () -> ()
      %scan3A_56 = arith.constant 0 : i32
      scf.yield %scan3A_56 : i32
    }
    %scan3A_48 = arith.constant 5 : i32
    return
  }
}

#map = affine_map<(d0, d1) -> (0, 0)>
#map1 = affine_map<(d0, d1) -> (0, 0, 0)>
module attributes {stable_mosaic.version = 14 : i64} {
  func.func @_sc_agg_kernel(%arg0: i32, %arg1: i32, %arg2: memref<10000x128xf32, #tpu.memory_space<hbm>>, %arg3: memref<32x80x128xi32, #tpu.memory_space<hbm>>, %arg4: memref<32x80x128xi32, #tpu.memory_space<hbm>>, %arg5: memref<2x10240x128xf32, #tpu.memory_space<hbm>>, %arg6: memref<40x128xi32, #tpu.memory_space<vmem>>, %arg7: memref<40x128xi32, #tpu.memory_space<vmem>>, %arg8: memref<128x128xf32, #tpu.memory_space<vmem>>, %arg9: memref<128x128xf32, #tpu.memory_space<vmem>>, %arg10: memref<!tpu.dma_semaphore, #tpu.memory_space<semaphore_mem>>, %arg11: memref<!tpu.dma_semaphore, #tpu.memory_space<semaphore_mem>>, %arg12: memref<10240x128xf32, #tpu.memory_space<vmem_shared>>) attributes {dimension_semantics = [#tpu.dimension_semantics<core_parallel>, #tpu.dimension_semantics<subcore_parallel>], iteration_bounds = array<i64: 2, 16>, scalar_prefetch = 0 : i64, scratch_operands = 7 : i64, tpu.core_type = #tpu.core_type<sc_vector_subcore>, window_params = [{transform_indices = #map}, {transform_indices = #map1}, {transform_indices = #map1}, {transform_indices = #map1}]} {
    %mul3A = arith.constant 16 : i32
    %mul3A_0 = arith.muli %arg0, %mul3A : i32
    %add3A = arith.addi %mul3A_0, %arg1 : i32
    %scan3A = arith.constant 0 : i32
    %scan3A_1 = arith.constant 0 : i32
    %scan3A_2 = arith.constant 128 : i32
    %scan3A_3 = arith.addi %scan3A_1, %scan3A_2 : i32
    %scan3A_4 = arith.constant 1 : i32
    %scan3A_5 = scf.for %scan3A_49 = %scan3A_1 to %scan3A_3 step %scan3A_4 iter_args(%scan3A_50 = %scan3A) -> (i32)  : i32 {
      %broadcast_in_dim3A = arith.constant 0.000000e+00 : f32
      %broadcast_in_dim3A_51 = vector.broadcast %broadcast_in_dim3A : f32 to vector<16xf32>
      %swap3A = arith.index_cast %scan3A_49 : i32 to index
      %swap3A_52 = arith.constant 0 : index
      %swap3A_53 = tpu.vector_load %arg8[%swap3A, %swap3A_52] {strides = array<i32>} : memref<128x128xf32, #tpu.memory_space<vmem>>, vector<1x16xf32>,
      %swap3A_54 = vector.shape_cast %swap3A_53 : vector<1x16xf32> to vector<16xf32>
      %swap3A_55 = vector.shape_cast %broadcast_in_dim3A_51 : vector<16xf32> to vector<1x16xf32>
      tpu.vector_store %arg8[%swap3A, %swap3A_52], %swap3A_55 {strides = array<i32>} : memref<128x128xf32, #tpu.memory_space<vmem>>, vector<1x16xf32>,
      %broadcast_in_dim3A_56 = arith.constant 0.000000e+00 : f32
      %broadcast_in_dim3A_57 = vector.broadcast %broadcast_in_dim3A_56 : f32 to vector<16xf32>
      %swap3A_58 = arith.index_cast %scan3A_49 : i32 to index
      %swap3A_59 = arith.constant 16 : index
      %swap3A_60 = tpu.vector_load %arg8[%swap3A_58, %swap3A_59] {strides = array<i32>} : memref<128x128xf32, #tpu.memory_space<vmem>>, vector<1x16xf32>,
      %swap3A_61 = vector.shape_cast %swap3A_60 : vector<1x16xf32> to vector<16xf32>
      %swap3A_62 = vector.shape_cast %broadcast_in_dim3A_57 : vector<16xf32> to vector<1x16xf32>
      tpu.vector_store %arg8[%swap3A_58, %swap3A_59], %swap3A_62 {strides = array<i32>} : memref<128x128xf32, #tpu.memory_space<vmem>>, vector<1x16xf32>,
      %broadcast_in_dim3A_63 = arith.constant 0.000000e+00 : f32
      %broadcast_in_dim3A_64 = vector.broadcast %broadcast_in_dim3A_63 : f32 to vector<16xf32>
      %swap3A_65 = arith.index_cast %scan3A_49 : i32 to index
      %swap3A_66 = arith.constant 32 : index
      %swap3A_67 = tpu.vector_load %arg8[%swap3A_65, %swap3A_66] {strides = array<i32>} : memref<128x128xf32, #tpu.memory_space<vmem>>, vector<1x16xf32>,
      %swap3A_68 = vector.shape_cast %swap3A_67 : vector<1x16xf32> to vector<16xf32>
      %swap3A_69 = vector.shape_cast %broadcast_in_dim3A_64 : vector<16xf32> to vector<1x16xf32>
      tpu.vector_store %arg8[%swap3A_65, %swap3A_66], %swap3A_69 {strides = array<i32>} : memref<128x128xf32, #tpu.memory_space<vmem>>, vector<1x16xf32>,
      %broadcast_in_dim3A_70 = arith.constant 0.000000e+00 : f32
      %broadcast_in_dim3A_71 = vector.broadcast %broadcast_in_dim3A_70 : f32 to vector<16xf32>
      %swap3A_72 = arith.index_cast %scan3A_49 : i32 to index
      %swap3A_73 = arith.constant 48 : index
      %swap3A_74 = tpu.vector_load %arg8[%swap3A_72, %swap3A_73] {strides = array<i32>} : memref<128x128xf32, #tpu.memory_space<vmem>>, vector<1x16xf32>,
      %swap3A_75 = vector.shape_cast %swap3A_74 : vector<1x16xf32> to vector<16xf32>
      %swap3A_76 = vector.shape_cast %broadcast_in_dim3A_71 : vector<16xf32> to vector<1x16xf32>
      tpu.vector_store %arg8[%swap3A_72, %swap3A_73], %swap3A_76 {strides = array<i32>} : memref<128x128xf32, #tpu.memory_space<vmem>>, vector<1x16xf32>,
      %broadcast_in_dim3A_77 = arith.constant 0.000000e+00 : f32
      %broadcast_in_dim3A_78 = vector.broadcast %broadcast_in_dim3A_77 : f32 to vector<16xf32>
      %swap3A_79 = arith.index_cast %scan3A_49 : i32 to index
      %swap3A_80 = arith.constant 64 : index
      %swap3A_81 = tpu.vector_load %arg8[%swap3A_79, %swap3A_80] {strides = array<i32>} : memref<128x128xf32, #tpu.memory_space<vmem>>, vector<1x16xf32>,
      %swap3A_82 = vector.shape_cast %swap3A_81 : vector<1x16xf32> to vector<16xf32>
      %swap3A_83 = vector.shape_cast %broadcast_in_dim3A_78 : vector<16xf32> to vector<1x16xf32>
      tpu.vector_store %arg8[%swap3A_79, %swap3A_80], %swap3A_83 {strides = array<i32>} : memref<128x128xf32, #tpu.memory_space<vmem>>, vector<1x16xf32>,
      %broadcast_in_dim3A_84 = arith.constant 0.000000e+00 : f32
      %broadcast_in_dim3A_85 = vector.broadcast %broadcast_in_dim3A_84 : f32 to vector<16xf32>
      %swap3A_86 = arith.index_cast %scan3A_49 : i32 to index
      %swap3A_87 = arith.constant 80 : index
      %swap3A_88 = tpu.vector_load %arg8[%swap3A_86, %swap3A_87] {strides = array<i32>} : memref<128x128xf32, #tpu.memory_space<vmem>>, vector<1x16xf32>,
      %swap3A_89 = vector.shape_cast %swap3A_88 : vector<1x16xf32> to vector<16xf32>
      %swap3A_90 = vector.shape_cast %broadcast_in_dim3A_85 : vector<16xf32> to vector<1x16xf32>
      tpu.vector_store %arg8[%swap3A_86, %swap3A_87], %swap3A_90 {strides = array<i32>} : memref<128x128xf32, #tpu.memory_space<vmem>>, vector<1x16xf32>,
      %broadcast_in_dim3A_91 = arith.constant 0.000000e+00 : f32
      %broadcast_in_dim3A_92 = vector.broadcast %broadcast_in_dim3A_91 : f32 to vector<16xf32>
      %swap3A_93 = arith.index_cast %scan3A_49 : i32 to index
      %swap3A_94 = arith.constant 96 : index
      %swap3A_95 = tpu.vector_load %arg8[%swap3A_93, %swap3A_94] {strides = array<i32>} : memref<128x128xf32, #tpu.memory_space<vmem>>, vector<1x16xf32>,
      %swap3A_96 = vector.shape_cast %swap3A_95 : vector<1x16xf32> to vector<16xf32>
      %swap3A_97 = vector.shape_cast %broadcast_in_dim3A_92 : vector<16xf32> to vector<1x16xf32>
      tpu.vector_store %arg8[%swap3A_93, %swap3A_94], %swap3A_97 {strides = array<i32>} : memref<128x128xf32, #tpu.memory_space<vmem>>, vector<1x16xf32>,
      %broadcast_in_dim3A_98 = arith.constant 0.000000e+00 : f32
      %broadcast_in_dim3A_99 = vector.broadcast %broadcast_in_dim3A_98 : f32 to vector<16xf32>
      %swap3A_100 = arith.index_cast %scan3A_49 : i32 to index
      %swap3A_101 = arith.constant 112 : index
      %swap3A_102 = tpu.vector_load %arg8[%swap3A_100, %swap3A_101] {strides = array<i32>} : memref<128x128xf32, #tpu.memory_space<vmem>>, vector<1x16xf32>,
      %swap3A_103 = vector.shape_cast %swap3A_102 : vector<1x16xf32> to vector<16xf32>
      %swap3A_104 = vector.shape_cast %broadcast_in_dim3A_99 : vector<16xf32> to vector<1x16xf32>
      tpu.vector_store %arg8[%swap3A_100, %swap3A_101], %swap3A_104 {strides = array<i32>} : memref<128x128xf32, #tpu.memory_space<vmem>>, vector<1x16xf32>,
      %scan3A_105 = arith.constant 0 : i32
      scf.yield %scan3A_105 : i32
    }
    %scan3A_6 = arith.constant 128 : i32
    %scan3A_7 = arith.constant 0 : i32
    %scan3A_8 = arith.constant 0 : i32
    %scan3A_9 = arith.constant 5 : i32
    %scan3A_10 = arith.addi %scan3A_8, %scan3A_9 : i32
    %scan3A_11 = arith.constant 1 : i32
    %scan3A_12 = scf.for %scan3A_49 = %scan3A_8 to %scan3A_10 step %scan3A_11 iter_args(%scan3A_50 = %scan3A_7) -> (i32)  : i32 {
      %mul3A_51 = arith.constant 640 : i32
      %mul3A_52 = arith.muli %arg1, %mul3A_51 : i32
      %mul3A_53 = arith.constant 128 : i32
      %mul3A_54 = arith.muli %scan3A_49, %mul3A_53 : i32
      %add3A_55 = arith.addi %mul3A_52, %mul3A_54 : i32
      "tpu.region"() ({
        %run_scoped3A = tpu.sem_alloc : memref<!tpu.dma_semaphore, #tpu.memory_space<semaphore_mem>>
        %dma_start3A_57 = arith.constant 0 : i32
        %dma_start3A_58 = tpu.memref_slice %arg12[%add3A_55, %dma_start3A_57] : memref<10240x128xf32, #tpu.memory_space<vmem_shared>> -> memref<128x128xf32, #tpu.memory_space<vmem_shared>>
        %dma_start3A_59 = arith.constant 0 : i32
        %dma_start3A_60 = tpu.memref_slice %arg12[%add3A_55, %dma_start3A_59] : memref<10240x128xf32, #tpu.memory_space<vmem_shared>> -> memref<128x128xf32, #tpu.memory_space<vmem_shared>>
        tpu.enqueue_dma source(%arg8 : memref<128x128xf32, #tpu.memory_space<vmem>>) target(%dma_start3A_60 : memref<128x128xf32, #tpu.memory_space<vmem_shared>>) target_semaphore(%run_scoped3A : memref<!tpu.dma_semaphore, #tpu.memory_space<semaphore_mem>>)
        %dma_wait3A = arith.constant 0 : i32
        %dma_wait3A_61 = tpu.memref_slice %arg12[%add3A_55, %dma_wait3A] : memref<10240x128xf32, #tpu.memory_space<vmem_shared>> -> memref<128x128xf32, #tpu.memory_space<vmem_shared>>
        %dma_wait3A_62 = arith.constant 0 : i32
        %dma_wait3A_63 = tpu.memref_slice %arg12[%add3A_55, %dma_wait3A_62] : memref<10240x128xf32, #tpu.memory_space<vmem_shared>> -> memref<128x128xf32, #tpu.memory_space<vmem_shared>>
        tpu.wait_dma2 semaphore(%run_scoped3A : memref<!tpu.dma_semaphore, #tpu.memory_space<semaphore_mem>>) src(%arg8 : memref<128x128xf32, #tpu.memory_space<vmem>>) dst(%dma_wait3A_63 : memref<128x128xf32, #tpu.memory_space<vmem_shared>>)
        tpu.yield
      }) : () -> ()
      %scan3A_56 = arith.constant 0 : i32
      scf.yield %scan3A_56 : i32
    }
    %scan3A_13 = arith.constant 5 : i32
    %barrier3A = arith.constant 0 : index
    tpu.barrier barrier_id(%barrier3A)
    "tpu.region"() ({
      %run_scoped3A = tpu.sem_alloc : memref<!tpu.dma_semaphore, #tpu.memory_space<semaphore_mem>>
      %dma_start3A_49 = arith.constant 0 : i32
      %dma_start3A_50 = arith.constant 0 : i32
      %dma_start3A_51 = tpu.memref_slice %arg3[%add3A, %dma_start3A_49, %dma_start3A_50] : memref<32x80x128xi32, #tpu.memory_space<hbm>> -> memref<1x80x128xi32, #tpu.memory_space<hbm>>
      %dma_start3A_52 = tpu.memref_squeeze %dma_start3A_51 : memref<1x80x128xi32, #tpu.memory_space<hbm>> -> memref<80x128xi32, #tpu.memory_space<hbm>>
      %dma_start3A_53 = arith.constant 0 : i32
      %dma_start3A_54 = arith.constant 0 : i32
      %dma_start3A_55 = tpu.memref_slice %dma_start3A_52[%dma_start3A_53, %dma_start3A_54] : memref<80x128xi32, #tpu.memory_space<hbm>> -> memref<40x128xi32, #tpu.memory_space<hbm>>
      %dma_start3A_56 = arith.constant 0 : i32
      %dma_start3A_57 = arith.constant 0 : i32
      %dma_start3A_58 = tpu.memref_slice %arg3[%add3A, %dma_start3A_56, %dma_start3A_57] : memref<32x80x128xi32, #tpu.memory_space<hbm>> -> memref<1x80x128xi32, #tpu.memory_space<hbm>>
      %dma_start3A_59 = tpu.memref_squeeze %dma_start3A_58 : memref<1x80x128xi32, #tpu.memory_space<hbm>> -> memref<80x128xi32, #tpu.memory_space<hbm>>
      %dma_start3A_60 = arith.constant 0 : i32
      %dma_start3A_61 = arith.constant 0 : i32
      %dma_start3A_62 = tpu.memref_slice %dma_start3A_59[%dma_start3A_60, %dma_start3A_61] : memref<80x128xi32, #tpu.memory_space<hbm>> -> memref<40x128xi32, #tpu.memory_space<hbm>>
      tpu.enqueue_dma source(%dma_start3A_62 : memref<40x128xi32, #tpu.memory_space<hbm>>) target(%arg6 : memref<40x128xi32, #tpu.memory_space<vmem>>) target_semaphore(%run_scoped3A : memref<!tpu.dma_semaphore, #tpu.memory_space<semaphore_mem>>)
      %dma_wait3A = arith.constant 0 : i32
      %dma_wait3A_63 = arith.constant 0 : i32
      %dma_wait3A_64 = tpu.memref_slice %arg3[%add3A, %dma_wait3A, %dma_wait3A_63] : memref<32x80x128xi32, #tpu.memory_space<hbm>> -> memref<1x80x128xi32, #tpu.memory_space<hbm>>
      %dma_wait3A_65 = tpu.memref_squeeze %dma_wait3A_64 : memref<1x80x128xi32, #tpu.memory_space<hbm>> -> memref<80x128xi32, #tpu.memory_space<hbm>>
      %dma_wait3A_66 = arith.constant 0 : i32
      %dma_wait3A_67 = arith.constant 0 : i32
      %dma_wait3A_68 = tpu.memref_slice %dma_wait3A_65[%dma_wait3A_66, %dma_wait3A_67] : memref<80x128xi32, #tpu.memory_space<hbm>> -> memref<40x128xi32, #tpu.memory_space<hbm>>
      %dma_wait3A_69 = arith.constant 0 : i32
      %dma_wait3A_70 = arith.constant 0 : i32
      %dma_wait3A_71 = tpu.memref_slice %arg3[%add3A, %dma_wait3A_69, %dma_wait3A_70] : memref<32x80x128xi32, #tpu.memory_space<hbm>> -> memref<1x80x128xi32, #tpu.memory_space<hbm>>
      %dma_wait3A_72 = tpu.memref_squeeze %dma_wait3A_71 : memref<1x80x128xi32, #tpu.memory_space<hbm>> -> memref<80x128xi32, #tpu.memory_space<hbm>>
      %dma_wait3A_73 = arith.constant 0 : i32
      %dma_wait3A_74 = arith.constant 0 : i32
      %dma_wait3A_75 = tpu.memref_slice %dma_wait3A_72[%dma_wait3A_73, %dma_wait3A_74] : memref<80x128xi32, #tpu.memory_space<hbm>> -> memref<40x128xi32, #tpu.memory_space<hbm>>
      tpu.wait_dma2 semaphore(%run_scoped3A : memref<!tpu.dma_semaphore, #tpu.memory_space<semaphore_mem>>) src(%dma_wait3A_75 : memref<40x128xi32, #tpu.memory_space<hbm>>) dst(%arg6 : memref<40x128xi32, #tpu.memory_space<vmem>>)
      tpu.yield
    }) : () -> ()
    "tpu.region"() ({
      %run_scoped3A = tpu.sem_alloc : memref<!tpu.dma_semaphore, #tpu.memory_space<semaphore_mem>>
      %dma_start3A_49 = arith.constant 0 : i32
      %dma_start3A_50 = arith.constant 0 : i32
      %dma_start3A_51 = tpu.memref_slice %arg4[%add3A, %dma_start3A_49, %dma_start3A_50] : memref<32x80x128xi32, #tpu.memory_space<hbm>> -> memref<1x80x128xi32, #tpu.memory_space<hbm>>
      %dma_start3A_52 = tpu.memref_squeeze %dma_start3A_51 : memref<1x80x128xi32, #tpu.memory_space<hbm>> -> memref<80x128xi32, #tpu.memory_space<hbm>>
      %dma_start3A_53 = arith.constant 0 : i32
      %dma_start3A_54 = arith.constant 0 : i32
      %dma_start3A_55 = tpu.memref_slice %dma_start3A_52[%dma_start3A_53, %dma_start3A_54] : memref<80x128xi32, #tpu.memory_space<hbm>> -> memref<40x128xi32, #tpu.memory_space<hbm>>
      %dma_start3A_56 = arith.constant 0 : i32
      %dma_start3A_57 = arith.constant 0 : i32
      %dma_start3A_58 = tpu.memref_slice %arg4[%add3A, %dma_start3A_56, %dma_start3A_57] : memref<32x80x128xi32, #tpu.memory_space<hbm>> -> memref<1x80x128xi32, #tpu.memory_space<hbm>>
      %dma_start3A_59 = tpu.memref_squeeze %dma_start3A_58 : memref<1x80x128xi32, #tpu.memory_space<hbm>> -> memref<80x128xi32, #tpu.memory_space<hbm>>
      %dma_start3A_60 = arith.constant 0 : i32
      %dma_start3A_61 = arith.constant 0 : i32
      %dma_start3A_62 = tpu.memref_slice %dma_start3A_59[%dma_start3A_60, %dma_start3A_61] : memref<80x128xi32, #tpu.memory_space<hbm>> -> memref<40x128xi32, #tpu.memory_space<hbm>>
      tpu.enqueue_dma source(%dma_start3A_62 : memref<40x128xi32, #tpu.memory_space<hbm>>) target(%arg7 : memref<40x128xi32, #tpu.memory_space<vmem>>) target_semaphore(%run_scoped3A : memref<!tpu.dma_semaphore, #tpu.memory_space<semaphore_mem>>)
      %dma_wait3A = arith.constant 0 : i32
      %dma_wait3A_63 = arith.constant 0 : i32
      %dma_wait3A_64 = tpu.memref_slice %arg4[%add3A, %dma_wait3A, %dma_wait3A_63] : memref<32x80x128xi32, #tpu.memory_space<hbm>> -> memref<1x80x128xi32, #tpu.memory_space<hbm>>
      %dma_wait3A_65 = tpu.memref_squeeze %dma_wait3A_64 : memref<1x80x128xi32, #tpu.memory_space<hbm>> -> memref<80x128xi32, #tpu.memory_space<hbm>>
      %dma_wait3A_66 = arith.constant 0 : i32
      %dma_wait3A_67 = arith.constant 0 : i32
      %dma_wait3A_68 = tpu.memref_slice %dma_wait3A_65[%dma_wait3A_66, %dma_wait3A_67] : memref<80x128xi32, #tpu.memory_space<hbm>> -> memref<40x128xi32, #tpu.memory_space<hbm>>
      %dma_wait3A_69 = arith.constant 0 : i32
      %dma_wait3A_70 = arith.constant 0 : i32
      %dma_wait3A_71 = tpu.memref_slice %arg4[%add3A, %dma_wait3A_69, %dma_wait3A_70] : memref<32x80x128xi32, #tpu.memory_space<hbm>> -> memref<1x80x128xi32, #tpu.memory_space<hbm>>
      %dma_wait3A_72 = tpu.memref_squeeze %dma_wait3A_71 : memref<1x80x128xi32, #tpu.memory_space<hbm>> -> memref<80x128xi32, #tpu.memory_space<hbm>>
      %dma_wait3A_73 = arith.constant 0 : i32
      %dma_wait3A_74 = arith.constant 0 : i32
      %dma_wait3A_75 = tpu.memref_slice %dma_wait3A_72[%dma_wait3A_73, %dma_wait3A_74] : memref<80x128xi32, #tpu.memory_space<hbm>> -> memref<40x128xi32, #tpu.memory_space<hbm>>
      tpu.wait_dma2 semaphore(%run_scoped3A : memref<!tpu.dma_semaphore, #tpu.memory_space<semaphore_mem>>) src(%dma_wait3A_75 : memref<40x128xi32, #tpu.memory_space<hbm>>) dst(%arg7 : memref<40x128xi32, #tpu.memory_space<vmem>>)
      tpu.yield
    }) : () -> ()
    %dma_start3A = arith.constant 0 : i32
    %dma_start3A_14 = arith.constant 0 : i32
    %dma_start3A_15 = tpu.memref_slice %arg6[%dma_start3A, %dma_start3A_14] : memref<40x128xi32, #tpu.memory_space<vmem>> -> memref<1x128xi32, #tpu.memory_space<vmem>>
    %dma_start3A_16 = tpu.memref_squeeze %dma_start3A_15 : memref<1x128xi32, #tpu.memory_space<vmem>> -> memref<128xi32, #tpu.memory_space<vmem>>
    %dma_start3A_17 = arith.constant 0 : i32
    %dma_start3A_18 = arith.constant 0 : i32
    %dma_start3A_19 = tpu.memref_slice %arg2[%dma_start3A_17, %dma_start3A_18] : memref<10000x128xf32, #tpu.memory_space<hbm>> -> memref<10000x128xf32, #tpu.memory_space<hbm>>
    tpu.enqueue_indirect_dma source(%dma_start3A_19 : memref<10000x128xf32, #tpu.memory_space<hbm>>) target(%arg8 : memref<128x128xf32, #tpu.memory_space<vmem>>) offsets(%dma_start3A_16 : memref<128xi32, #tpu.memory_space<vmem>>) semaphore(%arg10 : memref<!tpu.dma_semaphore, #tpu.memory_space<semaphore_mem>>)
    %scan3A_20 = arith.constant 0 : i32
    %scan3A_21 = arith.constant 0 : i32
    %scan3A_22 = arith.constant 20 : i32
    %scan3A_23 = arith.addi %scan3A_21, %scan3A_22 : i32
    %scan3A_24 = arith.constant 1 : i32
    %scan3A_25 = scf.for %scan3A_49 = %scan3A_21 to %scan3A_23 step %scan3A_24 iter_args(%scan3A_50 = %scan3A_20) -> (i32)  : i32 {
      %mul3A_51 = arith.constant 2 : i32
      %mul3A_52 = arith.muli %mul3A_51, %scan3A_49 : i32
      %dma_wait3A = arith.constant 0 : i32
      %dma_wait3A_53 = tpu.memref_slice %arg6[%mul3A_52, %dma_wait3A] : memref<40x128xi32, #tpu.memory_space<vmem>> -> memref<1x128xi32, #tpu.memory_space<vmem>>
      %dma_wait3A_54 = tpu.memref_squeeze %dma_wait3A_53 : memref<1x128xi32, #tpu.memory_space<vmem>> -> memref<128xi32, #tpu.memory_space<vmem>>
      %dma_wait3A_55 = arith.constant 0 : i32
      %dma_wait3A_56 = arith.constant 0 : i32
      %dma_wait3A_57 = tpu.memref_slice %arg2[%dma_wait3A_55, %dma_wait3A_56] : memref<10000x128xf32, #tpu.memory_space<hbm>> -> memref<10000x128xf32, #tpu.memory_space<hbm>>
      tpu.wait_indirect_dma semaphore(%arg10 : memref<!tpu.dma_semaphore, #tpu.memory_space<semaphore_mem>>) src(%dma_wait3A_57 : memref<10000x128xf32, #tpu.memory_space<hbm>>) dst(%arg8 : memref<128x128xf32, #tpu.memory_space<vmem>>)
      %add3A_58 = arith.constant 1 : i32
      %add3A_59 = arith.addi %mul3A_52, %add3A_58 : i32
      %dma_start3A_60 = arith.constant 0 : i32
      %dma_start3A_61 = tpu.memref_slice %arg6[%add3A_59, %dma_start3A_60] : memref<40x128xi32, #tpu.memory_space<vmem>> -> memref<1x128xi32, #tpu.memory_space<vmem>>
      %dma_start3A_62 = tpu.memref_squeeze %dma_start3A_61 : memref<1x128xi32, #tpu.memory_space<vmem>> -> memref<128xi32, #tpu.memory_space<vmem>>
      %dma_start3A_63 = arith.constant 0 : i32
      %dma_start3A_64 = arith.constant 0 : i32
      %dma_start3A_65 = tpu.memref_slice %arg2[%dma_start3A_63, %dma_start3A_64] : memref<10000x128xf32, #tpu.memory_space<hbm>> -> memref<10000x128xf32, #tpu.memory_space<hbm>>
      tpu.enqueue_indirect_dma source(%dma_start3A_65 : memref<10000x128xf32, #tpu.memory_space<hbm>>) target(%arg9 : memref<128x128xf32, #tpu.memory_space<vmem>>) offsets(%dma_start3A_62 : memref<128xi32, #tpu.memory_space<vmem>>) semaphore(%arg11 : memref<!tpu.dma_semaphore, #tpu.memory_space<semaphore_mem>>)
      "tpu.region"() ({
        %run_scoped3A = tpu.sem_alloc : memref<!tpu.dma_semaphore, #tpu.memory_space<semaphore_mem>>
        %dma_start3A_81 = arith.constant 0 : i32
        %dma_start3A_82 = tpu.memref_slice %arg7[%mul3A_52, %dma_start3A_81] : memref<40x128xi32, #tpu.memory_space<vmem>> -> memref<1x128xi32, #tpu.memory_space<vmem>>
        %dma_start3A_83 = tpu.memref_squeeze %dma_start3A_82 : memref<1x128xi32, #tpu.memory_space<vmem>> -> memref<128xi32, #tpu.memory_space<vmem>>
        %dma_start3A_84 = arith.constant 0 : i32
        %dma_start3A_85 = arith.constant 0 : i32
        %dma_start3A_86 = tpu.memref_slice %arg12[%dma_start3A_84, %dma_start3A_85] : memref<10240x128xf32, #tpu.memory_space<vmem_shared>> -> memref<10240x128xf32, #tpu.memory_space<vmem_shared>>
        tpu.enqueue_indirect_dma source(%arg8 : memref<128x128xf32, #tpu.memory_space<vmem>>) target(%dma_start3A_86 : memref<10240x128xf32, #tpu.memory_space<vmem_shared>>) offsets(%dma_start3A_83 : memref<128xi32, #tpu.memory_space<vmem>>) semaphore(%run_scoped3A : memref<!tpu.dma_semaphore, #tpu.memory_space<semaphore_mem>>) {add = true}
        %dma_wait3A_87 = arith.constant 0 : i32
        %dma_wait3A_88 = tpu.memref_slice %arg7[%mul3A_52, %dma_wait3A_87] : memref<40x128xi32, #tpu.memory_space<vmem>> -> memref<1x128xi32, #tpu.memory_space<vmem>>
        %dma_wait3A_89 = tpu.memref_squeeze %dma_wait3A_88 : memref<1x128xi32, #tpu.memory_space<vmem>> -> memref<128xi32, #tpu.memory_space<vmem>>
        %dma_wait3A_90 = arith.constant 0 : i32
        %dma_wait3A_91 = arith.constant 0 : i32
        %dma_wait3A_92 = tpu.memref_slice %arg12[%dma_wait3A_90, %dma_wait3A_91] : memref<10240x128xf32, #tpu.memory_space<vmem_shared>> -> memref<10240x128xf32, #tpu.memory_space<vmem_shared>>
        tpu.wait_indirect_dma semaphore(%run_scoped3A : memref<!tpu.dma_semaphore, #tpu.memory_space<semaphore_mem>>) src(%arg8 : memref<128x128xf32, #tpu.memory_space<vmem>>) dst(%dma_wait3A_92 : memref<10240x128xf32, #tpu.memory_space<vmem_shared>>)
        tpu.yield
      }) : () -> ()
      %add3A_66 = arith.constant 1 : i32
      %add3A_67 = arith.addi %mul3A_52, %add3A_66 : i32
      %dma_wait3A_68 = arith.constant 0 : i32
      %dma_wait3A_69 = tpu.memref_slice %arg6[%add3A_67, %dma_wait3A_68] : memref<40x128xi32, #tpu.memory_space<vmem>> -> memref<1x128xi32, #tpu.memory_space<vmem>>
      %dma_wait3A_70 = tpu.memref_squeeze %dma_wait3A_69 : memref<1x128xi32, #tpu.memory_space<vmem>> -> memref<128xi32, #tpu.memory_space<vmem>>
      %dma_wait3A_71 = arith.constant 0 : i32
      %dma_wait3A_72 = arith.constant 0 : i32
      %dma_wait3A_73 = tpu.memref_slice %arg2[%dma_wait3A_71, %dma_wait3A_72] : memref<10000x128xf32, #tpu.memory_space<hbm>> -> memref<10000x128xf32, #tpu.memory_space<hbm>>
      tpu.wait_indirect_dma semaphore(%arg11 : memref<!tpu.dma_semaphore, #tpu.memory_space<semaphore_mem>>) src(%dma_wait3A_73 : memref<10000x128xf32, #tpu.memory_space<hbm>>) dst(%arg9 : memref<128x128xf32, #tpu.memory_space<vmem>>)
      %add3A_74 = arith.constant 2 : i32
      %add3A_75 = arith.addi %mul3A_52, %add3A_74 : i32
      %lt3A = arith.constant 40 : i32
      %lt3A_76 = arith.cmpi slt, %add3A_75, %lt3A : i32
      %convert_element_type3A = arith.extui %lt3A_76 : i1 to i32
      %cond3A = arith.constant 0 : i32
      %cond3A_77 = arith.cmpi ne, %convert_element_type3A, %cond3A : i32
      scf.if %cond3A_77 {
        %add3A_81 = arith.constant 2 : i32
        %add3A_82 = arith.addi %mul3A_52, %add3A_81 : i32
        %dma_start3A_83 = arith.constant 0 : i32
        %dma_start3A_84 = tpu.memref_slice %arg6[%add3A_82, %dma_start3A_83] : memref<40x128xi32, #tpu.memory_space<vmem>> -> memref<1x128xi32, #tpu.memory_space<vmem>>
        %dma_start3A_85 = tpu.memref_squeeze %dma_start3A_84 : memref<1x128xi32, #tpu.memory_space<vmem>> -> memref<128xi32, #tpu.memory_space<vmem>>
        %dma_start3A_86 = arith.constant 0 : i32
        %dma_start3A_87 = arith.constant 0 : i32
        %dma_start3A_88 = tpu.memref_slice %arg2[%dma_start3A_86, %dma_start3A_87] : memref<10000x128xf32, #tpu.memory_space<hbm>> -> memref<10000x128xf32, #tpu.memory_space<hbm>>
        tpu.enqueue_indirect_dma source(%dma_start3A_88 : memref<10000x128xf32, #tpu.memory_space<hbm>>) target(%arg8 : memref<128x128xf32, #tpu.memory_space<vmem>>) offsets(%dma_start3A_85 : memref<128xi32, #tpu.memory_space<vmem>>) semaphore(%arg10 : memref<!tpu.dma_semaphore, #tpu.memory_space<semaphore_mem>>)
      } else {
      }
      %add3A_78 = arith.constant 1 : i32
      %add3A_79 = arith.addi %mul3A_52, %add3A_78 : i32
      "tpu.region"() ({
        %run_scoped3A = tpu.sem_alloc : memref<!tpu.dma_semaphore, #tpu.memory_space<semaphore_mem>>
        %dma_start3A_81 = arith.constant 0 : i32
        %dma_start3A_82 = tpu.memref_slice %arg7[%add3A_79, %dma_start3A_81] : memref<40x128xi32, #tpu.memory_space<vmem>> -> memref<1x128xi32, #tpu.memory_space<vmem>>
        %dma_start3A_83 = tpu.memref_squeeze %dma_start3A_82 : memref<1x128xi32, #tpu.memory_space<vmem>> -> memref<128xi32, #tpu.memory_space<vmem>>
        %dma_start3A_84 = arith.constant 0 : i32
        %dma_start3A_85 = arith.constant 0 : i32
        %dma_start3A_86 = tpu.memref_slice %arg12[%dma_start3A_84, %dma_start3A_85] : memref<10240x128xf32, #tpu.memory_space<vmem_shared>> -> memref<10240x128xf32, #tpu.memory_space<vmem_shared>>
        tpu.enqueue_indirect_dma source(%arg9 : memref<128x128xf32, #tpu.memory_space<vmem>>) target(%dma_start3A_86 : memref<10240x128xf32, #tpu.memory_space<vmem_shared>>) offsets(%dma_start3A_83 : memref<128xi32, #tpu.memory_space<vmem>>) semaphore(%run_scoped3A : memref<!tpu.dma_semaphore, #tpu.memory_space<semaphore_mem>>) {add = true}
        %dma_wait3A_87 = arith.constant 0 : i32
        %dma_wait3A_88 = tpu.memref_slice %arg7[%add3A_79, %dma_wait3A_87] : memref<40x128xi32, #tpu.memory_space<vmem>> -> memref<1x128xi32, #tpu.memory_space<vmem>>
        %dma_wait3A_89 = tpu.memref_squeeze %dma_wait3A_88 : memref<1x128xi32, #tpu.memory_space<vmem>> -> memref<128xi32, #tpu.memory_space<vmem>>
        %dma_wait3A_90 = arith.constant 0 : i32
        %dma_wait3A_91 = arith.constant 0 : i32
        %dma_wait3A_92 = tpu.memref_slice %arg12[%dma_wait3A_90, %dma_wait3A_91] : memref<10240x128xf32, #tpu.memory_space<vmem_shared>> -> memref<10240x128xf32, #tpu.memory_space<vmem_shared>>
        tpu.wait_indirect_dma semaphore(%run_scoped3A : memref<!tpu.dma_semaphore, #tpu.memory_space<semaphore_mem>>) src(%arg9 : memref<128x128xf32, #tpu.memory_space<vmem>>) dst(%dma_wait3A_92 : memref<10240x128xf32, #tpu.memory_space<vmem_shared>>)
        tpu.yield
      }) : () -> ()
      %scan3A_80 = arith.constant 0 : i32
      scf.yield %scan3A_80 : i32
    }
    %scan3A_26 = arith.constant 20 : i32
    "tpu.region"() ({
      %run_scoped3A = tpu.sem_alloc : memref<!tpu.dma_semaphore, #tpu.memory_space<semaphore_mem>>
      %dma_start3A_49 = arith.constant 0 : i32
      %dma_start3A_50 = arith.constant 0 : i32
      %dma_start3A_51 = tpu.memref_slice %arg3[%add3A, %dma_start3A_49, %dma_start3A_50] : memref<32x80x128xi32, #tpu.memory_space<hbm>> -> memref<1x80x128xi32, #tpu.memory_space<hbm>>
      %dma_start3A_52 = tpu.memref_squeeze %dma_start3A_51 : memref<1x80x128xi32, #tpu.memory_space<hbm>> -> memref<80x128xi32, #tpu.memory_space<hbm>>
      %dma_start3A_53 = arith.constant 40 : i32
      %dma_start3A_54 = arith.constant 0 : i32
      %dma_start3A_55 = tpu.memref_slice %dma_start3A_52[%dma_start3A_53, %dma_start3A_54] : memref<80x128xi32, #tpu.memory_space<hbm>> -> memref<40x128xi32, #tpu.memory_space<hbm>>
      %dma_start3A_56 = arith.constant 0 : i32
      %dma_start3A_57 = arith.constant 0 : i32
      %dma_start3A_58 = tpu.memref_slice %arg3[%add3A, %dma_start3A_56, %dma_start3A_57] : memref<32x80x128xi32, #tpu.memory_space<hbm>> -> memref<1x80x128xi32, #tpu.memory_space<hbm>>
      %dma_start3A_59 = tpu.memref_squeeze %dma_start3A_58 : memref<1x80x128xi32, #tpu.memory_space<hbm>> -> memref<80x128xi32, #tpu.memory_space<hbm>>
      %dma_start3A_60 = arith.constant 40 : i32
      %dma_start3A_61 = arith.constant 0 : i32
      %dma_start3A_62 = tpu.memref_slice %dma_start3A_59[%dma_start3A_60, %dma_start3A_61] : memref<80x128xi32, #tpu.memory_space<hbm>> -> memref<40x128xi32, #tpu.memory_space<hbm>>
      tpu.enqueue_dma source(%dma_start3A_62 : memref<40x128xi32, #tpu.memory_space<hbm>>) target(%arg6 : memref<40x128xi32, #tpu.memory_space<vmem>>) target_semaphore(%run_scoped3A : memref<!tpu.dma_semaphore, #tpu.memory_space<semaphore_mem>>)
      %dma_wait3A = arith.constant 0 : i32
      %dma_wait3A_63 = arith.constant 0 : i32
      %dma_wait3A_64 = tpu.memref_slice %arg3[%add3A, %dma_wait3A, %dma_wait3A_63] : memref<32x80x128xi32, #tpu.memory_space<hbm>> -> memref<1x80x128xi32, #tpu.memory_space<hbm>>
      %dma_wait3A_65 = tpu.memref_squeeze %dma_wait3A_64 : memref<1x80x128xi32, #tpu.memory_space<hbm>> -> memref<80x128xi32, #tpu.memory_space<hbm>>
      %dma_wait3A_66 = arith.constant 40 : i32
      %dma_wait3A_67 = arith.constant 0 : i32
      %dma_wait3A_68 = tpu.memref_slice %dma_wait3A_65[%dma_wait3A_66, %dma_wait3A_67] : memref<80x128xi32, #tpu.memory_space<hbm>> -> memref<40x128xi32, #tpu.memory_space<hbm>>
      %dma_wait3A_69 = arith.constant 0 : i32
      %dma_wait3A_70 = arith.constant 0 : i32
      %dma_wait3A_71 = tpu.memref_slice %arg3[%add3A, %dma_wait3A_69, %dma_wait3A_70] : memref<32x80x128xi32, #tpu.memory_space<hbm>> -> memref<1x80x128xi32, #tpu.memory_space<hbm>>
      %dma_wait3A_72 = tpu.memref_squeeze %dma_wait3A_71 : memref<1x80x128xi32, #tpu.memory_space<hbm>> -> memref<80x128xi32, #tpu.memory_space<hbm>>
      %dma_wait3A_73 = arith.constant 40 : i32
      %dma_wait3A_74 = arith.constant 0 : i32
      %dma_wait3A_75 = tpu.memref_slice %dma_wait3A_72[%dma_wait3A_73, %dma_wait3A_74] : memref<80x128xi32, #tpu.memory_space<hbm>> -> memref<40x128xi32, #tpu.memory_space<hbm>>
      tpu.wait_dma2 semaphore(%run_scoped3A : memref<!tpu.dma_semaphore, #tpu.memory_space<semaphore_mem>>) src(%dma_wait3A_75 : memref<40x128xi32, #tpu.memory_space<hbm>>) dst(%arg6 : memref<40x128xi32, #tpu.memory_space<vmem>>)
      tpu.yield
    }) : () -> ()
    "tpu.region"() ({
      %run_scoped3A = tpu.sem_alloc : memref<!tpu.dma_semaphore, #tpu.memory_space<semaphore_mem>>
      %dma_start3A_49 = arith.constant 0 : i32
      %dma_start3A_50 = arith.constant 0 : i32
      %dma_start3A_51 = tpu.memref_slice %arg4[%add3A, %dma_start3A_49, %dma_start3A_50] : memref<32x80x128xi32, #tpu.memory_space<hbm>> -> memref<1x80x128xi32, #tpu.memory_space<hbm>>
      %dma_start3A_52 = tpu.memref_squeeze %dma_start3A_51 : memref<1x80x128xi32, #tpu.memory_space<hbm>> -> memref<80x128xi32, #tpu.memory_space<hbm>>
      %dma_start3A_53 = arith.constant 40 : i32
      %dma_start3A_54 = arith.constant 0 : i32
      %dma_start3A_55 = tpu.memref_slice %dma_start3A_52[%dma_start3A_53, %dma_start3A_54] : memref<80x128xi32, #tpu.memory_space<hbm>> -> memref<40x128xi32, #tpu.memory_space<hbm>>
      %dma_start3A_56 = arith.constant 0 : i32
      %dma_start3A_57 = arith.constant 0 : i32
      %dma_start3A_58 = tpu.memref_slice %arg4[%add3A, %dma_start3A_56, %dma_start3A_57] : memref<32x80x128xi32, #tpu.memory_space<hbm>> -> memref<1x80x128xi32, #tpu.memory_space<hbm>>
      %dma_start3A_59 = tpu.memref_squeeze %dma_start3A_58 : memref<1x80x128xi32, #tpu.memory_space<hbm>> -> memref<80x128xi32, #tpu.memory_space<hbm>>
      %dma_start3A_60 = arith.constant 40 : i32
      %dma_start3A_61 = arith.constant 0 : i32
      %dma_start3A_62 = tpu.memref_slice %dma_start3A_59[%dma_start3A_60, %dma_start3A_61] : memref<80x128xi32, #tpu.memory_space<hbm>> -> memref<40x128xi32, #tpu.memory_space<hbm>>
      tpu.enqueue_dma source(%dma_start3A_62 : memref<40x128xi32, #tpu.memory_space<hbm>>) target(%arg7 : memref<40x128xi32, #tpu.memory_space<vmem>>) target_semaphore(%run_scoped3A : memref<!tpu.dma_semaphore, #tpu.memory_space<semaphore_mem>>)
      %dma_wait3A = arith.constant 0 : i32
      %dma_wait3A_63 = arith.constant 0 : i32
      %dma_wait3A_64 = tpu.memref_slice %arg4[%add3A, %dma_wait3A, %dma_wait3A_63] : memref<32x80x128xi32, #tpu.memory_space<hbm>> -> memref<1x80x128xi32, #tpu.memory_space<hbm>>
      %dma_wait3A_65 = tpu.memref_squeeze %dma_wait3A_64 : memref<1x80x128xi32, #tpu.memory_space<hbm>> -> memref<80x128xi32, #tpu.memory_space<hbm>>
      %dma_wait3A_66 = arith.constant 40 : i32
      %dma_wait3A_67 = arith.constant 0 : i32
      %dma_wait3A_68 = tpu.memref_slice %dma_wait3A_65[%dma_wait3A_66, %dma_wait3A_67] : memref<80x128xi32, #tpu.memory_space<hbm>> -> memref<40x128xi32, #tpu.memory_space<hbm>>
      %dma_wait3A_69 = arith.constant 0 : i32
      %dma_wait3A_70 = arith.constant 0 : i32
      %dma_wait3A_71 = tpu.memref_slice %arg4[%add3A, %dma_wait3A_69, %dma_wait3A_70] : memref<32x80x128xi32, #tpu.memory_space<hbm>> -> memref<1x80x128xi32, #tpu.memory_space<hbm>>
      %dma_wait3A_72 = tpu.memref_squeeze %dma_wait3A_71 : memref<1x80x128xi32, #tpu.memory_space<hbm>> -> memref<80x128xi32, #tpu.memory_space<hbm>>
      %dma_wait3A_73 = arith.constant 40 : i32
      %dma_wait3A_74 = arith.constant 0 : i32
      %dma_wait3A_75 = tpu.memref_slice %dma_wait3A_72[%dma_wait3A_73, %dma_wait3A_74] : memref<80x128xi32, #tpu.memory_space<hbm>> -> memref<40x128xi32, #tpu.memory_space<hbm>>
      tpu.wait_dma2 semaphore(%run_scoped3A : memref<!tpu.dma_semaphore, #tpu.memory_space<semaphore_mem>>) src(%dma_wait3A_75 : memref<40x128xi32, #tpu.memory_space<hbm>>) dst(%arg7 : memref<40x128xi32, #tpu.memory_space<vmem>>)
      tpu.yield
    }) : () -> ()
    %dma_start3A_27 = arith.constant 0 : i32
    %dma_start3A_28 = arith.constant 0 : i32
    %dma_start3A_29 = tpu.memref_slice %arg6[%dma_start3A_27, %dma_start3A_28] : memref<40x128xi32, #tpu.memory_space<vmem>> -> memref<1x128xi32, #tpu.memory_space<vmem>>
    %dma_start3A_30 = tpu.memref_squeeze %dma_start3A_29 : memref<1x128xi32, #tpu.memory_space<vmem>> -> memref<128xi32, #tpu.memory_space<vmem>>
    %dma_start3A_31 = arith.constant 0 : i32
    %dma_start3A_32 = arith.constant 0 : i32
    %dma_start3A_33 = tpu.memref_slice %arg2[%dma_start3A_31, %dma_start3A_32] : memref<10000x128xf32, #tpu.memory_space<hbm>> -> memref<10000x128xf32, #tpu.memory_space<hbm>>
    tpu.enqueue_indirect_dma source(%dma_start3A_33 : memref<10000x128xf32, #tpu.memory_space<hbm>>) target(%arg8 : memref<128x128xf32, #tpu.memory_space<vmem>>) offsets(%dma_start3A_30 : memref<128xi32, #tpu.memory_space<vmem>>) semaphore(%arg10 : memref<!tpu.dma_semaphore, #tpu.memory_space<semaphore_mem>>)
    %scan3A_34 = arith.constant 0 : i32
    %scan3A_35 = arith.constant 0 : i32
    %scan3A_36 = arith.constant 20 : i32
    %scan3A_37 = arith.addi %scan3A_35, %scan3A_36 : i32
    %scan3A_38 = arith.constant 1 : i32
    %scan3A_39 = scf.for %scan3A_49 = %scan3A_35 to %scan3A_37 step %scan3A_38 iter_args(%scan3A_50 = %scan3A_34) -> (i32)  : i32 {
      %mul3A_51 = arith.constant 2 : i32
      %mul3A_52 = arith.muli %mul3A_51, %scan3A_49 : i32
      %dma_wait3A = arith.constant 0 : i32
      %dma_wait3A_53 = tpu.memref_slice %arg6[%mul3A_52, %dma_wait3A] : memref<40x128xi32, #tpu.memory_space<vmem>> -> memref<1x128xi32, #tpu.memory_space<vmem>>
      %dma_wait3A_54 = tpu.memref_squeeze %dma_wait3A_53 : memref<1x128xi32, #tpu.memory_space<vmem>> -> memref<128xi32, #tpu.memory_space<vmem>>
      %dma_wait3A_55 = arith.constant 0 : i32
      %dma_wait3A_56 = arith.constant 0 : i32
      %dma_wait3A_57 = tpu.memref_slice %arg2[%dma_wait3A_55, %dma_wait3A_56] : memref<10000x128xf32, #tpu.memory_space<hbm>> -> memref<10000x128xf32, #tpu.memory_space<hbm>>
      tpu.wait_indirect_dma semaphore(%arg10 : memref<!tpu.dma_semaphore, #tpu.memory_space<semaphore_mem>>) src(%dma_wait3A_57 : memref<10000x128xf32, #tpu.memory_space<hbm>>) dst(%arg8 : memref<128x128xf32, #tpu.memory_space<vmem>>)
      %add3A_58 = arith.constant 1 : i32
      %add3A_59 = arith.addi %mul3A_52, %add3A_58 : i32
      %dma_start3A_60 = arith.constant 0 : i32
      %dma_start3A_61 = tpu.memref_slice %arg6[%add3A_59, %dma_start3A_60] : memref<40x128xi32, #tpu.memory_space<vmem>> -> memref<1x128xi32, #tpu.memory_space<vmem>>
      %dma_start3A_62 = tpu.memref_squeeze %dma_start3A_61 : memref<1x128xi32, #tpu.memory_space<vmem>> -> memref<128xi32, #tpu.memory_space<vmem>>
      %dma_start3A_63 = arith.constant 0 : i32
      %dma_start3A_64 = arith.constant 0 : i32
      %dma_start3A_65 = tpu.memref_slice %arg2[%dma_start3A_63, %dma_start3A_64] : memref<10000x128xf32, #tpu.memory_space<hbm>> -> memref<10000x128xf32, #tpu.memory_space<hbm>>
      tpu.enqueue_indirect_dma source(%dma_start3A_65 : memref<10000x128xf32, #tpu.memory_space<hbm>>) target(%arg9 : memref<128x128xf32, #tpu.memory_space<vmem>>) offsets(%dma_start3A_62 : memref<128xi32, #tpu.memory_space<vmem>>) semaphore(%arg11 : memref<!tpu.dma_semaphore, #tpu.memory_space<semaphore_mem>>)
      "tpu.region"() ({
        %run_scoped3A = tpu.sem_alloc : memref<!tpu.dma_semaphore, #tpu.memory_space<semaphore_mem>>
        %dma_start3A_81 = arith.constant 0 : i32
        %dma_start3A_82 = tpu.memref_slice %arg7[%mul3A_52, %dma_start3A_81] : memref<40x128xi32, #tpu.memory_space<vmem>> -> memref<1x128xi32, #tpu.memory_space<vmem>>
        %dma_start3A_83 = tpu.memref_squeeze %dma_start3A_82 : memref<1x128xi32, #tpu.memory_space<vmem>> -> memref<128xi32, #tpu.memory_space<vmem>>
        %dma_start3A_84 = arith.constant 0 : i32
        %dma_start3A_85 = arith.constant 0 : i32
        %dma_start3A_86 = tpu.memref_slice %arg12[%dma_start3A_84, %dma_start3A_85] : memref<10240x128xf32, #tpu.memory_space<vmem_shared>> -> memref<10240x128xf32, #tpu.memory_space<vmem_shared>>
        tpu.enqueue_indirect_dma source(%arg8 : memref<128x128xf32, #tpu.memory_space<vmem>>) target(%dma_start3A_86 : memref<10240x128xf32, #tpu.memory_space<vmem_shared>>) offsets(%dma_start3A_83 : memref<128xi32, #tpu.memory_space<vmem>>) semaphore(%run_scoped3A : memref<!tpu.dma_semaphore, #tpu.memory_space<semaphore_mem>>) {add = true}
        %dma_wait3A_87 = arith.constant 0 : i32
        %dma_wait3A_88 = tpu.memref_slice %arg7[%mul3A_52, %dma_wait3A_87] : memref<40x128xi32, #tpu.memory_space<vmem>> -> memref<1x128xi32, #tpu.memory_space<vmem>>
        %dma_wait3A_89 = tpu.memref_squeeze %dma_wait3A_88 : memref<1x128xi32, #tpu.memory_space<vmem>> -> memref<128xi32, #tpu.memory_space<vmem>>
        %dma_wait3A_90 = arith.constant 0 : i32
        %dma_wait3A_91 = arith.constant 0 : i32
        %dma_wait3A_92 = tpu.memref_slice %arg12[%dma_wait3A_90, %dma_wait3A_91] : memref<10240x128xf32, #tpu.memory_space<vmem_shared>> -> memref<10240x128xf32, #tpu.memory_space<vmem_shared>>
        tpu.wait_indirect_dma semaphore(%run_scoped3A : memref<!tpu.dma_semaphore, #tpu.memory_space<semaphore_mem>>) src(%arg8 : memref<128x128xf32, #tpu.memory_space<vmem>>) dst(%dma_wait3A_92 : memref<10240x128xf32, #tpu.memory_space<vmem_shared>>)
        tpu.yield
      }) : () -> ()
      %add3A_66 = arith.constant 1 : i32
      %add3A_67 = arith.addi %mul3A_52, %add3A_66 : i32
      %dma_wait3A_68 = arith.constant 0 : i32
      %dma_wait3A_69 = tpu.memref_slice %arg6[%add3A_67, %dma_wait3A_68] : memref<40x128xi32, #tpu.memory_space<vmem>> -> memref<1x128xi32, #tpu.memory_space<vmem>>
      %dma_wait3A_70 = tpu.memref_squeeze %dma_wait3A_69 : memref<1x128xi32, #tpu.memory_space<vmem>> -> memref<128xi32, #tpu.memory_space<vmem>>
      %dma_wait3A_71 = arith.constant 0 : i32
      %dma_wait3A_72 = arith.constant 0 : i32
      %dma_wait3A_73 = tpu.memref_slice %arg2[%dma_wait3A_71, %dma_wait3A_72] : memref<10000x128xf32, #tpu.memory_space<hbm>> -> memref<10000x128xf32, #tpu.memory_space<hbm>>
      tpu.wait_indirect_dma semaphore(%arg11 : memref<!tpu.dma_semaphore, #tpu.memory_space<semaphore_mem>>) src(%dma_wait3A_73 : memref<10000x128xf32, #tpu.memory_space<hbm>>) dst(%arg9 : memref<128x128xf32, #tpu.memory_space<vmem>>)
      %add3A_74 = arith.constant 2 : i32
      %add3A_75 = arith.addi %mul3A_52, %add3A_74 : i32
      %lt3A = arith.constant 40 : i32
      %lt3A_76 = arith.cmpi slt, %add3A_75, %lt3A : i32
      %convert_element_type3A = arith.extui %lt3A_76 : i1 to i32
      %cond3A = arith.constant 0 : i32
      %cond3A_77 = arith.cmpi ne, %convert_element_type3A, %cond3A : i32
      scf.if %cond3A_77 {
        %add3A_81 = arith.constant 2 : i32
        %add3A_82 = arith.addi %mul3A_52, %add3A_81 : i32
        %dma_start3A_83 = arith.constant 0 : i32
        %dma_start3A_84 = tpu.memref_slice %arg6[%add3A_82, %dma_start3A_83] : memref<40x128xi32, #tpu.memory_space<vmem>> -> memref<1x128xi32, #tpu.memory_space<vmem>>
        %dma_start3A_85 = tpu.memref_squeeze %dma_start3A_84 : memref<1x128xi32, #tpu.memory_space<vmem>> -> memref<128xi32, #tpu.memory_space<vmem>>
        %dma_start3A_86 = arith.constant 0 : i32
        %dma_start3A_87 = arith.constant 0 : i32
        %dma_start3A_88 = tpu.memref_slice %arg2[%dma_start3A_86, %dma_start3A_87] : memref<10000x128xf32, #tpu.memory_space<hbm>> -> memref<10000x128xf32, #tpu.memory_space<hbm>>
        tpu.enqueue_indirect_dma source(%dma_start3A_88 : memref<10000x128xf32, #tpu.memory_space<hbm>>) target(%arg8 : memref<128x128xf32, #tpu.memory_space<vmem>>) offsets(%dma_start3A_85 : memref<128xi32, #tpu.memory_space<vmem>>) semaphore(%arg10 : memref<!tpu.dma_semaphore, #tpu.memory_space<semaphore_mem>>)
      } else {
      }
      %add3A_78 = arith.constant 1 : i32
      %add3A_79 = arith.addi %mul3A_52, %add3A_78 : i32
      "tpu.region"() ({
        %run_scoped3A = tpu.sem_alloc : memref<!tpu.dma_semaphore, #tpu.memory_space<semaphore_mem>>
        %dma_start3A_81 = arith.constant 0 : i32
        %dma_start3A_82 = tpu.memref_slice %arg7[%add3A_79, %dma_start3A_81] : memref<40x128xi32, #tpu.memory_space<vmem>> -> memref<1x128xi32, #tpu.memory_space<vmem>>
        %dma_start3A_83 = tpu.memref_squeeze %dma_start3A_82 : memref<1x128xi32, #tpu.memory_space<vmem>> -> memref<128xi32, #tpu.memory_space<vmem>>
        %dma_start3A_84 = arith.constant 0 : i32
        %dma_start3A_85 = arith.constant 0 : i32
        %dma_start3A_86 = tpu.memref_slice %arg12[%dma_start3A_84, %dma_start3A_85] : memref<10240x128xf32, #tpu.memory_space<vmem_shared>> -> memref<10240x128xf32, #tpu.memory_space<vmem_shared>>
        tpu.enqueue_indirect_dma source(%arg9 : memref<128x128xf32, #tpu.memory_space<vmem>>) target(%dma_start3A_86 : memref<10240x128xf32, #tpu.memory_space<vmem_shared>>) offsets(%dma_start3A_83 : memref<128xi32, #tpu.memory_space<vmem>>) semaphore(%run_scoped3A : memref<!tpu.dma_semaphore, #tpu.memory_space<semaphore_mem>>) {add = true}
        %dma_wait3A_87 = arith.constant 0 : i32
        %dma_wait3A_88 = tpu.memref_slice %arg7[%add3A_79, %dma_wait3A_87] : memref<40x128xi32, #tpu.memory_space<vmem>> -> memref<1x128xi32, #tpu.memory_space<vmem>>
        %dma_wait3A_89 = tpu.memref_squeeze %dma_wait3A_88 : memref<1x128xi32, #tpu.memory_space<vmem>> -> memref<128xi32, #tpu.memory_space<vmem>>
        %dma_wait3A_90 = arith.constant 0 : i32
        %dma_wait3A_91 = arith.constant 0 : i32
        %dma_wait3A_92 = tpu.memref_slice %arg12[%dma_wait3A_90, %dma_wait3A_91] : memref<10240x128xf32, #tpu.memory_space<vmem_shared>> -> memref<10240x128xf32, #tpu.memory_space<vmem_shared>>
        tpu.wait_indirect_dma semaphore(%run_scoped3A : memref<!tpu.dma_semaphore, #tpu.memory_space<semaphore_mem>>) src(%arg9 : memref<128x128xf32, #tpu.memory_space<vmem>>) dst(%dma_wait3A_92 : memref<10240x128xf32, #tpu.memory_space<vmem_shared>>)
        tpu.yield
      }) : () -> ()
      %scan3A_80 = arith.constant 0 : i32
      scf.yield %scan3A_80 : i32
    }
    %scan3A_40 = arith.constant 20 : i32
    %barrier3A_41 = arith.constant 0 : index
    tpu.barrier barrier_id(%barrier3A_41)
    %scan3A_42 = arith.constant 0 : i32
    %scan3A_43 = arith.constant 0 : i32
    %scan3A_44 = arith.constant 5 : i32
    %scan3A_45 = arith.addi %scan3A_43, %scan3A_44 : i32
    %scan3A_46 = arith.constant 1 : i32
    %scan3A_47 = scf.for %scan3A_49 = %scan3A_43 to %scan3A_45 step %scan3A_46 iter_args(%scan3A_50 = %scan3A_42) -> (i32)  : i32 {
      %mul3A_51 = arith.constant 640 : i32
      %mul3A_52 = arith.muli %arg1, %mul3A_51 : i32
      %mul3A_53 = arith.constant 128 : i32
      %mul3A_54 = arith.muli %scan3A_49, %mul3A_53 : i32
      %add3A_55 = arith.addi %mul3A_52, %mul3A_54 : i32
      "tpu.region"() ({
        %run_scoped3A = tpu.sem_alloc : memref<!tpu.dma_semaphore, #tpu.memory_space<semaphore_mem>>
        %dma_start3A_57 = arith.constant 0 : i32
        %dma_start3A_58 = arith.constant 0 : i32
        %dma_start3A_59 = tpu.memref_slice %arg5[%arg0, %dma_start3A_57, %dma_start3A_58] : memref<2x10240x128xf32, #tpu.memory_space<hbm>> -> memref<1x10240x128xf32, #tpu.memory_space<hbm>>
        %dma_start3A_60 = tpu.memref_squeeze %dma_start3A_59 : memref<1x10240x128xf32, #tpu.memory_space<hbm>> -> memref<10240x128xf32, #tpu.memory_space<hbm>>
        %dma_start3A_61 = arith.constant 0 : i32
        %dma_start3A_62 = tpu.memref_slice %dma_start3A_60[%add3A_55, %dma_start3A_61] : memref<10240x128xf32, #tpu.memory_space<hbm>> -> memref<128x128xf32, #tpu.memory_space<hbm>>
        %dma_start3A_63 = arith.constant 0 : i32
        %dma_start3A_64 = tpu.memref_slice %arg12[%add3A_55, %dma_start3A_63] : memref<10240x128xf32, #tpu.memory_space<vmem_shared>> -> memref<128x128xf32, #tpu.memory_space<vmem_shared>>
        tpu.enqueue_dma source(%dma_start3A_64 : memref<128x128xf32, #tpu.memory_space<vmem_shared>>) target(%dma_start3A_62 : memref<128x128xf32, #tpu.memory_space<hbm>>) target_semaphore(%run_scoped3A : memref<!tpu.dma_semaphore, #tpu.memory_space<semaphore_mem>>)
        %dma_wait3A = arith.constant 0 : i32
        %dma_wait3A_65 = arith.constant 0 : i32
        %dma_wait3A_66 = tpu.memref_slice %arg5[%arg0, %dma_wait3A, %dma_wait3A_65] : memref<2x10240x128xf32, #tpu.memory_space<hbm>> -> memref<1x10240x128xf32, #tpu.memory_space<hbm>>
        %dma_wait3A_67 = tpu.memref_squeeze %dma_wait3A_66 : memref<1x10240x128xf32, #tpu.memory_space<hbm>> -> memref<10240x128xf32, #tpu.memory_space<hbm>>
        %dma_wait3A_68 = arith.constant 0 : i32
        %dma_wait3A_69 = tpu.memref_slice %dma_wait3A_67[%add3A_55, %dma_wait3A_68] : memref<10240x128xf32, #tpu.memory_space<hbm>> -> memref<128x128xf32, #tpu.memory_space<hbm>>
        %dma_wait3A_70 = arith.constant 0 : i32
        %dma_wait3A_71 = tpu.memref_slice %arg12[%add3A_55, %dma_wait3A_70] : memref<10240x128xf32, #tpu.memory_space<vmem_shared>> -> memref<128x128xf32, #tpu.memory_space<vmem_shared>>
        tpu.wait_dma2 semaphore(%run_scoped3A : memref<!tpu.dma_semaphore, #tpu.memory_space<semaphore_mem>>) src(%dma_wait3A_71 : memref<128x128xf32, #tpu.memory_space<vmem_shared>>) dst(%dma_wait3A_69 : memref<128x128xf32, #tpu.memory_space<hbm>>)
        tpu.yield
      }) : () -> ()
      %scan3A_56 = arith.constant 0 : i32
      scf.yield %scan3A_56 : i32
    }
    %scan3A_48 = arith.constant 5 : i32
    return
  }
}

#map = affine_map<(d0, d1) -> (0, 0)>
#map1 = affine_map<(d0, d1) -> (0, 0, 0)>
module attributes {stable_mosaic.version = 14 : i64} {
  func.func @_sc_agg_kernel(%arg0: i32, %arg1: i32, %arg2: memref<10000x128xf32, #tpu.memory_space<hbm>>, %arg3: memref<32x80x128xi32, #tpu.memory_space<hbm>>, %arg4: memref<32x80x128xi32, #tpu.memory_space<hbm>>, %arg5: memref<2x10240x128xf32, #tpu.memory_space<hbm>>, %arg6: memref<40x128xi32, #tpu.memory_space<vmem>>, %arg7: memref<40x128xi32, #tpu.memory_space<vmem>>, %arg8: memref<128x128xf32, #tpu.memory_space<vmem>>, %arg9: memref<128x128xf32, #tpu.memory_space<vmem>>, %arg10: memref<!tpu.dma_semaphore, #tpu.memory_space<semaphore_mem>>, %arg11: memref<!tpu.dma_semaphore, #tpu.memory_space<semaphore_mem>>, %arg12: memref<10240x128xf32, #tpu.memory_space<vmem_shared>>) attributes {dimension_semantics = [#tpu.dimension_semantics<core_parallel>, #tpu.dimension_semantics<subcore_parallel>], iteration_bounds = array<i64: 2, 16>, scalar_prefetch = 0 : i64, scratch_operands = 7 : i64, tpu.core_type = #tpu.core_type<sc_vector_subcore>, window_params = [{transform_indices = #map}, {transform_indices = #map1}, {transform_indices = #map1}, {transform_indices = #map1}]} {
    %mul3A = arith.constant 16 : i32
    %mul3A_0 = arith.muli %arg0, %mul3A : i32
    %add3A = arith.addi %mul3A_0, %arg1 : i32
    %scan3A = arith.constant 0 : i32
    %scan3A_1 = arith.constant 0 : i32
    %scan3A_2 = arith.constant 128 : i32
    %scan3A_3 = arith.addi %scan3A_1, %scan3A_2 : i32
    %scan3A_4 = arith.constant 1 : i32
    %scan3A_5 = scf.for %scan3A_49 = %scan3A_1 to %scan3A_3 step %scan3A_4 iter_args(%scan3A_50 = %scan3A) -> (i32)  : i32 {
      %broadcast_in_dim3A = arith.constant 0.000000e+00 : f32
      %broadcast_in_dim3A_51 = vector.broadcast %broadcast_in_dim3A : f32 to vector<16xf32>
      %swap3A = arith.index_cast %scan3A_49 : i32 to index
      %swap3A_52 = arith.constant 0 : index
      %swap3A_53 = tpu.vector_load %arg8[%swap3A, %swap3A_52] {strides = array<i32>} : memref<128x128xf32, #tpu.memory_space<vmem>>, vector<1x16xf32>,
      %swap3A_54 = vector.shape_cast %swap3A_53 : vector<1x16xf32> to vector<16xf32>
      %swap3A_55 = vector.shape_cast %broadcast_in_dim3A_51 : vector<16xf32> to vector<1x16xf32>
      tpu.vector_store %arg8[%swap3A, %swap3A_52], %swap3A_55 {strides = array<i32>} : memref<128x128xf32, #tpu.memory_space<vmem>>, vector<1x16xf32>,
      %broadcast_in_dim3A_56 = arith.constant 0.000000e+00 : f32
      %broadcast_in_dim3A_57 = vector.broadcast %broadcast_in_dim3A_56 : f32 to vector<16xf32>
      %swap3A_58 = arith.index_cast %scan3A_49 : i32 to index
      %swap3A_59 = arith.constant 16 : index
      %swap3A_60 = tpu.vector_load %arg8[%swap3A_58, %swap3A_59] {strides = array<i32>} : memref<128x128xf32, #tpu.memory_space<vmem>>, vector<1x16xf32>,
      %swap3A_61 = vector.shape_cast %swap3A_60 : vector<1x16xf32> to vector<16xf32>
      %swap3A_62 = vector.shape_cast %broadcast_in_dim3A_57 : vector<16xf32> to vector<1x16xf32>
      tpu.vector_store %arg8[%swap3A_58, %swap3A_59], %swap3A_62 {strides = array<i32>} : memref<128x128xf32, #tpu.memory_space<vmem>>, vector<1x16xf32>,
      %broadcast_in_dim3A_63 = arith.constant 0.000000e+00 : f32
      %broadcast_in_dim3A_64 = vector.broadcast %broadcast_in_dim3A_63 : f32 to vector<16xf32>
      %swap3A_65 = arith.index_cast %scan3A_49 : i32 to index
      %swap3A_66 = arith.constant 32 : index
      %swap3A_67 = tpu.vector_load %arg8[%swap3A_65, %swap3A_66] {strides = array<i32>} : memref<128x128xf32, #tpu.memory_space<vmem>>, vector<1x16xf32>,
      %swap3A_68 = vector.shape_cast %swap3A_67 : vector<1x16xf32> to vector<16xf32>
      %swap3A_69 = vector.shape_cast %broadcast_in_dim3A_64 : vector<16xf32> to vector<1x16xf32>
      tpu.vector_store %arg8[%swap3A_65, %swap3A_66], %swap3A_69 {strides = array<i32>} : memref<128x128xf32, #tpu.memory_space<vmem>>, vector<1x16xf32>,
      %broadcast_in_dim3A_70 = arith.constant 0.000000e+00 : f32
      %broadcast_in_dim3A_71 = vector.broadcast %broadcast_in_dim3A_70 : f32 to vector<16xf32>
      %swap3A_72 = arith.index_cast %scan3A_49 : i32 to index
      %swap3A_73 = arith.constant 48 : index
      %swap3A_74 = tpu.vector_load %arg8[%swap3A_72, %swap3A_73] {strides = array<i32>} : memref<128x128xf32, #tpu.memory_space<vmem>>, vector<1x16xf32>,
      %swap3A_75 = vector.shape_cast %swap3A_74 : vector<1x16xf32> to vector<16xf32>
      %swap3A_76 = vector.shape_cast %broadcast_in_dim3A_71 : vector<16xf32> to vector<1x16xf32>
      tpu.vector_store %arg8[%swap3A_72, %swap3A_73], %swap3A_76 {strides = array<i32>} : memref<128x128xf32, #tpu.memory_space<vmem>>, vector<1x16xf32>,
      %broadcast_in_dim3A_77 = arith.constant 0.000000e+00 : f32
      %broadcast_in_dim3A_78 = vector.broadcast %broadcast_in_dim3A_77 : f32 to vector<16xf32>
      %swap3A_79 = arith.index_cast %scan3A_49 : i32 to index
      %swap3A_80 = arith.constant 64 : index
      %swap3A_81 = tpu.vector_load %arg8[%swap3A_79, %swap3A_80] {strides = array<i32>} : memref<128x128xf32, #tpu.memory_space<vmem>>, vector<1x16xf32>,
      %swap3A_82 = vector.shape_cast %swap3A_81 : vector<1x16xf32> to vector<16xf32>
      %swap3A_83 = vector.shape_cast %broadcast_in_dim3A_78 : vector<16xf32> to vector<1x16xf32>
      tpu.vector_store %arg8[%swap3A_79, %swap3A_80], %swap3A_83 {strides = array<i32>} : memref<128x128xf32, #tpu.memory_space<vmem>>, vector<1x16xf32>,
      %broadcast_in_dim3A_84 = arith.constant 0.000000e+00 : f32
      %broadcast_in_dim3A_85 = vector.broadcast %broadcast_in_dim3A_84 : f32 to vector<16xf32>
      %swap3A_86 = arith.index_cast %scan3A_49 : i32 to index
      %swap3A_87 = arith.constant 80 : index
      %swap3A_88 = tpu.vector_load %arg8[%swap3A_86, %swap3A_87] {strides = array<i32>} : memref<128x128xf32, #tpu.memory_space<vmem>>, vector<1x16xf32>,
      %swap3A_89 = vector.shape_cast %swap3A_88 : vector<1x16xf32> to vector<16xf32>
      %swap3A_90 = vector.shape_cast %broadcast_in_dim3A_85 : vector<16xf32> to vector<1x16xf32>
      tpu.vector_store %arg8[%swap3A_86, %swap3A_87], %swap3A_90 {strides = array<i32>} : memref<128x128xf32, #tpu.memory_space<vmem>>, vector<1x16xf32>,
      %broadcast_in_dim3A_91 = arith.constant 0.000000e+00 : f32
      %broadcast_in_dim3A_92 = vector.broadcast %broadcast_in_dim3A_91 : f32 to vector<16xf32>
      %swap3A_93 = arith.index_cast %scan3A_49 : i32 to index
      %swap3A_94 = arith.constant 96 : index
      %swap3A_95 = tpu.vector_load %arg8[%swap3A_93, %swap3A_94] {strides = array<i32>} : memref<128x128xf32, #tpu.memory_space<vmem>>, vector<1x16xf32>,
      %swap3A_96 = vector.shape_cast %swap3A_95 : vector<1x16xf32> to vector<16xf32>
      %swap3A_97 = vector.shape_cast %broadcast_in_dim3A_92 : vector<16xf32> to vector<1x16xf32>
      tpu.vector_store %arg8[%swap3A_93, %swap3A_94], %swap3A_97 {strides = array<i32>} : memref<128x128xf32, #tpu.memory_space<vmem>>, vector<1x16xf32>,
      %broadcast_in_dim3A_98 = arith.constant 0.000000e+00 : f32
      %broadcast_in_dim3A_99 = vector.broadcast %broadcast_in_dim3A_98 : f32 to vector<16xf32>
      %swap3A_100 = arith.index_cast %scan3A_49 : i32 to index
      %swap3A_101 = arith.constant 112 : index
      %swap3A_102 = tpu.vector_load %arg8[%swap3A_100, %swap3A_101] {strides = array<i32>} : memref<128x128xf32, #tpu.memory_space<vmem>>, vector<1x16xf32>,
      %swap3A_103 = vector.shape_cast %swap3A_102 : vector<1x16xf32> to vector<16xf32>
      %swap3A_104 = vector.shape_cast %broadcast_in_dim3A_99 : vector<16xf32> to vector<1x16xf32>
      tpu.vector_store %arg8[%swap3A_100, %swap3A_101], %swap3A_104 {strides = array<i32>} : memref<128x128xf32, #tpu.memory_space<vmem>>, vector<1x16xf32>,
      %scan3A_105 = arith.constant 0 : i32
      scf.yield %scan3A_105 : i32
    }
    %scan3A_6 = arith.constant 128 : i32
    %scan3A_7 = arith.constant 0 : i32
    %scan3A_8 = arith.constant 0 : i32
    %scan3A_9 = arith.constant 5 : i32
    %scan3A_10 = arith.addi %scan3A_8, %scan3A_9 : i32
    %scan3A_11 = arith.constant 1 : i32
    %scan3A_12 = scf.for %scan3A_49 = %scan3A_8 to %scan3A_10 step %scan3A_11 iter_args(%scan3A_50 = %scan3A_7) -> (i32)  : i32 {
      %mul3A_51 = arith.constant 640 : i32
      %mul3A_52 = arith.muli %arg1, %mul3A_51 : i32
      %mul3A_53 = arith.constant 128 : i32
      %mul3A_54 = arith.muli %scan3A_49, %mul3A_53 : i32
      %add3A_55 = arith.addi %mul3A_52, %mul3A_54 : i32
      "tpu.region"() ({
        %run_scoped3A = tpu.sem_alloc : memref<!tpu.dma_semaphore, #tpu.memory_space<semaphore_mem>>
        %dma_start3A_57 = arith.constant 0 : i32
        %dma_start3A_58 = tpu.memref_slice %arg12[%add3A_55, %dma_start3A_57] : memref<10240x128xf32, #tpu.memory_space<vmem_shared>> -> memref<128x128xf32, #tpu.memory_space<vmem_shared>>
        %dma_start3A_59 = arith.constant 0 : i32
        %dma_start3A_60 = tpu.memref_slice %arg12[%add3A_55, %dma_start3A_59] : memref<10240x128xf32, #tpu.memory_space<vmem_shared>> -> memref<128x128xf32, #tpu.memory_space<vmem_shared>>
        tpu.enqueue_dma source(%arg8 : memref<128x128xf32, #tpu.memory_space<vmem>>) target(%dma_start3A_60 : memref<128x128xf32, #tpu.memory_space<vmem_shared>>) target_semaphore(%run_scoped3A : memref<!tpu.dma_semaphore, #tpu.memory_space<semaphore_mem>>)
        %dma_wait3A = arith.constant 0 : i32
        %dma_wait3A_61 = tpu.memref_slice %arg12[%add3A_55, %dma_wait3A] : memref<10240x128xf32, #tpu.memory_space<vmem_shared>> -> memref<128x128xf32, #tpu.memory_space<vmem_shared>>
        %dma_wait3A_62 = arith.constant 0 : i32
        %dma_wait3A_63 = tpu.memref_slice %arg12[%add3A_55, %dma_wait3A_62] : memref<10240x128xf32, #tpu.memory_space<vmem_shared>> -> memref<128x128xf32, #tpu.memory_space<vmem_shared>>
        tpu.wait_dma2 semaphore(%run_scoped3A : memref<!tpu.dma_semaphore, #tpu.memory_space<semaphore_mem>>) src(%arg8 : memref<128x128xf32, #tpu.memory_space<vmem>>) dst(%dma_wait3A_63 : memref<128x128xf32, #tpu.memory_space<vmem_shared>>)
        tpu.yield
      }) : () -> ()
      %scan3A_56 = arith.constant 0 : i32
      scf.yield %scan3A_56 : i32
    }
    %scan3A_13 = arith.constant 5 : i32
    %barrier3A = arith.constant 0 : index
    tpu.barrier barrier_id(%barrier3A)
    "tpu.region"() ({
      %run_scoped3A = tpu.sem_alloc : memref<!tpu.dma_semaphore, #tpu.memory_space<semaphore_mem>>
      %dma_start3A_49 = arith.constant 0 : i32
      %dma_start3A_50 = arith.constant 0 : i32
      %dma_start3A_51 = tpu.memref_slice %arg3[%add3A, %dma_start3A_49, %dma_start3A_50] : memref<32x80x128xi32, #tpu.memory_space<hbm>> -> memref<1x80x128xi32, #tpu.memory_space<hbm>>
      %dma_start3A_52 = tpu.memref_squeeze %dma_start3A_51 : memref<1x80x128xi32, #tpu.memory_space<hbm>> -> memref<80x128xi32, #tpu.memory_space<hbm>>
      %dma_start3A_53 = arith.constant 0 : i32
      %dma_start3A_54 = arith.constant 0 : i32
      %dma_start3A_55 = tpu.memref_slice %dma_start3A_52[%dma_start3A_53, %dma_start3A_54] : memref<80x128xi32, #tpu.memory_space<hbm>> -> memref<40x128xi32, #tpu.memory_space<hbm>>
      %dma_start3A_56 = arith.constant 0 : i32
      %dma_start3A_57 = arith.constant 0 : i32
      %dma_start3A_58 = tpu.memref_slice %arg3[%add3A, %dma_start3A_56, %dma_start3A_57] : memref<32x80x128xi32, #tpu.memory_space<hbm>> -> memref<1x80x128xi32, #tpu.memory_space<hbm>>
      %dma_start3A_59 = tpu.memref_squeeze %dma_start3A_58 : memref<1x80x128xi32, #tpu.memory_space<hbm>> -> memref<80x128xi32, #tpu.memory_space<hbm>>
      %dma_start3A_60 = arith.constant 0 : i32
      %dma_start3A_61 = arith.constant 0 : i32
      %dma_start3A_62 = tpu.memref_slice %dma_start3A_59[%dma_start3A_60, %dma_start3A_61] : memref<80x128xi32, #tpu.memory_space<hbm>> -> memref<40x128xi32, #tpu.memory_space<hbm>>
      tpu.enqueue_dma source(%dma_start3A_62 : memref<40x128xi32, #tpu.memory_space<hbm>>) target(%arg6 : memref<40x128xi32, #tpu.memory_space<vmem>>) target_semaphore(%run_scoped3A : memref<!tpu.dma_semaphore, #tpu.memory_space<semaphore_mem>>)
      %dma_wait3A = arith.constant 0 : i32
      %dma_wait3A_63 = arith.constant 0 : i32
      %dma_wait3A_64 = tpu.memref_slice %arg3[%add3A, %dma_wait3A, %dma_wait3A_63] : memref<32x80x128xi32, #tpu.memory_space<hbm>> -> memref<1x80x128xi32, #tpu.memory_space<hbm>>
      %dma_wait3A_65 = tpu.memref_squeeze %dma_wait3A_64 : memref<1x80x128xi32, #tpu.memory_space<hbm>> -> memref<80x128xi32, #tpu.memory_space<hbm>>
      %dma_wait3A_66 = arith.constant 0 : i32
      %dma_wait3A_67 = arith.constant 0 : i32
      %dma_wait3A_68 = tpu.memref_slice %dma_wait3A_65[%dma_wait3A_66, %dma_wait3A_67] : memref<80x128xi32, #tpu.memory_space<hbm>> -> memref<40x128xi32, #tpu.memory_space<hbm>>
      %dma_wait3A_69 = arith.constant 0 : i32
      %dma_wait3A_70 = arith.constant 0 : i32
      %dma_wait3A_71 = tpu.memref_slice %arg3[%add3A, %dma_wait3A_69, %dma_wait3A_70] : memref<32x80x128xi32, #tpu.memory_space<hbm>> -> memref<1x80x128xi32, #tpu.memory_space<hbm>>
      %dma_wait3A_72 = tpu.memref_squeeze %dma_wait3A_71 : memref<1x80x128xi32, #tpu.memory_space<hbm>> -> memref<80x128xi32, #tpu.memory_space<hbm>>
      %dma_wait3A_73 = arith.constant 0 : i32
      %dma_wait3A_74 = arith.constant 0 : i32
      %dma_wait3A_75 = tpu.memref_slice %dma_wait3A_72[%dma_wait3A_73, %dma_wait3A_74] : memref<80x128xi32, #tpu.memory_space<hbm>> -> memref<40x128xi32, #tpu.memory_space<hbm>>
      tpu.wait_dma2 semaphore(%run_scoped3A : memref<!tpu.dma_semaphore, #tpu.memory_space<semaphore_mem>>) src(%dma_wait3A_75 : memref<40x128xi32, #tpu.memory_space<hbm>>) dst(%arg6 : memref<40x128xi32, #tpu.memory_space<vmem>>)
      tpu.yield
    }) : () -> ()
    "tpu.region"() ({
      %run_scoped3A = tpu.sem_alloc : memref<!tpu.dma_semaphore, #tpu.memory_space<semaphore_mem>>
      %dma_start3A_49 = arith.constant 0 : i32
      %dma_start3A_50 = arith.constant 0 : i32
      %dma_start3A_51 = tpu.memref_slice %arg4[%add3A, %dma_start3A_49, %dma_start3A_50] : memref<32x80x128xi32, #tpu.memory_space<hbm>> -> memref<1x80x128xi32, #tpu.memory_space<hbm>>
      %dma_start3A_52 = tpu.memref_squeeze %dma_start3A_51 : memref<1x80x128xi32, #tpu.memory_space<hbm>> -> memref<80x128xi32, #tpu.memory_space<hbm>>
      %dma_start3A_53 = arith.constant 0 : i32
      %dma_start3A_54 = arith.constant 0 : i32
      %dma_start3A_55 = tpu.memref_slice %dma_start3A_52[%dma_start3A_53, %dma_start3A_54] : memref<80x128xi32, #tpu.memory_space<hbm>> -> memref<40x128xi32, #tpu.memory_space<hbm>>
      %dma_start3A_56 = arith.constant 0 : i32
      %dma_start3A_57 = arith.constant 0 : i32
      %dma_start3A_58 = tpu.memref_slice %arg4[%add3A, %dma_start3A_56, %dma_start3A_57] : memref<32x80x128xi32, #tpu.memory_space<hbm>> -> memref<1x80x128xi32, #tpu.memory_space<hbm>>
      %dma_start3A_59 = tpu.memref_squeeze %dma_start3A_58 : memref<1x80x128xi32, #tpu.memory_space<hbm>> -> memref<80x128xi32, #tpu.memory_space<hbm>>
      %dma_start3A_60 = arith.constant 0 : i32
      %dma_start3A_61 = arith.constant 0 : i32
      %dma_start3A_62 = tpu.memref_slice %dma_start3A_59[%dma_start3A_60, %dma_start3A_61] : memref<80x128xi32, #tpu.memory_space<hbm>> -> memref<40x128xi32, #tpu.memory_space<hbm>>
      tpu.enqueue_dma source(%dma_start3A_62 : memref<40x128xi32, #tpu.memory_space<hbm>>) target(%arg7 : memref<40x128xi32, #tpu.memory_space<vmem>>) target_semaphore(%run_scoped3A : memref<!tpu.dma_semaphore, #tpu.memory_space<semaphore_mem>>)
      %dma_wait3A = arith.constant 0 : i32
      %dma_wait3A_63 = arith.constant 0 : i32
      %dma_wait3A_64 = tpu.memref_slice %arg4[%add3A, %dma_wait3A, %dma_wait3A_63] : memref<32x80x128xi32, #tpu.memory_space<hbm>> -> memref<1x80x128xi32, #tpu.memory_space<hbm>>
      %dma_wait3A_65 = tpu.memref_squeeze %dma_wait3A_64 : memref<1x80x128xi32, #tpu.memory_space<hbm>> -> memref<80x128xi32, #tpu.memory_space<hbm>>
      %dma_wait3A_66 = arith.constant 0 : i32
      %dma_wait3A_67 = arith.constant 0 : i32
      %dma_wait3A_68 = tpu.memref_slice %dma_wait3A_65[%dma_wait3A_66, %dma_wait3A_67] : memref<80x128xi32, #tpu.memory_space<hbm>> -> memref<40x128xi32, #tpu.memory_space<hbm>>
      %dma_wait3A_69 = arith.constant 0 : i32
      %dma_wait3A_70 = arith.constant 0 : i32
      %dma_wait3A_71 = tpu.memref_slice %arg4[%add3A, %dma_wait3A_69, %dma_wait3A_70] : memref<32x80x128xi32, #tpu.memory_space<hbm>> -> memref<1x80x128xi32, #tpu.memory_space<hbm>>
      %dma_wait3A_72 = tpu.memref_squeeze %dma_wait3A_71 : memref<1x80x128xi32, #tpu.memory_space<hbm>> -> memref<80x128xi32, #tpu.memory_space<hbm>>
      %dma_wait3A_73 = arith.constant 0 : i32
      %dma_wait3A_74 = arith.constant 0 : i32
      %dma_wait3A_75 = tpu.memref_slice %dma_wait3A_72[%dma_wait3A_73, %dma_wait3A_74] : memref<80x128xi32, #tpu.memory_space<hbm>> -> memref<40x128xi32, #tpu.memory_space<hbm>>
      tpu.wait_dma2 semaphore(%run_scoped3A : memref<!tpu.dma_semaphore, #tpu.memory_space<semaphore_mem>>) src(%dma_wait3A_75 : memref<40x128xi32, #tpu.memory_space<hbm>>) dst(%arg7 : memref<40x128xi32, #tpu.memory_space<vmem>>)
      tpu.yield
    }) : () -> ()
    %dma_start3A = arith.constant 0 : i32
    %dma_start3A_14 = arith.constant 0 : i32
    %dma_start3A_15 = tpu.memref_slice %arg6[%dma_start3A, %dma_start3A_14] : memref<40x128xi32, #tpu.memory_space<vmem>> -> memref<1x128xi32, #tpu.memory_space<vmem>>
    %dma_start3A_16 = tpu.memref_squeeze %dma_start3A_15 : memref<1x128xi32, #tpu.memory_space<vmem>> -> memref<128xi32, #tpu.memory_space<vmem>>
    %dma_start3A_17 = arith.constant 0 : i32
    %dma_start3A_18 = arith.constant 0 : i32
    %dma_start3A_19 = tpu.memref_slice %arg2[%dma_start3A_17, %dma_start3A_18] : memref<10000x128xf32, #tpu.memory_space<hbm>> -> memref<10000x128xf32, #tpu.memory_space<hbm>>
    tpu.enqueue_indirect_dma source(%dma_start3A_19 : memref<10000x128xf32, #tpu.memory_space<hbm>>) target(%arg8 : memref<128x128xf32, #tpu.memory_space<vmem>>) offsets(%dma_start3A_16 : memref<128xi32, #tpu.memory_space<vmem>>) semaphore(%arg10 : memref<!tpu.dma_semaphore, #tpu.memory_space<semaphore_mem>>)
    %scan3A_20 = arith.constant 0 : i32
    %scan3A_21 = arith.constant 0 : i32
    %scan3A_22 = arith.constant 20 : i32
    %scan3A_23 = arith.addi %scan3A_21, %scan3A_22 : i32
    %scan3A_24 = arith.constant 1 : i32
    %scan3A_25 = scf.for %scan3A_49 = %scan3A_21 to %scan3A_23 step %scan3A_24 iter_args(%scan3A_50 = %scan3A_20) -> (i32)  : i32 {
      %mul3A_51 = arith.constant 2 : i32
      %mul3A_52 = arith.muli %mul3A_51, %scan3A_49 : i32
      %dma_wait3A = arith.constant 0 : i32
      %dma_wait3A_53 = tpu.memref_slice %arg6[%mul3A_52, %dma_wait3A] : memref<40x128xi32, #tpu.memory_space<vmem>> -> memref<1x128xi32, #tpu.memory_space<vmem>>
      %dma_wait3A_54 = tpu.memref_squeeze %dma_wait3A_53 : memref<1x128xi32, #tpu.memory_space<vmem>> -> memref<128xi32, #tpu.memory_space<vmem>>
      %dma_wait3A_55 = arith.constant 0 : i32
      %dma_wait3A_56 = arith.constant 0 : i32
      %dma_wait3A_57 = tpu.memref_slice %arg2[%dma_wait3A_55, %dma_wait3A_56] : memref<10000x128xf32, #tpu.memory_space<hbm>> -> memref<10000x128xf32, #tpu.memory_space<hbm>>
      tpu.wait_indirect_dma semaphore(%arg10 : memref<!tpu.dma_semaphore, #tpu.memory_space<semaphore_mem>>) src(%dma_wait3A_57 : memref<10000x128xf32, #tpu.memory_space<hbm>>) dst(%arg8 : memref<128x128xf32, #tpu.memory_space<vmem>>)
      %add3A_58 = arith.constant 1 : i32
      %add3A_59 = arith.addi %mul3A_52, %add3A_58 : i32
      %dma_start3A_60 = arith.constant 0 : i32
      %dma_start3A_61 = tpu.memref_slice %arg6[%add3A_59, %dma_start3A_60] : memref<40x128xi32, #tpu.memory_space<vmem>> -> memref<1x128xi32, #tpu.memory_space<vmem>>
      %dma_start3A_62 = tpu.memref_squeeze %dma_start3A_61 : memref<1x128xi32, #tpu.memory_space<vmem>> -> memref<128xi32, #tpu.memory_space<vmem>>
      %dma_start3A_63 = arith.constant 0 : i32
      %dma_start3A_64 = arith.constant 0 : i32
      %dma_start3A_65 = tpu.memref_slice %arg2[%dma_start3A_63, %dma_start3A_64] : memref<10000x128xf32, #tpu.memory_space<hbm>> -> memref<10000x128xf32, #tpu.memory_space<hbm>>
      tpu.enqueue_indirect_dma source(%dma_start3A_65 : memref<10000x128xf32, #tpu.memory_space<hbm>>) target(%arg9 : memref<128x128xf32, #tpu.memory_space<vmem>>) offsets(%dma_start3A_62 : memref<128xi32, #tpu.memory_space<vmem>>) semaphore(%arg11 : memref<!tpu.dma_semaphore, #tpu.memory_space<semaphore_mem>>)
      "tpu.region"() ({
        %run_scoped3A = tpu.sem_alloc : memref<!tpu.dma_semaphore, #tpu.memory_space<semaphore_mem>>
        %dma_start3A_81 = arith.constant 0 : i32
        %dma_start3A_82 = tpu.memref_slice %arg7[%mul3A_52, %dma_start3A_81] : memref<40x128xi32, #tpu.memory_space<vmem>> -> memref<1x128xi32, #tpu.memory_space<vmem>>
        %dma_start3A_83 = tpu.memref_squeeze %dma_start3A_82 : memref<1x128xi32, #tpu.memory_space<vmem>> -> memref<128xi32, #tpu.memory_space<vmem>>
        %dma_start3A_84 = arith.constant 0 : i32
        %dma_start3A_85 = arith.constant 0 : i32
        %dma_start3A_86 = tpu.memref_slice %arg12[%dma_start3A_84, %dma_start3A_85] : memref<10240x128xf32, #tpu.memory_space<vmem_shared>> -> memref<10240x128xf32, #tpu.memory_space<vmem_shared>>
        tpu.enqueue_indirect_dma source(%arg8 : memref<128x128xf32, #tpu.memory_space<vmem>>) target(%dma_start3A_86 : memref<10240x128xf32, #tpu.memory_space<vmem_shared>>) offsets(%dma_start3A_83 : memref<128xi32, #tpu.memory_space<vmem>>) semaphore(%run_scoped3A : memref<!tpu.dma_semaphore, #tpu.memory_space<semaphore_mem>>) {add = true}
        %dma_wait3A_87 = arith.constant 0 : i32
        %dma_wait3A_88 = tpu.memref_slice %arg7[%mul3A_52, %dma_wait3A_87] : memref<40x128xi32, #tpu.memory_space<vmem>> -> memref<1x128xi32, #tpu.memory_space<vmem>>
        %dma_wait3A_89 = tpu.memref_squeeze %dma_wait3A_88 : memref<1x128xi32, #tpu.memory_space<vmem>> -> memref<128xi32, #tpu.memory_space<vmem>>
        %dma_wait3A_90 = arith.constant 0 : i32
        %dma_wait3A_91 = arith.constant 0 : i32
        %dma_wait3A_92 = tpu.memref_slice %arg12[%dma_wait3A_90, %dma_wait3A_91] : memref<10240x128xf32, #tpu.memory_space<vmem_shared>> -> memref<10240x128xf32, #tpu.memory_space<vmem_shared>>
        tpu.wait_indirect_dma semaphore(%run_scoped3A : memref<!tpu.dma_semaphore, #tpu.memory_space<semaphore_mem>>) src(%arg8 : memref<128x128xf32, #tpu.memory_space<vmem>>) dst(%dma_wait3A_92 : memref<10240x128xf32, #tpu.memory_space<vmem_shared>>)
        tpu.yield
      }) : () -> ()
      %add3A_66 = arith.constant 1 : i32
      %add3A_67 = arith.addi %mul3A_52, %add3A_66 : i32
      %dma_wait3A_68 = arith.constant 0 : i32
      %dma_wait3A_69 = tpu.memref_slice %arg6[%add3A_67, %dma_wait3A_68] : memref<40x128xi32, #tpu.memory_space<vmem>> -> memref<1x128xi32, #tpu.memory_space<vmem>>
      %dma_wait3A_70 = tpu.memref_squeeze %dma_wait3A_69 : memref<1x128xi32, #tpu.memory_space<vmem>> -> memref<128xi32, #tpu.memory_space<vmem>>
      %dma_wait3A_71 = arith.constant 0 : i32
      %dma_wait3A_72 = arith.constant 0 : i32
      %dma_wait3A_73 = tpu.memref_slice %arg2[%dma_wait3A_71, %dma_wait3A_72] : memref<10000x128xf32, #tpu.memory_space<hbm>> -> memref<10000x128xf32, #tpu.memory_space<hbm>>
      tpu.wait_indirect_dma semaphore(%arg11 : memref<!tpu.dma_semaphore, #tpu.memory_space<semaphore_mem>>) src(%dma_wait3A_73 : memref<10000x128xf32, #tpu.memory_space<hbm>>) dst(%arg9 : memref<128x128xf32, #tpu.memory_space<vmem>>)
      %add3A_74 = arith.constant 2 : i32
      %add3A_75 = arith.addi %mul3A_52, %add3A_74 : i32
      %lt3A = arith.constant 40 : i32
      %lt3A_76 = arith.cmpi slt, %add3A_75, %lt3A : i32
      %convert_element_type3A = arith.extui %lt3A_76 : i1 to i32
      %cond3A = arith.constant 0 : i32
      %cond3A_77 = arith.cmpi ne, %convert_element_type3A, %cond3A : i32
      scf.if %cond3A_77 {
        %add3A_81 = arith.constant 2 : i32
        %add3A_82 = arith.addi %mul3A_52, %add3A_81 : i32
        %dma_start3A_83 = arith.constant 0 : i32
        %dma_start3A_84 = tpu.memref_slice %arg6[%add3A_82, %dma_start3A_83] : memref<40x128xi32, #tpu.memory_space<vmem>> -> memref<1x128xi32, #tpu.memory_space<vmem>>
        %dma_start3A_85 = tpu.memref_squeeze %dma_start3A_84 : memref<1x128xi32, #tpu.memory_space<vmem>> -> memref<128xi32, #tpu.memory_space<vmem>>
        %dma_start3A_86 = arith.constant 0 : i32
        %dma_start3A_87 = arith.constant 0 : i32
        %dma_start3A_88 = tpu.memref_slice %arg2[%dma_start3A_86, %dma_start3A_87] : memref<10000x128xf32, #tpu.memory_space<hbm>> -> memref<10000x128xf32, #tpu.memory_space<hbm>>
        tpu.enqueue_indirect_dma source(%dma_start3A_88 : memref<10000x128xf32, #tpu.memory_space<hbm>>) target(%arg8 : memref<128x128xf32, #tpu.memory_space<vmem>>) offsets(%dma_start3A_85 : memref<128xi32, #tpu.memory_space<vmem>>) semaphore(%arg10 : memref<!tpu.dma_semaphore, #tpu.memory_space<semaphore_mem>>)
      } else {
      }
      %add3A_78 = arith.constant 1 : i32
      %add3A_79 = arith.addi %mul3A_52, %add3A_78 : i32
      "tpu.region"() ({
        %run_scoped3A = tpu.sem_alloc : memref<!tpu.dma_semaphore, #tpu.memory_space<semaphore_mem>>
        %dma_start3A_81 = arith.constant 0 : i32
        %dma_start3A_82 = tpu.memref_slice %arg7[%add3A_79, %dma_start3A_81] : memref<40x128xi32, #tpu.memory_space<vmem>> -> memref<1x128xi32, #tpu.memory_space<vmem>>
        %dma_start3A_83 = tpu.memref_squeeze %dma_start3A_82 : memref<1x128xi32, #tpu.memory_space<vmem>> -> memref<128xi32, #tpu.memory_space<vmem>>
        %dma_start3A_84 = arith.constant 0 : i32
        %dma_start3A_85 = arith.constant 0 : i32
        %dma_start3A_86 = tpu.memref_slice %arg12[%dma_start3A_84, %dma_start3A_85] : memref<10240x128xf32, #tpu.memory_space<vmem_shared>> -> memref<10240x128xf32, #tpu.memory_space<vmem_shared>>
        tpu.enqueue_indirect_dma source(%arg9 : memref<128x128xf32, #tpu.memory_space<vmem>>) target(%dma_start3A_86 : memref<10240x128xf32, #tpu.memory_space<vmem_shared>>) offsets(%dma_start3A_83 : memref<128xi32, #tpu.memory_space<vmem>>) semaphore(%run_scoped3A : memref<!tpu.dma_semaphore, #tpu.memory_space<semaphore_mem>>) {add = true}
        %dma_wait3A_87 = arith.constant 0 : i32
        %dma_wait3A_88 = tpu.memref_slice %arg7[%add3A_79, %dma_wait3A_87] : memref<40x128xi32, #tpu.memory_space<vmem>> -> memref<1x128xi32, #tpu.memory_space<vmem>>
        %dma_wait3A_89 = tpu.memref_squeeze %dma_wait3A_88 : memref<1x128xi32, #tpu.memory_space<vmem>> -> memref<128xi32, #tpu.memory_space<vmem>>
        %dma_wait3A_90 = arith.constant 0 : i32
        %dma_wait3A_91 = arith.constant 0 : i32
        %dma_wait3A_92 = tpu.memref_slice %arg12[%dma_wait3A_90, %dma_wait3A_91] : memref<10240x128xf32, #tpu.memory_space<vmem_shared>> -> memref<10240x128xf32, #tpu.memory_space<vmem_shared>>
        tpu.wait_indirect_dma semaphore(%run_scoped3A : memref<!tpu.dma_semaphore, #tpu.memory_space<semaphore_mem>>) src(%arg9 : memref<128x128xf32, #tpu.memory_space<vmem>>) dst(%dma_wait3A_92 : memref<10240x128xf32, #tpu.memory_space<vmem_shared>>)
        tpu.yield
      }) : () -> ()
      %scan3A_80 = arith.constant 0 : i32
      scf.yield %scan3A_80 : i32
    }
    %scan3A_26 = arith.constant 20 : i32
    "tpu.region"() ({
      %run_scoped3A = tpu.sem_alloc : memref<!tpu.dma_semaphore, #tpu.memory_space<semaphore_mem>>
      %dma_start3A_49 = arith.constant 0 : i32
      %dma_start3A_50 = arith.constant 0 : i32
      %dma_start3A_51 = tpu.memref_slice %arg3[%add3A, %dma_start3A_49, %dma_start3A_50] : memref<32x80x128xi32, #tpu.memory_space<hbm>> -> memref<1x80x128xi32, #tpu.memory_space<hbm>>
      %dma_start3A_52 = tpu.memref_squeeze %dma_start3A_51 : memref<1x80x128xi32, #tpu.memory_space<hbm>> -> memref<80x128xi32, #tpu.memory_space<hbm>>
      %dma_start3A_53 = arith.constant 40 : i32
      %dma_start3A_54 = arith.constant 0 : i32
      %dma_start3A_55 = tpu.memref_slice %dma_start3A_52[%dma_start3A_53, %dma_start3A_54] : memref<80x128xi32, #tpu.memory_space<hbm>> -> memref<40x128xi32, #tpu.memory_space<hbm>>
      %dma_start3A_56 = arith.constant 0 : i32
      %dma_start3A_57 = arith.constant 0 : i32
      %dma_start3A_58 = tpu.memref_slice %arg3[%add3A, %dma_start3A_56, %dma_start3A_57] : memref<32x80x128xi32, #tpu.memory_space<hbm>> -> memref<1x80x128xi32, #tpu.memory_space<hbm>>
      %dma_start3A_59 = tpu.memref_squeeze %dma_start3A_58 : memref<1x80x128xi32, #tpu.memory_space<hbm>> -> memref<80x128xi32, #tpu.memory_space<hbm>>
      %dma_start3A_60 = arith.constant 40 : i32
      %dma_start3A_61 = arith.constant 0 : i32
      %dma_start3A_62 = tpu.memref_slice %dma_start3A_59[%dma_start3A_60, %dma_start3A_61] : memref<80x128xi32, #tpu.memory_space<hbm>> -> memref<40x128xi32, #tpu.memory_space<hbm>>
      tpu.enqueue_dma source(%dma_start3A_62 : memref<40x128xi32, #tpu.memory_space<hbm>>) target(%arg6 : memref<40x128xi32, #tpu.memory_space<vmem>>) target_semaphore(%run_scoped3A : memref<!tpu.dma_semaphore, #tpu.memory_space<semaphore_mem>>)
      %dma_wait3A = arith.constant 0 : i32
      %dma_wait3A_63 = arith.constant 0 : i32
      %dma_wait3A_64 = tpu.memref_slice %arg3[%add3A, %dma_wait3A, %dma_wait3A_63] : memref<32x80x128xi32, #tpu.memory_space<hbm>> -> memref<1x80x128xi32, #tpu.memory_space<hbm>>
      %dma_wait3A_65 = tpu.memref_squeeze %dma_wait3A_64 : memref<1x80x128xi32, #tpu.memory_space<hbm>> -> memref<80x128xi32, #tpu.memory_space<hbm>>
      %dma_wait3A_66 = arith.constant 40 : i32
      %dma_wait3A_67 = arith.constant 0 : i32
      %dma_wait3A_68 = tpu.memref_slice %dma_wait3A_65[%dma_wait3A_66, %dma_wait3A_67] : memref<80x128xi32, #tpu.memory_space<hbm>> -> memref<40x128xi32, #tpu.memory_space<hbm>>
      %dma_wait3A_69 = arith.constant 0 : i32
      %dma_wait3A_70 = arith.constant 0 : i32
      %dma_wait3A_71 = tpu.memref_slice %arg3[%add3A, %dma_wait3A_69, %dma_wait3A_70] : memref<32x80x128xi32, #tpu.memory_space<hbm>> -> memref<1x80x128xi32, #tpu.memory_space<hbm>>
      %dma_wait3A_72 = tpu.memref_squeeze %dma_wait3A_71 : memref<1x80x128xi32, #tpu.memory_space<hbm>> -> memref<80x128xi32, #tpu.memory_space<hbm>>
      %dma_wait3A_73 = arith.constant 40 : i32
      %dma_wait3A_74 = arith.constant 0 : i32
      %dma_wait3A_75 = tpu.memref_slice %dma_wait3A_72[%dma_wait3A_73, %dma_wait3A_74] : memref<80x128xi32, #tpu.memory_space<hbm>> -> memref<40x128xi32, #tpu.memory_space<hbm>>
      tpu.wait_dma2 semaphore(%run_scoped3A : memref<!tpu.dma_semaphore, #tpu.memory_space<semaphore_mem>>) src(%dma_wait3A_75 : memref<40x128xi32, #tpu.memory_space<hbm>>) dst(%arg6 : memref<40x128xi32, #tpu.memory_space<vmem>>)
      tpu.yield
    }) : () -> ()
    "tpu.region"() ({
      %run_scoped3A = tpu.sem_alloc : memref<!tpu.dma_semaphore, #tpu.memory_space<semaphore_mem>>
      %dma_start3A_49 = arith.constant 0 : i32
      %dma_start3A_50 = arith.constant 0 : i32
      %dma_start3A_51 = tpu.memref_slice %arg4[%add3A, %dma_start3A_49, %dma_start3A_50] : memref<32x80x128xi32, #tpu.memory_space<hbm>> -> memref<1x80x128xi32, #tpu.memory_space<hbm>>
      %dma_start3A_52 = tpu.memref_squeeze %dma_start3A_51 : memref<1x80x128xi32, #tpu.memory_space<hbm>> -> memref<80x128xi32, #tpu.memory_space<hbm>>
      %dma_start3A_53 = arith.constant 40 : i32
      %dma_start3A_54 = arith.constant 0 : i32
      %dma_start3A_55 = tpu.memref_slice %dma_start3A_52[%dma_start3A_53, %dma_start3A_54] : memref<80x128xi32, #tpu.memory_space<hbm>> -> memref<40x128xi32, #tpu.memory_space<hbm>>
      %dma_start3A_56 = arith.constant 0 : i32
      %dma_start3A_57 = arith.constant 0 : i32
      %dma_start3A_58 = tpu.memref_slice %arg4[%add3A, %dma_start3A_56, %dma_start3A_57] : memref<32x80x128xi32, #tpu.memory_space<hbm>> -> memref<1x80x128xi32, #tpu.memory_space<hbm>>
      %dma_start3A_59 = tpu.memref_squeeze %dma_start3A_58 : memref<1x80x128xi32, #tpu.memory_space<hbm>> -> memref<80x128xi32, #tpu.memory_space<hbm>>
      %dma_start3A_60 = arith.constant 40 : i32
      %dma_start3A_61 = arith.constant 0 : i32
      %dma_start3A_62 = tpu.memref_slice %dma_start3A_59[%dma_start3A_60, %dma_start3A_61] : memref<80x128xi32, #tpu.memory_space<hbm>> -> memref<40x128xi32, #tpu.memory_space<hbm>>
      tpu.enqueue_dma source(%dma_start3A_62 : memref<40x128xi32, #tpu.memory_space<hbm>>) target(%arg7 : memref<40x128xi32, #tpu.memory_space<vmem>>) target_semaphore(%run_scoped3A : memref<!tpu.dma_semaphore, #tpu.memory_space<semaphore_mem>>)
      %dma_wait3A = arith.constant 0 : i32
      %dma_wait3A_63 = arith.constant 0 : i32
      %dma_wait3A_64 = tpu.memref_slice %arg4[%add3A, %dma_wait3A, %dma_wait3A_63] : memref<32x80x128xi32, #tpu.memory_space<hbm>> -> memref<1x80x128xi32, #tpu.memory_space<hbm>>
      %dma_wait3A_65 = tpu.memref_squeeze %dma_wait3A_64 : memref<1x80x128xi32, #tpu.memory_space<hbm>> -> memref<80x128xi32, #tpu.memory_space<hbm>>
      %dma_wait3A_66 = arith.constant 40 : i32
      %dma_wait3A_67 = arith.constant 0 : i32
      %dma_wait3A_68 = tpu.memref_slice %dma_wait3A_65[%dma_wait3A_66, %dma_wait3A_67] : memref<80x128xi32, #tpu.memory_space<hbm>> -> memref<40x128xi32, #tpu.memory_space<hbm>>
      %dma_wait3A_69 = arith.constant 0 : i32
      %dma_wait3A_70 = arith.constant 0 : i32
      %dma_wait3A_71 = tpu.memref_slice %arg4[%add3A, %dma_wait3A_69, %dma_wait3A_70] : memref<32x80x128xi32, #tpu.memory_space<hbm>> -> memref<1x80x128xi32, #tpu.memory_space<hbm>>
      %dma_wait3A_72 = tpu.memref_squeeze %dma_wait3A_71 : memref<1x80x128xi32, #tpu.memory_space<hbm>> -> memref<80x128xi32, #tpu.memory_space<hbm>>
      %dma_wait3A_73 = arith.constant 40 : i32
      %dma_wait3A_74 = arith.constant 0 : i32
      %dma_wait3A_75 = tpu.memref_slice %dma_wait3A_72[%dma_wait3A_73, %dma_wait3A_74] : memref<80x128xi32, #tpu.memory_space<hbm>> -> memref<40x128xi32, #tpu.memory_space<hbm>>
      tpu.wait_dma2 semaphore(%run_scoped3A : memref<!tpu.dma_semaphore, #tpu.memory_space<semaphore_mem>>) src(%dma_wait3A_75 : memref<40x128xi32, #tpu.memory_space<hbm>>) dst(%arg7 : memref<40x128xi32, #tpu.memory_space<vmem>>)
      tpu.yield
    }) : () -> ()
    %dma_start3A_27 = arith.constant 0 : i32
    %dma_start3A_28 = arith.constant 0 : i32
    %dma_start3A_29 = tpu.memref_slice %arg6[%dma_start3A_27, %dma_start3A_28] : memref<40x128xi32, #tpu.memory_space<vmem>> -> memref<1x128xi32, #tpu.memory_space<vmem>>
    %dma_start3A_30 = tpu.memref_squeeze %dma_start3A_29 : memref<1x128xi32, #tpu.memory_space<vmem>> -> memref<128xi32, #tpu.memory_space<vmem>>
    %dma_start3A_31 = arith.constant 0 : i32
    %dma_start3A_32 = arith.constant 0 : i32
    %dma_start3A_33 = tpu.memref_slice %arg2[%dma_start3A_31, %dma_start3A_32] : memref<10000x128xf32, #tpu.memory_space<hbm>> -> memref<10000x128xf32, #tpu.memory_space<hbm>>
    tpu.enqueue_indirect_dma source(%dma_start3A_33 : memref<10000x128xf32, #tpu.memory_space<hbm>>) target(%arg8 : memref<128x128xf32, #tpu.memory_space<vmem>>) offsets(%dma_start3A_30 : memref<128xi32, #tpu.memory_space<vmem>>) semaphore(%arg10 : memref<!tpu.dma_semaphore, #tpu.memory_space<semaphore_mem>>)
    %scan3A_34 = arith.constant 0 : i32
    %scan3A_35 = arith.constant 0 : i32
    %scan3A_36 = arith.constant 20 : i32
    %scan3A_37 = arith.addi %scan3A_35, %scan3A_36 : i32
    %scan3A_38 = arith.constant 1 : i32
    %scan3A_39 = scf.for %scan3A_49 = %scan3A_35 to %scan3A_37 step %scan3A_38 iter_args(%scan3A_50 = %scan3A_34) -> (i32)  : i32 {
      %mul3A_51 = arith.constant 2 : i32
      %mul3A_52 = arith.muli %mul3A_51, %scan3A_49 : i32
      %dma_wait3A = arith.constant 0 : i32
      %dma_wait3A_53 = tpu.memref_slice %arg6[%mul3A_52, %dma_wait3A] : memref<40x128xi32, #tpu.memory_space<vmem>> -> memref<1x128xi32, #tpu.memory_space<vmem>>
      %dma_wait3A_54 = tpu.memref_squeeze %dma_wait3A_53 : memref<1x128xi32, #tpu.memory_space<vmem>> -> memref<128xi32, #tpu.memory_space<vmem>>
      %dma_wait3A_55 = arith.constant 0 : i32
      %dma_wait3A_56 = arith.constant 0 : i32
      %dma_wait3A_57 = tpu.memref_slice %arg2[%dma_wait3A_55, %dma_wait3A_56] : memref<10000x128xf32, #tpu.memory_space<hbm>> -> memref<10000x128xf32, #tpu.memory_space<hbm>>
      tpu.wait_indirect_dma semaphore(%arg10 : memref<!tpu.dma_semaphore, #tpu.memory_space<semaphore_mem>>) src(%dma_wait3A_57 : memref<10000x128xf32, #tpu.memory_space<hbm>>) dst(%arg8 : memref<128x128xf32, #tpu.memory_space<vmem>>)
      %add3A_58 = arith.constant 1 : i32
      %add3A_59 = arith.addi %mul3A_52, %add3A_58 : i32
      %dma_start3A_60 = arith.constant 0 : i32
      %dma_start3A_61 = tpu.memref_slice %arg6[%add3A_59, %dma_start3A_60] : memref<40x128xi32, #tpu.memory_space<vmem>> -> memref<1x128xi32, #tpu.memory_space<vmem>>
      %dma_start3A_62 = tpu.memref_squeeze %dma_start3A_61 : memref<1x128xi32, #tpu.memory_space<vmem>> -> memref<128xi32, #tpu.memory_space<vmem>>
      %dma_start3A_63 = arith.constant 0 : i32
      %dma_start3A_64 = arith.constant 0 : i32
      %dma_start3A_65 = tpu.memref_slice %arg2[%dma_start3A_63, %dma_start3A_64] : memref<10000x128xf32, #tpu.memory_space<hbm>> -> memref<10000x128xf32, #tpu.memory_space<hbm>>
      tpu.enqueue_indirect_dma source(%dma_start3A_65 : memref<10000x128xf32, #tpu.memory_space<hbm>>) target(%arg9 : memref<128x128xf32, #tpu.memory_space<vmem>>) offsets(%dma_start3A_62 : memref<128xi32, #tpu.memory_space<vmem>>) semaphore(%arg11 : memref<!tpu.dma_semaphore, #tpu.memory_space<semaphore_mem>>)
      "tpu.region"() ({
        %run_scoped3A = tpu.sem_alloc : memref<!tpu.dma_semaphore, #tpu.memory_space<semaphore_mem>>
        %dma_start3A_81 = arith.constant 0 : i32
        %dma_start3A_82 = tpu.memref_slice %arg7[%mul3A_52, %dma_start3A_81] : memref<40x128xi32, #tpu.memory_space<vmem>> -> memref<1x128xi32, #tpu.memory_space<vmem>>
        %dma_start3A_83 = tpu.memref_squeeze %dma_start3A_82 : memref<1x128xi32, #tpu.memory_space<vmem>> -> memref<128xi32, #tpu.memory_space<vmem>>
        %dma_start3A_84 = arith.constant 0 : i32
        %dma_start3A_85 = arith.constant 0 : i32
        %dma_start3A_86 = tpu.memref_slice %arg12[%dma_start3A_84, %dma_start3A_85] : memref<10240x128xf32, #tpu.memory_space<vmem_shared>> -> memref<10240x128xf32, #tpu.memory_space<vmem_shared>>
        tpu.enqueue_indirect_dma source(%arg8 : memref<128x128xf32, #tpu.memory_space<vmem>>) target(%dma_start3A_86 : memref<10240x128xf32, #tpu.memory_space<vmem_shared>>) offsets(%dma_start3A_83 : memref<128xi32, #tpu.memory_space<vmem>>) semaphore(%run_scoped3A : memref<!tpu.dma_semaphore, #tpu.memory_space<semaphore_mem>>) {add = true}
        %dma_wait3A_87 = arith.constant 0 : i32
        %dma_wait3A_88 = tpu.memref_slice %arg7[%mul3A_52, %dma_wait3A_87] : memref<40x128xi32, #tpu.memory_space<vmem>> -> memref<1x128xi32, #tpu.memory_space<vmem>>
        %dma_wait3A_89 = tpu.memref_squeeze %dma_wait3A_88 : memref<1x128xi32, #tpu.memory_space<vmem>> -> memref<128xi32, #tpu.memory_space<vmem>>
        %dma_wait3A_90 = arith.constant 0 : i32
        %dma_wait3A_91 = arith.constant 0 : i32
        %dma_wait3A_92 = tpu.memref_slice %arg12[%dma_wait3A_90, %dma_wait3A_91] : memref<10240x128xf32, #tpu.memory_space<vmem_shared>> -> memref<10240x128xf32, #tpu.memory_space<vmem_shared>>
        tpu.wait_indirect_dma semaphore(%run_scoped3A : memref<!tpu.dma_semaphore, #tpu.memory_space<semaphore_mem>>) src(%arg8 : memref<128x128xf32, #tpu.memory_space<vmem>>) dst(%dma_wait3A_92 : memref<10240x128xf32, #tpu.memory_space<vmem_shared>>)
        tpu.yield
      }) : () -> ()
      %add3A_66 = arith.constant 1 : i32
      %add3A_67 = arith.addi %mul3A_52, %add3A_66 : i32
      %dma_wait3A_68 = arith.constant 0 : i32
      %dma_wait3A_69 = tpu.memref_slice %arg6[%add3A_67, %dma_wait3A_68] : memref<40x128xi32, #tpu.memory_space<vmem>> -> memref<1x128xi32, #tpu.memory_space<vmem>>
      %dma_wait3A_70 = tpu.memref_squeeze %dma_wait3A_69 : memref<1x128xi32, #tpu.memory_space<vmem>> -> memref<128xi32, #tpu.memory_space<vmem>>
      %dma_wait3A_71 = arith.constant 0 : i32
      %dma_wait3A_72 = arith.constant 0 : i32
      %dma_wait3A_73 = tpu.memref_slice %arg2[%dma_wait3A_71, %dma_wait3A_72] : memref<10000x128xf32, #tpu.memory_space<hbm>> -> memref<10000x128xf32, #tpu.memory_space<hbm>>
      tpu.wait_indirect_dma semaphore(%arg11 : memref<!tpu.dma_semaphore, #tpu.memory_space<semaphore_mem>>) src(%dma_wait3A_73 : memref<10000x128xf32, #tpu.memory_space<hbm>>) dst(%arg9 : memref<128x128xf32, #tpu.memory_space<vmem>>)
      %add3A_74 = arith.constant 2 : i32
      %add3A_75 = arith.addi %mul3A_52, %add3A_74 : i32
      %lt3A = arith.constant 40 : i32
      %lt3A_76 = arith.cmpi slt, %add3A_75, %lt3A : i32
      %convert_element_type3A = arith.extui %lt3A_76 : i1 to i32
      %cond3A = arith.constant 0 : i32
      %cond3A_77 = arith.cmpi ne, %convert_element_type3A, %cond3A : i32
      scf.if %cond3A_77 {
        %add3A_81 = arith.constant 2 : i32
        %add3A_82 = arith.addi %mul3A_52, %add3A_81 : i32
        %dma_start3A_83 = arith.constant 0 : i32
        %dma_start3A_84 = tpu.memref_slice %arg6[%add3A_82, %dma_start3A_83] : memref<40x128xi32, #tpu.memory_space<vmem>> -> memref<1x128xi32, #tpu.memory_space<vmem>>
        %dma_start3A_85 = tpu.memref_squeeze %dma_start3A_84 : memref<1x128xi32, #tpu.memory_space<vmem>> -> memref<128xi32, #tpu.memory_space<vmem>>
        %dma_start3A_86 = arith.constant 0 : i32
        %dma_start3A_87 = arith.constant 0 : i32
        %dma_start3A_88 = tpu.memref_slice %arg2[%dma_start3A_86, %dma_start3A_87] : memref<10000x128xf32, #tpu.memory_space<hbm>> -> memref<10000x128xf32, #tpu.memory_space<hbm>>
        tpu.enqueue_indirect_dma source(%dma_start3A_88 : memref<10000x128xf32, #tpu.memory_space<hbm>>) target(%arg8 : memref<128x128xf32, #tpu.memory_space<vmem>>) offsets(%dma_start3A_85 : memref<128xi32, #tpu.memory_space<vmem>>) semaphore(%arg10 : memref<!tpu.dma_semaphore, #tpu.memory_space<semaphore_mem>>)
      } else {
      }
      %add3A_78 = arith.constant 1 : i32
      %add3A_79 = arith.addi %mul3A_52, %add3A_78 : i32
      "tpu.region"() ({
        %run_scoped3A = tpu.sem_alloc : memref<!tpu.dma_semaphore, #tpu.memory_space<semaphore_mem>>
        %dma_start3A_81 = arith.constant 0 : i32
        %dma_start3A_82 = tpu.memref_slice %arg7[%add3A_79, %dma_start3A_81] : memref<40x128xi32, #tpu.memory_space<vmem>> -> memref<1x128xi32, #tpu.memory_space<vmem>>
        %dma_start3A_83 = tpu.memref_squeeze %dma_start3A_82 : memref<1x128xi32, #tpu.memory_space<vmem>> -> memref<128xi32, #tpu.memory_space<vmem>>
        %dma_start3A_84 = arith.constant 0 : i32
        %dma_start3A_85 = arith.constant 0 : i32
        %dma_start3A_86 = tpu.memref_slice %arg12[%dma_start3A_84, %dma_start3A_85] : memref<10240x128xf32, #tpu.memory_space<vmem_shared>> -> memref<10240x128xf32, #tpu.memory_space<vmem_shared>>
        tpu.enqueue_indirect_dma source(%arg9 : memref<128x128xf32, #tpu.memory_space<vmem>>) target(%dma_start3A_86 : memref<10240x128xf32, #tpu.memory_space<vmem_shared>>) offsets(%dma_start3A_83 : memref<128xi32, #tpu.memory_space<vmem>>) semaphore(%run_scoped3A : memref<!tpu.dma_semaphore, #tpu.memory_space<semaphore_mem>>) {add = true}
        %dma_wait3A_87 = arith.constant 0 : i32
        %dma_wait3A_88 = tpu.memref_slice %arg7[%add3A_79, %dma_wait3A_87] : memref<40x128xi32, #tpu.memory_space<vmem>> -> memref<1x128xi32, #tpu.memory_space<vmem>>
        %dma_wait3A_89 = tpu.memref_squeeze %dma_wait3A_88 : memref<1x128xi32, #tpu.memory_space<vmem>> -> memref<128xi32, #tpu.memory_space<vmem>>
        %dma_wait3A_90 = arith.constant 0 : i32
        %dma_wait3A_91 = arith.constant 0 : i32
        %dma_wait3A_92 = tpu.memref_slice %arg12[%dma_wait3A_90, %dma_wait3A_91] : memref<10240x128xf32, #tpu.memory_space<vmem_shared>> -> memref<10240x128xf32, #tpu.memory_space<vmem_shared>>
        tpu.wait_indirect_dma semaphore(%run_scoped3A : memref<!tpu.dma_semaphore, #tpu.memory_space<semaphore_mem>>) src(%arg9 : memref<128x128xf32, #tpu.memory_space<vmem>>) dst(%dma_wait3A_92 : memref<10240x128xf32, #tpu.memory_space<vmem_shared>>)
        tpu.yield
      }) : () -> ()
      %scan3A_80 = arith.constant 0 : i32
      scf.yield %scan3A_80 : i32
    }
    %scan3A_40 = arith.constant 20 : i32
    %barrier3A_41 = arith.constant 0 : index
    tpu.barrier barrier_id(%barrier3A_41)
    %scan3A_42 = arith.constant 0 : i32
    %scan3A_43 = arith.constant 0 : i32
    %scan3A_44 = arith.constant 5 : i32
    %scan3A_45 = arith.addi %scan3A_43, %scan3A_44 : i32
    %scan3A_46 = arith.constant 1 : i32
    %scan3A_47 = scf.for %scan3A_49 = %scan3A_43 to %scan3A_45 step %scan3A_46 iter_args(%scan3A_50 = %scan3A_42) -> (i32)  : i32 {
      %mul3A_51 = arith.constant 640 : i32
      %mul3A_52 = arith.muli %arg1, %mul3A_51 : i32
      %mul3A_53 = arith.constant 128 : i32
      %mul3A_54 = arith.muli %scan3A_49, %mul3A_53 : i32
      %add3A_55 = arith.addi %mul3A_52, %mul3A_54 : i32
      "tpu.region"() ({
        %run_scoped3A = tpu.sem_alloc : memref<!tpu.dma_semaphore, #tpu.memory_space<semaphore_mem>>
        %dma_start3A_57 = arith.constant 0 : i32
        %dma_start3A_58 = arith.constant 0 : i32
        %dma_start3A_59 = tpu.memref_slice %arg5[%arg0, %dma_start3A_57, %dma_start3A_58] : memref<2x10240x128xf32, #tpu.memory_space<hbm>> -> memref<1x10240x128xf32, #tpu.memory_space<hbm>>
        %dma_start3A_60 = tpu.memref_squeeze %dma_start3A_59 : memref<1x10240x128xf32, #tpu.memory_space<hbm>> -> memref<10240x128xf32, #tpu.memory_space<hbm>>
        %dma_start3A_61 = arith.constant 0 : i32
        %dma_start3A_62 = tpu.memref_slice %dma_start3A_60[%add3A_55, %dma_start3A_61] : memref<10240x128xf32, #tpu.memory_space<hbm>> -> memref<128x128xf32, #tpu.memory_space<hbm>>
        %dma_start3A_63 = arith.constant 0 : i32
        %dma_start3A_64 = tpu.memref_slice %arg12[%add3A_55, %dma_start3A_63] : memref<10240x128xf32, #tpu.memory_space<vmem_shared>> -> memref<128x128xf32, #tpu.memory_space<vmem_shared>>
        tpu.enqueue_dma source(%dma_start3A_64 : memref<128x128xf32, #tpu.memory_space<vmem_shared>>) target(%dma_start3A_62 : memref<128x128xf32, #tpu.memory_space<hbm>>) target_semaphore(%run_scoped3A : memref<!tpu.dma_semaphore, #tpu.memory_space<semaphore_mem>>)
        %dma_wait3A = arith.constant 0 : i32
        %dma_wait3A_65 = arith.constant 0 : i32
        %dma_wait3A_66 = tpu.memref_slice %arg5[%arg0, %dma_wait3A, %dma_wait3A_65] : memref<2x10240x128xf32, #tpu.memory_space<hbm>> -> memref<1x10240x128xf32, #tpu.memory_space<hbm>>
        %dma_wait3A_67 = tpu.memref_squeeze %dma_wait3A_66 : memref<1x10240x128xf32, #tpu.memory_space<hbm>> -> memref<10240x128xf32, #tpu.memory_space<hbm>>
        %dma_wait3A_68 = arith.constant 0 : i32
        %dma_wait3A_69 = tpu.memref_slice %dma_wait3A_67[%add3A_55, %dma_wait3A_68] : memref<10240x128xf32, #tpu.memory_space<hbm>> -> memref<128x128xf32, #tpu.memory_space<hbm>>
        %dma_wait3A_70 = arith.constant 0 : i32
        %dma_wait3A_71 = tpu.memref_slice %arg12[%add3A_55, %dma_wait3A_70] : memref<10240x128xf32, #tpu.memory_space<vmem_shared>> -> memref<128x128xf32, #tpu.memory_space<vmem_shared>>
        tpu.wait_dma2 semaphore(%run_scoped3A : memref<!tpu.dma_semaphore, #tpu.memory_space<semaphore_mem>>) src(%dma_wait3A_71 : memref<128x128xf32, #tpu.memory_space<vmem_shared>>) dst(%dma_wait3A_69 : memref<128x128xf32, #tpu.memory_space<hbm>>)
        tpu.yield
      }) : () -> ()
      %scan3A_56 = arith.constant 0 : i32
      scf.yield %scan3A_56 : i32
    }
    %scan3A_48 = arith.constant 5 : i32
    return
  }
}

#map = affine_map<(d0, d1) -> (0, 0)>
#map1 = affine_map<(d0, d1) -> (0, 0, 0)>
module attributes {stable_mosaic.version = 14 : i64} {
  func.func @_sc_agg_kernel(%arg0: i32, %arg1: i32, %arg2: memref<10000x128xf32, #tpu.memory_space<hbm>>, %arg3: memref<32x80x128xi32, #tpu.memory_space<hbm>>, %arg4: memref<32x80x128xi32, #tpu.memory_space<hbm>>, %arg5: memref<2x10240x128xf32, #tpu.memory_space<hbm>>, %arg6: memref<40x128xi32, #tpu.memory_space<vmem>>, %arg7: memref<40x128xi32, #tpu.memory_space<vmem>>, %arg8: memref<128x128xf32, #tpu.memory_space<vmem>>, %arg9: memref<128x128xf32, #tpu.memory_space<vmem>>, %arg10: memref<!tpu.dma_semaphore, #tpu.memory_space<semaphore_mem>>, %arg11: memref<!tpu.dma_semaphore, #tpu.memory_space<semaphore_mem>>, %arg12: memref<10240x128xf32, #tpu.memory_space<vmem_shared>>) attributes {dimension_semantics = [#tpu.dimension_semantics<core_parallel>, #tpu.dimension_semantics<subcore_parallel>], iteration_bounds = array<i64: 2, 16>, scalar_prefetch = 0 : i64, scratch_operands = 7 : i64, tpu.core_type = #tpu.core_type<sc_vector_subcore>, window_params = [{transform_indices = #map}, {transform_indices = #map1}, {transform_indices = #map1}, {transform_indices = #map1}]} {
    %mul3A = arith.constant 16 : i32
    %mul3A_0 = arith.muli %arg0, %mul3A : i32
    %add3A = arith.addi %mul3A_0, %arg1 : i32
    %scan3A = arith.constant 0 : i32
    %scan3A_1 = arith.constant 0 : i32
    %scan3A_2 = arith.constant 128 : i32
    %scan3A_3 = arith.addi %scan3A_1, %scan3A_2 : i32
    %scan3A_4 = arith.constant 1 : i32
    %scan3A_5 = scf.for %scan3A_49 = %scan3A_1 to %scan3A_3 step %scan3A_4 iter_args(%scan3A_50 = %scan3A) -> (i32)  : i32 {
      %broadcast_in_dim3A = arith.constant 0.000000e+00 : f32
      %broadcast_in_dim3A_51 = vector.broadcast %broadcast_in_dim3A : f32 to vector<16xf32>
      %swap3A = arith.index_cast %scan3A_49 : i32 to index
      %swap3A_52 = arith.constant 0 : index
      %swap3A_53 = tpu.vector_load %arg8[%swap3A, %swap3A_52] {strides = array<i32>} : memref<128x128xf32, #tpu.memory_space<vmem>>, vector<1x16xf32>,
      %swap3A_54 = vector.shape_cast %swap3A_53 : vector<1x16xf32> to vector<16xf32>
      %swap3A_55 = vector.shape_cast %broadcast_in_dim3A_51 : vector<16xf32> to vector<1x16xf32>
      tpu.vector_store %arg8[%swap3A, %swap3A_52], %swap3A_55 {strides = array<i32>} : memref<128x128xf32, #tpu.memory_space<vmem>>, vector<1x16xf32>,
      %broadcast_in_dim3A_56 = arith.constant 0.000000e+00 : f32
      %broadcast_in_dim3A_57 = vector.broadcast %broadcast_in_dim3A_56 : f32 to vector<16xf32>
      %swap3A_58 = arith.index_cast %scan3A_49 : i32 to index
      %swap3A_59 = arith.constant 16 : index
      %swap3A_60 = tpu.vector_load %arg8[%swap3A_58, %swap3A_59] {strides = array<i32>} : memref<128x128xf32, #tpu.memory_space<vmem>>, vector<1x16xf32>,
      %swap3A_61 = vector.shape_cast %swap3A_60 : vector<1x16xf32> to vector<16xf32>
      %swap3A_62 = vector.shape_cast %broadcast_in_dim3A_57 : vector<16xf32> to vector<1x16xf32>
      tpu.vector_store %arg8[%swap3A_58, %swap3A_59], %swap3A_62 {strides = array<i32>} : memref<128x128xf32, #tpu.memory_space<vmem>>, vector<1x16xf32>,
      %broadcast_in_dim3A_63 = arith.constant 0.000000e+00 : f32
      %broadcast_in_dim3A_64 = vector.broadcast %broadcast_in_dim3A_63 : f32 to vector<16xf32>
      %swap3A_65 = arith.index_cast %scan3A_49 : i32 to index
      %swap3A_66 = arith.constant 32 : index
      %swap3A_67 = tpu.vector_load %arg8[%swap3A_65, %swap3A_66] {strides = array<i32>} : memref<128x128xf32, #tpu.memory_space<vmem>>, vector<1x16xf32>,
      %swap3A_68 = vector.shape_cast %swap3A_67 : vector<1x16xf32> to vector<16xf32>
      %swap3A_69 = vector.shape_cast %broadcast_in_dim3A_64 : vector<16xf32> to vector<1x16xf32>
      tpu.vector_store %arg8[%swap3A_65, %swap3A_66], %swap3A_69 {strides = array<i32>} : memref<128x128xf32, #tpu.memory_space<vmem>>, vector<1x16xf32>,
      %broadcast_in_dim3A_70 = arith.constant 0.000000e+00 : f32
      %broadcast_in_dim3A_71 = vector.broadcast %broadcast_in_dim3A_70 : f32 to vector<16xf32>
      %swap3A_72 = arith.index_cast %scan3A_49 : i32 to index
      %swap3A_73 = arith.constant 48 : index
      %swap3A_74 = tpu.vector_load %arg8[%swap3A_72, %swap3A_73] {strides = array<i32>} : memref<128x128xf32, #tpu.memory_space<vmem>>, vector<1x16xf32>,
      %swap3A_75 = vector.shape_cast %swap3A_74 : vector<1x16xf32> to vector<16xf32>
      %swap3A_76 = vector.shape_cast %broadcast_in_dim3A_71 : vector<16xf32> to vector<1x16xf32>
      tpu.vector_store %arg8[%swap3A_72, %swap3A_73], %swap3A_76 {strides = array<i32>} : memref<128x128xf32, #tpu.memory_space<vmem>>, vector<1x16xf32>,
      %broadcast_in_dim3A_77 = arith.constant 0.000000e+00 : f32
      %broadcast_in_dim3A_78 = vector.broadcast %broadcast_in_dim3A_77 : f32 to vector<16xf32>
      %swap3A_79 = arith.index_cast %scan3A_49 : i32 to index
      %swap3A_80 = arith.constant 64 : index
      %swap3A_81 = tpu.vector_load %arg8[%swap3A_79, %swap3A_80] {strides = array<i32>} : memref<128x128xf32, #tpu.memory_space<vmem>>, vector<1x16xf32>,
      %swap3A_82 = vector.shape_cast %swap3A_81 : vector<1x16xf32> to vector<16xf32>
      %swap3A_83 = vector.shape_cast %broadcast_in_dim3A_78 : vector<16xf32> to vector<1x16xf32>
      tpu.vector_store %arg8[%swap3A_79, %swap3A_80], %swap3A_83 {strides = array<i32>} : memref<128x128xf32, #tpu.memory_space<vmem>>, vector<1x16xf32>,
      %broadcast_in_dim3A_84 = arith.constant 0.000000e+00 : f32
      %broadcast_in_dim3A_85 = vector.broadcast %broadcast_in_dim3A_84 : f32 to vector<16xf32>
      %swap3A_86 = arith.index_cast %scan3A_49 : i32 to index
      %swap3A_87 = arith.constant 80 : index
      %swap3A_88 = tpu.vector_load %arg8[%swap3A_86, %swap3A_87] {strides = array<i32>} : memref<128x128xf32, #tpu.memory_space<vmem>>, vector<1x16xf32>,
      %swap3A_89 = vector.shape_cast %swap3A_88 : vector<1x16xf32> to vector<16xf32>
      %swap3A_90 = vector.shape_cast %broadcast_in_dim3A_85 : vector<16xf32> to vector<1x16xf32>
      tpu.vector_store %arg8[%swap3A_86, %swap3A_87], %swap3A_90 {strides = array<i32>} : memref<128x128xf32, #tpu.memory_space<vmem>>, vector<1x16xf32>,
      %broadcast_in_dim3A_91 = arith.constant 0.000000e+00 : f32
      %broadcast_in_dim3A_92 = vector.broadcast %broadcast_in_dim3A_91 : f32 to vector<16xf32>
      %swap3A_93 = arith.index_cast %scan3A_49 : i32 to index
      %swap3A_94 = arith.constant 96 : index
      %swap3A_95 = tpu.vector_load %arg8[%swap3A_93, %swap3A_94] {strides = array<i32>} : memref<128x128xf32, #tpu.memory_space<vmem>>, vector<1x16xf32>,
      %swap3A_96 = vector.shape_cast %swap3A_95 : vector<1x16xf32> to vector<16xf32>
      %swap3A_97 = vector.shape_cast %broadcast_in_dim3A_92 : vector<16xf32> to vector<1x16xf32>
      tpu.vector_store %arg8[%swap3A_93, %swap3A_94], %swap3A_97 {strides = array<i32>} : memref<128x128xf32, #tpu.memory_space<vmem>>, vector<1x16xf32>,
      %broadcast_in_dim3A_98 = arith.constant 0.000000e+00 : f32
      %broadcast_in_dim3A_99 = vector.broadcast %broadcast_in_dim3A_98 : f32 to vector<16xf32>
      %swap3A_100 = arith.index_cast %scan3A_49 : i32 to index
      %swap3A_101 = arith.constant 112 : index
      %swap3A_102 = tpu.vector_load %arg8[%swap3A_100, %swap3A_101] {strides = array<i32>} : memref<128x128xf32, #tpu.memory_space<vmem>>, vector<1x16xf32>,
      %swap3A_103 = vector.shape_cast %swap3A_102 : vector<1x16xf32> to vector<16xf32>
      %swap3A_104 = vector.shape_cast %broadcast_in_dim3A_99 : vector<16xf32> to vector<1x16xf32>
      tpu.vector_store %arg8[%swap3A_100, %swap3A_101], %swap3A_104 {strides = array<i32>} : memref<128x128xf32, #tpu.memory_space<vmem>>, vector<1x16xf32>,
      %scan3A_105 = arith.constant 0 : i32
      scf.yield %scan3A_105 : i32
    }
    %scan3A_6 = arith.constant 128 : i32
    %scan3A_7 = arith.constant 0 : i32
    %scan3A_8 = arith.constant 0 : i32
    %scan3A_9 = arith.constant 5 : i32
    %scan3A_10 = arith.addi %scan3A_8, %scan3A_9 : i32
    %scan3A_11 = arith.constant 1 : i32
    %scan3A_12 = scf.for %scan3A_49 = %scan3A_8 to %scan3A_10 step %scan3A_11 iter_args(%scan3A_50 = %scan3A_7) -> (i32)  : i32 {
      %mul3A_51 = arith.constant 640 : i32
      %mul3A_52 = arith.muli %arg1, %mul3A_51 : i32
      %mul3A_53 = arith.constant 128 : i32
      %mul3A_54 = arith.muli %scan3A_49, %mul3A_53 : i32
      %add3A_55 = arith.addi %mul3A_52, %mul3A_54 : i32
      "tpu.region"() ({
        %run_scoped3A = tpu.sem_alloc : memref<!tpu.dma_semaphore, #tpu.memory_space<semaphore_mem>>
        %dma_start3A_57 = arith.constant 0 : i32
        %dma_start3A_58 = tpu.memref_slice %arg12[%add3A_55, %dma_start3A_57] : memref<10240x128xf32, #tpu.memory_space<vmem_shared>> -> memref<128x128xf32, #tpu.memory_space<vmem_shared>>
        %dma_start3A_59 = arith.constant 0 : i32
        %dma_start3A_60 = tpu.memref_slice %arg12[%add3A_55, %dma_start3A_59] : memref<10240x128xf32, #tpu.memory_space<vmem_shared>> -> memref<128x128xf32, #tpu.memory_space<vmem_shared>>
        tpu.enqueue_dma source(%arg8 : memref<128x128xf32, #tpu.memory_space<vmem>>) target(%dma_start3A_60 : memref<128x128xf32, #tpu.memory_space<vmem_shared>>) target_semaphore(%run_scoped3A : memref<!tpu.dma_semaphore, #tpu.memory_space<semaphore_mem>>)
        %dma_wait3A = arith.constant 0 : i32
        %dma_wait3A_61 = tpu.memref_slice %arg12[%add3A_55, %dma_wait3A] : memref<10240x128xf32, #tpu.memory_space<vmem_shared>> -> memref<128x128xf32, #tpu.memory_space<vmem_shared>>
        %dma_wait3A_62 = arith.constant 0 : i32
        %dma_wait3A_63 = tpu.memref_slice %arg12[%add3A_55, %dma_wait3A_62] : memref<10240x128xf32, #tpu.memory_space<vmem_shared>> -> memref<128x128xf32, #tpu.memory_space<vmem_shared>>
        tpu.wait_dma2 semaphore(%run_scoped3A : memref<!tpu.dma_semaphore, #tpu.memory_space<semaphore_mem>>) src(%arg8 : memref<128x128xf32, #tpu.memory_space<vmem>>) dst(%dma_wait3A_63 : memref<128x128xf32, #tpu.memory_space<vmem_shared>>)
        tpu.yield
      }) : () -> ()
      %scan3A_56 = arith.constant 0 : i32
      scf.yield %scan3A_56 : i32
    }
    %scan3A_13 = arith.constant 5 : i32
    %barrier3A = arith.constant 0 : index
    tpu.barrier barrier_id(%barrier3A)
    "tpu.region"() ({
      %run_scoped3A = tpu.sem_alloc : memref<!tpu.dma_semaphore, #tpu.memory_space<semaphore_mem>>
      %dma_start3A_49 = arith.constant 0 : i32
      %dma_start3A_50 = arith.constant 0 : i32
      %dma_start3A_51 = tpu.memref_slice %arg3[%add3A, %dma_start3A_49, %dma_start3A_50] : memref<32x80x128xi32, #tpu.memory_space<hbm>> -> memref<1x80x128xi32, #tpu.memory_space<hbm>>
      %dma_start3A_52 = tpu.memref_squeeze %dma_start3A_51 : memref<1x80x128xi32, #tpu.memory_space<hbm>> -> memref<80x128xi32, #tpu.memory_space<hbm>>
      %dma_start3A_53 = arith.constant 0 : i32
      %dma_start3A_54 = arith.constant 0 : i32
      %dma_start3A_55 = tpu.memref_slice %dma_start3A_52[%dma_start3A_53, %dma_start3A_54] : memref<80x128xi32, #tpu.memory_space<hbm>> -> memref<40x128xi32, #tpu.memory_space<hbm>>
      %dma_start3A_56 = arith.constant 0 : i32
      %dma_start3A_57 = arith.constant 0 : i32
      %dma_start3A_58 = tpu.memref_slice %arg3[%add3A, %dma_start3A_56, %dma_start3A_57] : memref<32x80x128xi32, #tpu.memory_space<hbm>> -> memref<1x80x128xi32, #tpu.memory_space<hbm>>
      %dma_start3A_59 = tpu.memref_squeeze %dma_start3A_58 : memref<1x80x128xi32, #tpu.memory_space<hbm>> -> memref<80x128xi32, #tpu.memory_space<hbm>>
      %dma_start3A_60 = arith.constant 0 : i32
      %dma_start3A_61 = arith.constant 0 : i32
      %dma_start3A_62 = tpu.memref_slice %dma_start3A_59[%dma_start3A_60, %dma_start3A_61] : memref<80x128xi32, #tpu.memory_space<hbm>> -> memref<40x128xi32, #tpu.memory_space<hbm>>
      tpu.enqueue_dma source(%dma_start3A_62 : memref<40x128xi32, #tpu.memory_space<hbm>>) target(%arg6 : memref<40x128xi32, #tpu.memory_space<vmem>>) target_semaphore(%run_scoped3A : memref<!tpu.dma_semaphore, #tpu.memory_space<semaphore_mem>>)
      %dma_wait3A = arith.constant 0 : i32
      %dma_wait3A_63 = arith.constant 0 : i32
      %dma_wait3A_64 = tpu.memref_slice %arg3[%add3A, %dma_wait3A, %dma_wait3A_63] : memref<32x80x128xi32, #tpu.memory_space<hbm>> -> memref<1x80x128xi32, #tpu.memory_space<hbm>>
      %dma_wait3A_65 = tpu.memref_squeeze %dma_wait3A_64 : memref<1x80x128xi32, #tpu.memory_space<hbm>> -> memref<80x128xi32, #tpu.memory_space<hbm>>
      %dma_wait3A_66 = arith.constant 0 : i32
      %dma_wait3A_67 = arith.constant 0 : i32
      %dma_wait3A_68 = tpu.memref_slice %dma_wait3A_65[%dma_wait3A_66, %dma_wait3A_67] : memref<80x128xi32, #tpu.memory_space<hbm>> -> memref<40x128xi32, #tpu.memory_space<hbm>>
      %dma_wait3A_69 = arith.constant 0 : i32
      %dma_wait3A_70 = arith.constant 0 : i32
      %dma_wait3A_71 = tpu.memref_slice %arg3[%add3A, %dma_wait3A_69, %dma_wait3A_70] : memref<32x80x128xi32, #tpu.memory_space<hbm>> -> memref<1x80x128xi32, #tpu.memory_space<hbm>>
      %dma_wait3A_72 = tpu.memref_squeeze %dma_wait3A_71 : memref<1x80x128xi32, #tpu.memory_space<hbm>> -> memref<80x128xi32, #tpu.memory_space<hbm>>
      %dma_wait3A_73 = arith.constant 0 : i32
      %dma_wait3A_74 = arith.constant 0 : i32
      %dma_wait3A_75 = tpu.memref_slice %dma_wait3A_72[%dma_wait3A_73, %dma_wait3A_74] : memref<80x128xi32, #tpu.memory_space<hbm>> -> memref<40x128xi32, #tpu.memory_space<hbm>>
      tpu.wait_dma2 semaphore(%run_scoped3A : memref<!tpu.dma_semaphore, #tpu.memory_space<semaphore_mem>>) src(%dma_wait3A_75 : memref<40x128xi32, #tpu.memory_space<hbm>>) dst(%arg6 : memref<40x128xi32, #tpu.memory_space<vmem>>)
      tpu.yield
    }) : () -> ()
    "tpu.region"() ({
      %run_scoped3A = tpu.sem_alloc : memref<!tpu.dma_semaphore, #tpu.memory_space<semaphore_mem>>
      %dma_start3A_49 = arith.constant 0 : i32
      %dma_start3A_50 = arith.constant 0 : i32
      %dma_start3A_51 = tpu.memref_slice %arg4[%add3A, %dma_start3A_49, %dma_start3A_50] : memref<32x80x128xi32, #tpu.memory_space<hbm>> -> memref<1x80x128xi32, #tpu.memory_space<hbm>>
      %dma_start3A_52 = tpu.memref_squeeze %dma_start3A_51 : memref<1x80x128xi32, #tpu.memory_space<hbm>> -> memref<80x128xi32, #tpu.memory_space<hbm>>
      %dma_start3A_53 = arith.constant 0 : i32
      %dma_start3A_54 = arith.constant 0 : i32
      %dma_start3A_55 = tpu.memref_slice %dma_start3A_52[%dma_start3A_53, %dma_start3A_54] : memref<80x128xi32, #tpu.memory_space<hbm>> -> memref<40x128xi32, #tpu.memory_space<hbm>>
      %dma_start3A_56 = arith.constant 0 : i32
      %dma_start3A_57 = arith.constant 0 : i32
      %dma_start3A_58 = tpu.memref_slice %arg4[%add3A, %dma_start3A_56, %dma_start3A_57] : memref<32x80x128xi32, #tpu.memory_space<hbm>> -> memref<1x80x128xi32, #tpu.memory_space<hbm>>
      %dma_start3A_59 = tpu.memref_squeeze %dma_start3A_58 : memref<1x80x128xi32, #tpu.memory_space<hbm>> -> memref<80x128xi32, #tpu.memory_space<hbm>>
      %dma_start3A_60 = arith.constant 0 : i32
      %dma_start3A_61 = arith.constant 0 : i32
      %dma_start3A_62 = tpu.memref_slice %dma_start3A_59[%dma_start3A_60, %dma_start3A_61] : memref<80x128xi32, #tpu.memory_space<hbm>> -> memref<40x128xi32, #tpu.memory_space<hbm>>
      tpu.enqueue_dma source(%dma_start3A_62 : memref<40x128xi32, #tpu.memory_space<hbm>>) target(%arg7 : memref<40x128xi32, #tpu.memory_space<vmem>>) target_semaphore(%run_scoped3A : memref<!tpu.dma_semaphore, #tpu.memory_space<semaphore_mem>>)
      %dma_wait3A = arith.constant 0 : i32
      %dma_wait3A_63 = arith.constant 0 : i32
      %dma_wait3A_64 = tpu.memref_slice %arg4[%add3A, %dma_wait3A, %dma_wait3A_63] : memref<32x80x128xi32, #tpu.memory_space<hbm>> -> memref<1x80x128xi32, #tpu.memory_space<hbm>>
      %dma_wait3A_65 = tpu.memref_squeeze %dma_wait3A_64 : memref<1x80x128xi32, #tpu.memory_space<hbm>> -> memref<80x128xi32, #tpu.memory_space<hbm>>
      %dma_wait3A_66 = arith.constant 0 : i32
      %dma_wait3A_67 = arith.constant 0 : i32
      %dma_wait3A_68 = tpu.memref_slice %dma_wait3A_65[%dma_wait3A_66, %dma_wait3A_67] : memref<80x128xi32, #tpu.memory_space<hbm>> -> memref<40x128xi32, #tpu.memory_space<hbm>>
      %dma_wait3A_69 = arith.constant 0 : i32
      %dma_wait3A_70 = arith.constant 0 : i32
      %dma_wait3A_71 = tpu.memref_slice %arg4[%add3A, %dma_wait3A_69, %dma_wait3A_70] : memref<32x80x128xi32, #tpu.memory_space<hbm>> -> memref<1x80x128xi32, #tpu.memory_space<hbm>>
      %dma_wait3A_72 = tpu.memref_squeeze %dma_wait3A_71 : memref<1x80x128xi32, #tpu.memory_space<hbm>> -> memref<80x128xi32, #tpu.memory_space<hbm>>
      %dma_wait3A_73 = arith.constant 0 : i32
      %dma_wait3A_74 = arith.constant 0 : i32
      %dma_wait3A_75 = tpu.memref_slice %dma_wait3A_72[%dma_wait3A_73, %dma_wait3A_74] : memref<80x128xi32, #tpu.memory_space<hbm>> -> memref<40x128xi32, #tpu.memory_space<hbm>>
      tpu.wait_dma2 semaphore(%run_scoped3A : memref<!tpu.dma_semaphore, #tpu.memory_space<semaphore_mem>>) src(%dma_wait3A_75 : memref<40x128xi32, #tpu.memory_space<hbm>>) dst(%arg7 : memref<40x128xi32, #tpu.memory_space<vmem>>)
      tpu.yield
    }) : () -> ()
    %dma_start3A = arith.constant 0 : i32
    %dma_start3A_14 = arith.constant 0 : i32
    %dma_start3A_15 = tpu.memref_slice %arg6[%dma_start3A, %dma_start3A_14] : memref<40x128xi32, #tpu.memory_space<vmem>> -> memref<1x128xi32, #tpu.memory_space<vmem>>
    %dma_start3A_16 = tpu.memref_squeeze %dma_start3A_15 : memref<1x128xi32, #tpu.memory_space<vmem>> -> memref<128xi32, #tpu.memory_space<vmem>>
    %dma_start3A_17 = arith.constant 0 : i32
    %dma_start3A_18 = arith.constant 0 : i32
    %dma_start3A_19 = tpu.memref_slice %arg2[%dma_start3A_17, %dma_start3A_18] : memref<10000x128xf32, #tpu.memory_space<hbm>> -> memref<10000x128xf32, #tpu.memory_space<hbm>>
    tpu.enqueue_indirect_dma source(%dma_start3A_19 : memref<10000x128xf32, #tpu.memory_space<hbm>>) target(%arg8 : memref<128x128xf32, #tpu.memory_space<vmem>>) offsets(%dma_start3A_16 : memref<128xi32, #tpu.memory_space<vmem>>) semaphore(%arg10 : memref<!tpu.dma_semaphore, #tpu.memory_space<semaphore_mem>>)
    %scan3A_20 = arith.constant 0 : i32
    %scan3A_21 = arith.constant 0 : i32
    %scan3A_22 = arith.constant 20 : i32
    %scan3A_23 = arith.addi %scan3A_21, %scan3A_22 : i32
    %scan3A_24 = arith.constant 1 : i32
    %scan3A_25 = scf.for %scan3A_49 = %scan3A_21 to %scan3A_23 step %scan3A_24 iter_args(%scan3A_50 = %scan3A_20) -> (i32)  : i32 {
      %mul3A_51 = arith.constant 2 : i32
      %mul3A_52 = arith.muli %mul3A_51, %scan3A_49 : i32
      %dma_wait3A = arith.constant 0 : i32
      %dma_wait3A_53 = tpu.memref_slice %arg6[%mul3A_52, %dma_wait3A] : memref<40x128xi32, #tpu.memory_space<vmem>> -> memref<1x128xi32, #tpu.memory_space<vmem>>
      %dma_wait3A_54 = tpu.memref_squeeze %dma_wait3A_53 : memref<1x128xi32, #tpu.memory_space<vmem>> -> memref<128xi32, #tpu.memory_space<vmem>>
      %dma_wait3A_55 = arith.constant 0 : i32
      %dma_wait3A_56 = arith.constant 0 : i32
      %dma_wait3A_57 = tpu.memref_slice %arg2[%dma_wait3A_55, %dma_wait3A_56] : memref<10000x128xf32, #tpu.memory_space<hbm>> -> memref<10000x128xf32, #tpu.memory_space<hbm>>
      tpu.wait_indirect_dma semaphore(%arg10 : memref<!tpu.dma_semaphore, #tpu.memory_space<semaphore_mem>>) src(%dma_wait3A_57 : memref<10000x128xf32, #tpu.memory_space<hbm>>) dst(%arg8 : memref<128x128xf32, #tpu.memory_space<vmem>>)
      %add3A_58 = arith.constant 1 : i32
      %add3A_59 = arith.addi %mul3A_52, %add3A_58 : i32
      %dma_start3A_60 = arith.constant 0 : i32
      %dma_start3A_61 = tpu.memref_slice %arg6[%add3A_59, %dma_start3A_60] : memref<40x128xi32, #tpu.memory_space<vmem>> -> memref<1x128xi32, #tpu.memory_space<vmem>>
      %dma_start3A_62 = tpu.memref_squeeze %dma_start3A_61 : memref<1x128xi32, #tpu.memory_space<vmem>> -> memref<128xi32, #tpu.memory_space<vmem>>
      %dma_start3A_63 = arith.constant 0 : i32
      %dma_start3A_64 = arith.constant 0 : i32
      %dma_start3A_65 = tpu.memref_slice %arg2[%dma_start3A_63, %dma_start3A_64] : memref<10000x128xf32, #tpu.memory_space<hbm>> -> memref<10000x128xf32, #tpu.memory_space<hbm>>
      tpu.enqueue_indirect_dma source(%dma_start3A_65 : memref<10000x128xf32, #tpu.memory_space<hbm>>) target(%arg9 : memref<128x128xf32, #tpu.memory_space<vmem>>) offsets(%dma_start3A_62 : memref<128xi32, #tpu.memory_space<vmem>>) semaphore(%arg11 : memref<!tpu.dma_semaphore, #tpu.memory_space<semaphore_mem>>)
      "tpu.region"() ({
        %run_scoped3A = tpu.sem_alloc : memref<!tpu.dma_semaphore, #tpu.memory_space<semaphore_mem>>
        %dma_start3A_81 = arith.constant 0 : i32
        %dma_start3A_82 = tpu.memref_slice %arg7[%mul3A_52, %dma_start3A_81] : memref<40x128xi32, #tpu.memory_space<vmem>> -> memref<1x128xi32, #tpu.memory_space<vmem>>
        %dma_start3A_83 = tpu.memref_squeeze %dma_start3A_82 : memref<1x128xi32, #tpu.memory_space<vmem>> -> memref<128xi32, #tpu.memory_space<vmem>>
        %dma_start3A_84 = arith.constant 0 : i32
        %dma_start3A_85 = arith.constant 0 : i32
        %dma_start3A_86 = tpu.memref_slice %arg12[%dma_start3A_84, %dma_start3A_85] : memref<10240x128xf32, #tpu.memory_space<vmem_shared>> -> memref<10240x128xf32, #tpu.memory_space<vmem_shared>>
        tpu.enqueue_indirect_dma source(%arg8 : memref<128x128xf32, #tpu.memory_space<vmem>>) target(%dma_start3A_86 : memref<10240x128xf32, #tpu.memory_space<vmem_shared>>) offsets(%dma_start3A_83 : memref<128xi32, #tpu.memory_space<vmem>>) semaphore(%run_scoped3A : memref<!tpu.dma_semaphore, #tpu.memory_space<semaphore_mem>>) {add = true}
        %dma_wait3A_87 = arith.constant 0 : i32
        %dma_wait3A_88 = tpu.memref_slice %arg7[%mul3A_52, %dma_wait3A_87] : memref<40x128xi32, #tpu.memory_space<vmem>> -> memref<1x128xi32, #tpu.memory_space<vmem>>
        %dma_wait3A_89 = tpu.memref_squeeze %dma_wait3A_88 : memref<1x128xi32, #tpu.memory_space<vmem>> -> memref<128xi32, #tpu.memory_space<vmem>>
        %dma_wait3A_90 = arith.constant 0 : i32
        %dma_wait3A_91 = arith.constant 0 : i32
        %dma_wait3A_92 = tpu.memref_slice %arg12[%dma_wait3A_90, %dma_wait3A_91] : memref<10240x128xf32, #tpu.memory_space<vmem_shared>> -> memref<10240x128xf32, #tpu.memory_space<vmem_shared>>
        tpu.wait_indirect_dma semaphore(%run_scoped3A : memref<!tpu.dma_semaphore, #tpu.memory_space<semaphore_mem>>) src(%arg8 : memref<128x128xf32, #tpu.memory_space<vmem>>) dst(%dma_wait3A_92 : memref<10240x128xf32, #tpu.memory_space<vmem_shared>>)
        tpu.yield
      }) : () -> ()
      %add3A_66 = arith.constant 1 : i32
      %add3A_67 = arith.addi %mul3A_52, %add3A_66 : i32
      %dma_wait3A_68 = arith.constant 0 : i32
      %dma_wait3A_69 = tpu.memref_slice %arg6[%add3A_67, %dma_wait3A_68] : memref<40x128xi32, #tpu.memory_space<vmem>> -> memref<1x128xi32, #tpu.memory_space<vmem>>
      %dma_wait3A_70 = tpu.memref_squeeze %dma_wait3A_69 : memref<1x128xi32, #tpu.memory_space<vmem>> -> memref<128xi32, #tpu.memory_space<vmem>>
      %dma_wait3A_71 = arith.constant 0 : i32
      %dma_wait3A_72 = arith.constant 0 : i32
      %dma_wait3A_73 = tpu.memref_slice %arg2[%dma_wait3A_71, %dma_wait3A_72] : memref<10000x128xf32, #tpu.memory_space<hbm>> -> memref<10000x128xf32, #tpu.memory_space<hbm>>
      tpu.wait_indirect_dma semaphore(%arg11 : memref<!tpu.dma_semaphore, #tpu.memory_space<semaphore_mem>>) src(%dma_wait3A_73 : memref<10000x128xf32, #tpu.memory_space<hbm>>) dst(%arg9 : memref<128x128xf32, #tpu.memory_space<vmem>>)
      %add3A_74 = arith.constant 2 : i32
      %add3A_75 = arith.addi %mul3A_52, %add3A_74 : i32
      %lt3A = arith.constant 40 : i32
      %lt3A_76 = arith.cmpi slt, %add3A_75, %lt3A : i32
      %convert_element_type3A = arith.extui %lt3A_76 : i1 to i32
      %cond3A = arith.constant 0 : i32
      %cond3A_77 = arith.cmpi ne, %convert_element_type3A, %cond3A : i32
      scf.if %cond3A_77 {
        %add3A_81 = arith.constant 2 : i32
        %add3A_82 = arith.addi %mul3A_52, %add3A_81 : i32
        %dma_start3A_83 = arith.constant 0 : i32
        %dma_start3A_84 = tpu.memref_slice %arg6[%add3A_82, %dma_start3A_83] : memref<40x128xi32, #tpu.memory_space<vmem>> -> memref<1x128xi32, #tpu.memory_space<vmem>>
        %dma_start3A_85 = tpu.memref_squeeze %dma_start3A_84 : memref<1x128xi32, #tpu.memory_space<vmem>> -> memref<128xi32, #tpu.memory_space<vmem>>
        %dma_start3A_86 = arith.constant 0 : i32
        %dma_start3A_87 = arith.constant 0 : i32
        %dma_start3A_88 = tpu.memref_slice %arg2[%dma_start3A_86, %dma_start3A_87] : memref<10000x128xf32, #tpu.memory_space<hbm>> -> memref<10000x128xf32, #tpu.memory_space<hbm>>
        tpu.enqueue_indirect_dma source(%dma_start3A_88 : memref<10000x128xf32, #tpu.memory_space<hbm>>) target(%arg8 : memref<128x128xf32, #tpu.memory_space<vmem>>) offsets(%dma_start3A_85 : memref<128xi32, #tpu.memory_space<vmem>>) semaphore(%arg10 : memref<!tpu.dma_semaphore, #tpu.memory_space<semaphore_mem>>)
      } else {
      }
      %add3A_78 = arith.constant 1 : i32
      %add3A_79 = arith.addi %mul3A_52, %add3A_78 : i32
      "tpu.region"() ({
        %run_scoped3A = tpu.sem_alloc : memref<!tpu.dma_semaphore, #tpu.memory_space<semaphore_mem>>
        %dma_start3A_81 = arith.constant 0 : i32
        %dma_start3A_82 = tpu.memref_slice %arg7[%add3A_79, %dma_start3A_81] : memref<40x128xi32, #tpu.memory_space<vmem>> -> memref<1x128xi32, #tpu.memory_space<vmem>>
        %dma_start3A_83 = tpu.memref_squeeze %dma_start3A_82 : memref<1x128xi32, #tpu.memory_space<vmem>> -> memref<128xi32, #tpu.memory_space<vmem>>
        %dma_start3A_84 = arith.constant 0 : i32
        %dma_start3A_85 = arith.constant 0 : i32
        %dma_start3A_86 = tpu.memref_slice %arg12[%dma_start3A_84, %dma_start3A_85] : memref<10240x128xf32, #tpu.memory_space<vmem_shared>> -> memref<10240x128xf32, #tpu.memory_space<vmem_shared>>
        tpu.enqueue_indirect_dma source(%arg9 : memref<128x128xf32, #tpu.memory_space<vmem>>) target(%dma_start3A_86 : memref<10240x128xf32, #tpu.memory_space<vmem_shared>>) offsets(%dma_start3A_83 : memref<128xi32, #tpu.memory_space<vmem>>) semaphore(%run_scoped3A : memref<!tpu.dma_semaphore, #tpu.memory_space<semaphore_mem>>) {add = true}
        %dma_wait3A_87 = arith.constant 0 : i32
        %dma_wait3A_88 = tpu.memref_slice %arg7[%add3A_79, %dma_wait3A_87] : memref<40x128xi32, #tpu.memory_space<vmem>> -> memref<1x128xi32, #tpu.memory_space<vmem>>
        %dma_wait3A_89 = tpu.memref_squeeze %dma_wait3A_88 : memref<1x128xi32, #tpu.memory_space<vmem>> -> memref<128xi32, #tpu.memory_space<vmem>>
        %dma_wait3A_90 = arith.constant 0 : i32
        %dma_wait3A_91 = arith.constant 0 : i32
        %dma_wait3A_92 = tpu.memref_slice %arg12[%dma_wait3A_90, %dma_wait3A_91] : memref<10240x128xf32, #tpu.memory_space<vmem_shared>> -> memref<10240x128xf32, #tpu.memory_space<vmem_shared>>
        tpu.wait_indirect_dma semaphore(%run_scoped3A : memref<!tpu.dma_semaphore, #tpu.memory_space<semaphore_mem>>) src(%arg9 : memref<128x128xf32, #tpu.memory_space<vmem>>) dst(%dma_wait3A_92 : memref<10240x128xf32, #tpu.memory_space<vmem_shared>>)
        tpu.yield
      }) : () -> ()
      %scan3A_80 = arith.constant 0 : i32
      scf.yield %scan3A_80 : i32
    }
    %scan3A_26 = arith.constant 20 : i32
    "tpu.region"() ({
      %run_scoped3A = tpu.sem_alloc : memref<!tpu.dma_semaphore, #tpu.memory_space<semaphore_mem>>
      %dma_start3A_49 = arith.constant 0 : i32
      %dma_start3A_50 = arith.constant 0 : i32
      %dma_start3A_51 = tpu.memref_slice %arg3[%add3A, %dma_start3A_49, %dma_start3A_50] : memref<32x80x128xi32, #tpu.memory_space<hbm>> -> memref<1x80x128xi32, #tpu.memory_space<hbm>>
      %dma_start3A_52 = tpu.memref_squeeze %dma_start3A_51 : memref<1x80x128xi32, #tpu.memory_space<hbm>> -> memref<80x128xi32, #tpu.memory_space<hbm>>
      %dma_start3A_53 = arith.constant 40 : i32
      %dma_start3A_54 = arith.constant 0 : i32
      %dma_start3A_55 = tpu.memref_slice %dma_start3A_52[%dma_start3A_53, %dma_start3A_54] : memref<80x128xi32, #tpu.memory_space<hbm>> -> memref<40x128xi32, #tpu.memory_space<hbm>>
      %dma_start3A_56 = arith.constant 0 : i32
      %dma_start3A_57 = arith.constant 0 : i32
      %dma_start3A_58 = tpu.memref_slice %arg3[%add3A, %dma_start3A_56, %dma_start3A_57] : memref<32x80x128xi32, #tpu.memory_space<hbm>> -> memref<1x80x128xi32, #tpu.memory_space<hbm>>
      %dma_start3A_59 = tpu.memref_squeeze %dma_start3A_58 : memref<1x80x128xi32, #tpu.memory_space<hbm>> -> memref<80x128xi32, #tpu.memory_space<hbm>>
      %dma_start3A_60 = arith.constant 40 : i32
      %dma_start3A_61 = arith.constant 0 : i32
      %dma_start3A_62 = tpu.memref_slice %dma_start3A_59[%dma_start3A_60, %dma_start3A_61] : memref<80x128xi32, #tpu.memory_space<hbm>> -> memref<40x128xi32, #tpu.memory_space<hbm>>
      tpu.enqueue_dma source(%dma_start3A_62 : memref<40x128xi32, #tpu.memory_space<hbm>>) target(%arg6 : memref<40x128xi32, #tpu.memory_space<vmem>>) target_semaphore(%run_scoped3A : memref<!tpu.dma_semaphore, #tpu.memory_space<semaphore_mem>>)
      %dma_wait3A = arith.constant 0 : i32
      %dma_wait3A_63 = arith.constant 0 : i32
      %dma_wait3A_64 = tpu.memref_slice %arg3[%add3A, %dma_wait3A, %dma_wait3A_63] : memref<32x80x128xi32, #tpu.memory_space<hbm>> -> memref<1x80x128xi32, #tpu.memory_space<hbm>>
      %dma_wait3A_65 = tpu.memref_squeeze %dma_wait3A_64 : memref<1x80x128xi32, #tpu.memory_space<hbm>> -> memref<80x128xi32, #tpu.memory_space<hbm>>
      %dma_wait3A_66 = arith.constant 40 : i32
      %dma_wait3A_67 = arith.constant 0 : i32
      %dma_wait3A_68 = tpu.memref_slice %dma_wait3A_65[%dma_wait3A_66, %dma_wait3A_67] : memref<80x128xi32, #tpu.memory_space<hbm>> -> memref<40x128xi32, #tpu.memory_space<hbm>>
      %dma_wait3A_69 = arith.constant 0 : i32
      %dma_wait3A_70 = arith.constant 0 : i32
      %dma_wait3A_71 = tpu.memref_slice %arg3[%add3A, %dma_wait3A_69, %dma_wait3A_70] : memref<32x80x128xi32, #tpu.memory_space<hbm>> -> memref<1x80x128xi32, #tpu.memory_space<hbm>>
      %dma_wait3A_72 = tpu.memref_squeeze %dma_wait3A_71 : memref<1x80x128xi32, #tpu.memory_space<hbm>> -> memref<80x128xi32, #tpu.memory_space<hbm>>
      %dma_wait3A_73 = arith.constant 40 : i32
      %dma_wait3A_74 = arith.constant 0 : i32
      %dma_wait3A_75 = tpu.memref_slice %dma_wait3A_72[%dma_wait3A_73, %dma_wait3A_74] : memref<80x128xi32, #tpu.memory_space<hbm>> -> memref<40x128xi32, #tpu.memory_space<hbm>>
      tpu.wait_dma2 semaphore(%run_scoped3A : memref<!tpu.dma_semaphore, #tpu.memory_space<semaphore_mem>>) src(%dma_wait3A_75 : memref<40x128xi32, #tpu.memory_space<hbm>>) dst(%arg6 : memref<40x128xi32, #tpu.memory_space<vmem>>)
      tpu.yield
    }) : () -> ()
    "tpu.region"() ({
      %run_scoped3A = tpu.sem_alloc : memref<!tpu.dma_semaphore, #tpu.memory_space<semaphore_mem>>
      %dma_start3A_49 = arith.constant 0 : i32
      %dma_start3A_50 = arith.constant 0 : i32
      %dma_start3A_51 = tpu.memref_slice %arg4[%add3A, %dma_start3A_49, %dma_start3A_50] : memref<32x80x128xi32, #tpu.memory_space<hbm>> -> memref<1x80x128xi32, #tpu.memory_space<hbm>>
      %dma_start3A_52 = tpu.memref_squeeze %dma_start3A_51 : memref<1x80x128xi32, #tpu.memory_space<hbm>> -> memref<80x128xi32, #tpu.memory_space<hbm>>
      %dma_start3A_53 = arith.constant 40 : i32
      %dma_start3A_54 = arith.constant 0 : i32
      %dma_start3A_55 = tpu.memref_slice %dma_start3A_52[%dma_start3A_53, %dma_start3A_54] : memref<80x128xi32, #tpu.memory_space<hbm>> -> memref<40x128xi32, #tpu.memory_space<hbm>>
      %dma_start3A_56 = arith.constant 0 : i32
      %dma_start3A_57 = arith.constant 0 : i32
      %dma_start3A_58 = tpu.memref_slice %arg4[%add3A, %dma_start3A_56, %dma_start3A_57] : memref<32x80x128xi32, #tpu.memory_space<hbm>> -> memref<1x80x128xi32, #tpu.memory_space<hbm>>
      %dma_start3A_59 = tpu.memref_squeeze %dma_start3A_58 : memref<1x80x128xi32, #tpu.memory_space<hbm>> -> memref<80x128xi32, #tpu.memory_space<hbm>>
      %dma_start3A_60 = arith.constant 40 : i32
      %dma_start3A_61 = arith.constant 0 : i32
      %dma_start3A_62 = tpu.memref_slice %dma_start3A_59[%dma_start3A_60, %dma_start3A_61] : memref<80x128xi32, #tpu.memory_space<hbm>> -> memref<40x128xi32, #tpu.memory_space<hbm>>
      tpu.enqueue_dma source(%dma_start3A_62 : memref<40x128xi32, #tpu.memory_space<hbm>>) target(%arg7 : memref<40x128xi32, #tpu.memory_space<vmem>>) target_semaphore(%run_scoped3A : memref<!tpu.dma_semaphore, #tpu.memory_space<semaphore_mem>>)
      %dma_wait3A = arith.constant 0 : i32
      %dma_wait3A_63 = arith.constant 0 : i32
      %dma_wait3A_64 = tpu.memref_slice %arg4[%add3A, %dma_wait3A, %dma_wait3A_63] : memref<32x80x128xi32, #tpu.memory_space<hbm>> -> memref<1x80x128xi32, #tpu.memory_space<hbm>>
      %dma_wait3A_65 = tpu.memref_squeeze %dma_wait3A_64 : memref<1x80x128xi32, #tpu.memory_space<hbm>> -> memref<80x128xi32, #tpu.memory_space<hbm>>
      %dma_wait3A_66 = arith.constant 40 : i32
      %dma_wait3A_67 = arith.constant 0 : i32
      %dma_wait3A_68 = tpu.memref_slice %dma_wait3A_65[%dma_wait3A_66, %dma_wait3A_67] : memref<80x128xi32, #tpu.memory_space<hbm>> -> memref<40x128xi32, #tpu.memory_space<hbm>>
      %dma_wait3A_69 = arith.constant 0 : i32
      %dma_wait3A_70 = arith.constant 0 : i32
      %dma_wait3A_71 = tpu.memref_slice %arg4[%add3A, %dma_wait3A_69, %dma_wait3A_70] : memref<32x80x128xi32, #tpu.memory_space<hbm>> -> memref<1x80x128xi32, #tpu.memory_space<hbm>>
      %dma_wait3A_72 = tpu.memref_squeeze %dma_wait3A_71 : memref<1x80x128xi32, #tpu.memory_space<hbm>> -> memref<80x128xi32, #tpu.memory_space<hbm>>
      %dma_wait3A_73 = arith.constant 40 : i32
      %dma_wait3A_74 = arith.constant 0 : i32
      %dma_wait3A_75 = tpu.memref_slice %dma_wait3A_72[%dma_wait3A_73, %dma_wait3A_74] : memref<80x128xi32, #tpu.memory_space<hbm>> -> memref<40x128xi32, #tpu.memory_space<hbm>>
      tpu.wait_dma2 semaphore(%run_scoped3A : memref<!tpu.dma_semaphore, #tpu.memory_space<semaphore_mem>>) src(%dma_wait3A_75 : memref<40x128xi32, #tpu.memory_space<hbm>>) dst(%arg7 : memref<40x128xi32, #tpu.memory_space<vmem>>)
      tpu.yield
    }) : () -> ()
    %dma_start3A_27 = arith.constant 0 : i32
    %dma_start3A_28 = arith.constant 0 : i32
    %dma_start3A_29 = tpu.memref_slice %arg6[%dma_start3A_27, %dma_start3A_28] : memref<40x128xi32, #tpu.memory_space<vmem>> -> memref<1x128xi32, #tpu.memory_space<vmem>>
    %dma_start3A_30 = tpu.memref_squeeze %dma_start3A_29 : memref<1x128xi32, #tpu.memory_space<vmem>> -> memref<128xi32, #tpu.memory_space<vmem>>
    %dma_start3A_31 = arith.constant 0 : i32
    %dma_start3A_32 = arith.constant 0 : i32
    %dma_start3A_33 = tpu.memref_slice %arg2[%dma_start3A_31, %dma_start3A_32] : memref<10000x128xf32, #tpu.memory_space<hbm>> -> memref<10000x128xf32, #tpu.memory_space<hbm>>
    tpu.enqueue_indirect_dma source(%dma_start3A_33 : memref<10000x128xf32, #tpu.memory_space<hbm>>) target(%arg8 : memref<128x128xf32, #tpu.memory_space<vmem>>) offsets(%dma_start3A_30 : memref<128xi32, #tpu.memory_space<vmem>>) semaphore(%arg10 : memref<!tpu.dma_semaphore, #tpu.memory_space<semaphore_mem>>)
    %scan3A_34 = arith.constant 0 : i32
    %scan3A_35 = arith.constant 0 : i32
    %scan3A_36 = arith.constant 20 : i32
    %scan3A_37 = arith.addi %scan3A_35, %scan3A_36 : i32
    %scan3A_38 = arith.constant 1 : i32
    %scan3A_39 = scf.for %scan3A_49 = %scan3A_35 to %scan3A_37 step %scan3A_38 iter_args(%scan3A_50 = %scan3A_34) -> (i32)  : i32 {
      %mul3A_51 = arith.constant 2 : i32
      %mul3A_52 = arith.muli %mul3A_51, %scan3A_49 : i32
      %dma_wait3A = arith.constant 0 : i32
      %dma_wait3A_53 = tpu.memref_slice %arg6[%mul3A_52, %dma_wait3A] : memref<40x128xi32, #tpu.memory_space<vmem>> -> memref<1x128xi32, #tpu.memory_space<vmem>>
      %dma_wait3A_54 = tpu.memref_squeeze %dma_wait3A_53 : memref<1x128xi32, #tpu.memory_space<vmem>> -> memref<128xi32, #tpu.memory_space<vmem>>
      %dma_wait3A_55 = arith.constant 0 : i32
      %dma_wait3A_56 = arith.constant 0 : i32
      %dma_wait3A_57 = tpu.memref_slice %arg2[%dma_wait3A_55, %dma_wait3A_56] : memref<10000x128xf32, #tpu.memory_space<hbm>> -> memref<10000x128xf32, #tpu.memory_space<hbm>>
      tpu.wait_indirect_dma semaphore(%arg10 : memref<!tpu.dma_semaphore, #tpu.memory_space<semaphore_mem>>) src(%dma_wait3A_57 : memref<10000x128xf32, #tpu.memory_space<hbm>>) dst(%arg8 : memref<128x128xf32, #tpu.memory_space<vmem>>)
      %add3A_58 = arith.constant 1 : i32
      %add3A_59 = arith.addi %mul3A_52, %add3A_58 : i32
      %dma_start3A_60 = arith.constant 0 : i32
      %dma_start3A_61 = tpu.memref_slice %arg6[%add3A_59, %dma_start3A_60] : memref<40x128xi32, #tpu.memory_space<vmem>> -> memref<1x128xi32, #tpu.memory_space<vmem>>
      %dma_start3A_62 = tpu.memref_squeeze %dma_start3A_61 : memref<1x128xi32, #tpu.memory_space<vmem>> -> memref<128xi32, #tpu.memory_space<vmem>>
      %dma_start3A_63 = arith.constant 0 : i32
      %dma_start3A_64 = arith.constant 0 : i32
      %dma_start3A_65 = tpu.memref_slice %arg2[%dma_start3A_63, %dma_start3A_64] : memref<10000x128xf32, #tpu.memory_space<hbm>> -> memref<10000x128xf32, #tpu.memory_space<hbm>>
      tpu.enqueue_indirect_dma source(%dma_start3A_65 : memref<10000x128xf32, #tpu.memory_space<hbm>>) target(%arg9 : memref<128x128xf32, #tpu.memory_space<vmem>>) offsets(%dma_start3A_62 : memref<128xi32, #tpu.memory_space<vmem>>) semaphore(%arg11 : memref<!tpu.dma_semaphore, #tpu.memory_space<semaphore_mem>>)
      "tpu.region"() ({
        %run_scoped3A = tpu.sem_alloc : memref<!tpu.dma_semaphore, #tpu.memory_space<semaphore_mem>>
        %dma_start3A_81 = arith.constant 0 : i32
        %dma_start3A_82 = tpu.memref_slice %arg7[%mul3A_52, %dma_start3A_81] : memref<40x128xi32, #tpu.memory_space<vmem>> -> memref<1x128xi32, #tpu.memory_space<vmem>>
        %dma_start3A_83 = tpu.memref_squeeze %dma_start3A_82 : memref<1x128xi32, #tpu.memory_space<vmem>> -> memref<128xi32, #tpu.memory_space<vmem>>
        %dma_start3A_84 = arith.constant 0 : i32
        %dma_start3A_85 = arith.constant 0 : i32
        %dma_start3A_86 = tpu.memref_slice %arg12[%dma_start3A_84, %dma_start3A_85] : memref<10240x128xf32, #tpu.memory_space<vmem_shared>> -> memref<10240x128xf32, #tpu.memory_space<vmem_shared>>
        tpu.enqueue_indirect_dma source(%arg8 : memref<128x128xf32, #tpu.memory_space<vmem>>) target(%dma_start3A_86 : memref<10240x128xf32, #tpu.memory_space<vmem_shared>>) offsets(%dma_start3A_83 : memref<128xi32, #tpu.memory_space<vmem>>) semaphore(%run_scoped3A : memref<!tpu.dma_semaphore, #tpu.memory_space<semaphore_mem>>) {add = true}
        %dma_wait3A_87 = arith.constant 0 : i32
        %dma_wait3A_88 = tpu.memref_slice %arg7[%mul3A_52, %dma_wait3A_87] : memref<40x128xi32, #tpu.memory_space<vmem>> -> memref<1x128xi32, #tpu.memory_space<vmem>>
        %dma_wait3A_89 = tpu.memref_squeeze %dma_wait3A_88 : memref<1x128xi32, #tpu.memory_space<vmem>> -> memref<128xi32, #tpu.memory_space<vmem>>
        %dma_wait3A_90 = arith.constant 0 : i32
        %dma_wait3A_91 = arith.constant 0 : i32
        %dma_wait3A_92 = tpu.memref_slice %arg12[%dma_wait3A_90, %dma_wait3A_91] : memref<10240x128xf32, #tpu.memory_space<vmem_shared>> -> memref<10240x128xf32, #tpu.memory_space<vmem_shared>>
        tpu.wait_indirect_dma semaphore(%run_scoped3A : memref<!tpu.dma_semaphore, #tpu.memory_space<semaphore_mem>>) src(%arg8 : memref<128x128xf32, #tpu.memory_space<vmem>>) dst(%dma_wait3A_92 : memref<10240x128xf32, #tpu.memory_space<vmem_shared>>)
        tpu.yield
      }) : () -> ()
      %add3A_66 = arith.constant 1 : i32
      %add3A_67 = arith.addi %mul3A_52, %add3A_66 : i32
      %dma_wait3A_68 = arith.constant 0 : i32
      %dma_wait3A_69 = tpu.memref_slice %arg6[%add3A_67, %dma_wait3A_68] : memref<40x128xi32, #tpu.memory_space<vmem>> -> memref<1x128xi32, #tpu.memory_space<vmem>>
      %dma_wait3A_70 = tpu.memref_squeeze %dma_wait3A_69 : memref<1x128xi32, #tpu.memory_space<vmem>> -> memref<128xi32, #tpu.memory_space<vmem>>
      %dma_wait3A_71 = arith.constant 0 : i32
      %dma_wait3A_72 = arith.constant 0 : i32
      %dma_wait3A_73 = tpu.memref_slice %arg2[%dma_wait3A_71, %dma_wait3A_72] : memref<10000x128xf32, #tpu.memory_space<hbm>> -> memref<10000x128xf32, #tpu.memory_space<hbm>>
      tpu.wait_indirect_dma semaphore(%arg11 : memref<!tpu.dma_semaphore, #tpu.memory_space<semaphore_mem>>) src(%dma_wait3A_73 : memref<10000x128xf32, #tpu.memory_space<hbm>>) dst(%arg9 : memref<128x128xf32, #tpu.memory_space<vmem>>)
      %add3A_74 = arith.constant 2 : i32
      %add3A_75 = arith.addi %mul3A_52, %add3A_74 : i32
      %lt3A = arith.constant 40 : i32
      %lt3A_76 = arith.cmpi slt, %add3A_75, %lt3A : i32
      %convert_element_type3A = arith.extui %lt3A_76 : i1 to i32
      %cond3A = arith.constant 0 : i32
      %cond3A_77 = arith.cmpi ne, %convert_element_type3A, %cond3A : i32
      scf.if %cond3A_77 {
        %add3A_81 = arith.constant 2 : i32
        %add3A_82 = arith.addi %mul3A_52, %add3A_81 : i32
        %dma_start3A_83 = arith.constant 0 : i32
        %dma_start3A_84 = tpu.memref_slice %arg6[%add3A_82, %dma_start3A_83] : memref<40x128xi32, #tpu.memory_space<vmem>> -> memref<1x128xi32, #tpu.memory_space<vmem>>
        %dma_start3A_85 = tpu.memref_squeeze %dma_start3A_84 : memref<1x128xi32, #tpu.memory_space<vmem>> -> memref<128xi32, #tpu.memory_space<vmem>>
        %dma_start3A_86 = arith.constant 0 : i32
        %dma_start3A_87 = arith.constant 0 : i32
        %dma_start3A_88 = tpu.memref_slice %arg2[%dma_start3A_86, %dma_start3A_87] : memref<10000x128xf32, #tpu.memory_space<hbm>> -> memref<10000x128xf32, #tpu.memory_space<hbm>>
        tpu.enqueue_indirect_dma source(%dma_start3A_88 : memref<10000x128xf32, #tpu.memory_space<hbm>>) target(%arg8 : memref<128x128xf32, #tpu.memory_space<vmem>>) offsets(%dma_start3A_85 : memref<128xi32, #tpu.memory_space<vmem>>) semaphore(%arg10 : memref<!tpu.dma_semaphore, #tpu.memory_space<semaphore_mem>>)
      } else {
      }
      %add3A_78 = arith.constant 1 : i32
      %add3A_79 = arith.addi %mul3A_52, %add3A_78 : i32
      "tpu.region"() ({
        %run_scoped3A = tpu.sem_alloc : memref<!tpu.dma_semaphore, #tpu.memory_space<semaphore_mem>>
        %dma_start3A_81 = arith.constant 0 : i32
        %dma_start3A_82 = tpu.memref_slice %arg7[%add3A_79, %dma_start3A_81] : memref<40x128xi32, #tpu.memory_space<vmem>> -> memref<1x128xi32, #tpu.memory_space<vmem>>
        %dma_start3A_83 = tpu.memref_squeeze %dma_start3A_82 : memref<1x128xi32, #tpu.memory_space<vmem>> -> memref<128xi32, #tpu.memory_space<vmem>>
        %dma_start3A_84 = arith.constant 0 : i32
        %dma_start3A_85 = arith.constant 0 : i32
        %dma_start3A_86 = tpu.memref_slice %arg12[%dma_start3A_84, %dma_start3A_85] : memref<10240x128xf32, #tpu.memory_space<vmem_shared>> -> memref<10240x128xf32, #tpu.memory_space<vmem_shared>>
        tpu.enqueue_indirect_dma source(%arg9 : memref<128x128xf32, #tpu.memory_space<vmem>>) target(%dma_start3A_86 : memref<10240x128xf32, #tpu.memory_space<vmem_shared>>) offsets(%dma_start3A_83 : memref<128xi32, #tpu.memory_space<vmem>>) semaphore(%run_scoped3A : memref<!tpu.dma_semaphore, #tpu.memory_space<semaphore_mem>>) {add = true}
        %dma_wait3A_87 = arith.constant 0 : i32
        %dma_wait3A_88 = tpu.memref_slice %arg7[%add3A_79, %dma_wait3A_87] : memref<40x128xi32, #tpu.memory_space<vmem>> -> memref<1x128xi32, #tpu.memory_space<vmem>>
        %dma_wait3A_89 = tpu.memref_squeeze %dma_wait3A_88 : memref<1x128xi32, #tpu.memory_space<vmem>> -> memref<128xi32, #tpu.memory_space<vmem>>
        %dma_wait3A_90 = arith.constant 0 : i32
        %dma_wait3A_91 = arith.constant 0 : i32
        %dma_wait3A_92 = tpu.memref_slice %arg12[%dma_wait3A_90, %dma_wait3A_91] : memref<10240x128xf32, #tpu.memory_space<vmem_shared>> -> memref<10240x128xf32, #tpu.memory_space<vmem_shared>>
        tpu.wait_indirect_dma semaphore(%run_scoped3A : memref<!tpu.dma_semaphore, #tpu.memory_space<semaphore_mem>>) src(%arg9 : memref<128x128xf32, #tpu.memory_space<vmem>>) dst(%dma_wait3A_92 : memref<10240x128xf32, #tpu.memory_space<vmem_shared>>)
        tpu.yield
      }) : () -> ()
      %scan3A_80 = arith.constant 0 : i32
      scf.yield %scan3A_80 : i32
    }
    %scan3A_40 = arith.constant 20 : i32
    %barrier3A_41 = arith.constant 0 : index
    tpu.barrier barrier_id(%barrier3A_41)
    %scan3A_42 = arith.constant 0 : i32
    %scan3A_43 = arith.constant 0 : i32
    %scan3A_44 = arith.constant 5 : i32
    %scan3A_45 = arith.addi %scan3A_43, %scan3A_44 : i32
    %scan3A_46 = arith.constant 1 : i32
    %scan3A_47 = scf.for %scan3A_49 = %scan3A_43 to %scan3A_45 step %scan3A_46 iter_args(%scan3A_50 = %scan3A_42) -> (i32)  : i32 {
      %mul3A_51 = arith.constant 640 : i32
      %mul3A_52 = arith.muli %arg1, %mul3A_51 : i32
      %mul3A_53 = arith.constant 128 : i32
      %mul3A_54 = arith.muli %scan3A_49, %mul3A_53 : i32
      %add3A_55 = arith.addi %mul3A_52, %mul3A_54 : i32
      "tpu.region"() ({
        %run_scoped3A = tpu.sem_alloc : memref<!tpu.dma_semaphore, #tpu.memory_space<semaphore_mem>>
        %dma_start3A_57 = arith.constant 0 : i32
        %dma_start3A_58 = arith.constant 0 : i32
        %dma_start3A_59 = tpu.memref_slice %arg5[%arg0, %dma_start3A_57, %dma_start3A_58] : memref<2x10240x128xf32, #tpu.memory_space<hbm>> -> memref<1x10240x128xf32, #tpu.memory_space<hbm>>
        %dma_start3A_60 = tpu.memref_squeeze %dma_start3A_59 : memref<1x10240x128xf32, #tpu.memory_space<hbm>> -> memref<10240x128xf32, #tpu.memory_space<hbm>>
        %dma_start3A_61 = arith.constant 0 : i32
        %dma_start3A_62 = tpu.memref_slice %dma_start3A_60[%add3A_55, %dma_start3A_61] : memref<10240x128xf32, #tpu.memory_space<hbm>> -> memref<128x128xf32, #tpu.memory_space<hbm>>
        %dma_start3A_63 = arith.constant 0 : i32
        %dma_start3A_64 = tpu.memref_slice %arg12[%add3A_55, %dma_start3A_63] : memref<10240x128xf32, #tpu.memory_space<vmem_shared>> -> memref<128x128xf32, #tpu.memory_space<vmem_shared>>
        tpu.enqueue_dma source(%dma_start3A_64 : memref<128x128xf32, #tpu.memory_space<vmem_shared>>) target(%dma_start3A_62 : memref<128x128xf32, #tpu.memory_space<hbm>>) target_semaphore(%run_scoped3A : memref<!tpu.dma_semaphore, #tpu.memory_space<semaphore_mem>>)
        %dma_wait3A = arith.constant 0 : i32
        %dma_wait3A_65 = arith.constant 0 : i32
        %dma_wait3A_66 = tpu.memref_slice %arg5[%arg0, %dma_wait3A, %dma_wait3A_65] : memref<2x10240x128xf32, #tpu.memory_space<hbm>> -> memref<1x10240x128xf32, #tpu.memory_space<hbm>>
        %dma_wait3A_67 = tpu.memref_squeeze %dma_wait3A_66 : memref<1x10240x128xf32, #tpu.memory_space<hbm>> -> memref<10240x128xf32, #tpu.memory_space<hbm>>
        %dma_wait3A_68 = arith.constant 0 : i32
        %dma_wait3A_69 = tpu.memref_slice %dma_wait3A_67[%add3A_55, %dma_wait3A_68] : memref<10240x128xf32, #tpu.memory_space<hbm>> -> memref<128x128xf32, #tpu.memory_space<hbm>>
        %dma_wait3A_70 = arith.constant 0 : i32
        %dma_wait3A_71 = tpu.memref_slice %arg12[%add3A_55, %dma_wait3A_70] : memref<10240x128xf32, #tpu.memory_space<vmem_shared>> -> memref<128x128xf32, #tpu.memory_space<vmem_shared>>
        tpu.wait_dma2 semaphore(%run_scoped3A : memref<!tpu.dma_semaphore, #tpu.memory_space<semaphore_mem>>) src(%dma_wait3A_71 : memref<128x128xf32, #tpu.memory_space<vmem_shared>>) dst(%dma_wait3A_69 : memref<128x128xf32, #tpu.memory_space<hbm>>)
        tpu.yield
      }) : () -> ()
      %scan3A_56 = arith.constant 0 : i32
      scf.yield %scan3A_56 : i32
    }
    %scan3A_48 = arith.constant 5 : i32
    return
  }
}

module attributes {stable_mosaic.version = 14 : i64} {
  func.func @_tc_layer_kernel(%arg0: memref<10000x128xf32, #tpu.memory_space<vmem>>, %arg1: memref<10000x128xf32, #tpu.memory_space<vmem>>, %arg2: memref<10000x128xf32, #tpu.memory_space<vmem>>, %arg3: memref<128x128xf32, #tpu.memory_space<vmem>>, %arg4: memref<1x128xf32, #tpu.memory_space<vmem>>, %arg5: memref<1x128xf32, #tpu.memory_space<vmem>>, %arg6: memref<1x128xf32, #tpu.memory_space<vmem>>, %arg7: memref<10000x128xf32, #tpu.memory_space<vmem>>) attributes {dimension_semantics = [], scalar_prefetch = 0 : i64, scratch_operands = 0 : i64, tpu.core_type = #tpu.core_type<tc>} {
    %get3A = arith.constant 0 : index
    %get3A_0 = arith.constant 0 : index
    %get3A_1 = vector.load %arg0[%get3A, %get3A_0] : memref<10000x128xf32, #tpu.memory_space<vmem>>, vector<10000x128xf32>
    %get3A_2 = arith.constant 0 : index
    %get3A_3 = arith.constant 0 : index
    %get3A_4 = vector.load %arg1[%get3A_2, %get3A_3] : memref<10000x128xf32, #tpu.memory_space<vmem>>, vector<10000x128xf32>
    %add3A = arith.addf %get3A_1, %get3A_4 : vector<10000x128xf32>
    %get3A_5 = arith.constant 0 : index
    %get3A_6 = arith.constant 0 : index
    %get3A_7 = vector.load %arg2[%get3A_5, %get3A_6] : memref<10000x128xf32, #tpu.memory_space<vmem>>, vector<10000x128xf32>
    %add3A_8 = arith.addf %add3A, %get3A_7 : vector<10000x128xf32>
    %get3A_9 = arith.constant 0 : index
    %get3A_10 = arith.constant 0 : index
    %get3A_11 = vector.load %arg3[%get3A_9, %get3A_10] : memref<128x128xf32, #tpu.memory_space<vmem>>, vector<128x128xf32>
    %dot_general3A = arith.constant dense<0.000000e+00> : vector<10000x128xf32>
    %dot_general3A_12 = tpu.matmul %add3A_8, %get3A_11, %dot_general3A {dimension_numbers = #tpu.dot_dimension_numbers<[1], [1], [0], [0], [0, 0, 1, 0], [], []>, transpose_lhs_hint = false} : vector<10000x128xf32>, vector<128x128xf32>, vector<10000x128xf32> -> vector<10000x128xf32>
    %get3A_13 = arith.constant 0 : index
    %get3A_14 = arith.constant 0 : index
    %get3A_15 = vector.load %arg4[%get3A_13, %get3A_14] : memref<1x128xf32, #tpu.memory_space<vmem>>, vector<1x128xf32>
    %add3A_16 = vector.broadcast %get3A_15 : vector<1x128xf32> to vector<10000x128xf32>
    %add3A_17 = arith.addf %dot_general3A_12, %add3A_16 : vector<10000x128xf32>
    %max3A = arith.constant 0.000000e+00 : f32
    %max3A_18 = vector.broadcast %max3A : f32 to vector<10000x128xf32>
    %max3A_19 = arith.maximumf %add3A_17, %max3A_18 : vector<10000x128xf32>
    %reduce_sum3A = arith.constant dense<0.000000e+00> : vector<128xf32>
    %reduce_sum3A_20 = vector.multi_reduction <add>, %max3A_19, %reduce_sum3A [0] : vector<10000x128xf32> to vector<128xf32>
    %broadcast_in_dim3A = vector.shape_cast %reduce_sum3A_20 : vector<128xf32> to vector<1x128xf32>
    %div3A = arith.constant 1.000000e+04 : f32
    %div3A_21 = vector.broadcast %div3A : f32 to vector<1x128xf32>
    %div3A_22 = arith.divf %broadcast_in_dim3A, %div3A_21 : vector<1x128xf32>
    %sub3A = vector.broadcast %div3A_22 : vector<1x128xf32> to vector<10000x128xf32>
    %sub3A_23 = arith.subf %max3A_19, %sub3A : vector<10000x128xf32>
    %integer_pow3A = arith.mulf %sub3A_23, %sub3A_23 : vector<10000x128xf32>
    %reduce_sum3A_24 = arith.constant dense<0.000000e+00> : vector<128xf32>
    %reduce_sum3A_25 = vector.multi_reduction <add>, %integer_pow3A, %reduce_sum3A_24 [0] : vector<10000x128xf32> to vector<128xf32>
    %broadcast_in_dim3A_26 = vector.shape_cast %reduce_sum3A_25 : vector<128xf32> to vector<1x128xf32>
    %div3A_27 = arith.constant 1.000000e+04 : f32
    %div3A_28 = vector.broadcast %div3A_27 : f32 to vector<1x128xf32>
    %div3A_29 = arith.divf %broadcast_in_dim3A_26, %div3A_28 : vector<1x128xf32>
    %sub3A_30 = vector.broadcast %div3A_22 : vector<1x128xf32> to vector<10000x128xf32>
    %sub3A_31 = arith.subf %max3A_19, %sub3A_30 : vector<10000x128xf32>
    %add3A_32 = arith.constant 9.99999974E-6 : f32
    %add3A_33 = vector.broadcast %add3A_32 : f32 to vector<1x128xf32>
    %add3A_34 = arith.addf %div3A_29, %add3A_33 : vector<1x128xf32>
    %rsqrt3A = math.rsqrt %add3A_34 : vector<1x128xf32>
    %mul3A = vector.broadcast %rsqrt3A : vector<1x128xf32> to vector<10000x128xf32>
    %mul3A_35 = arith.mulf %sub3A_31, %mul3A : vector<10000x128xf32>
    %get3A_36 = arith.constant 0 : index
    %get3A_37 = arith.constant 0 : index
    %get3A_38 = vector.load %arg5[%get3A_36, %get3A_37] : memref<1x128xf32, #tpu.memory_space<vmem>>, vector<1x128xf32>
    %mul3A_39 = vector.broadcast %get3A_38 : vector<1x128xf32> to vector<10000x128xf32>
    %mul3A_40 = arith.mulf %mul3A_35, %mul3A_39 : vector<10000x128xf32>
    %get3A_41 = arith.constant 0 : index
    %get3A_42 = arith.constant 0 : index
    %get3A_43 = vector.load %arg6[%get3A_41, %get3A_42] : memref<1x128xf32, #tpu.memory_space<vmem>>, vector<1x128xf32>
    %add3A_44 = vector.broadcast %get3A_43 : vector<1x128xf32> to vector<10000x128xf32>
    %add3A_45 = arith.addf %mul3A_40, %add3A_44 : vector<10000x128xf32>
    %swap3A = arith.constant 0 : index
    %swap3A_46 = arith.constant 0 : index
    %swap3A_47 = vector.load %arg7[%swap3A, %swap3A_46] : memref<10000x128xf32, #tpu.memory_space<vmem>>, vector<10000x128xf32>
    tpu.vector_store %arg7[%swap3A, %swap3A_46], %add3A_45 {strides = array<i32>} : memref<10000x128xf32, #tpu.memory_space<vmem>>, vector<10000x128xf32>,
    return
  }
}

module attributes {stable_mosaic.version = 14 : i64} {
  func.func @_tc_final_kernel(%arg0: memref<10000x128xf32, #tpu.memory_space<vmem>>, %arg1: memref<10000x128xf32, #tpu.memory_space<vmem>>, %arg2: memref<10000x128xf32, #tpu.memory_space<vmem>>, %arg3: memref<40x128xf32, #tpu.memory_space<vmem>>, %arg4: memref<1x40xf32, #tpu.memory_space<vmem>>, %arg5: memref<10000x40xf32, #tpu.memory_space<vmem>>) attributes {dimension_semantics = [], scalar_prefetch = 0 : i64, scratch_operands = 0 : i64, tpu.core_type = #tpu.core_type<tc>} {
    %get3A = arith.constant 0 : index
    %get3A_0 = arith.constant 0 : index
    %get3A_1 = vector.load %arg0[%get3A, %get3A_0] : memref<10000x128xf32, #tpu.memory_space<vmem>>, vector<10000x128xf32>
    %get3A_2 = arith.constant 0 : index
    %get3A_3 = arith.constant 0 : index
    %get3A_4 = vector.load %arg1[%get3A_2, %get3A_3] : memref<10000x128xf32, #tpu.memory_space<vmem>>, vector<10000x128xf32>
    %add3A = arith.addf %get3A_1, %get3A_4 : vector<10000x128xf32>
    %get3A_5 = arith.constant 0 : index
    %get3A_6 = arith.constant 0 : index
    %get3A_7 = vector.load %arg2[%get3A_5, %get3A_6] : memref<10000x128xf32, #tpu.memory_space<vmem>>, vector<10000x128xf32>
    %add3A_8 = arith.addf %add3A, %get3A_7 : vector<10000x128xf32>
    %get3A_9 = arith.constant 0 : index
    %get3A_10 = arith.constant 0 : index
    %get3A_11 = vector.load %arg3[%get3A_9, %get3A_10] : memref<40x128xf32, #tpu.memory_space<vmem>>, vector<40x128xf32>
    %dot_general3A = arith.constant dense<0.000000e+00> : vector<10000x40xf32>
    %dot_general3A_12 = tpu.matmul %add3A_8, %get3A_11, %dot_general3A {dimension_numbers = #tpu.dot_dimension_numbers<[1], [1], [0], [0], [0, 0, 1, 0], [], []>, transpose_lhs_hint = false} : vector<10000x128xf32>, vector<40x128xf32>, vector<10000x40xf32> -> vector<10000x40xf32>
    %get3A_13 = arith.constant 0 : index
    %get3A_14 = arith.constant 0 : index
    %get3A_15 = vector.load %arg4[%get3A_13, %get3A_14] : memref<1x40xf32, #tpu.memory_space<vmem>>, vector<1x40xf32>
    %add3A_16 = vector.broadcast %get3A_15 : vector<1x40xf32> to vector<10000x40xf32>
    %add3A_17 = arith.addf %dot_general3A_12, %add3A_16 : vector<10000x40xf32>
    %reduce_max3A = arith.constant dense<0xFF800000> : vector<10000xf32>
    %reduce_max3A_18 = vector.multi_reduction <maximumf>, %add3A_17, %reduce_max3A [1] : vector<10000x40xf32> to vector<10000xf32>
    %broadcast_in_dim3A = vector.shape_cast %reduce_max3A_18 : vector<10000xf32> to vector<10000x1xf32>
    %sub3A = vector.broadcast %broadcast_in_dim3A : vector<10000x1xf32> to vector<10000x40xf32>
    %sub3A_19 = arith.subf %add3A_17, %sub3A : vector<10000x40xf32>
    %exp3A = math.exp %sub3A_19 : vector<10000x40xf32>
    %reduce_sum3A = arith.constant dense<0.000000e+00> : vector<10000xf32>
    %reduce_sum3A_20 = vector.multi_reduction <add>, %exp3A, %reduce_sum3A [1] : vector<10000x40xf32> to vector<10000xf32>
    %broadcast_in_dim3A_21 = vector.shape_cast %reduce_sum3A_20 : vector<10000xf32> to vector<10000x1xf32>
    %log3A = math.log %broadcast_in_dim3A_21 : vector<10000x1xf32>
    %add3A_22 = arith.addf %log3A, %broadcast_in_dim3A : vector<10000x1xf32>
    %sub3A_23 = vector.broadcast %add3A_22 : vector<10000x1xf32> to vector<10000x40xf32>
    %sub3A_24 = arith.subf %add3A_17, %sub3A_23 : vector<10000x40xf32>
    %swap3A = arith.constant 0 : index
    %swap3A_25 = arith.constant 0 : index
    %swap3A_26 = vector.load %arg5[%swap3A, %swap3A_25] : memref<10000x40xf32, #tpu.memory_space<vmem>>, vector<10000x40xf32>
    tpu.vector_store %arg5[%swap3A, %swap3A_25], %sub3A_24 {strides = array<i32>} : memref<10000x40xf32, #tpu.memory_space<vmem>>, vector<10000x40xf32>,
    return
  }
}

</mosaic_0001>

<sc_bundles>
// kernel: kernel.12.cloned.1.call-start
scs
__scs_entry_jumppad:
0x0: {  	(pc) =	sbr.rel $0x88, $3  }
0x1: {  	(tag) =	ssettag $0x0;
	lr =	simm.s32 $0x1  }
0x2: {  	[smem:$0x3F8D] =	sst lr;
	_ =	strace $0xD0000000  }
0x3: {  	_ = 	snop  }
0x4: {  	_ = 	snop  }
0x5: {  	_ = 	snop  }
0x6: {  	_ = 	snop  }
0x7: {  	_ = 	snop  }
__scs_overlays_trampoline_lowered:
0x8: {  	[smem:$0x3F9C] =	sst s0  }
0x9: {  	[smem:$0x3F9D] =	sst s1  }
0xa: {  	[smem:$0x3F9E] =	sst s2  }
0xb: {  	[smem:$0x3F9F] =	sst s3  }
0xc: {  	[smem:$0x3FA0] =	sst s4  }
0xd: {  	[smem:$0x3FA1] =	sst s5  }
0xe: {  	[smem:$0x3FA2] =	sst s6  }
0xf: {  	[smem:$0x3FA3] =	sst s7  }
0x10: {  	[smem:$0x3FA4] =	sst s8  }
0x11: {  	[smem:$0x3FA5] =	sst s9;
	s0 =	simm.s32 @!p0 $0x0  }
0x12: {  	s1 =	sld [smem:$0x3F8B];
	s0 =	simm.s32 @p0 $0x1  }
0x13: {  	[smem:$0x3FA6] =	sst s0;
	s0 =	simm.s32 @!p1 $0x0  }
0x14: {  	s2 =	sld [smem:$0x3F8A];
	s0 =	simm.s32 @p1 $0x1  }
0x15: {  	[smem:$0x3FA7] =	sst s0;
	s0 =	simm.s32 @!p2 $0x0  }
0x16: {  	s3 =	sld [smem:$0x3FDB];
	s0 =	simm.s32 @p2 $0x1  }
0x17: {  	s4 =	simm.s32 $0x1BF5;
	[smem:$0x3FA9] =	sst s0  }
0x18: {  	s0 =	sld [smem:$0x3F8C];
	_ =	swait.ge [sflag:s4], $0x0  }
0x19: {  	s7 =	sld [smem:$0x3F8D]  }
0x1a: {  	s8 =	sadd.s32 $0xFFFFE003, lr  }
0x1b: {  	s9 =	sadd.s32 $0xFFFFFEF7, lr;
	s5 =	simm.s32 $0xFFFFFFFF;
	p2 =	slt.u32 s8, $0xFFFFF086  }
0x1c: {  	p1 =	slt.u32 s9, $0xF7A;
	s5 =	simm.s32 @!p2 $0x0  }
0x1d: {  	s5 =	simm.s32 @p1 $0x1;
	p0 =	seq.s32 s7, s2  }
0x1e: {  	s7 =	smul.u32 @!p0 $0xF7A, s2;
	p2 =	seq.s32 @!p0 s5, $0x0  }
0x1f: {  	s9 =	smul.u32 $0xF7A, s1;
	s8 =	simm.s32 @!p0 $0x1BF5;
	p2 =	por !p2, p0  }
0x20: {  	[sflag:s8] =	ssyncset.s32 @!p0 $0xFFFFF086;
	s6 =	sadd.s32 @!p0 s3, s7;
	s7 =	simm.s32 @!p0 $0x108  }
0x21: {  	s3 =	sadd.s32 s3, s9;
	s6 =	sadd.s32 @!p0 $0x88, s6;
	s7 =	simm.s32 @p2 $0x1082  }
0x22: {  	[simem:s7], [sflag:s8] =	dma.local @!p0 [hbm:s6], $0xF7A  }
0x23: {  	s9 =	sor.u32 $0xD0000000, s2;
	s6 =	simm.s32 $0x108;
	_ =	swait.ge @!p0 [sflag:s8], $0x0  }
0x24: {  	s3 =	sadd.s32 $0x88, s3;
	s6 =	simm.s32 @!p1 $0x1082;
	[sflag:s4] =	ssyncset.s32 $0xFFFFF086  }
0x25: {  	[simem:s6], [sflag:s4] =	dma.local [hbm:s3], $0xF7A  }
0x26: {  	[smem:$0x3F8D] =	sst s1;
	(tag) =	ssettag s2;
	_ =	strace s9  }
0x27: {  	s1 =	sld [smem:$0x3F9D]  }
0x28: {  	s2 =	sld [smem:$0x3F9E]  }
0x29: {  	s4 =	sld [smem:$0x3FA0]  }
0x2a: {  	p0 =	seq.s32 s5, $0x0;
	s5 =	sld [smem:$0x3FA1]  }
0x2b: {  	s6 =	sld [smem:$0x3FA2]  }
0x2c: {  	s7 =	sld [smem:$0x3FA3]  }
0x2d: {  	s3 =	simm.s32 $0x108;
	s8 =	sld [smem:$0x3FA4]  }
0x2e: {  	s3 =	simm.s32 @!p0 $0x1082;
	s9 =	sld [smem:$0x3FA5]  }
0x2f: {  	lr =	sadd.s32 s0, s3;
	s0 =	sld [smem:$0x3F9C]  }
0x30: {  	s3 =	sld [smem:$0x3F9F]  }
0x31: {  	[smem:$0x3FA8] =	sst s10  }
0x32: {  	s10 =	sld [smem:$0x3FA6];
	_ =	sdelay $0x3  }
0x33: {  	p0 =	seq.s32 s10, $0x1;
	s10 =	sld [smem:$0x3FA8];
	_ =	sdelay $0x3  }
0x34: {  	[smem:$0x3FA8] =	sst s10  }
0x35: {  	s10 =	sld [smem:$0x3FA7];
	_ =	sdelay $0x3  }
0x36: {  	p1 =	seq.s32 s10, $0x1;
	s10 =	sld [smem:$0x3FA8];
	_ =	sdelay $0x3  }
0x37: {  	[smem:$0x3FA8] =	sst s10  }
0x38: {  	s10 =	sld [smem:$0x3FA9]  }
0x39: {  	_ = 	snop;
	(pc) =	sbr.ind lr, $3  }
0x3a: {  	_ = 	snop  }
0x3b: {  	_ = 	snop  }
0x3c: {  	p2 =	seq.s32 s10, $0x1;
	s10 =	sld [smem:$0x3FA8]  }
0x3d: {  	_ =	shalt  }
0x3e: {  	_ =	shalt  }
0x3f: {  	_ =	shalt  }
0x40: {  	_ =	shalt  }
0x41: {  	_ =	shalt  }
0x42: {  	_ =	shalt  }
0x43: {  	_ =	shalt  }
0x44: {  	_ =	shalt  }
0x45: {  	_ =	shalt  }
0x46: {  	_ =	shalt  }
0x47: {  	_ =	shalt  }
0x48: {  	_ =	shalt  }
0x49: {  	_ =	shalt  }
0x4a: {  	_ =	shalt  }
0x4b: {  	_ =	shalt  }
0x4c: {  	_ =	shalt  }
0x4d: {  	_ =	shalt  }
0x4e: {  	_ =	shalt  }
0x4f: {  	_ =	shalt  }
0x50: {  	_ =	shalt  }
0x51: {  	_ =	shalt  }
0x52: {  	_ =	shalt  }
0x53: {  	_ =	shalt  }
0x54: {  	_ =	shalt  }
0x55: {  	_ =	shalt  }
0x56: {  	_ =	shalt  }
0x57: {  	_ =	shalt  }
0x58: {  	_ =	shalt  }
0x59: {  	_ =	shalt  }
0x5a: {  	_ =	shalt  }
0x5b: {  	_ =	shalt  }
0x5c: {  	_ =	shalt  }
0x5d: {  	_ =	shalt  }
0x5e: {  	_ =	shalt  }
0x5f: {  	_ =	shalt  }
0x60: {  	_ =	shalt  }
0x61: {  	_ =	shalt  }
0x62: {  	_ =	shalt  }
0x63: {  	_ =	shalt  }
0x64: {  	_ =	shalt  }
0x65: {  	_ =	shalt  }
0x66: {  	_ =	shalt  }
0x67: {  	_ =	shalt  }
0x68: {  	_ =	shalt  }
0x69: {  	_ =	shalt  }
0x6a: {  	_ =	shalt  }
0x6b: {  	_ =	shalt  }
0x6c: {  	_ =	shalt  }
0x6d: {  	_ =	shalt  }
0x6e: {  	_ =	shalt  }
0x6f: {  	_ =	shalt  }
0x70: {  	_ =	shalt  }
0x71: {  	_ =	shalt  }
0x72: {  	_ =	shalt  }
0x73: {  	_ =	shalt  }
0x74: {  	_ =	shalt  }
0x75: {  	_ =	shalt  }
0x76: {  	_ =	shalt  }
0x77: {  	_ =	shalt  }
0x78: {  	_ =	shalt  }
0x79: {  	_ =	shalt  }
0x7a: {  	_ =	shalt  }
0x7b: {  	_ =	shalt  }
0x7c: {  	_ =	shalt  }
0x7d: {  	_ =	shalt  }
0x7e: {  	_ =	shalt  }
0x7f: {  	_ =	shalt  }
0x80: {  	_ =	shalt  }
0x81: {  	_ =	shalt  }
0x82: {  	_ =	shalt  }
0x83: {  	_ =	shalt  }
0x84: {  	_ =	shalt  }
0x85: {  	_ =	shalt  }
0x86: {  	_ =	shalt  }
0x87: {  	_ =	shalt  }
.Lfunc_end0:
.L_simem_size_0:
called_computation_lowered:
.L_overlay_start_0:
0x88: {  	s2 =	sld [smem:$0x3FD9]  }
0x89: {  	s3 =	sld [smem:$0x3FFE];
	_ =	sdelay $0x1  }
0x8a: {  	s1 =	srdreg.scid  }
0x8b: {  	s0 =	sand.u32 $0x1, s1  }
0x8c: {  	s17 =	sshll.u32 s0, $0xA;
	s2 =	sadd.s32 s3, s2  }
0x8d: {  	s2 =	sadd.s32 s2, s17  }
0x8e: {  	[smem:$0x3FB4] =	sst s2  }
0x8f: {  	_ = 	snop  }
0x90: {  	s2 =	sld [smem:$0x3FC9]  }
0x91: {  	s18 =	sld [smem:$0x3FD0];
	(tm) =	ssettm $0x1  }
0x92: {  	s4 =	sld [smem:$0x3FFB];
	_ =	sdelay $0x3  }
0x93: {  	_ =	strace s4  }
0x94: {  	s4 =	sld [smem:$0x3FFC];
	_ =	sdelay $0x3  }
0x95: {  	_ =	strace s4  }
0x96: {  	s4 =	sld [smem:$0x3FFD];
	_ =	sdelay $0x3  }
0x97: {  	_ =	strace s4  }
0x98: {  	_ =	strace $0x8FFFFFFF  }
0x99: {  	s19 =	sld [smem:$0x3FDB];
	_ =	sdelay $0x1  }
0x9a: {  	s5 =	simm.s32 $_scs_section_size  }
0x9b: {  	s6 =	simm.s32 $_size__tile_overlayer_lowered;
	s7 =	simm.s32 $_tile_overlayer_lowered  }
0x9c: {  	s22 =	simm.s32 $0x1BFF;
	s21 =	sshll.u32 s7, $0x1;
	s4 =	sadd.s32 s5, s19  }
0x9d: {  	s8 =	simm.s32 $0x0;
	s20 =	sshll.u32 s6, $0x1;
	s6 =	sadd.s32 s21, s4  }
0x9e: {  	[timem:s8], [sflag:s22] =	dma.local [hbm:s6], s20  }
0x9f: {  	_ =	swait.ge [sflag:s22], s20  }
0xa0: {  	s5 =	ssub.s32 $0x0, s20;
	[sflag:s22] =	ssyncset.done $0x0  }
0xa1: {  	[sflag:s22] =	ssyncadd.s32 s5;
	_ =	sdelay $0x1  }
0xa2: {  	s23 =	simm.s32 $0x1B8B  }
0xa3: {  	_ =	swait.ge [sflag:s23], $0x1  }
0xa4: {  	[sflag:s23] =	ssyncset.done $0x0  }
0xa5: {  	s25 =	simm.s32 $0x1B8E;
	s24 =	sld [smem:$0x3FFE];
	[sflag:s23] =	ssyncadd.s32 $0xFFFFFFFF  }
0xa6: {  	s26 =	simm.s32 $execute0_lowered;
	[smem:$0x3FD2] =	sst s25  }
0xa7: {  	s6 =	sshll.u32 s26, $0x1;
	_ =	strace $0x80000046;
	[dreg:$0x1] =	wrdreg $0xFFFFFFFF  }
0xa8: {  	s28 =	simm.s32 $_size_execute0_lowered;
	s4 =	sadd.s32 s4, s6;
	[dreg:$0x0] =	wrdreg $0x0  }
0xa9: {  	s6 =	sshll.u32 s28, $0x1;
	[dreg:$0x2] =	wrdreg s4  }
0xaa: {  	[dreg:$0x3] =	wrdreg s6  }
0xab: {  	[dreg:$0x4] =	wrdreg $0xC0  }
0xac: {  	_ =	task [dreg:s8], $0x5FFFF  }
0xad: {  	[dreg:$0x1] =	wrdreg $0xFFFFFFFF  }
0xae: {  	[dreg:$0x0] =	wrdreg $0x60  }
0xaf: {  	[dreg:$0x2] =	wrdreg s2  }
0xb0: {  	[dreg:$0x3] =	wrdreg s18  }
0xb1: {  	[dreg:$0x4] =	wrdreg s24  }
0xb2: {  	[dreg:$0x5] =	wrdreg $0xA8000  }
0xb3: {  	[dreg:$0x6] =	wrdreg $0x9  }
0xb4: {  	_ =	task.clear_ibuf [dreg:s8], $0x7FFFF;
	_ =	strace $0x90000046  }
0xb5: {  	s29 =	simm.s32 $0x9;
	_ =	strace $0x80000048  }
0xb6: {  	_ =	swait.ge [sflag:s29], $0x1  }
0xb7: {  	[sflag:s29] =	ssyncadd.s32 $0xFFFFFFFF  }
0xb8: {  	_ =	strace $0x90000048  }
0xb9: {  	_ =	sfence  }
0xba: {  	s30 =	sld [smem:$0x0];
	_ =	sdelay $0x2  }
0xbb: {  	s31 =	sshll.u32 s1, $0xD;
	s1 =	sshrl.u32 s1, $0x2  }
0xbc: {  	s3 =	sand.u32 $0x4000, s31;
	s1 =	sadd.s32 s1, s30  }
0xbd: {  	s0 =	sor.u32 s3, s0;
	s1 =	sshll.u32 s1, $0x11  }
0xbe: {  	s0 =	sor.u32 s1, s0  }
0xbf: {  	s0 =	sadd.s32 $0x8F2B, s0  }
0xc0: {  	[sflag:s0] =	ssyncadd.remote.s32 $0x1  }
0xc1: {  	_ =	sfence.sel $0xFFFF  }
0xc2: {  	[dreg:$0x0] =	wrdreg $0xFFFFFFFF;
	(pc) =	sbr.abs _section_cstart, $3  }
0xc3: {  	[dreg:$0x1] =	wrdreg $0xFFFFFFFF  }
0xc4: {  	_ =	task.clear_ibuf [dreg:s8], $0x2FFFF;
	_ =	strace $0x9FFFFFFF  }
0xc5: {  	(tm) =	ssettm $0x7FFFFFFF  }
tec
execute0_lowered:
.L_overlay_start_1:
0x0: {  	(tag) =	ssettag $0x1  }
0x1: {  	s0 =	rddreg [dreg:$0x0]  }
0x2: {  	s2 =	rddreg [dreg:$0x1]  }
0x3: {  	s1 =	srdreg.scid;
	s5 =	rddreg [dreg:$0x2]  }
0x4: {  	s11 =	stileid.u32;
	s3 =	rddreg [dreg:$0x3]  }
0x5: {  	s15 =	simm.s32 $0x1400;
	s28 =	simm.s32 $0x6800;
	s7 =	smul.u32 $0x50000, s11  }
0x6: {  	s29 =	simm.s32 $0x2;
	s30 =	simm.s32 $0x1380;
	s17 =	smul.u32 $0x280, s11  }
0x7: {  	s31 =	simm.s32 $0x2700;
	s1 =	sand.u32 $0x1, s1;
	s16 =	smul.u32 $0x2800, s11  }
0x8: {  	s4 =	sshll.u32 s1, $0x4;
	s8 =	smul.u32 $0x28000, s1;
	s1 =	ssub.s32 $0x2, s1  }
0x9: {  	s6 =	sor.u32 s11, s4;
	s4 =	simm.s32 $0x0;
	s10 =	sshrl.u32 s1, $0x1  }
0xa: {  	s7 =	sshrl.u32 s7, $0x2;
	s19 =	sadd.s32 $0x80, s17;
	s14 =	sadd.s32 $0x100, s17  }
0xb: {  	s21 =	sadd.s32 $0x180, s17;
	s6 =	smul.u32 $0x500, s6;
	[smem:$0x7FF] =	sst s4  }
0xc: {  	s8 =	sadd.s32 s8, s5;
	s1 =	ssub.s32 s1, s10;
	s13 =	sshll.u32 s19, $0x7  }
0xd: {  	s20 =	sshll.u32 s14, $0x7;
	s25 =	sshll.u32 s21, $0x7;
	_ =	strace $0x80000047  }
0xe: {  	s8 =	sadd.s32 $0x10400, s8;
	s1 =	smax.u32 s1, $0x1;
	s22 =	sadd.s32 s13, s3  }
0xf: {  	s23 =	sadd.s32 s20, s3;
	s24 =	sadd.s32 s25, s3;
	s13 =	simm.s32 $0x2800  }
0x10: {  	s9 =	sadd.s32 s6, s5;
	s5 =	sadd.s32 s7, s3;
	s6 =	sadd.s32 s2, s6  }
0x11: {  	[dreg:$0x5] =	wrdreg s1;
	s1 =	sshll.u32 s19, $0x4;
	s2 =	sadd.s32 $0x200, s17  }
0x12: {  	s19 =	sshll.u32 s21, $0x4;
	s16 =	sadd.s32 s16, s8;
	s21 =	simm.s32 $0x80  }
0x13: {  	s22 =	sshrl.u32 s22, $0x3;
	s23 =	sshrl.u32 s23, $0x3;
	s24 =	sshrl.u32 s24, $0x3  }
0x14: {  	s7 =	sadd.s32 $0x6400, s9;
	s18 =	sadd.s32 $0x4000, s5;
	s10 =	sadd.s32 $0x8000, s5  }
0x15: {  	s11 =	sadd.s32 $0xC000, s5;
	s12 =	sadd.s32 $0x10000, s5;
	s26 =	sshll.u32 s2, $0x7  }
0x16: {  	s2 =	sshll.u32 s2, $0x4;
	s17 =	sadd.s32 s1, s8;
	s19 =	sadd.s32 s19, s8  }
0x17: {  	[dreg:$0x6] =	wrdreg s18;
	s18 =	sshll.u32 s14, $0x4;
	s25 =	sadd.s32 s26, s3  }
0x18: {  	s14 =	simm.s32 $0x3;
	s20 =	sadd.s32 s2, s8;
	s26 =	simm.s32 $0x1  }
0x19: {  	v0 =	vimm.f32 $0.0e+00;
	s2 =	simm.s32 $0x2780;
	s18 =	sadd.s32 s18, s8;
	s25 =	sshrl.u32 s25, $0x3  }
.LBB2_1:
0x1a: {  	s1 =	simm.s32 $0x0;
	s8 =	simm.s32 $0x200  }
.LBB2_2:
0x1b: {  	p0 =	sne.s32 s8, $0xFE00;
	[tilespmem:s1+$0x2870] =	vst v0  }
0x1c: {  	[tilespmem:s1+$0x2800] =	vst v0  }
0x1d: {  	[tilespmem:s1+$0x2810] =	vst v0  }
.Ltmp0:
0x1e: {  	[tilespmem:s1+$0x2820] =	vst v0;
	(pc) =	sbr.rel @p0 .LBB2_2-.Ltmp0, $4  }
0x1f: {  	[tilespmem:s1+$0x2830] =	vst v0  }
0x20: {  	[tilespmem:s1+$0x2840] =	vst v0  }
0x21: {  	[tilespmem:s1+$0x2850] =	vst v0  }
0x22: {  	[tilespmem:s1+$0x2860] =	vst v0;
	s1 =	sshra.s32 s8, $0x2;
	s8 =	sadd.s32 $0x200, s8  }
0x23: {  	[tilespmem:s1+$0x2870] =	vst v0  }
0x24: {  	[tilespmem:s1+$0x2800] =	vst v0  }
0x25: {  	[tilespmem:s1+$0x2810] =	vst v0  }
0x26: {  	[tilespmem:s1+$0x2820] =	vst v0  }
0x27: {  	[tilespmem:s1+$0x2830] =	vst v0  }
0x28: {  	[tilespmem:s1+$0x2840] =	vst v0  }
0x29: {  	[tilespmem:s1+$0x2850] =	vst v0  }
0x2a: {  	[tilespmem:s1+$0x2860] =	vst v0  }
0x2b: {  	[spmem:s5] =	stream.linear.scatter [tilespmem:s13], [sflag:$0x3], $0x4000, $0x38;
	[tilespmem:$0x1E800] =	vst v63  }
0x2c: {  	_ =	swait.ge [sflag:s14], $0x4000  }
0x2d: {  	[sflag:s14] =	ssyncset.done $0x0  }
0x2e: {  	s8 =	rddreg [dreg:$0x6];
	[sflag:s14] =	ssyncadd.s32 $0xFFFFC000  }
0x2f: {  	[spmem:s8] =	stream.linear.scatter [tilespmem:s13], [sflag:$0x3], $0x4000, $0x38;
	[tilespmem:$0x1E800] =	vst v63  }
0x30: {  	_ =	swait.ge [sflag:s14], $0x4000  }
0x31: {  	[sflag:s14] =	ssyncset.done $0x0  }
0x32: {  	[sflag:s14] =	ssyncadd.s32 $0xFFFFC000  }
0x33: {  	[spmem:s10] =	stream.linear.scatter [tilespmem:s13], [sflag:$0x3], $0x4000, $0x38;
	[tilespmem:$0x1E800] =	vst v63  }
0x34: {  	_ =	swait.ge [sflag:s14], $0x4000  }
0x35: {  	[sflag:s14] =	ssyncset.done $0x0  }
0x36: {  	[sflag:s14] =	ssyncadd.s32 $0xFFFFC000  }
0x37: {  	[spmem:s11] =	stream.linear.scatter [tilespmem:s13], [sflag:$0x3], $0x4000, $0x38;
	[tilespmem:$0x1E800] =	vst v63  }
0x38: {  	_ =	swait.ge [sflag:s14], $0x4000  }
0x39: {  	[sflag:s14] =	ssyncset.done $0x0  }
0x3a: {  	[sflag:s14] =	ssyncadd.s32 $0xFFFFC000  }
0x3b: {  	[spmem:s12] =	stream.linear.scatter [tilespmem:s13], [sflag:$0x3], $0x4000, $0x38;
	[tilespmem:$0x1E800] =	vst v63  }
0x3c: {  	_ =	swait.ge [sflag:s14], $0x4000  }
0x3d: {  	[sflag:s14] =	ssyncset.done $0x0  }
0x3e: {  	[sflag:s14] =	ssyncadd.s32 $0xFFFFC000  }
0x3f: {  	s9 =	simm.s32 $0x0;
	[bflag:$0x0] =	sbarrier.arrive $0xFFFF  }
0x40: {  	[tilespmem:s9], [sflag:$0x3] =	stream.linear.gather [hbm4b:s6+s9], $0x1400, $0x38;
	[tilespmem:$0x1E800] =	vst v63  }
0x41: {  	_ =	swait.ge [sflag:s14], $0x1400  }
0x42: {  	[sflag:s14] =	ssyncset.done $0x0  }
0x43: {  	[sflag:s14] =	ssyncadd.s32 $0xFFFFEC00  }
0x44: {  	[tilespmem:s15], [sflag:$0x3] =	stream.linear.gather [hbm4b:s7+s9], $0x1400, $0x38;
	[tilespmem:$0x1E800] =	vst v63  }
0x45: {  	_ =	swait.ge [sflag:s14], $0x1400  }
0x46: {  	[sflag:s14] =	ssyncset.done $0x0  }
0x47: {  	[sflag:s14] =	ssyncadd.s32 $0xFFFFEC00  }
0x48: {  	[tilespmem:s13], [sflag:$0x1] =	stream.indirect.gather [hbm4b:s0+s21], $0x80, s9, s21, $0xb8;
	[tilespmem:$0x1E800] =	vst v63  }
0x49: {  	_ =	swait.ge [sflag:s26], $0x4000  }
0x4a: {  	[sflag:s26] =	ssyncset.done $0x0  }
0x4b: {  	s8 =	simm.s32 $0x80;
	[sflag:s26] =	ssyncadd.s32 $0xFFFFC000  }
0x4c: {  	[tilespmem:s28], [sflag:$0x2] =	stream.indirect.gather [hbm4b:s0+s21], $0x80, s8, s21, $0xb8;
	[tilespmem:$0x1E800] =	vst v63  }
0x4d: {  	s9 =	simm.s32 $0x1400  }
0x4e: {  	[spmem:s3] =	stream.indirect.scatter.add.f32 [tilespmem:s13], [sflag:$0x3], $0x80, s9, s21, $0xb8;
	[tilespmem:$0x1E800] =	vst v63  }
0x4f: {  	_ =	swait.ge [sflag:s14], $0x4000  }
0x50: {  	[sflag:s14] =	ssyncset.done $0x0  }
0x51: {  	[sflag:s14] =	ssyncadd.s32 $0xFFFFC000  }
0x52: {  	_ =	swait.ge [sflag:s29], $0x4000  }
0x53: {  	[sflag:s29] =	ssyncset.done $0x0  }
0x54: {  	s8 =	simm.s32 $0x100;
	[sflag:s29] =	ssyncadd.s32 $0xFFFFC000  }
0x55: {  	[tilespmem:s13], [sflag:$0x1] =	stream.indirect.gather [hbm4b:s0+s21], $0x80, s8, s21, $0xb8;
	[tilespmem:$0x1E800] =	vst v63  }
0x56: {  	s9 =	simm.s32 $0x1480  }
0x57: {  	[spmem:s3] =	stream.indirect.scatter.add.f32 [tilespmem:s28], [sflag:$0x3], $0x80, s9, s21, $0xb8;
	[tilespmem:$0x1E800] =	vst v63  }
0x58: {  	_ =	swait.ge [sflag:s14], $0x4000  }
0x59: {  	s1 =	simm.s32 $0x400;
	[sflag:s14] =	ssyncset.done $0x0  }
.LBB2_4:
0x5a: {  	p0 =	sne.s32 s1, $0x4800  }
0x5b: {  	[sflag:s14] =	ssyncadd.s32 $0xFFFFC000;
	s8 =	smov.u32 s1;
	s1 =	sadd.s32 $0x400, s1  }
0x5c: {  	_ = 	snop  }
0x5d: {  	_ =	swait.ge [sflag:s26], $0x4000  }
0x5e: {  	s8 =	sshra.s32 s8, $0x2;
	[sflag:s26] =	ssyncset.done $0x0  }
0x5f: {  	s9 =	sadd.s32 $0x80, s8;
	[sflag:s26] =	ssyncadd.s32 $0xFFFFC000  }
0x60: {  	[tilespmem:s28], [sflag:$0x2] =	stream.indirect.gather [hbm4b:s0+s21], $0x80, s9, s21, $0xb8;
	[tilespmem:$0x1E800] =	vst v63  }
0x61: {  	s9 =	sadd.s32 $0x1400, s8  }
0x62: {  	[spmem:s3] =	stream.indirect.scatter.add.f32 [tilespmem:s13], [sflag:$0x3], $0x80, s9, s21, $0xb8;
	[tilespmem:$0x1E800] =	vst v63  }
0x63: {  	_ =	swait.ge [sflag:s14], $0x4000  }
0x64: {  	[sflag:s14] =	ssyncset.done $0x0  }
0x65: {  	[sflag:s14] =	ssyncadd.s32 $0xFFFFC000  }
0x66: {  	_ =	swait.ge [sflag:s29], $0x4000  }
0x67: {  	[sflag:s29] =	ssyncset.done $0x0  }
0x68: {  	s9 =	sadd.s32 $0x100, s8;
	[sflag:s29] =	ssyncadd.s32 $0xFFFFC000  }
0x69: {  	[tilespmem:s13], [sflag:$0x1] =	stream.indirect.gather [hbm4b:s0+s21], $0x80, s9, s21, $0xb8;
	[tilespmem:$0x1E800] =	vst v63  }
.Ltmp1:
0x6a: {  	_ = 	snop;
	(pc) =	sbr.rel @p0 .LBB2_4-.Ltmp1, $4  }
0x6b: {  	s8 =	sadd.s32 $0x1480, s8  }
0x6c: {  	[spmem:s3] =	stream.indirect.scatter.add.f32 [tilespmem:s28], [sflag:$0x3], $0x80, s8, s21, $0xb8;
	[tilespmem:$0x1E800] =	vst v63  }
0x6d: {  	_ =	swait.ge [sflag:s14], $0x4000  }
0x6e: {  	[sflag:s14] =	ssyncset.done $0x0  }
0x6f: {  	[sflag:s14] =	ssyncadd.s32 $0xFFFFC000  }
0x70: {  	_ =	swait.ge [sflag:s26], $0x4000  }
0x71: {  	[sflag:s26] =	ssyncset.done $0x0  }
0x72: {  	[sflag:s26] =	ssyncadd.s32 $0xFFFFC000  }
0x73: {  	[tilespmem:s28], [sflag:$0x2] =	stream.indirect.gather [hbm4b:s0+s21], $0x80, s30, s21, $0xb8;
	[tilespmem:$0x1E800] =	vst v63  }
0x74: {  	_ = 	snop  }
0x75: {  	[spmem:s3] =	stream.indirect.scatter.add.f32 [tilespmem:s13], [sflag:$0x3], $0x80, s31, s21, $0xb8;
	[tilespmem:$0x1E800] =	vst v63  }
0x76: {  	_ =	swait.ge [sflag:s14], $0x4000  }
0x77: {  	[sflag:s14] =	ssyncset.done $0x0  }
0x78: {  	[sflag:s14] =	ssyncadd.s32 $0xFFFFC000  }
0x79: {  	_ =	swait.ge [sflag:s29], $0x4000  }
0x7a: {  	[sflag:s29] =	ssyncset.done $0x0  }
0x7b: {  	[sflag:s29] =	ssyncadd.s32 $0xFFFFC000  }
0x7c: {  	[spmem:s3] =	stream.indirect.scatter.add.f32 [tilespmem:s28], [sflag:$0x3], $0x80, s2, s21, $0xb8;
	[tilespmem:$0x1E800] =	vst v63  }
0x7d: {  	_ =	swait.ge [sflag:s14], $0x4000  }
0x7e: {  	[sflag:s14] =	ssyncset.done $0x0  }
0x7f: {  	s1 =	sadd.s32 $0x280, s6;
	s8 =	simm.s32 $0x0;
	[sflag:s14] =	ssyncadd.s32 $0xFFFFC000  }
0x80: {  	[tilespmem:s8], [sflag:$0x3] =	stream.linear.gather [hbm4b:s1+s8], $0x1400, $0x38;
	[tilespmem:$0x1E800] =	vst v63  }
0x81: {  	_ =	swait.ge [sflag:s14], $0x1400  }
0x82: {  	[sflag:s14] =	ssyncset.done $0x0  }
0x83: {  	s9 =	sadd.s32 $0x280, s7;
	[sflag:s14] =	ssyncadd.s32 $0xFFFFEC00  }
0x84: {  	[tilespmem:s15], [sflag:$0x3] =	stream.linear.gather [hbm4b:s9+s8], $0x1400, $0x38;
	[tilespmem:$0x1E800] =	vst v63  }
0x85: {  	_ =	swait.ge [sflag:s14], $0x1400  }
0x86: {  	[sflag:s14] =	ssyncset.done $0x0  }
0x87: {  	[sflag:s14] =	ssyncadd.s32 $0xFFFFEC00  }
0x88: {  	[tilespmem:s13], [sflag:$0x1] =	stream.indirect.gather [hbm4b:s0+s21], $0x80, s8, s21, $0xb8;
	[tilespmem:$0x1E800] =	vst v63  }
0x89: {  	_ =	swait.ge [sflag:s26], $0x4000  }
0x8a: {  	[sflag:s26] =	ssyncset.done $0x0  }
0x8b: {  	s8 =	simm.s32 $0x80;
	[sflag:s26] =	ssyncadd.s32 $0xFFFFC000  }
0x8c: {  	[tilespmem:s28], [sflag:$0x2] =	stream.indirect.gather [hbm4b:s0+s21], $0x80, s8, s21, $0xb8;
	[tilespmem:$0x1E800] =	vst v63  }
0x8d: {  	s9 =	simm.s32 $0x1400  }
0x8e: {  	[spmem:s3] =	stream.indirect.scatter.add.f32 [tilespmem:s13], [sflag:$0x3], $0x80, s9, s21, $0xb8;
	[tilespmem:$0x1E800] =	vst v63  }
0x8f: {  	_ =	swait.ge [sflag:s14], $0x4000  }
0x90: {  	[sflag:s14] =	ssyncset.done $0x0  }
0x91: {  	[sflag:s14] =	ssyncadd.s32 $0xFFFFC000  }
0x92: {  	_ =	swait.ge [sflag:s29], $0x4000  }
0x93: {  	[sflag:s29] =	ssyncset.done $0x0  }
0x94: {  	s8 =	simm.s32 $0x100;
	[sflag:s29] =	ssyncadd.s32 $0xFFFFC000  }
0x95: {  	[tilespmem:s13], [sflag:$0x1] =	stream.indirect.gather [hbm4b:s0+s21], $0x80, s8, s21, $0xb8;
	[tilespmem:$0x1E800] =	vst v63  }
0x96: {  	s9 =	simm.s32 $0x1480  }
0x97: {  	[spmem:s3] =	stream.indirect.scatter.add.f32 [tilespmem:s28], [sflag:$0x3], $0x80, s9, s21, $0xb8;
	[tilespmem:$0x1E800] =	vst v63  }
0x98: {  	_ =	swait.ge [sflag:s14], $0x4000  }
0x99: {  	s1 =	simm.s32 $0x400;
	[sflag:s14] =	ssyncset.done $0x0  }
.LBB2_6:
0x9a: {  	p0 =	sne.s32 s1, $0x4800  }
0x9b: {  	[sflag:s14] =	ssyncadd.s32 $0xFFFFC000;
	s8 =	smov.u32 s1;
	s1 =	sadd.s32 $0x400, s1  }
0x9c: {  	_ = 	snop  }
0x9d: {  	_ =	swait.ge [sflag:s26], $0x4000  }
0x9e: {  	s8 =	sshra.s32 s8, $0x2;
	[sflag:s26] =	ssyncset.done $0x0  }
0x9f: {  	s9 =	sadd.s32 $0x80, s8;
	[sflag:s26] =	ssyncadd.s32 $0xFFFFC000  }
0xa0: {  	[tilespmem:s28], [sflag:$0x2] =	stream.indirect.gather [hbm4b:s0+s21], $0x80, s9, s21, $0xb8;
	[tilespmem:$0x1E800] =	vst v63  }
0xa1: {  	s9 =	sadd.s32 $0x1400, s8  }
0xa2: {  	[spmem:s3] =	stream.indirect.scatter.add.f32 [tilespmem:s13], [sflag:$0x3], $0x80, s9, s21, $0xb8;
	[tilespmem:$0x1E800] =	vst v63  }
0xa3: {  	_ =	swait.ge [sflag:s14], $0x4000  }
0xa4: {  	[sflag:s14] =	ssyncset.done $0x0  }
0xa5: {  	[sflag:s14] =	ssyncadd.s32 $0xFFFFC000  }
0xa6: {  	_ =	swait.ge [sflag:s29], $0x4000  }
0xa7: {  	[sflag:s29] =	ssyncset.done $0x0  }
0xa8: {  	s9 =	sadd.s32 $0x100, s8;
	[sflag:s29] =	ssyncadd.s32 $0xFFFFC000  }
0xa9: {  	[tilespmem:s13], [sflag:$0x1] =	stream.indirect.gather [hbm4b:s0+s21], $0x80, s9, s21, $0xb8;
	[tilespmem:$0x1E800] =	vst v63  }
.Ltmp2:
0xaa: {  	_ = 	snop;
	(pc) =	sbr.rel @p0 .LBB2_6-.Ltmp2, $4  }
0xab: {  	s8 =	sadd.s32 $0x1480, s8  }
0xac: {  	[spmem:s3] =	stream.indirect.scatter.add.f32 [tilespmem:s28], [sflag:$0x3], $0x80, s8, s21, $0xb8;
	[tilespmem:$0x1E800] =	vst v63  }
0xad: {  	_ =	swait.ge [sflag:s14], $0x4000  }
0xae: {  	[sflag:s14] =	ssyncset.done $0x0  }
0xaf: {  	[sflag:s14] =	ssyncadd.s32 $0xFFFFC000  }
0xb0: {  	_ =	swait.ge [sflag:s26], $0x4000  }
0xb1: {  	[sflag:s26] =	ssyncset.done $0x0  }
0xb2: {  	[sflag:s26] =	ssyncadd.s32 $0xFFFFC000  }
0xb3: {  	[tilespmem:s28], [sflag:$0x2] =	stream.indirect.gather [hbm4b:s0+s21], $0x80, s30, s21, $0xb8;
	[tilespmem:$0x1E800] =	vst v63  }
0xb4: {  	_ = 	snop  }
0xb5: {  	[spmem:s3] =	stream.indirect.scatter.add.f32 [tilespmem:s13], [sflag:$0x3], $0x80, s31, s21, $0xb8;
	[tilespmem:$0x1E800] =	vst v63  }
0xb6: {  	_ =	swait.ge [sflag:s14], $0x4000  }
0xb7: {  	[sflag:s14] =	ssyncset.done $0x0  }
0xb8: {  	[sflag:s14] =	ssyncadd.s32 $0xFFFFC000  }
0xb9: {  	_ =	swait.ge [sflag:s29], $0x4000  }
0xba: {  	[sflag:s29] =	ssyncset.done $0x0  }
0xbb: {  	[sflag:s29] =	ssyncadd.s32 $0xFFFFC000  }
0xbc: {  	[spmem:s3] =	stream.indirect.scatter.add.f32 [tilespmem:s28], [sflag:$0x3], $0x80, s2, s21, $0xb8;
	[tilespmem:$0x1E800] =	vst v63  }
0xbd: {  	_ =	swait.ge [sflag:s14], $0x4000  }
0xbe: {  	s1 =	stileid.u32;
	[sflag:s14] =	ssyncset.done $0x0  }
0xbf: {  	s1 =	sshll.u32 s1, $0x6;
	[sflag:s14] =	ssyncadd.s32 $0xFFFFC000  }
0xc0: {  	s8 =	sshrl.u32 s5, $0x3;
	s1 =	sor.u32 $0x1C03, s1;
	[bflag:$0x0] =	sbarrier.arrive $0xFFFF  }
0xc1: {  	[hbm:s16], [sflag:s1] =	dma.local [spmem:s8], $0x800  }
0xc2: {  	_ =	swait.ge [sflag:s14], $0x800  }
0xc3: {  	[sflag:s14] =	ssyncset.done $0x0  }
0xc4: {  	[sflag:s14] =	ssyncadd.s32 $0xFFFFF800  }
0xc5: {  	[hbm:s17], [sflag:s1] =	dma.local [spmem:s22], $0x800  }
0xc6: {  	_ =	swait.ge [sflag:s14], $0x800  }
0xc7: {  	[sflag:s14] =	ssyncset.done $0x0  }
0xc8: {  	[sflag:s14] =	ssyncadd.s32 $0xFFFFF800  }
0xc9: {  	[hbm:s18], [sflag:s1] =	dma.local [spmem:s23], $0x800  }
0xca: {  	_ =	swait.ge [sflag:s14], $0x800  }
0xcb: {  	[sflag:s14] =	ssyncset.done $0x0  }
0xcc: {  	[sflag:s14] =	ssyncadd.s32 $0xFFFFF800  }
0xcd: {  	[hbm:s19], [sflag:s1] =	dma.local [spmem:s24], $0x800  }
0xce: {  	_ =	swait.ge [sflag:s14], $0x800  }
0xcf: {  	[sflag:s14] =	ssyncset.done $0x0  }
0xd0: {  	[sflag:s14] =	ssyncadd.s32 $0xFFFFF800  }
0xd1: {  	[hbm:s20], [sflag:s1] =	dma.local [spmem:s25], $0x800  }
0xd2: {  	_ =	swait.ge [sflag:s14], $0x800  }
0xd3: {  	s4 =	sadd.s32 $0x1, s4;
	s9 =	rddreg [dreg:$0x5]  }
0xd4: {  	p0 =	sne.s32 s4, s9  }
.Ltmp3:
0xd5: {  	_ = 	snop;
	(pc) =	sbr.rel @p0 .LBB2_1-.Ltmp3, $3  }
0xd6: {  	_ =	sdelay $0x1  }
0xd7: {  	[sflag:s14] =	ssyncset.done $0x0  }
0xd8: {  	[sflag:s14] =	ssyncadd.s32 $0xFFFFF800  }
0xd9: {  	_ =	sfence.sel $0x180000  }
0xda: {  	[bflag:$0x0] =	sbarrier.arrive $0xFFFF  }
0xdb: {  	_ =	strace $0x90000047  }
0xdc: {  	s0 =	stileid.u32;
	[bflag:$0x2] =	sbarrier.arrive $0xFFFF  }
0xdd: {  	p0 =	sne.s32 s0, $0x0;
	s0 =	rddreg [dreg:$0x4]  }
0xde: {  	s0 =	sadd.s32 @!p0 $0x100000, s0  }
0xdf: {  	[sflag:s0] =	ssyncadd.tile.s32 @!p0 $0x1;
	_ =	shalt  }
.Lfunc_end2:
_tile_overlayer_lowered:
.L_overlay_start_2:
0xe0: {  	(tag) =	ssettag $0x2  }
0xe1: {  	s0 =	rddreg [dreg:$0x0];
	s2 =	stileid.u32  }
0xe2: {  	s1 =	rddreg [dreg:$0x1];
	p0 =	sne.s32 s2, $0x0  }
0xe3: {  	s3 =	rddreg [dreg:$0x2];
	[bflag:$0x3] =	sbarrier.arrive $0xFFFF;
	s2 =	simm.s32 @!p0 $0x1C03  }
0xe4: {  	[timem:s3], [sflag:s2] =	dma.local @!p0 [hbm:s0], s1  }
0xe5: {  	s0 =	simm.s32 @!p0 $0x3  }
0xe6: {  	_ =	swait.ge @!p0 [sflag:s0], s1  }
0xe7: {  	s1 =	ssub.s32 @!p0 $0x0, s1;
	[sflag:s0] =	ssyncset.done @!p0 $0x0  }
0xe8: {  	[sflag:s0] =	ssyncadd.s32 @!p0 s1  }
0xe9: {  	[bflag:$0x3] =	sbarrier.arrive $0xFFFF  }
0xea: {  	_ =	shalt  }

// kernel: kernel.15.cloned.1.call-start
scs
__scs_entry_jumppad:
0x0: {  	(pc) =	sbr.rel $0x88, $3  }
0x1: {  	(tag) =	ssettag $0x0;
	lr =	simm.s32 $0x1  }
0x2: {  	[smem:$0x3F8D] =	sst lr;
	_ =	strace $0xD0000000  }
0x3: {  	_ = 	snop  }
0x4: {  	_ = 	snop  }
0x5: {  	_ = 	snop  }
0x6: {  	_ = 	snop  }
0x7: {  	_ = 	snop  }
__scs_overlays_trampoline_lowered:
0x8: {  	[smem:$0x3F9C] =	sst s0  }
0x9: {  	[smem:$0x3F9D] =	sst s1  }
0xa: {  	[smem:$0x3F9E] =	sst s2  }
0xb: {  	[smem:$0x3F9F] =	sst s3  }
0xc: {  	[smem:$0x3FA0] =	sst s4  }
0xd: {  	[smem:$0x3FA1] =	sst s5  }
0xe: {  	[smem:$0x3FA2] =	sst s6  }
0xf: {  	[smem:$0x3FA3] =	sst s7  }
0x10: {  	[smem:$0x3FA4] =	sst s8  }
0x11: {  	[smem:$0x3FA5] =	sst s9;
	s0 =	simm.s32 @!p0 $0x0  }
0x12: {  	s1 =	sld [smem:$0x3F8B];
	s0 =	simm.s32 @p0 $0x1  }
0x13: {  	[smem:$0x3FA6] =	sst s0;
	s0 =	simm.s32 @!p1 $0x0  }
0x14: {  	s2 =	sld [smem:$0x3F8A];
	s0 =	simm.s32 @p1 $0x1  }
0x15: {  	[smem:$0x3FA7] =	sst s0;
	s0 =	simm.s32 @!p2 $0x0  }
0x16: {  	s3 =	sld [smem:$0x3FDB];
	s0 =	simm.s32 @p2 $0x1  }
0x17: {  	s4 =	simm.s32 $0x1BF5;
	[smem:$0x3FA9] =	sst s0  }
0x18: {  	s0 =	sld [smem:$0x3F8C];
	_ =	swait.ge [sflag:s4], $0x0  }
0x19: {  	s7 =	sld [smem:$0x3F8D]  }
0x1a: {  	s8 =	sadd.s32 $0xFFFFE003, lr  }
0x1b: {  	s9 =	sadd.s32 $0xFFFFFEF7, lr;
	s5 =	simm.s32 $0xFFFFFFFF;
	p2 =	slt.u32 s8, $0xFFFFF086  }
0x1c: {  	p1 =	slt.u32 s9, $0xF7A;
	s5 =	simm.s32 @!p2 $0x0  }
0x1d: {  	s5 =	simm.s32 @p1 $0x1;
	p0 =	seq.s32 s7, s2  }
0x1e: {  	s7 =	smul.u32 @!p0 $0xF7A, s2;
	p2 =	seq.s32 @!p0 s5, $0x0  }
0x1f: {  	s9 =	smul.u32 $0xF7A, s1;
	s8 =	simm.s32 @!p0 $0x1BF5;
	p2 =	por !p2, p0  }
0x20: {  	[sflag:s8] =	ssyncset.s32 @!p0 $0xFFFFF086;
	s6 =	sadd.s32 @!p0 s3, s7;
	s7 =	simm.s32 @!p0 $0x108  }
0x21: {  	s3 =	sadd.s32 s3, s9;
	s6 =	sadd.s32 @!p0 $0x88, s6;
	s7 =	simm.s32 @p2 $0x1082  }
0x22: {  	[simem:s7], [sflag:s8] =	dma.local @!p0 [hbm:s6], $0xF7A  }
0x23: {  	s9 =	sor.u32 $0xD0000000, s2;
	s6 =	simm.s32 $0x108;
	_ =	swait.ge @!p0 [sflag:s8], $0x0  }
0x24: {  	s3 =	sadd.s32 $0x88, s3;
	s6 =	simm.s32 @!p1 $0x1082;
	[sflag:s4] =	ssyncset.s32 $0xFFFFF086  }
0x25: {  	[simem:s6], [sflag:s4] =	dma.local [hbm:s3], $0xF7A  }
0x26: {  	[smem:$0x3F8D] =	sst s1;
	(tag) =	ssettag s2;
	_ =	strace s9  }
0x27: {  	s1 =	sld [smem:$0x3F9D]  }
0x28: {  	s2 =	sld [smem:$0x3F9E]  }
0x29: {  	s4 =	sld [smem:$0x3FA0]  }
0x2a: {  	p0 =	seq.s32 s5, $0x0;
	s5 =	sld [smem:$0x3FA1]  }
0x2b: {  	s6 =	sld [smem:$0x3FA2]  }
0x2c: {  	s7 =	sld [smem:$0x3FA3]  }
0x2d: {  	s3 =	simm.s32 $0x108;
	s8 =	sld [smem:$0x3FA4]  }
0x2e: {  	s3 =	simm.s32 @!p0 $0x1082;
	s9 =	sld [smem:$0x3FA5]  }
0x2f: {  	lr =	sadd.s32 s0, s3;
	s0 =	sld [smem:$0x3F9C]  }
0x30: {  	s3 =	sld [smem:$0x3F9F]  }
0x31: {  	[smem:$0x3FA8] =	sst s10  }
0x32: {  	s10 =	sld [smem:$0x3FA6];
	_ =	sdelay $0x3  }
0x33: {  	p0 =	seq.s32 s10, $0x1;
	s10 =	sld [smem:$0x3FA8];
	_ =	sdelay $0x3  }
0x34: {  	[smem:$0x3FA8] =	sst s10  }
0x35: {  	s10 =	sld [smem:$0x3FA7];
	_ =	sdelay $0x3  }
0x36: {  	p1 =	seq.s32 s10, $0x1;
	s10 =	sld [smem:$0x3FA8];
	_ =	sdelay $0x3  }
0x37: {  	[smem:$0x3FA8] =	sst s10  }
0x38: {  	s10 =	sld [smem:$0x3FA9]  }
0x39: {  	_ = 	snop;
	(pc) =	sbr.ind lr, $3  }
0x3a: {  	_ = 	snop  }
0x3b: {  	_ = 	snop  }
0x3c: {  	p2 =	seq.s32 s10, $0x1;
	s10 =	sld [smem:$0x3FA8]  }
0x3d: {  	_ =	shalt  }
0x3e: {  	_ =	shalt  }
0x3f: {  	_ =	shalt  }
0x40: {  	_ =	shalt  }
0x41: {  	_ =	shalt  }
0x42: {  	_ =	shalt  }
0x43: {  	_ =	shalt  }
0x44: {  	_ =	shalt  }
0x45: {  	_ =	shalt  }
0x46: {  	_ =	shalt  }
0x47: {  	_ =	shalt  }
0x48: {  	_ =	shalt  }
0x49: {  	_ =	shalt  }
0x4a: {  	_ =	shalt  }
0x4b: {  	_ =	shalt  }
0x4c: {  	_ =	shalt  }
0x4d: {  	_ =	shalt  }
0x4e: {  	_ =	shalt  }
0x4f: {  	_ =	shalt  }
0x50: {  	_ =	shalt  }
0x51: {  	_ =	shalt  }
0x52: {  	_ =	shalt  }
0x53: {  	_ =	shalt  }
0x54: {  	_ =	shalt  }
0x55: {  	_ =	shalt  }
0x56: {  	_ =	shalt  }
0x57: {  	_ =	shalt  }
0x58: {  	_ =	shalt  }
0x59: {  	_ =	shalt  }
0x5a: {  	_ =	shalt  }
0x5b: {  	_ =	shalt  }
0x5c: {  	_ =	shalt  }
0x5d: {  	_ =	shalt  }
0x5e: {  	_ =	shalt  }
0x5f: {  	_ =	shalt  }
0x60: {  	_ =	shalt  }
0x61: {  	_ =	shalt  }
0x62: {  	_ =	shalt  }
0x63: {  	_ =	shalt  }
0x64: {  	_ =	shalt  }
0x65: {  	_ =	shalt  }
0x66: {  	_ =	shalt  }
0x67: {  	_ =	shalt  }
0x68: {  	_ =	shalt  }
0x69: {  	_ =	shalt  }
0x6a: {  	_ =	shalt  }
0x6b: {  	_ =	shalt  }
0x6c: {  	_ =	shalt  }
0x6d: {  	_ =	shalt  }
0x6e: {  	_ =	shalt  }
0x6f: {  	_ =	shalt  }
0x70: {  	_ =	shalt  }
0x71: {  	_ =	shalt  }
0x72: {  	_ =	shalt  }
0x73: {  	_ =	shalt  }
0x74: {  	_ =	shalt  }
0x75: {  	_ =	shalt  }
0x76: {  	_ =	shalt  }
0x77: {  	_ =	shalt  }
0x78: {  	_ =	shalt  }
0x79: {  	_ =	shalt  }
0x7a: {  	_ =	shalt  }
0x7b: {  	_ =	shalt  }
0x7c: {  	_ =	shalt  }
0x7d: {  	_ =	shalt  }
0x7e: {  	_ =	shalt  }
0x7f: {  	_ =	shalt  }
0x80: {  	_ =	shalt  }
0x81: {  	_ =	shalt  }
0x82: {  	_ =	shalt  }
0x83: {  	_ =	shalt  }
0x84: {  	_ =	shalt  }
0x85: {  	_ =	shalt  }
0x86: {  	_ =	shalt  }
0x87: {  	_ =	shalt  }
.Lfunc_end0:
.L_simem_size_0:
called_computation.1_lowered:
.L_overlay_start_0:
0x88: {  	s2 =	sld [smem:$0x3FD9]  }
0x89: {  	s3 =	sld [smem:$0x3FFE];
	_ =	sdelay $0x1  }
0x8a: {  	s1 =	srdreg.scid  }
0x8b: {  	s0 =	sand.u32 $0x1, s1  }
0x8c: {  	s17 =	sshll.u32 s0, $0xA;
	s2 =	sadd.s32 s3, s2  }
0x8d: {  	s2 =	sadd.s32 s2, s17  }
0x8e: {  	[smem:$0x3FB4] =	sst s2  }
0x8f: {  	_ = 	snop  }
0x90: {  	s2 =	sld [smem:$0x3FD0];
	(tm) =	ssettm $0x1  }
0x91: {  	s18 =	sld [smem:$0x3FFB];
	_ =	sdelay $0x3  }
0x92: {  	_ =	strace s18  }
0x93: {  	s3 =	sld [smem:$0x3FFC];
	_ =	sdelay $0x3  }
0x94: {  	_ =	strace s3  }
0x95: {  	s3 =	sld [smem:$0x3FFD];
	_ =	sdelay $0x3  }
0x96: {  	_ =	strace s3  }
0x97: {  	_ =	strace $0x8FFFFFFF  }
0x98: {  	s19 =	sld [smem:$0x3FDB];
	_ =	sdelay $0x1  }
0x99: {  	s4 =	simm.s32 $_scs_section_size  }
0x9a: {  	s5 =	simm.s32 $_size__tile_overlayer_lowered;
	s6 =	simm.s32 $_tile_overlayer_lowered  }
0x9b: {  	s22 =	simm.s32 $0x1BFF;
	s21 =	sshll.u32 s6, $0x1;
	s3 =	sadd.s32 s4, s19  }
0x9c: {  	s7 =	simm.s32 $0x0;
	s20 =	sshll.u32 s5, $0x1;
	s5 =	sadd.s32 s21, s3  }
0x9d: {  	[timem:s7], [sflag:s22] =	dma.local [hbm:s5], s20  }
0x9e: {  	_ =	swait.ge [sflag:s22], s20  }
0x9f: {  	s4 =	ssub.s32 $0x0, s20;
	[sflag:s22] =	ssyncset.done $0x0  }
0xa0: {  	[sflag:s22] =	ssyncadd.s32 s4;
	_ =	sdelay $0x1  }
0xa1: {  	s23 =	simm.s32 $0x1B8B  }
0xa2: {  	_ =	swait.ge [sflag:s23], $0x1  }
0xa3: {  	[sflag:s23] =	ssyncset.done $0x0  }
0xa4: {  	s25 =	simm.s32 $0x1B8E;
	s24 =	sld [smem:$0x3FFE];
	[sflag:s23] =	ssyncadd.s32 $0xFFFFFFFF  }
0xa5: {  	s26 =	simm.s32 $execute0_lowered;
	[smem:$0x3FD2] =	sst s25  }
0xa6: {  	s5 =	sshll.u32 s26, $0x1;
	_ =	strace $0x80000049;
	[dreg:$0x1] =	wrdreg $0xFFFFFFFF  }
0xa7: {  	s28 =	simm.s32 $_size_execute0_lowered;
	s3 =	sadd.s32 s3, s5;
	[dreg:$0x0] =	wrdreg $0x0  }
0xa8: {  	s5 =	sshll.u32 s28, $0x1;
	[dreg:$0x2] =	wrdreg s3  }
0xa9: {  	[dreg:$0x3] =	wrdreg s5  }
0xaa: {  	[dreg:$0x4] =	wrdreg $0xC0  }
0xab: {  	_ =	task [dreg:s7], $0x5FFFF  }
0xac: {  	[dreg:$0x1] =	wrdreg $0xFFFFFFFF  }
0xad: {  	[dreg:$0x0] =	wrdreg $0x60  }
0xae: {  	[dreg:$0x2] =	wrdreg s24  }
0xaf: {  	[dreg:$0x3] =	wrdreg s2  }
0xb0: {  	[dreg:$0x4] =	wrdreg $0xA8000  }
0xb1: {  	[dreg:$0x5] =	wrdreg $0x9  }
0xb2: {  	_ =	task.clear_ibuf [dreg:s7], $0x6FFFF;
	_ =	strace $0x90000049  }
0xb3: {  	s29 =	simm.s32 $0x9;
	_ =	strace $0x8000004B  }
0xb4: {  	_ =	swait.ge [sflag:s29], $0x1  }
0xb5: {  	[sflag:s29] =	ssyncadd.s32 $0xFFFFFFFF  }
0xb6: {  	_ =	strace $0x9000004B  }
0xb7: {  	_ =	sfence  }
0xb8: {  	s30 =	sld [smem:$0x0];
	_ =	sdelay $0x2  }
0xb9: {  	s31 =	sshll.u32 s1, $0xD;
	s1 =	sshrl.u32 s1, $0x2  }
0xba: {  	s3 =	sand.u32 $0x4000, s31;
	s1 =	sadd.s32 s1, s30  }
0xbb: {  	s0 =	sor.u32 s3, s0;
	s1 =	sshll.u32 s1, $0x11  }
0xbc: {  	s0 =	sor.u32 s1, s0  }
0xbd: {  	s0 =	sadd.s32 $0x8F2B, s0  }
0xbe: {  	[sflag:s0] =	ssyncadd.remote.s32 $0x1  }
0xbf: {  	_ =	sfence.sel $0xFFFF  }
0xc0: {  	[dreg:$0x0] =	wrdreg $0xFFFFFFFF;
	(pc) =	sbr.abs _section_cstart, $3  }
0xc1: {  	[dreg:$0x1] =	wrdreg $0xFFFFFFFF  }
0xc2: {  	_ =	task.clear_ibuf [dreg:s7], $0x2FFFF;
	_ =	strace $0x9FFFFFFF  }
0xc3: {  	(tm) =	ssettm $0x7FFFFFFF  }
tec
execute0_lowered:
.L_overlay_start_1:
0x0: {  	(tag) =	ssettag $0x1  }
0x1: {  	s0 =	rddreg [dreg:$0x0]  }
0x2: {  	s1 =	srdreg.scid;
	s6 =	rddreg [dreg:$0x1]  }
0x3: {  	s2 =	rddreg [dreg:$0x2];
	s11 =	stileid.u32;
	s3 =	simm.s32 $0x0  }
0x4: {  	s15 =	simm.s32 $0x1400;
	s28 =	simm.s32 $0x6800;
	s29 =	simm.s32 $0x2  }
0x5: {  	s30 =	simm.s32 $0x1380;
	s31 =	simm.s32 $0x2700;
	s5 =	smul.u32 $0x50000, s11  }
0x6: {  	s1 =	sand.u32 $0x1, s1;
	[smem:$0x7FF] =	sst s3;
	s17 =	smul.u32 $0x280, s11  }
0x7: {  	s16 =	smul.u32 $0x2800, s11;
	s4 =	sshll.u32 s1, $0x4;
	_ =	strace $0x8000004A  }
0x8: {  	s8 =	smul.u32 $0x28000, s1;
	s1 =	ssub.s32 $0x2, s1;
	s4 =	sor.u32 s11, s4  }
0x9: {  	s10 =	sshrl.u32 s1, $0x1;
	s5 =	sshrl.u32 s5, $0x2;
	s19 =	sadd.s32 $0x80, s17  }
0xa: {  	s14 =	sadd.s32 $0x100, s17;
	s21 =	sadd.s32 $0x180, s17;
	s7 =	smul.u32 $0x500, s4  }
0xb: {  	s4 =	sadd.s32 $0x10400, s0;
	s1 =	ssub.s32 s1, s10;
	s5 =	sadd.s32 s5, s2  }
0xc: {  	s13 =	sshll.u32 s19, $0x7;
	s20 =	sshll.u32 s14, $0x7;
	s25 =	sshll.u32 s21, $0x7  }
0xd: {  	s1 =	smax.u32 s1, $0x1;
	s18 =	sadd.s32 $0x4000, s5;
	s10 =	sadd.s32 $0x8000, s5  }
0xe: {  	s11 =	sadd.s32 $0xC000, s5;
	s12 =	sadd.s32 $0x10000, s5;
	s22 =	sadd.s32 s13, s2  }
0xf: {  	s23 =	sadd.s32 s20, s2;
	s24 =	sadd.s32 s25, s2;
	s13 =	simm.s32 $0x2800  }
0x10: {  	s9 =	sadd.s32 s7, s0;
	s0 =	sadd.s32 s8, s0;
	[dreg:$0x4] =	wrdreg s1  }
0x11: {  	s6 =	sadd.s32 s6, s7;
	[dreg:$0x5] =	wrdreg s18;
	s1 =	sshll.u32 s19, $0x4  }
0x12: {  	s18 =	sshll.u32 s14, $0x4;
	s8 =	sadd.s32 $0x200, s17;
	s19 =	sshll.u32 s21, $0x4  }
0x13: {  	s14 =	simm.s32 $0x3;
	s21 =	simm.s32 $0x80;
	s22 =	sshrl.u32 s22, $0x3  }
0x14: {  	s23 =	sshrl.u32 s23, $0x3;
	s24 =	sshrl.u32 s24, $0x3;
	s7 =	sadd.s32 $0x6400, s9  }
0x15: {  	s0 =	sadd.s32 $0x37600, s0;
	s26 =	sshll.u32 s8, $0x7;
	s8 =	sshll.u32 s8, $0x4  }
0x16: {  	s25 =	sadd.s32 s26, s2;
	s16 =	sadd.s32 s16, s0;
	s17 =	sadd.s32 s1, s0  }
0x17: {  	s18 =	sadd.s32 s18, s0;
	s19 =	sadd.s32 s19, s0;
	s20 =	sadd.s32 s8, s0  }
0x18: {  	v0 =	vimm.f32 $0.0e+00;
	s26 =	simm.s32 $0x1;
	s0 =	simm.s32 $0x2780;
	s25 =	sshrl.u32 s25, $0x3  }
.LBB2_1:
0x19: {  	s1 =	simm.s32 $0x0;
	s8 =	simm.s32 $0x200  }
.LBB2_2:
0x1a: {  	p0 =	sne.s32 s8, $0xFE00;
	[tilespmem:s1+$0x2870] =	vst v0  }
0x1b: {  	[tilespmem:s1+$0x2800] =	vst v0  }
0x1c: {  	[tilespmem:s1+$0x2810] =	vst v0  }
.Ltmp0:
0x1d: {  	[tilespmem:s1+$0x2820] =	vst v0;
	(pc) =	sbr.rel @p0 .LBB2_2-.Ltmp0, $4  }
0x1e: {  	[tilespmem:s1+$0x2830] =	vst v0  }
0x1f: {  	[tilespmem:s1+$0x2840] =	vst v0  }
0x20: {  	[tilespmem:s1+$0x2850] =	vst v0  }
0x21: {  	[tilespmem:s1+$0x2860] =	vst v0;
	s1 =	sshra.s32 s8, $0x2;
	s8 =	sadd.s32 $0x200, s8  }
0x22: {  	[tilespmem:s1+$0x2870] =	vst v0  }
0x23: {  	[tilespmem:s1+$0x2800] =	vst v0  }
0x24: {  	[tilespmem:s1+$0x2810] =	vst v0  }
0x25: {  	[tilespmem:s1+$0x2820] =	vst v0  }
0x26: {  	[tilespmem:s1+$0x2830] =	vst v0  }
0x27: {  	[tilespmem:s1+$0x2840] =	vst v0  }
0x28: {  	[tilespmem:s1+$0x2850] =	vst v0  }
0x29: {  	[tilespmem:s1+$0x2860] =	vst v0  }
0x2a: {  	[spmem:s5] =	stream.linear.scatter [tilespmem:s13], [sflag:$0x3], $0x4000, $0x38;
	[tilespmem:$0x1E800] =	vst v63  }
0x2b: {  	_ =	swait.ge [sflag:s14], $0x4000  }
0x2c: {  	[sflag:s14] =	ssyncset.done $0x0  }
0x2d: {  	s8 =	rddreg [dreg:$0x5];
	[sflag:s14] =	ssyncadd.s32 $0xFFFFC000  }
0x2e: {  	[spmem:s8] =	stream.linear.scatter [tilespmem:s13], [sflag:$0x3], $0x4000, $0x38;
	[tilespmem:$0x1E800] =	vst v63  }
0x2f: {  	_ =	swait.ge [sflag:s14], $0x4000  }
0x30: {  	[sflag:s14] =	ssyncset.done $0x0  }
0x31: {  	[sflag:s14] =	ssyncadd.s32 $0xFFFFC000  }
0x32: {  	[spmem:s10] =	stream.linear.scatter [tilespmem:s13], [sflag:$0x3], $0x4000, $0x38;
	[tilespmem:$0x1E800] =	vst v63  }
0x33: {  	_ =	swait.ge [sflag:s14], $0x4000  }
0x34: {  	[sflag:s14] =	ssyncset.done $0x0  }
0x35: {  	[sflag:s14] =	ssyncadd.s32 $0xFFFFC000  }
0x36: {  	[spmem:s11] =	stream.linear.scatter [tilespmem:s13], [sflag:$0x3], $0x4000, $0x38;
	[tilespmem:$0x1E800] =	vst v63  }
0x37: {  	_ =	swait.ge [sflag:s14], $0x4000  }
0x38: {  	[sflag:s14] =	ssyncset.done $0x0  }
0x39: {  	[sflag:s14] =	ssyncadd.s32 $0xFFFFC000  }
0x3a: {  	[spmem:s12] =	stream.linear.scatter [tilespmem:s13], [sflag:$0x3], $0x4000, $0x38;
	[tilespmem:$0x1E800] =	vst v63  }
0x3b: {  	_ =	swait.ge [sflag:s14], $0x4000  }
0x3c: {  	[sflag:s14] =	ssyncset.done $0x0  }
0x3d: {  	[sflag:s14] =	ssyncadd.s32 $0xFFFFC000  }
0x3e: {  	s9 =	simm.s32 $0x0;
	[bflag:$0x0] =	sbarrier.arrive $0xFFFF  }
0x3f: {  	[tilespmem:s9], [sflag:$0x3] =	stream.linear.gather [hbm4b:s6+s9], $0x1400, $0x38;
	[tilespmem:$0x1E800] =	vst v63  }
0x40: {  	_ =	swait.ge [sflag:s14], $0x1400  }
0x41: {  	[sflag:s14] =	ssyncset.done $0x0  }
0x42: {  	[sflag:s14] =	ssyncadd.s32 $0xFFFFEC00  }
0x43: {  	[tilespmem:s15], [sflag:$0x3] =	stream.linear.gather [hbm4b:s7+s9], $0x1400, $0x38;
	[tilespmem:$0x1E800] =	vst v63  }
0x44: {  	_ =	swait.ge [sflag:s14], $0x1400  }
0x45: {  	[sflag:s14] =	ssyncset.done $0x0  }
0x46: {  	[sflag:s14] =	ssyncadd.s32 $0xFFFFEC00  }
0x47: {  	[tilespmem:s13], [sflag:$0x1] =	stream.indirect.gather [hbm4b:s4+s21], $0x80, s9, s21, $0xb8;
	[tilespmem:$0x1E800] =	vst v63  }
0x48: {  	_ =	swait.ge [sflag:s26], $0x4000  }
0x49: {  	[sflag:s26] =	ssyncset.done $0x0  }
0x4a: {  	s8 =	simm.s32 $0x80;
	[sflag:s26] =	ssyncadd.s32 $0xFFFFC000  }
0x4b: {  	[tilespmem:s28], [sflag:$0x2] =	stream.indirect.gather [hbm4b:s4+s21], $0x80, s8, s21, $0xb8;
	[tilespmem:$0x1E800] =	vst v63  }
0x4c: {  	s9 =	simm.s32 $0x1400  }
0x4d: {  	[spmem:s2] =	stream.indirect.scatter.add.f32 [tilespmem:s13], [sflag:$0x3], $0x80, s9, s21, $0xb8;
	[tilespmem:$0x1E800] =	vst v63  }
0x4e: {  	_ =	swait.ge [sflag:s14], $0x4000  }
0x4f: {  	[sflag:s14] =	ssyncset.done $0x0  }
0x50: {  	[sflag:s14] =	ssyncadd.s32 $0xFFFFC000  }
0x51: {  	_ =	swait.ge [sflag:s29], $0x4000  }
0x52: {  	[sflag:s29] =	ssyncset.done $0x0  }
0x53: {  	s8 =	simm.s32 $0x100;
	[sflag:s29] =	ssyncadd.s32 $0xFFFFC000  }
0x54: {  	[tilespmem:s13], [sflag:$0x1] =	stream.indirect.gather [hbm4b:s4+s21], $0x80, s8, s21, $0xb8;
	[tilespmem:$0x1E800] =	vst v63  }
0x55: {  	s9 =	simm.s32 $0x1480  }
0x56: {  	[spmem:s2] =	stream.indirect.scatter.add.f32 [tilespmem:s28], [sflag:$0x3], $0x80, s9, s21, $0xb8;
	[tilespmem:$0x1E800] =	vst v63  }
0x57: {  	_ =	swait.ge [sflag:s14], $0x4000  }
0x58: {  	s1 =	simm.s32 $0x400;
	[sflag:s14] =	ssyncset.done $0x0  }
.LBB2_4:
0x59: {  	p0 =	sne.s32 s1, $0x4800  }
0x5a: {  	[sflag:s14] =	ssyncadd.s32 $0xFFFFC000;
	s8 =	smov.u32 s1;
	s1 =	sadd.s32 $0x400, s1  }
0x5b: {  	_ = 	snop  }
0x5c: {  	_ =	swait.ge [sflag:s26], $0x4000  }
0x5d: {  	s8 =	sshra.s32 s8, $0x2;
	[sflag:s26] =	ssyncset.done $0x0  }
0x5e: {  	s9 =	sadd.s32 $0x80, s8;
	[sflag:s26] =	ssyncadd.s32 $0xFFFFC000  }
0x5f: {  	[tilespmem:s28], [sflag:$0x2] =	stream.indirect.gather [hbm4b:s4+s21], $0x80, s9, s21, $0xb8;
	[tilespmem:$0x1E800] =	vst v63  }
0x60: {  	s9 =	sadd.s32 $0x1400, s8  }
0x61: {  	[spmem:s2] =	stream.indirect.scatter.add.f32 [tilespmem:s13], [sflag:$0x3], $0x80, s9, s21, $0xb8;
	[tilespmem:$0x1E800] =	vst v63  }
0x62: {  	_ =	swait.ge [sflag:s14], $0x4000  }
0x63: {  	[sflag:s14] =	ssyncset.done $0x0  }
0x64: {  	[sflag:s14] =	ssyncadd.s32 $0xFFFFC000  }
0x65: {  	_ =	swait.ge [sflag:s29], $0x4000  }
0x66: {  	[sflag:s29] =	ssyncset.done $0x0  }
0x67: {  	s9 =	sadd.s32 $0x100, s8;
	[sflag:s29] =	ssyncadd.s32 $0xFFFFC000  }
0x68: {  	[tilespmem:s13], [sflag:$0x1] =	stream.indirect.gather [hbm4b:s4+s21], $0x80, s9, s21, $0xb8;
	[tilespmem:$0x1E800] =	vst v63  }
.Ltmp1:
0x69: {  	_ = 	snop;
	(pc) =	sbr.rel @p0 .LBB2_4-.Ltmp1, $4  }
0x6a: {  	s8 =	sadd.s32 $0x1480, s8  }
0x6b: {  	[spmem:s2] =	stream.indirect.scatter.add.f32 [tilespmem:s28], [sflag:$0x3], $0x80, s8, s21, $0xb8;
	[tilespmem:$0x1E800] =	vst v63  }
0x6c: {  	_ =	swait.ge [sflag:s14], $0x4000  }
0x6d: {  	[sflag:s14] =	ssyncset.done $0x0  }
0x6e: {  	[sflag:s14] =	ssyncadd.s32 $0xFFFFC000  }
0x6f: {  	_ =	swait.ge [sflag:s26], $0x4000  }
0x70: {  	[sflag:s26] =	ssyncset.done $0x0  }
0x71: {  	[sflag:s26] =	ssyncadd.s32 $0xFFFFC000  }
0x72: {  	[tilespmem:s28], [sflag:$0x2] =	stream.indirect.gather [hbm4b:s4+s21], $0x80, s30, s21, $0xb8;
	[tilespmem:$0x1E800] =	vst v63  }
0x73: {  	_ = 	snop  }
0x74: {  	[spmem:s2] =	stream.indirect.scatter.add.f32 [tilespmem:s13], [sflag:$0x3], $0x80, s31, s21, $0xb8;
	[tilespmem:$0x1E800] =	vst v63  }
0x75: {  	_ =	swait.ge [sflag:s14], $0x4000  }
0x76: {  	[sflag:s14] =	ssyncset.done $0x0  }
0x77: {  	[sflag:s14] =	ssyncadd.s32 $0xFFFFC000  }
0x78: {  	_ =	swait.ge [sflag:s29], $0x4000  }
0x79: {  	[sflag:s29] =	ssyncset.done $0x0  }
0x7a: {  	[sflag:s29] =	ssyncadd.s32 $0xFFFFC000  }
0x7b: {  	[spmem:s2] =	stream.indirect.scatter.add.f32 [tilespmem:s28], [sflag:$0x3], $0x80, s0, s21, $0xb8;
	[tilespmem:$0x1E800] =	vst v63  }
0x7c: {  	_ =	swait.ge [sflag:s14], $0x4000  }
0x7d: {  	[sflag:s14] =	ssyncset.done $0x0  }
0x7e: {  	s1 =	sadd.s32 $0x280, s6;
	s8 =	simm.s32 $0x0;
	[sflag:s14] =	ssyncadd.s32 $0xFFFFC000  }
0x7f: {  	[tilespmem:s8], [sflag:$0x3] =	stream.linear.gather [hbm4b:s1+s8], $0x1400, $0x38;
	[tilespmem:$0x1E800] =	vst v63  }
0x80: {  	_ =	swait.ge [sflag:s14], $0x1400  }
0x81: {  	[sflag:s14] =	ssyncset.done $0x0  }
0x82: {  	s9 =	sadd.s32 $0x280, s7;
	[sflag:s14] =	ssyncadd.s32 $0xFFFFEC00  }
0x83: {  	[tilespmem:s15], [sflag:$0x3] =	stream.linear.gather [hbm4b:s9+s8], $0x1400, $0x38;
	[tilespmem:$0x1E800] =	vst v63  }
0x84: {  	_ =	swait.ge [sflag:s14], $0x1400  }
0x85: {  	[sflag:s14] =	ssyncset.done $0x0  }
0x86: {  	[sflag:s14] =	ssyncadd.s32 $0xFFFFEC00  }
0x87: {  	[tilespmem:s13], [sflag:$0x1] =	stream.indirect.gather [hbm4b:s4+s21], $0x80, s8, s21, $0xb8;
	[tilespmem:$0x1E800] =	vst v63  }
0x88: {  	_ =	swait.ge [sflag:s26], $0x4000  }
0x89: {  	[sflag:s26] =	ssyncset.done $0x0  }
0x8a: {  	s8 =	simm.s32 $0x80;
	[sflag:s26] =	ssyncadd.s32 $0xFFFFC000  }
0x8b: {  	[tilespmem:s28], [sflag:$0x2] =	stream.indirect.gather [hbm4b:s4+s21], $0x80, s8, s21, $0xb8;
	[tilespmem:$0x1E800] =	vst v63  }
0x8c: {  	s9 =	simm.s32 $0x1400  }
0x8d: {  	[spmem:s2] =	stream.indirect.scatter.add.f32 [tilespmem:s13], [sflag:$0x3], $0x80, s9, s21, $0xb8;
	[tilespmem:$0x1E800] =	vst v63  }
0x8e: {  	_ =	swait.ge [sflag:s14], $0x4000  }
0x8f: {  	[sflag:s14] =	ssyncset.done $0x0  }
0x90: {  	[sflag:s14] =	ssyncadd.s32 $0xFFFFC000  }
0x91: {  	_ =	swait.ge [sflag:s29], $0x4000  }
0x92: {  	[sflag:s29] =	ssyncset.done $0x0  }
0x93: {  	s8 =	simm.s32 $0x100;
	[sflag:s29] =	ssyncadd.s32 $0xFFFFC000  }
0x94: {  	[tilespmem:s13], [sflag:$0x1] =	stream.indirect.gather [hbm4b:s4+s21], $0x80, s8, s21, $0xb8;
	[tilespmem:$0x1E800] =	vst v63  }
0x95: {  	s9 =	simm.s32 $0x1480  }
0x96: {  	[spmem:s2] =	stream.indirect.scatter.add.f32 [tilespmem:s28], [sflag:$0x3], $0x80, s9, s21, $0xb8;
	[tilespmem:$0x1E800] =	vst v63  }
0x97: {  	_ =	swait.ge [sflag:s14], $0x4000  }
0x98: {  	s1 =	simm.s32 $0x400;
	[sflag:s14] =	ssyncset.done $0x0  }
.LBB2_6:
0x99: {  	p0 =	sne.s32 s1, $0x4800  }
0x9a: {  	[sflag:s14] =	ssyncadd.s32 $0xFFFFC000;
	s8 =	smov.u32 s1;
	s1 =	sadd.s32 $0x400, s1  }
0x9b: {  	_ = 	snop  }
0x9c: {  	_ =	swait.ge [sflag:s26], $0x4000  }
0x9d: {  	s8 =	sshra.s32 s8, $0x2;
	[sflag:s26] =	ssyncset.done $0x0  }
0x9e: {  	s9 =	sadd.s32 $0x80, s8;
	[sflag:s26] =	ssyncadd.s32 $0xFFFFC000  }
0x9f: {  	[tilespmem:s28], [sflag:$0x2] =	stream.indirect.gather [hbm4b:s4+s21], $0x80, s9, s21, $0xb8;
	[tilespmem:$0x1E800] =	vst v63  }
0xa0: {  	s9 =	sadd.s32 $0x1400, s8  }
0xa1: {  	[spmem:s2] =	stream.indirect.scatter.add.f32 [tilespmem:s13], [sflag:$0x3], $0x80, s9, s21, $0xb8;
	[tilespmem:$0x1E800] =	vst v63  }
0xa2: {  	_ =	swait.ge [sflag:s14], $0x4000  }
0xa3: {  	[sflag:s14] =	ssyncset.done $0x0  }
0xa4: {  	[sflag:s14] =	ssyncadd.s32 $0xFFFFC000  }
0xa5: {  	_ =	swait.ge [sflag:s29], $0x4000  }
0xa6: {  	[sflag:s29] =	ssyncset.done $0x0  }
0xa7: {  	s9 =	sadd.s32 $0x100, s8;
	[sflag:s29] =	ssyncadd.s32 $0xFFFFC000  }
0xa8: {  	[tilespmem:s13], [sflag:$0x1] =	stream.indirect.gather [hbm4b:s4+s21], $0x80, s9, s21, $0xb8;
	[tilespmem:$0x1E800] =	vst v63  }
.Ltmp2:
0xa9: {  	_ = 	snop;
	(pc) =	sbr.rel @p0 .LBB2_6-.Ltmp2, $4  }
0xaa: {  	s8 =	sadd.s32 $0x1480, s8  }
0xab: {  	[spmem:s2] =	stream.indirect.scatter.add.f32 [tilespmem:s28], [sflag:$0x3], $0x80, s8, s21, $0xb8;
	[tilespmem:$0x1E800] =	vst v63  }
0xac: {  	_ =	swait.ge [sflag:s14], $0x4000  }
0xad: {  	[sflag:s14] =	ssyncset.done $0x0  }
0xae: {  	[sflag:s14] =	ssyncadd.s32 $0xFFFFC000  }
0xaf: {  	_ =	swait.ge [sflag:s26], $0x4000  }
0xb0: {  	[sflag:s26] =	ssyncset.done $0x0  }
0xb1: {  	[sflag:s26] =	ssyncadd.s32 $0xFFFFC000  }
0xb2: {  	[tilespmem:s28], [sflag:$0x2] =	stream.indirect.gather [hbm4b:s4+s21], $0x80, s30, s21, $0xb8;
	[tilespmem:$0x1E800] =	vst v63  }
0xb3: {  	_ = 	snop  }
0xb4: {  	[spmem:s2] =	stream.indirect.scatter.add.f32 [tilespmem:s13], [sflag:$0x3], $0x80, s31, s21, $0xb8;
	[tilespmem:$0x1E800] =	vst v63  }
0xb5: {  	_ =	swait.ge [sflag:s14], $0x4000  }
0xb6: {  	[sflag:s14] =	ssyncset.done $0x0  }
0xb7: {  	[sflag:s14] =	ssyncadd.s32 $0xFFFFC000  }
0xb8: {  	_ =	swait.ge [sflag:s29], $0x4000  }
0xb9: {  	[sflag:s29] =	ssyncset.done $0x0  }
0xba: {  	[sflag:s29] =	ssyncadd.s32 $0xFFFFC000  }
0xbb: {  	[spmem:s2] =	stream.indirect.scatter.add.f32 [tilespmem:s28], [sflag:$0x3], $0x80, s0, s21, $0xb8;
	[tilespmem:$0x1E800] =	vst v63  }
0xbc: {  	_ =	swait.ge [sflag:s14], $0x4000  }
0xbd: {  	s1 =	stileid.u32;
	[sflag:s14] =	ssyncset.done $0x0  }
0xbe: {  	s1 =	sshll.u32 s1, $0x6;
	[sflag:s14] =	ssyncadd.s32 $0xFFFFC000  }
0xbf: {  	s8 =	sshrl.u32 s5, $0x3;
	s1 =	sor.u32 $0x1C03, s1;
	[bflag:$0x0] =	sbarrier.arrive $0xFFFF  }
0xc0: {  	[hbm:s16], [sflag:s1] =	dma.local [spmem:s8], $0x800  }
0xc1: {  	_ =	swait.ge [sflag:s14], $0x800  }
0xc2: {  	[sflag:s14] =	ssyncset.done $0x0  }
0xc3: {  	[sflag:s14] =	ssyncadd.s32 $0xFFFFF800  }
0xc4: {  	[hbm:s17], [sflag:s1] =	dma.local [spmem:s22], $0x800  }
0xc5: {  	_ =	swait.ge [sflag:s14], $0x800  }
0xc6: {  	[sflag:s14] =	ssyncset.done $0x0  }
0xc7: {  	[sflag:s14] =	ssyncadd.s32 $0xFFFFF800  }
0xc8: {  	[hbm:s18], [sflag:s1] =	dma.local [spmem:s23], $0x800  }
0xc9: {  	_ =	swait.ge [sflag:s14], $0x800  }
0xca: {  	[sflag:s14] =	ssyncset.done $0x0  }
0xcb: {  	[sflag:s14] =	ssyncadd.s32 $0xFFFFF800  }
0xcc: {  	[hbm:s19], [sflag:s1] =	dma.local [spmem:s24], $0x800  }
0xcd: {  	_ =	swait.ge [sflag:s14], $0x800  }
0xce: {  	[sflag:s14] =	ssyncset.done $0x0  }
0xcf: {  	[sflag:s14] =	ssyncadd.s32 $0xFFFFF800  }
0xd0: {  	[hbm:s20], [sflag:s1] =	dma.local [spmem:s25], $0x800  }
0xd1: {  	_ =	swait.ge [sflag:s14], $0x800  }
0xd2: {  	s3 =	sadd.s32 $0x1, s3;
	s9 =	rddreg [dreg:$0x4]  }
0xd3: {  	p0 =	sne.s32 s3, s9  }
.Ltmp3:
0xd4: {  	_ = 	snop;
	(pc) =	sbr.rel @p0 .LBB2_1-.Ltmp3, $3  }
0xd5: {  	_ =	sdelay $0x1  }
0xd6: {  	[sflag:s14] =	ssyncset.done $0x0  }
0xd7: {  	[sflag:s14] =	ssyncadd.s32 $0xFFFFF800  }
0xd8: {  	_ =	sfence.sel $0x180000  }
0xd9: {  	[bflag:$0x0] =	sbarrier.arrive $0xFFFF  }
0xda: {  	_ =	strace $0x9000004A  }
0xdb: {  	s0 =	stileid.u32;
	[bflag:$0x2] =	sbarrier.arrive $0xFFFF  }
0xdc: {  	p0 =	sne.s32 s0, $0x0;
	s0 =	rddreg [dreg:$0x3]  }
0xdd: {  	s0 =	sadd.s32 @!p0 $0x100000, s0  }
0xde: {  	[sflag:s0] =	ssyncadd.tile.s32 @!p0 $0x1;
	_ =	shalt  }
.Lfunc_end2:
_tile_overlayer_lowered:
.L_overlay_start_2:
0xdf: {  	(tag) =	ssettag $0x2  }
0xe0: {  	s0 =	rddreg [dreg:$0x0];
	s2 =	stileid.u32  }
0xe1: {  	s1 =	rddreg [dreg:$0x1];
	p0 =	sne.s32 s2, $0x0  }
0xe2: {  	s3 =	rddreg [dreg:$0x2];
	[bflag:$0x3] =	sbarrier.arrive $0xFFFF;
	s2 =	simm.s32 @!p0 $0x1C03  }
0xe3: {  	[timem:s3], [sflag:s2] =	dma.local @!p0 [hbm:s0], s1  }
0xe4: {  	s0 =	simm.s32 @!p0 $0x3  }
0xe5: {  	_ =	swait.ge @!p0 [sflag:s0], s1  }
0xe6: {  	s1 =	ssub.s32 @!p0 $0x0, s1;
	[sflag:s0] =	ssyncset.done @!p0 $0x0  }
0xe7: {  	[sflag:s0] =	ssyncadd.s32 @!p0 s1  }
0xe8: {  	[bflag:$0x3] =	sbarrier.arrive $0xFFFF  }
0xe9: {  	_ =	shalt  }

// kernel: kernel.18.cloned.1.call-start
scs
__scs_entry_jumppad:
0x0: {  	(pc) =	sbr.rel $0x88, $3  }
0x1: {  	(tag) =	ssettag $0x0;
	lr =	simm.s32 $0x1  }
0x2: {  	[smem:$0x3F8D] =	sst lr;
	_ =	strace $0xD0000000  }
0x3: {  	_ = 	snop  }
0x4: {  	_ = 	snop  }
0x5: {  	_ = 	snop  }
0x6: {  	_ = 	snop  }
0x7: {  	_ = 	snop  }
__scs_overlays_trampoline_lowered:
0x8: {  	[smem:$0x3F9C] =	sst s0  }
0x9: {  	[smem:$0x3F9D] =	sst s1  }
0xa: {  	[smem:$0x3F9E] =	sst s2  }
0xb: {  	[smem:$0x3F9F] =	sst s3  }
0xc: {  	[smem:$0x3FA0] =	sst s4  }
0xd: {  	[smem:$0x3FA1] =	sst s5  }
0xe: {  	[smem:$0x3FA2] =	sst s6  }
0xf: {  	[smem:$0x3FA3] =	sst s7  }
0x10: {  	[smem:$0x3FA4] =	sst s8  }
0x11: {  	[smem:$0x3FA5] =	sst s9;
	s0 =	simm.s32 @!p0 $0x0  }
0x12: {  	s1 =	sld [smem:$0x3F8B];
	s0 =	simm.s32 @p0 $0x1  }
0x13: {  	[smem:$0x3FA6] =	sst s0;
	s0 =	simm.s32 @!p1 $0x0  }
0x14: {  	s2 =	sld [smem:$0x3F8A];
	s0 =	simm.s32 @p1 $0x1  }
0x15: {  	[smem:$0x3FA7] =	sst s0;
	s0 =	simm.s32 @!p2 $0x0  }
0x16: {  	s3 =	sld [smem:$0x3FDB];
	s0 =	simm.s32 @p2 $0x1  }
0x17: {  	s4 =	simm.s32 $0x1BF5;
	[smem:$0x3FA9] =	sst s0  }
0x18: {  	s0 =	sld [smem:$0x3F8C];
	_ =	swait.ge [sflag:s4], $0x0  }
0x19: {  	s7 =	sld [smem:$0x3F8D]  }
0x1a: {  	s8 =	sadd.s32 $0xFFFFE003, lr  }
0x1b: {  	s9 =	sadd.s32 $0xFFFFFEF7, lr;
	s5 =	simm.s32 $0xFFFFFFFF;
	p2 =	slt.u32 s8, $0xFFFFF086  }
0x1c: {  	p1 =	slt.u32 s9, $0xF7A;
	s5 =	simm.s32 @!p2 $0x0  }
0x1d: {  	s5 =	simm.s32 @p1 $0x1;
	p0 =	seq.s32 s7, s2  }
0x1e: {  	s7 =	smul.u32 @!p0 $0xF7A, s2;
	p2 =	seq.s32 @!p0 s5, $0x0  }
0x1f: {  	s9 =	smul.u32 $0xF7A, s1;
	s8 =	simm.s32 @!p0 $0x1BF5;
	p2 =	por !p2, p0  }
0x20: {  	[sflag:s8] =	ssyncset.s32 @!p0 $0xFFFFF086;
	s6 =	sadd.s32 @!p0 s3, s7;
	s7 =	simm.s32 @!p0 $0x108  }
0x21: {  	s3 =	sadd.s32 s3, s9;
	s6 =	sadd.s32 @!p0 $0x88, s6;
	s7 =	simm.s32 @p2 $0x1082  }
0x22: {  	[simem:s7], [sflag:s8] =	dma.local @!p0 [hbm:s6], $0xF7A  }
0x23: {  	s9 =	sor.u32 $0xD0000000, s2;
	s6 =	simm.s32 $0x108;
	_ =	swait.ge @!p0 [sflag:s8], $0x0  }
0x24: {  	s3 =	sadd.s32 $0x88, s3;
	s6 =	simm.s32 @!p1 $0x1082;
	[sflag:s4] =	ssyncset.s32 $0xFFFFF086  }
0x25: {  	[simem:s6], [sflag:s4] =	dma.local [hbm:s3], $0xF7A  }
0x26: {  	[smem:$0x3F8D] =	sst s1;
	(tag) =	ssettag s2;
	_ =	strace s9  }
0x27: {  	s1 =	sld [smem:$0x3F9D]  }
0x28: {  	s2 =	sld [smem:$0x3F9E]  }
0x29: {  	s4 =	sld [smem:$0x3FA0]  }
0x2a: {  	p0 =	seq.s32 s5, $0x0;
	s5 =	sld [smem:$0x3FA1]  }
0x2b: {  	s6 =	sld [smem:$0x3FA2]  }
0x2c: {  	s7 =	sld [smem:$0x3FA3]  }
0x2d: {  	s3 =	simm.s32 $0x108;
	s8 =	sld [smem:$0x3FA4]  }
0x2e: {  	s3 =	simm.s32 @!p0 $0x1082;
	s9 =	sld [smem:$0x3FA5]  }
0x2f: {  	lr =	sadd.s32 s0, s3;
	s0 =	sld [smem:$0x3F9C]  }
0x30: {  	s3 =	sld [smem:$0x3F9F]  }
0x31: {  	[smem:$0x3FA8] =	sst s10  }
0x32: {  	s10 =	sld [smem:$0x3FA6];
	_ =	sdelay $0x3  }
0x33: {  	p0 =	seq.s32 s10, $0x1;
	s10 =	sld [smem:$0x3FA8];
	_ =	sdelay $0x3  }
0x34: {  	[smem:$0x3FA8] =	sst s10  }
0x35: {  	s10 =	sld [smem:$0x3FA7];
	_ =	sdelay $0x3  }
0x36: {  	p1 =	seq.s32 s10, $0x1;
	s10 =	sld [smem:$0x3FA8];
	_ =	sdelay $0x3  }
0x37: {  	[smem:$0x3FA8] =	sst s10  }
0x38: {  	s10 =	sld [smem:$0x3FA9]  }
0x39: {  	_ = 	snop;
	(pc) =	sbr.ind lr, $3  }
0x3a: {  	_ = 	snop  }
0x3b: {  	_ = 	snop  }
0x3c: {  	p2 =	seq.s32 s10, $0x1;
	s10 =	sld [smem:$0x3FA8]  }
0x3d: {  	_ =	shalt  }
0x3e: {  	_ =	shalt  }
0x3f: {  	_ =	shalt  }
0x40: {  	_ =	shalt  }
0x41: {  	_ =	shalt  }
0x42: {  	_ =	shalt  }
0x43: {  	_ =	shalt  }
0x44: {  	_ =	shalt  }
0x45: {  	_ =	shalt  }
0x46: {  	_ =	shalt  }
0x47: {  	_ =	shalt  }
0x48: {  	_ =	shalt  }
0x49: {  	_ =	shalt  }
0x4a: {  	_ =	shalt  }
0x4b: {  	_ =	shalt  }
0x4c: {  	_ =	shalt  }
0x4d: {  	_ =	shalt  }
0x4e: {  	_ =	shalt  }
0x4f: {  	_ =	shalt  }
0x50: {  	_ =	shalt  }
0x51: {  	_ =	shalt  }
0x52: {  	_ =	shalt  }
0x53: {  	_ =	shalt  }
0x54: {  	_ =	shalt  }
0x55: {  	_ =	shalt  }
0x56: {  	_ =	shalt  }
0x57: {  	_ =	shalt  }
0x58: {  	_ =	shalt  }
0x59: {  	_ =	shalt  }
0x5a: {  	_ =	shalt  }
0x5b: {  	_ =	shalt  }
0x5c: {  	_ =	shalt  }
0x5d: {  	_ =	shalt  }
0x5e: {  	_ =	shalt  }
0x5f: {  	_ =	shalt  }
0x60: {  	_ =	shalt  }
0x61: {  	_ =	shalt  }
0x62: {  	_ =	shalt  }
0x63: {  	_ =	shalt  }
0x64: {  	_ =	shalt  }
0x65: {  	_ =	shalt  }
0x66: {  	_ =	shalt  }
0x67: {  	_ =	shalt  }
0x68: {  	_ =	shalt  }
0x69: {  	_ =	shalt  }
0x6a: {  	_ =	shalt  }
0x6b: {  	_ =	shalt  }
0x6c: {  	_ =	shalt  }
0x6d: {  	_ =	shalt  }
0x6e: {  	_ =	shalt  }
0x6f: {  	_ =	shalt  }
0x70: {  	_ =	shalt  }
0x71: {  	_ =	shalt  }
0x72: {  	_ =	shalt  }
0x73: {  	_ =	shalt  }
0x74: {  	_ =	shalt  }
0x75: {  	_ =	shalt  }
0x76: {  	_ =	shalt  }
0x77: {  	_ =	shalt  }
0x78: {  	_ =	shalt  }
0x79: {  	_ =	shalt  }
0x7a: {  	_ =	shalt  }
0x7b: {  	_ =	shalt  }
0x7c: {  	_ =	shalt  }
0x7d: {  	_ =	shalt  }
0x7e: {  	_ =	shalt  }
0x7f: {  	_ =	shalt  }
0x80: {  	_ =	shalt  }
0x81: {  	_ =	shalt  }
0x82: {  	_ =	shalt  }
0x83: {  	_ =	shalt  }
0x84: {  	_ =	shalt  }
0x85: {  	_ =	shalt  }
0x86: {  	_ =	shalt  }
0x87: {  	_ =	shalt  }
.Lfunc_end0:
.L_simem_size_0:
called_computation.2_lowered:
.L_overlay_start_0:
0x88: {  	s2 =	sld [smem:$0x3FD9]  }
0x89: {  	s3 =	sld [smem:$0x3FFE];
	_ =	sdelay $0x1  }
0x8a: {  	s1 =	srdreg.scid  }
0x8b: {  	s0 =	sand.u32 $0x1, s1  }
0x8c: {  	s17 =	sshll.u32 s0, $0xA;
	s2 =	sadd.s32 s3, s2  }
0x8d: {  	s2 =	sadd.s32 s2, s17  }
0x8e: {  	[smem:$0x3FB4] =	sst s2  }
0x8f: {  	_ = 	snop  }
0x90: {  	s2 =	sld [smem:$0x3FD0];
	(tm) =	ssettm $0x1  }
0x91: {  	s18 =	sld [smem:$0x3FFB];
	_ =	sdelay $0x3  }
0x92: {  	_ =	strace s18  }
0x93: {  	s3 =	sld [smem:$0x3FFC];
	_ =	sdelay $0x3  }
0x94: {  	_ =	strace s3  }
0x95: {  	s3 =	sld [smem:$0x3FFD];
	_ =	sdelay $0x3  }
0x96: {  	_ =	strace s3  }
0x97: {  	_ =	strace $0x8FFFFFFF  }
0x98: {  	s19 =	sld [smem:$0x3FDB];
	_ =	sdelay $0x1  }
0x99: {  	s4 =	simm.s32 $_scs_section_size  }
0x9a: {  	s5 =	simm.s32 $_size__tile_overlayer_lowered;
	s6 =	simm.s32 $_tile_overlayer_lowered  }
0x9b: {  	s22 =	simm.s32 $0x1BFF;
	s21 =	sshll.u32 s6, $0x1;
	s3 =	sadd.s32 s4, s19  }
0x9c: {  	s7 =	simm.s32 $0x0;
	s20 =	sshll.u32 s5, $0x1;
	s5 =	sadd.s32 s21, s3  }
0x9d: {  	[timem:s7], [sflag:s22] =	dma.local [hbm:s5], s20  }
0x9e: {  	_ =	swait.ge [sflag:s22], s20  }
0x9f: {  	s4 =	ssub.s32 $0x0, s20;
	[sflag:s22] =	ssyncset.done $0x0  }
0xa0: {  	[sflag:s22] =	ssyncadd.s32 s4;
	_ =	sdelay $0x1  }
0xa1: {  	s23 =	simm.s32 $0x1B8B  }
0xa2: {  	_ =	swait.ge [sflag:s23], $0x1  }
0xa3: {  	[sflag:s23] =	ssyncset.done $0x0  }
0xa4: {  	s25 =	simm.s32 $0x1B8E;
	s24 =	sld [smem:$0x3FFE];
	[sflag:s23] =	ssyncadd.s32 $0xFFFFFFFF  }
0xa5: {  	s26 =	simm.s32 $execute0_lowered;
	[smem:$0x3FD2] =	sst s25  }
0xa6: {  	s5 =	sshll.u32 s26, $0x1;
	_ =	strace $0x8000004C;
	[dreg:$0x1] =	wrdreg $0xFFFFFFFF  }
0xa7: {  	s28 =	simm.s32 $_size_execute0_lowered;
	s3 =	sadd.s32 s3, s5;
	[dreg:$0x0] =	wrdreg $0x0  }
0xa8: {  	s5 =	sshll.u32 s28, $0x1;
	[dreg:$0x2] =	wrdreg s3  }
0xa9: {  	[dreg:$0x3] =	wrdreg s5  }
0xaa: {  	[dreg:$0x4] =	wrdreg $0xC0  }
0xab: {  	_ =	task [dreg:s7], $0x5FFFF  }
0xac: {  	[dreg:$0x1] =	wrdreg $0xFFFFFFFF  }
0xad: {  	[dreg:$0x0] =	wrdreg $0x60  }
0xae: {  	[dreg:$0x2] =	wrdreg s24  }
0xaf: {  	[dreg:$0x3] =	wrdreg s2  }
0xb0: {  	[dreg:$0x4] =	wrdreg $0xA8000  }
0xb1: {  	[dreg:$0x5] =	wrdreg $0x9  }
0xb2: {  	_ =	task.clear_ibuf [dreg:s7], $0x6FFFF;
	_ =	strace $0x9000004C  }
0xb3: {  	s29 =	simm.s32 $0x9;
	_ =	strace $0x8000004E  }
0xb4: {  	_ =	swait.ge [sflag:s29], $0x1  }
0xb5: {  	[sflag:s29] =	ssyncadd.s32 $0xFFFFFFFF  }
0xb6: {  	_ =	strace $0x9000004E  }
0xb7: {  	_ =	sfence  }
0xb8: {  	s30 =	sld [smem:$0x0];
	_ =	sdelay $0x2  }
0xb9: {  	s31 =	sshll.u32 s1, $0xD;
	s1 =	sshrl.u32 s1, $0x2  }
0xba: {  	s3 =	sand.u32 $0x4000, s31;
	s1 =	sadd.s32 s1, s30  }
0xbb: {  	s0 =	sor.u32 s3, s0;
	s1 =	sshll.u32 s1, $0x11  }
0xbc: {  	s0 =	sor.u32 s1, s0  }
0xbd: {  	s0 =	sadd.s32 $0x8F2B, s0  }
0xbe: {  	[sflag:s0] =	ssyncadd.remote.s32 $0x1  }
0xbf: {  	_ =	sfence.sel $0xFFFF  }
0xc0: {  	[dreg:$0x0] =	wrdreg $0xFFFFFFFF;
	(pc) =	sbr.abs _section_cstart, $3  }
0xc1: {  	[dreg:$0x1] =	wrdreg $0xFFFFFFFF  }
0xc2: {  	_ =	task.clear_ibuf [dreg:s7], $0x2FFFF;
	_ =	strace $0x9FFFFFFF  }
0xc3: {  	(tm) =	ssettm $0x7FFFFFFF  }
tec
execute0_lowered:
.L_overlay_start_1:
0x0: {  	(tag) =	ssettag $0x1  }
0x1: {  	s0 =	rddreg [dreg:$0x0]  }
0x2: {  	s1 =	srdreg.scid;
	s6 =	rddreg [dreg:$0x1]  }
0x3: {  	s2 =	rddreg [dreg:$0x2];
	s11 =	stileid.u32;
	s3 =	simm.s32 $0x0  }
0x4: {  	s15 =	simm.s32 $0x1400;
	s28 =	simm.s32 $0x6800;
	s29 =	simm.s32 $0x2  }
0x5: {  	s30 =	simm.s32 $0x1380;
	s31 =	simm.s32 $0x2700;
	s5 =	smul.u32 $0x50000, s11  }
0x6: {  	s1 =	sand.u32 $0x1, s1;
	[smem:$0x7FF] =	sst s3;
	s17 =	smul.u32 $0x280, s11  }
0x7: {  	s16 =	smul.u32 $0x2800, s11;
	s4 =	sshll.u32 s1, $0x4;
	_ =	strace $0x8000004D  }
0x8: {  	s8 =	smul.u32 $0x28000, s1;
	s1 =	ssub.s32 $0x2, s1;
	s4 =	sor.u32 s11, s4  }
0x9: {  	s10 =	sshrl.u32 s1, $0x1;
	s5 =	sshrl.u32 s5, $0x2;
	s19 =	sadd.s32 $0x80, s17  }
0xa: {  	s14 =	sadd.s32 $0x100, s17;
	s21 =	sadd.s32 $0x180, s17;
	s7 =	smul.u32 $0x500, s4  }
0xb: {  	s4 =	sadd.s32 $0x10400, s0;
	s1 =	ssub.s32 s1, s10;
	s5 =	sadd.s32 s5, s2  }
0xc: {  	s13 =	sshll.u32 s19, $0x7;
	s20 =	sshll.u32 s14, $0x7;
	s25 =	sshll.u32 s21, $0x7  }
0xd: {  	s1 =	smax.u32 s1, $0x1;
	s18 =	sadd.s32 $0x4000, s5;
	s10 =	sadd.s32 $0x8000, s5  }
0xe: {  	s11 =	sadd.s32 $0xC000, s5;
	s12 =	sadd.s32 $0x10000, s5;
	s22 =	sadd.s32 s13, s2  }
0xf: {  	s23 =	sadd.s32 s20, s2;
	s24 =	sadd.s32 s25, s2;
	s13 =	simm.s32 $0x2800  }
0x10: {  	s9 =	sadd.s32 s7, s0;
	s0 =	sadd.s32 s8, s0;
	[dreg:$0x4] =	wrdreg s1  }
0x11: {  	s6 =	sadd.s32 s6, s7;
	[dreg:$0x5] =	wrdreg s18;
	s1 =	sshll.u32 s19, $0x4  }
0x12: {  	s18 =	sshll.u32 s14, $0x4;
	s8 =	sadd.s32 $0x200, s17;
	s19 =	sshll.u32 s21, $0x4  }
0x13: {  	s14 =	simm.s32 $0x3;
	s21 =	simm.s32 $0x80;
	s22 =	sshrl.u32 s22, $0x3  }
0x14: {  	s23 =	sshrl.u32 s23, $0x3;
	s24 =	sshrl.u32 s24, $0x3;
	s7 =	sadd.s32 $0x6400, s9  }
0x15: {  	s0 =	sadd.s32 $0x37600, s0;
	s26 =	sshll.u32 s8, $0x7;
	s8 =	sshll.u32 s8, $0x4  }
0x16: {  	s25 =	sadd.s32 s26, s2;
	s16 =	sadd.s32 s16, s0;
	s17 =	sadd.s32 s1, s0  }
0x17: {  	s18 =	sadd.s32 s18, s0;
	s19 =	sadd.s32 s19, s0;
	s20 =	sadd.s32 s8, s0  }
0x18: {  	v0 =	vimm.f32 $0.0e+00;
	s26 =	simm.s32 $0x1;
	s0 =	simm.s32 $0x2780;
	s25 =	sshrl.u32 s25, $0x3  }
.LBB2_1:
0x19: {  	s1 =	simm.s32 $0x0;
	s8 =	simm.s32 $0x200  }
.LBB2_2:
0x1a: {  	p0 =	sne.s32 s8, $0xFE00;
	[tilespmem:s1+$0x2870] =	vst v0  }
0x1b: {  	[tilespmem:s1+$0x2800] =	vst v0  }
0x1c: {  	[tilespmem:s1+$0x2810] =	vst v0  }
.Ltmp0:
0x1d: {  	[tilespmem:s1+$0x2820] =	vst v0;
	(pc) =	sbr.rel @p0 .LBB2_2-.Ltmp0, $4  }
0x1e: {  	[tilespmem:s1+$0x2830] =	vst v0  }
0x1f: {  	[tilespmem:s1+$0x2840] =	vst v0  }
0x20: {  	[tilespmem:s1+$0x2850] =	vst v0  }
0x21: {  	[tilespmem:s1+$0x2860] =	vst v0;
	s1 =	sshra.s32 s8, $0x2;
	s8 =	sadd.s32 $0x200, s8  }
0x22: {  	[tilespmem:s1+$0x2870] =	vst v0  }
0x23: {  	[tilespmem:s1+$0x2800] =	vst v0  }
0x24: {  	[tilespmem:s1+$0x2810] =	vst v0  }
0x25: {  	[tilespmem:s1+$0x2820] =	vst v0  }
0x26: {  	[tilespmem:s1+$0x2830] =	vst v0  }
0x27: {  	[tilespmem:s1+$0x2840] =	vst v0  }
0x28: {  	[tilespmem:s1+$0x2850] =	vst v0  }
0x29: {  	[tilespmem:s1+$0x2860] =	vst v0  }
0x2a: {  	[spmem:s5] =	stream.linear.scatter [tilespmem:s13], [sflag:$0x3], $0x4000, $0x38;
	[tilespmem:$0x1E800] =	vst v63  }
0x2b: {  	_ =	swait.ge [sflag:s14], $0x4000  }
0x2c: {  	[sflag:s14] =	ssyncset.done $0x0  }
0x2d: {  	s8 =	rddreg [dreg:$0x5];
	[sflag:s14] =	ssyncadd.s32 $0xFFFFC000  }
0x2e: {  	[spmem:s8] =	stream.linear.scatter [tilespmem:s13], [sflag:$0x3], $0x4000, $0x38;
	[tilespmem:$0x1E800] =	vst v63  }
0x2f: {  	_ =	swait.ge [sflag:s14], $0x4000  }
0x30: {  	[sflag:s14] =	ssyncset.done $0x0  }
0x31: {  	[sflag:s14] =	ssyncadd.s32 $0xFFFFC000  }
0x32: {  	[spmem:s10] =	stream.linear.scatter [tilespmem:s13], [sflag:$0x3], $0x4000, $0x38;
	[tilespmem:$0x1E800] =	vst v63  }
0x33: {  	_ =	swait.ge [sflag:s14], $0x4000  }
0x34: {  	[sflag:s14] =	ssyncset.done $0x0  }
0x35: {  	[sflag:s14] =	ssyncadd.s32 $0xFFFFC000  }
0x36: {  	[spmem:s11] =	stream.linear.scatter [tilespmem:s13], [sflag:$0x3], $0x4000, $0x38;
	[tilespmem:$0x1E800] =	vst v63  }
0x37: {  	_ =	swait.ge [sflag:s14], $0x4000  }
0x38: {  	[sflag:s14] =	ssyncset.done $0x0  }
0x39: {  	[sflag:s14] =	ssyncadd.s32 $0xFFFFC000  }
0x3a: {  	[spmem:s12] =	stream.linear.scatter [tilespmem:s13], [sflag:$0x3], $0x4000, $0x38;
	[tilespmem:$0x1E800] =	vst v63  }
0x3b: {  	_ =	swait.ge [sflag:s14], $0x4000  }
0x3c: {  	[sflag:s14] =	ssyncset.done $0x0  }
0x3d: {  	[sflag:s14] =	ssyncadd.s32 $0xFFFFC000  }
0x3e: {  	s9 =	simm.s32 $0x0;
	[bflag:$0x0] =	sbarrier.arrive $0xFFFF  }
0x3f: {  	[tilespmem:s9], [sflag:$0x3] =	stream.linear.gather [hbm4b:s6+s9], $0x1400, $0x38;
	[tilespmem:$0x1E800] =	vst v63  }
0x40: {  	_ =	swait.ge [sflag:s14], $0x1400  }
0x41: {  	[sflag:s14] =	ssyncset.done $0x0  }
0x42: {  	[sflag:s14] =	ssyncadd.s32 $0xFFFFEC00  }
0x43: {  	[tilespmem:s15], [sflag:$0x3] =	stream.linear.gather [hbm4b:s7+s9], $0x1400, $0x38;
	[tilespmem:$0x1E800] =	vst v63  }
0x44: {  	_ =	swait.ge [sflag:s14], $0x1400  }
0x45: {  	[sflag:s14] =	ssyncset.done $0x0  }
0x46: {  	[sflag:s14] =	ssyncadd.s32 $0xFFFFEC00  }
0x47: {  	[tilespmem:s13], [sflag:$0x1] =	stream.indirect.gather [hbm4b:s4+s21], $0x80, s9, s21, $0xb8;
	[tilespmem:$0x1E800] =	vst v63  }
0x48: {  	_ =	swait.ge [sflag:s26], $0x4000  }
0x49: {  	[sflag:s26] =	ssyncset.done $0x0  }
0x4a: {  	s8 =	simm.s32 $0x80;
	[sflag:s26] =	ssyncadd.s32 $0xFFFFC000  }
0x4b: {  	[tilespmem:s28], [sflag:$0x2] =	stream.indirect.gather [hbm4b:s4+s21], $0x80, s8, s21, $0xb8;
	[tilespmem:$0x1E800] =	vst v63  }
0x4c: {  	s9 =	simm.s32 $0x1400  }
0x4d: {  	[spmem:s2] =	stream.indirect.scatter.add.f32 [tilespmem:s13], [sflag:$0x3], $0x80, s9, s21, $0xb8;
	[tilespmem:$0x1E800] =	vst v63  }
0x4e: {  	_ =	swait.ge [sflag:s14], $0x4000  }
0x4f: {  	[sflag:s14] =	ssyncset.done $0x0  }
0x50: {  	[sflag:s14] =	ssyncadd.s32 $0xFFFFC000  }
0x51: {  	_ =	swait.ge [sflag:s29], $0x4000  }
0x52: {  	[sflag:s29] =	ssyncset.done $0x0  }
0x53: {  	s8 =	simm.s32 $0x100;
	[sflag:s29] =	ssyncadd.s32 $0xFFFFC000  }
0x54: {  	[tilespmem:s13], [sflag:$0x1] =	stream.indirect.gather [hbm4b:s4+s21], $0x80, s8, s21, $0xb8;
	[tilespmem:$0x1E800] =	vst v63  }
0x55: {  	s9 =	simm.s32 $0x1480  }
0x56: {  	[spmem:s2] =	stream.indirect.scatter.add.f32 [tilespmem:s28], [sflag:$0x3], $0x80, s9, s21, $0xb8;
	[tilespmem:$0x1E800] =	vst v63  }
0x57: {  	_ =	swait.ge [sflag:s14], $0x4000  }
0x58: {  	s1 =	simm.s32 $0x400;
	[sflag:s14] =	ssyncset.done $0x0  }
.LBB2_4:
0x59: {  	p0 =	sne.s32 s1, $0x4800  }
0x5a: {  	[sflag:s14] =	ssyncadd.s32 $0xFFFFC000;
	s8 =	smov.u32 s1;
	s1 =	sadd.s32 $0x400, s1  }
0x5b: {  	_ = 	snop  }
0x5c: {  	_ =	swait.ge [sflag:s26], $0x4000  }
0x5d: {  	s8 =	sshra.s32 s8, $0x2;
	[sflag:s26] =	ssyncset.done $0x0  }
0x5e: {  	s9 =	sadd.s32 $0x80, s8;
	[sflag:s26] =	ssyncadd.s32 $0xFFFFC000  }
0x5f: {  	[tilespmem:s28], [sflag:$0x2] =	stream.indirect.gather [hbm4b:s4+s21], $0x80, s9, s21, $0xb8;
	[tilespmem:$0x1E800] =	vst v63  }
0x60: {  	s9 =	sadd.s32 $0x1400, s8  }
0x61: {  	[spmem:s2] =	stream.indirect.scatter.add.f32 [tilespmem:s13], [sflag:$0x3], $0x80, s9, s21, $0xb8;
	[tilespmem:$0x1E800] =	vst v63  }
0x62: {  	_ =	swait.ge [sflag:s14], $0x4000  }
0x63: {  	[sflag:s14] =	ssyncset.done $0x0  }
0x64: {  	[sflag:s14] =	ssyncadd.s32 $0xFFFFC000  }
0x65: {  	_ =	swait.ge [sflag:s29], $0x4000  }
0x66: {  	[sflag:s29] =	ssyncset.done $0x0  }
0x67: {  	s9 =	sadd.s32 $0x100, s8;
	[sflag:s29] =	ssyncadd.s32 $0xFFFFC000  }
0x68: {  	[tilespmem:s13], [sflag:$0x1] =	stream.indirect.gather [hbm4b:s4+s21], $0x80, s9, s21, $0xb8;
	[tilespmem:$0x1E800] =	vst v63  }
.Ltmp1:
0x69: {  	_ = 	snop;
	(pc) =	sbr.rel @p0 .LBB2_4-.Ltmp1, $4  }
0x6a: {  	s8 =	sadd.s32 $0x1480, s8  }
0x6b: {  	[spmem:s2] =	stream.indirect.scatter.add.f32 [tilespmem:s28], [sflag:$0x3], $0x80, s8, s21, $0xb8;
	[tilespmem:$0x1E800] =	vst v63  }
0x6c: {  	_ =	swait.ge [sflag:s14], $0x4000  }
0x6d: {  	[sflag:s14] =	ssyncset.done $0x0  }
0x6e: {  	[sflag:s14] =	ssyncadd.s32 $0xFFFFC000  }
0x6f: {  	_ =	swait.ge [sflag:s26], $0x4000  }
0x70: {  	[sflag:s26] =	ssyncset.done $0x0  }
0x71: {  	[sflag:s26] =	ssyncadd.s32 $0xFFFFC000  }
0x72: {  	[tilespmem:s28], [sflag:$0x2] =	stream.indirect.gather [hbm4b:s4+s21], $0x80, s30, s21, $0xb8;
	[tilespmem:$0x1E800] =	vst v63  }
0x73: {  	_ = 	snop  }
0x74: {  	[spmem:s2] =	stream.indirect.scatter.add.f32 [tilespmem:s13], [sflag:$0x3], $0x80, s31, s21, $0xb8;
	[tilespmem:$0x1E800] =	vst v63  }
0x75: {  	_ =	swait.ge [sflag:s14], $0x4000  }
0x76: {  	[sflag:s14] =	ssyncset.done $0x0  }
0x77: {  	[sflag:s14] =	ssyncadd.s32 $0xFFFFC000  }
0x78: {  	_ =	swait.ge [sflag:s29], $0x4000  }
0x79: {  	[sflag:s29] =	ssyncset.done $0x0  }
0x7a: {  	[sflag:s29] =	ssyncadd.s32 $0xFFFFC000  }
0x7b: {  	[spmem:s2] =	stream.indirect.scatter.add.f32 [tilespmem:s28], [sflag:$0x3], $0x80, s0, s21, $0xb8;
	[tilespmem:$0x1E800] =	vst v63  }
0x7c: {  	_ =	swait.ge [sflag:s14], $0x4000  }
0x7d: {  	[sflag:s14] =	ssyncset.done $0x0  }
0x7e: {  	s1 =	sadd.s32 $0x280, s6;
	s8 =	simm.s32 $0x0;
	[sflag:s14] =	ssyncadd.s32 $0xFFFFC000  }
0x7f: {  	[tilespmem:s8], [sflag:$0x3] =	stream.linear.gather [hbm4b:s1+s8], $0x1400, $0x38;
	[tilespmem:$0x1E800] =	vst v63  }
0x80: {  	_ =	swait.ge [sflag:s14], $0x1400  }
0x81: {  	[sflag:s14] =	ssyncset.done $0x0  }
0x82: {  	s9 =	sadd.s32 $0x280, s7;
	[sflag:s14] =	ssyncadd.s32 $0xFFFFEC00  }
0x83: {  	[tilespmem:s15], [sflag:$0x3] =	stream.linear.gather [hbm4b:s9+s8], $0x1400, $0x38;
	[tilespmem:$0x1E800] =	vst v63  }
0x84: {  	_ =	swait.ge [sflag:s14], $0x1400  }
0x85: {  	[sflag:s14] =	ssyncset.done $0x0  }
0x86: {  	[sflag:s14] =	ssyncadd.s32 $0xFFFFEC00  }
0x87: {  	[tilespmem:s13], [sflag:$0x1] =	stream.indirect.gather [hbm4b:s4+s21], $0x80, s8, s21, $0xb8;
	[tilespmem:$0x1E800] =	vst v63  }
0x88: {  	_ =	swait.ge [sflag:s26], $0x4000  }
0x89: {  	[sflag:s26] =	ssyncset.done $0x0  }
0x8a: {  	s8 =	simm.s32 $0x80;
	[sflag:s26] =	ssyncadd.s32 $0xFFFFC000  }
0x8b: {  	[tilespmem:s28], [sflag:$0x2] =	stream.indirect.gather [hbm4b:s4+s21], $0x80, s8, s21, $0xb8;
	[tilespmem:$0x1E800] =	vst v63  }
0x8c: {  	s9 =	simm.s32 $0x1400  }
0x8d: {  	[spmem:s2] =	stream.indirect.scatter.add.f32 [tilespmem:s13], [sflag:$0x3], $0x80, s9, s21, $0xb8;
	[tilespmem:$0x1E800] =	vst v63  }
0x8e: {  	_ =	swait.ge [sflag:s14], $0x4000  }
0x8f: {  	[sflag:s14] =	ssyncset.done $0x0  }
0x90: {  	[sflag:s14] =	ssyncadd.s32 $0xFFFFC000  }
0x91: {  	_ =	swait.ge [sflag:s29], $0x4000  }
0x92: {  	[sflag:s29] =	ssyncset.done $0x0  }
0x93: {  	s8 =	simm.s32 $0x100;
	[sflag:s29] =	ssyncadd.s32 $0xFFFFC000  }
0x94: {  	[tilespmem:s13], [sflag:$0x1] =	stream.indirect.gather [hbm4b:s4+s21], $0x80, s8, s21, $0xb8;
	[tilespmem:$0x1E800] =	vst v63  }
0x95: {  	s9 =	simm.s32 $0x1480  }
0x96: {  	[spmem:s2] =	stream.indirect.scatter.add.f32 [tilespmem:s28], [sflag:$0x3], $0x80, s9, s21, $0xb8;
	[tilespmem:$0x1E800] =	vst v63  }
0x97: {  	_ =	swait.ge [sflag:s14], $0x4000  }
0x98: {  	s1 =	simm.s32 $0x400;
	[sflag:s14] =	ssyncset.done $0x0  }
.LBB2_6:
0x99: {  	p0 =	sne.s32 s1, $0x4800  }
0x9a: {  	[sflag:s14] =	ssyncadd.s32 $0xFFFFC000;
	s8 =	smov.u32 s1;
	s1 =	sadd.s32 $0x400, s1  }
0x9b: {  	_ = 	snop  }
0x9c: {  	_ =	swait.ge [sflag:s26], $0x4000  }
0x9d: {  	s8 =	sshra.s32 s8, $0x2;
	[sflag:s26] =	ssyncset.done $0x0  }
0x9e: {  	s9 =	sadd.s32 $0x80, s8;
	[sflag:s26] =	ssyncadd.s32 $0xFFFFC000  }
0x9f: {  	[tilespmem:s28], [sflag:$0x2] =	stream.indirect.gather [hbm4b:s4+s21], $0x80, s9, s21, $0xb8;
	[tilespmem:$0x1E800] =	vst v63  }
0xa0: {  	s9 =	sadd.s32 $0x1400, s8  }
0xa1: {  	[spmem:s2] =	stream.indirect.scatter.add.f32 [tilespmem:s13], [sflag:$0x3], $0x80, s9, s21, $0xb8;
	[tilespmem:$0x1E800] =	vst v63  }
0xa2: {  	_ =	swait.ge [sflag:s14], $0x4000  }
0xa3: {  	[sflag:s14] =	ssyncset.done $0x0  }
0xa4: {  	[sflag:s14] =	ssyncadd.s32 $0xFFFFC000  }
0xa5: {  	_ =	swait.ge [sflag:s29], $0x4000  }
0xa6: {  	[sflag:s29] =	ssyncset.done $0x0  }
0xa7: {  	s9 =	sadd.s32 $0x100, s8;
	[sflag:s29] =	ssyncadd.s32 $0xFFFFC000  }
0xa8: {  	[tilespmem:s13], [sflag:$0x1] =	stream.indirect.gather [hbm4b:s4+s21], $0x80, s9, s21, $0xb8;
	[tilespmem:$0x1E800] =	vst v63  }
.Ltmp2:
0xa9: {  	_ = 	snop;
	(pc) =	sbr.rel @p0 .LBB2_6-.Ltmp2, $4  }
0xaa: {  	s8 =	sadd.s32 $0x1480, s8  }
0xab: {  	[spmem:s2] =	stream.indirect.scatter.add.f32 [tilespmem:s28], [sflag:$0x3], $0x80, s8, s21, $0xb8;
	[tilespmem:$0x1E800] =	vst v63  }
0xac: {  	_ =	swait.ge [sflag:s14], $0x4000  }
0xad: {  	[sflag:s14] =	ssyncset.done $0x0  }
0xae: {  	[sflag:s14] =	ssyncadd.s32 $0xFFFFC000  }
0xaf: {  	_ =	swait.ge [sflag:s26], $0x4000  }
0xb0: {  	[sflag:s26] =	ssyncset.done $0x0  }
0xb1: {  	[sflag:s26] =	ssyncadd.s32 $0xFFFFC000  }
0xb2: {  	[tilespmem:s28], [sflag:$0x2] =	stream.indirect.gather [hbm4b:s4+s21], $0x80, s30, s21, $0xb8;
	[tilespmem:$0x1E800] =	vst v63  }
0xb3: {  	_ = 	snop  }
0xb4: {  	[spmem:s2] =	stream.indirect.scatter.add.f32 [tilespmem:s13], [sflag:$0x3], $0x80, s31, s21, $0xb8;
	[tilespmem:$0x1E800] =	vst v63  }
0xb5: {  	_ =	swait.ge [sflag:s14], $0x4000  }
0xb6: {  	[sflag:s14] =	ssyncset.done $0x0  }
0xb7: {  	[sflag:s14] =	ssyncadd.s32 $0xFFFFC000  }
0xb8: {  	_ =	swait.ge [sflag:s29], $0x4000  }
0xb9: {  	[sflag:s29] =	ssyncset.done $0x0  }
0xba: {  	[sflag:s29] =	ssyncadd.s32 $0xFFFFC000  }
0xbb: {  	[spmem:s2] =	stream.indirect.scatter.add.f32 [tilespmem:s28], [sflag:$0x3], $0x80, s0, s21, $0xb8;
	[tilespmem:$0x1E800] =	vst v63  }
0xbc: {  	_ =	swait.ge [sflag:s14], $0x4000  }
0xbd: {  	s1 =	stileid.u32;
	[sflag:s14] =	ssyncset.done $0x0  }
0xbe: {  	s1 =	sshll.u32 s1, $0x6;
	[sflag:s14] =	ssyncadd.s32 $0xFFFFC000  }
0xbf: {  	s8 =	sshrl.u32 s5, $0x3;
	s1 =	sor.u32 $0x1C03, s1;
	[bflag:$0x0] =	sbarrier.arrive $0xFFFF  }
0xc0: {  	[hbm:s16], [sflag:s1] =	dma.local [spmem:s8], $0x800  }
0xc1: {  	_ =	swait.ge [sflag:s14], $0x800  }
0xc2: {  	[sflag:s14] =	ssyncset.done $0x0  }
0xc3: {  	[sflag:s14] =	ssyncadd.s32 $0xFFFFF800  }
0xc4: {  	[hbm:s17], [sflag:s1] =	dma.local [spmem:s22], $0x800  }
0xc5: {  	_ =	swait.ge [sflag:s14], $0x800  }
0xc6: {  	[sflag:s14] =	ssyncset.done $0x0  }
0xc7: {  	[sflag:s14] =	ssyncadd.s32 $0xFFFFF800  }
0xc8: {  	[hbm:s18], [sflag:s1] =	dma.local [spmem:s23], $0x800  }
0xc9: {  	_ =	swait.ge [sflag:s14], $0x800  }
0xca: {  	[sflag:s14] =	ssyncset.done $0x0  }
0xcb: {  	[sflag:s14] =	ssyncadd.s32 $0xFFFFF800  }
0xcc: {  	[hbm:s19], [sflag:s1] =	dma.local [spmem:s24], $0x800  }
0xcd: {  	_ =	swait.ge [sflag:s14], $0x800  }
0xce: {  	[sflag:s14] =	ssyncset.done $0x0  }
0xcf: {  	[sflag:s14] =	ssyncadd.s32 $0xFFFFF800  }
0xd0: {  	[hbm:s20], [sflag:s1] =	dma.local [spmem:s25], $0x800  }
0xd1: {  	_ =	swait.ge [sflag:s14], $0x800  }
0xd2: {  	s3 =	sadd.s32 $0x1, s3;
	s9 =	rddreg [dreg:$0x4]  }
0xd3: {  	p0 =	sne.s32 s3, s9  }
.Ltmp3:
0xd4: {  	_ = 	snop;
	(pc) =	sbr.rel @p0 .LBB2_1-.Ltmp3, $3  }
0xd5: {  	_ =	sdelay $0x1  }
0xd6: {  	[sflag:s14] =	ssyncset.done $0x0  }
0xd7: {  	[sflag:s14] =	ssyncadd.s32 $0xFFFFF800  }
0xd8: {  	_ =	sfence.sel $0x180000  }
0xd9: {  	[bflag:$0x0] =	sbarrier.arrive $0xFFFF  }
0xda: {  	_ =	strace $0x9000004D  }
0xdb: {  	s0 =	stileid.u32;
	[bflag:$0x2] =	sbarrier.arrive $0xFFFF  }
0xdc: {  	p0 =	sne.s32 s0, $0x0;
	s0 =	rddreg [dreg:$0x3]  }
0xdd: {  	s0 =	sadd.s32 @!p0 $0x100000, s0  }
0xde: {  	[sflag:s0] =	ssyncadd.tile.s32 @!p0 $0x1;
	_ =	shalt  }
.Lfunc_end2:
_tile_overlayer_lowered:
.L_overlay_start_2:
0xdf: {  	(tag) =	ssettag $0x2  }
0xe0: {  	s0 =	rddreg [dreg:$0x0];
	s2 =	stileid.u32  }
0xe1: {  	s1 =	rddreg [dreg:$0x1];
	p0 =	sne.s32 s2, $0x0  }
0xe2: {  	s3 =	rddreg [dreg:$0x2];
	[bflag:$0x3] =	sbarrier.arrive $0xFFFF;
	s2 =	simm.s32 @!p0 $0x1C03  }
0xe3: {  	[timem:s3], [sflag:s2] =	dma.local @!p0 [hbm:s0], s1  }
0xe4: {  	s0 =	simm.s32 @!p0 $0x3  }
0xe5: {  	_ =	swait.ge @!p0 [sflag:s0], s1  }
0xe6: {  	s1 =	ssub.s32 @!p0 $0x0, s1;
	[sflag:s0] =	ssyncset.done @!p0 $0x0  }
0xe7: {  	[sflag:s0] =	ssyncadd.s32 @!p0 s1  }
0xe8: {  	[bflag:$0x3] =	sbarrier.arrive $0xFFFF  }
0xe9: {  	_ =	shalt  }

// kernel: kernel.21.cloned.1.call-start
scs
__scs_entry_jumppad:
0x0: {  	(pc) =	sbr.rel $0x88, $3  }
0x1: {  	(tag) =	ssettag $0x0;
	lr =	simm.s32 $0x1  }
0x2: {  	[smem:$0x3F8D] =	sst lr;
	_ =	strace $0xD0000000  }
0x3: {  	_ = 	snop  }
0x4: {  	_ = 	snop  }
0x5: {  	_ = 	snop  }
0x6: {  	_ = 	snop  }
0x7: {  	_ = 	snop  }
__scs_overlays_trampoline_lowered:
0x8: {  	[smem:$0x3F9C] =	sst s0  }
0x9: {  	[smem:$0x3F9D] =	sst s1  }
0xa: {  	[smem:$0x3F9E] =	sst s2  }
0xb: {  	[smem:$0x3F9F] =	sst s3  }
0xc: {  	[smem:$0x3FA0] =	sst s4  }
0xd: {  	[smem:$0x3FA1] =	sst s5  }
0xe: {  	[smem:$0x3FA2] =	sst s6  }
0xf: {  	[smem:$0x3FA3] =	sst s7  }
0x10: {  	[smem:$0x3FA4] =	sst s8  }
0x11: {  	[smem:$0x3FA5] =	sst s9;
	s0 =	simm.s32 @!p0 $0x0  }
0x12: {  	s1 =	sld [smem:$0x3F8B];
	s0 =	simm.s32 @p0 $0x1  }
0x13: {  	[smem:$0x3FA6] =	sst s0;
	s0 =	simm.s32 @!p1 $0x0  }
0x14: {  	s2 =	sld [smem:$0x3F8A];
	s0 =	simm.s32 @p1 $0x1  }
0x15: {  	[smem:$0x3FA7] =	sst s0;
	s0 =	simm.s32 @!p2 $0x0  }
0x16: {  	s3 =	sld [smem:$0x3FDB];
	s0 =	simm.s32 @p2 $0x1  }
0x17: {  	s4 =	simm.s32 $0x1BF5;
	[smem:$0x3FA9] =	sst s0  }
0x18: {  	s0 =	sld [smem:$0x3F8C];
	_ =	swait.ge [sflag:s4], $0x0  }
0x19: {  	s7 =	sld [smem:$0x3F8D]  }
0x1a: {  	s8 =	sadd.s32 $0xFFFFE003, lr  }
0x1b: {  	s9 =	sadd.s32 $0xFFFFFEF7, lr;
	s5 =	simm.s32 $0xFFFFFFFF;
	p2 =	slt.u32 s8, $0xFFFFF086  }
0x1c: {  	p1 =	slt.u32 s9, $0xF7A;
	s5 =	simm.s32 @!p2 $0x0  }
0x1d: {  	s5 =	simm.s32 @p1 $0x1;
	p0 =	seq.s32 s7, s2  }
0x1e: {  	s7 =	smul.u32 @!p0 $0xF7A, s2;
	p2 =	seq.s32 @!p0 s5, $0x0  }
0x1f: {  	s9 =	smul.u32 $0xF7A, s1;
	s8 =	simm.s32 @!p0 $0x1BF5;
	p2 =	por !p2, p0  }
0x20: {  	[sflag:s8] =	ssyncset.s32 @!p0 $0xFFFFF086;
	s6 =	sadd.s32 @!p0 s3, s7;
	s7 =	simm.s32 @!p0 $0x108  }
0x21: {  	s3 =	sadd.s32 s3, s9;
	s6 =	sadd.s32 @!p0 $0x88, s6;
	s7 =	simm.s32 @p2 $0x1082  }
0x22: {  	[simem:s7], [sflag:s8] =	dma.local @!p0 [hbm:s6], $0xF7A  }
0x23: {  	s9 =	sor.u32 $0xD0000000, s2;
	s6 =	simm.s32 $0x108;
	_ =	swait.ge @!p0 [sflag:s8], $0x0  }
0x24: {  	s3 =	sadd.s32 $0x88, s3;
	s6 =	simm.s32 @!p1 $0x1082;
	[sflag:s4] =	ssyncset.s32 $0xFFFFF086  }
0x25: {  	[simem:s6], [sflag:s4] =	dma.local [hbm:s3], $0xF7A  }
0x26: {  	[smem:$0x3F8D] =	sst s1;
	(tag) =	ssettag s2;
	_ =	strace s9  }
0x27: {  	s1 =	sld [smem:$0x3F9D]  }
0x28: {  	s2 =	sld [smem:$0x3F9E]  }
0x29: {  	s4 =	sld [smem:$0x3FA0]  }
0x2a: {  	p0 =	seq.s32 s5, $0x0;
	s5 =	sld [smem:$0x3FA1]  }
0x2b: {  	s6 =	sld [smem:$0x3FA2]  }
0x2c: {  	s7 =	sld [smem:$0x3FA3]  }
0x2d: {  	s3 =	simm.s32 $0x108;
	s8 =	sld [smem:$0x3FA4]  }
0x2e: {  	s3 =	simm.s32 @!p0 $0x1082;
	s9 =	sld [smem:$0x3FA5]  }
0x2f: {  	lr =	sadd.s32 s0, s3;
	s0 =	sld [smem:$0x3F9C]  }
0x30: {  	s3 =	sld [smem:$0x3F9F]  }
0x31: {  	[smem:$0x3FA8] =	sst s10  }
0x32: {  	s10 =	sld [smem:$0x3FA6];
	_ =	sdelay $0x3  }
0x33: {  	p0 =	seq.s32 s10, $0x1;
	s10 =	sld [smem:$0x3FA8];
	_ =	sdelay $0x3  }
0x34: {  	[smem:$0x3FA8] =	sst s10  }
0x35: {  	s10 =	sld [smem:$0x3FA7];
	_ =	sdelay $0x3  }
0x36: {  	p1 =	seq.s32 s10, $0x1;
	s10 =	sld [smem:$0x3FA8];
	_ =	sdelay $0x3  }
0x37: {  	[smem:$0x3FA8] =	sst s10  }
0x38: {  	s10 =	sld [smem:$0x3FA9]  }
0x39: {  	_ = 	snop;
	(pc) =	sbr.ind lr, $3  }
0x3a: {  	_ = 	snop  }
0x3b: {  	_ = 	snop  }
0x3c: {  	p2 =	seq.s32 s10, $0x1;
	s10 =	sld [smem:$0x3FA8]  }
0x3d: {  	_ =	shalt  }
0x3e: {  	_ =	shalt  }
0x3f: {  	_ =	shalt  }
0x40: {  	_ =	shalt  }
0x41: {  	_ =	shalt  }
0x42: {  	_ =	shalt  }
0x43: {  	_ =	shalt  }
0x44: {  	_ =	shalt  }
0x45: {  	_ =	shalt  }
0x46: {  	_ =	shalt  }
0x47: {  	_ =	shalt  }
0x48: {  	_ =	shalt  }
0x49: {  	_ =	shalt  }
0x4a: {  	_ =	shalt  }
0x4b: {  	_ =	shalt  }
0x4c: {  	_ =	shalt  }
0x4d: {  	_ =	shalt  }
0x4e: {  	_ =	shalt  }
0x4f: {  	_ =	shalt  }
0x50: {  	_ =	shalt  }
0x51: {  	_ =	shalt  }
0x52: {  	_ =	shalt  }
0x53: {  	_ =	shalt  }
0x54: {  	_ =	shalt  }
0x55: {  	_ =	shalt  }
0x56: {  	_ =	shalt  }
0x57: {  	_ =	shalt  }
0x58: {  	_ =	shalt  }
0x59: {  	_ =	shalt  }
0x5a: {  	_ =	shalt  }
0x5b: {  	_ =	shalt  }
0x5c: {  	_ =	shalt  }
0x5d: {  	_ =	shalt  }
0x5e: {  	_ =	shalt  }
0x5f: {  	_ =	shalt  }
0x60: {  	_ =	shalt  }
0x61: {  	_ =	shalt  }
0x62: {  	_ =	shalt  }
0x63: {  	_ =	shalt  }
0x64: {  	_ =	shalt  }
0x65: {  	_ =	shalt  }
0x66: {  	_ =	shalt  }
0x67: {  	_ =	shalt  }
0x68: {  	_ =	shalt  }
0x69: {  	_ =	shalt  }
0x6a: {  	_ =	shalt  }
0x6b: {  	_ =	shalt  }
0x6c: {  	_ =	shalt  }
0x6d: {  	_ =	shalt  }
0x6e: {  	_ =	shalt  }
0x6f: {  	_ =	shalt  }
0x70: {  	_ =	shalt  }
0x71: {  	_ =	shalt  }
0x72: {  	_ =	shalt  }
0x73: {  	_ =	shalt  }
0x74: {  	_ =	shalt  }
0x75: {  	_ =	shalt  }
0x76: {  	_ =	shalt  }
0x77: {  	_ =	shalt  }
0x78: {  	_ =	shalt  }
0x79: {  	_ =	shalt  }
0x7a: {  	_ =	shalt  }
0x7b: {  	_ =	shalt  }
0x7c: {  	_ =	shalt  }
0x7d: {  	_ =	shalt  }
0x7e: {  	_ =	shalt  }
0x7f: {  	_ =	shalt  }
0x80: {  	_ =	shalt  }
0x81: {  	_ =	shalt  }
0x82: {  	_ =	shalt  }
0x83: {  	_ =	shalt  }
0x84: {  	_ =	shalt  }
0x85: {  	_ =	shalt  }
0x86: {  	_ =	shalt  }
0x87: {  	_ =	shalt  }
.Lfunc_end0:
.L_simem_size_0:
called_computation.3_lowered:
.L_overlay_start_0:
0x88: {  	s2 =	sld [smem:$0x3FD9]  }
0x89: {  	s3 =	sld [smem:$0x3FFE];
	_ =	sdelay $0x1  }
0x8a: {  	s1 =	srdreg.scid  }
0x8b: {  	s0 =	sand.u32 $0x1, s1  }
0x8c: {  	s17 =	sshll.u32 s0, $0xA;
	s2 =	sadd.s32 s3, s2  }
0x8d: {  	s2 =	sadd.s32 s2, s17  }
0x8e: {  	[smem:$0x3FB4] =	sst s2  }
0x8f: {  	_ = 	snop  }
0x90: {  	s2 =	sld [smem:$0x3FD0];
	(tm) =	ssettm $0x1  }
0x91: {  	s18 =	sld [smem:$0x3FFB];
	_ =	sdelay $0x3  }
0x92: {  	_ =	strace s18  }
0x93: {  	s3 =	sld [smem:$0x3FFC];
	_ =	sdelay $0x3  }
0x94: {  	_ =	strace s3  }
0x95: {  	s3 =	sld [smem:$0x3FFD];
	_ =	sdelay $0x3  }
0x96: {  	_ =	strace s3  }
0x97: {  	_ =	strace $0x8FFFFFFF  }
0x98: {  	s19 =	sld [smem:$0x3FDB];
	_ =	sdelay $0x1  }
0x99: {  	s4 =	simm.s32 $_scs_section_size  }
0x9a: {  	s5 =	simm.s32 $_size__tile_overlayer_lowered;
	s6 =	simm.s32 $_tile_overlayer_lowered  }
0x9b: {  	s22 =	simm.s32 $0x1BFF;
	s21 =	sshll.u32 s6, $0x1;
	s3 =	sadd.s32 s4, s19  }
0x9c: {  	s7 =	simm.s32 $0x0;
	s20 =	sshll.u32 s5, $0x1;
	s5 =	sadd.s32 s21, s3  }
0x9d: {  	[timem:s7], [sflag:s22] =	dma.local [hbm:s5], s20  }
0x9e: {  	_ =	swait.ge [sflag:s22], s20  }
0x9f: {  	s4 =	ssub.s32 $0x0, s20;
	[sflag:s22] =	ssyncset.done $0x0  }
0xa0: {  	[sflag:s22] =	ssyncadd.s32 s4;
	_ =	sdelay $0x1  }
0xa1: {  	s23 =	simm.s32 $0x1B8B  }
0xa2: {  	_ =	swait.ge [sflag:s23], $0x1  }
0xa3: {  	[sflag:s23] =	ssyncset.done $0x0  }
0xa4: {  	s25 =	simm.s32 $0x1B8E;
	s24 =	sld [smem:$0x3FFE];
	[sflag:s23] =	ssyncadd.s32 $0xFFFFFFFF  }
0xa5: {  	s26 =	simm.s32 $execute0_lowered;
	[smem:$0x3FD2] =	sst s25  }
0xa6: {  	s5 =	sshll.u32 s26, $0x1;
	_ =	strace $0x8000004F;
	[dreg:$0x1] =	wrdreg $0xFFFFFFFF  }
0xa7: {  	s28 =	simm.s32 $_size_execute0_lowered;
	s3 =	sadd.s32 s3, s5;
	[dreg:$0x0] =	wrdreg $0x0  }
0xa8: {  	s5 =	sshll.u32 s28, $0x1;
	[dreg:$0x2] =	wrdreg s3  }
0xa9: {  	[dreg:$0x3] =	wrdreg s5  }
0xaa: {  	[dreg:$0x4] =	wrdreg $0xC0  }
0xab: {  	_ =	task [dreg:s7], $0x5FFFF  }
0xac: {  	[dreg:$0x1] =	wrdreg $0xFFFFFFFF  }
0xad: {  	[dreg:$0x0] =	wrdreg $0x60  }
0xae: {  	[dreg:$0x2] =	wrdreg s24  }
0xaf: {  	[dreg:$0x3] =	wrdreg s2  }
0xb0: {  	[dreg:$0x4] =	wrdreg $0xA8000  }
0xb1: {  	[dreg:$0x5] =	wrdreg $0x9  }
0xb2: {  	_ =	task.clear_ibuf [dreg:s7], $0x6FFFF;
	_ =	strace $0x9000004F  }
0xb3: {  	s29 =	simm.s32 $0x9;
	_ =	strace $0x80000051  }
0xb4: {  	_ =	swait.ge [sflag:s29], $0x1  }
0xb5: {  	[sflag:s29] =	ssyncadd.s32 $0xFFFFFFFF  }
0xb6: {  	_ =	strace $0x90000051  }
0xb7: {  	_ =	sfence  }
0xb8: {  	s30 =	sld [smem:$0x0];
	_ =	sdelay $0x2  }
0xb9: {  	s31 =	sshll.u32 s1, $0xD;
	s1 =	sshrl.u32 s1, $0x2  }
0xba: {  	s3 =	sand.u32 $0x4000, s31;
	s1 =	sadd.s32 s1, s30  }
0xbb: {  	s0 =	sor.u32 s3, s0;
	s1 =	sshll.u32 s1, $0x11  }
0xbc: {  	s0 =	sor.u32 s1, s0  }
0xbd: {  	s0 =	sadd.s32 $0x8F2B, s0  }
0xbe: {  	[sflag:s0] =	ssyncadd.remote.s32 $0x1  }
0xbf: {  	_ =	sfence.sel $0xFFFF  }
0xc0: {  	[dreg:$0x0] =	wrdreg $0xFFFFFFFF;
	(pc) =	sbr.abs _section_cstart, $3  }
0xc1: {  	[dreg:$0x1] =	wrdreg $0xFFFFFFFF  }
0xc2: {  	_ =	task.clear_ibuf [dreg:s7], $0x2FFFF;
	_ =	strace $0x9FFFFFFF  }
0xc3: {  	(tm) =	ssettm $0x7FFFFFFF  }
tec
execute0_lowered:
.L_overlay_start_1:
0x0: {  	(tag) =	ssettag $0x1  }
0x1: {  	s0 =	rddreg [dreg:$0x0]  }
0x2: {  	s1 =	srdreg.scid;
	s6 =	rddreg [dreg:$0x1]  }
0x3: {  	s2 =	rddreg [dreg:$0x2];
	s11 =	stileid.u32;
	s3 =	simm.s32 $0x0  }
0x4: {  	s15 =	simm.s32 $0x1400;
	s28 =	simm.s32 $0x6800;
	s29 =	simm.s32 $0x2  }
0x5: {  	s30 =	simm.s32 $0x1380;
	s31 =	simm.s32 $0x2700;
	s5 =	smul.u32 $0x50000, s11  }
0x6: {  	s1 =	sand.u32 $0x1, s1;
	[smem:$0x7FF] =	sst s3;
	s17 =	smul.u32 $0x280, s11  }
0x7: {  	s16 =	smul.u32 $0x2800, s11;
	s4 =	sshll.u32 s1, $0x4;
	_ =	strace $0x80000050  }
0x8: {  	s8 =	smul.u32 $0x28000, s1;
	s1 =	ssub.s32 $0x2, s1;
	s4 =	sor.u32 s11, s4  }
0x9: {  	s10 =	sshrl.u32 s1, $0x1;
	s5 =	sshrl.u32 s5, $0x2;
	s19 =	sadd.s32 $0x80, s17  }
0xa: {  	s14 =	sadd.s32 $0x100, s17;
	s21 =	sadd.s32 $0x180, s17;
	s7 =	smul.u32 $0x500, s4  }
0xb: {  	s4 =	sadd.s32 $0x10400, s0;
	s1 =	ssub.s32 s1, s10;
	s5 =	sadd.s32 s5, s2  }
0xc: {  	s13 =	sshll.u32 s19, $0x7;
	s20 =	sshll.u32 s14, $0x7;
	s25 =	sshll.u32 s21, $0x7  }
0xd: {  	s1 =	smax.u32 s1, $0x1;
	s18 =	sadd.s32 $0x4000, s5;
	s10 =	sadd.s32 $0x8000, s5  }
0xe: {  	s11 =	sadd.s32 $0xC000, s5;
	s12 =	sadd.s32 $0x10000, s5;
	s22 =	sadd.s32 s13, s2  }
0xf: {  	s23 =	sadd.s32 s20, s2;
	s24 =	sadd.s32 s25, s2;
	s13 =	simm.s32 $0x2800  }
0x10: {  	s9 =	sadd.s32 s7, s0;
	s0 =	sadd.s32 s8, s0;
	[dreg:$0x4] =	wrdreg s1  }
0x11: {  	s6 =	sadd.s32 s6, s7;
	[dreg:$0x5] =	wrdreg s18;
	s1 =	sshll.u32 s19, $0x4  }
0x12: {  	s18 =	sshll.u32 s14, $0x4;
	s8 =	sadd.s32 $0x200, s17;
	s19 =	sshll.u32 s21, $0x4  }
0x13: {  	s14 =	simm.s32 $0x3;
	s21 =	simm.s32 $0x80;
	s22 =	sshrl.u32 s22, $0x3  }
0x14: {  	s23 =	sshrl.u32 s23, $0x3;
	s24 =	sshrl.u32 s24, $0x3;
	s7 =	sadd.s32 $0x6400, s9  }
0x15: {  	s0 =	sadd.s32 $0x37600, s0;
	s26 =	sshll.u32 s8, $0x7;
	s8 =	sshll.u32 s8, $0x4  }
0x16: {  	s25 =	sadd.s32 s26, s2;
	s16 =	sadd.s32 s16, s0;
	s17 =	sadd.s32 s1, s0  }
0x17: {  	s18 =	sadd.s32 s18, s0;
	s19 =	sadd.s32 s19, s0;
	s20 =	sadd.s32 s8, s0  }
0x18: {  	v0 =	vimm.f32 $0.0e+00;
	s26 =	simm.s32 $0x1;
	s0 =	simm.s32 $0x2780;
	s25 =	sshrl.u32 s25, $0x3  }
.LBB2_1:
0x19: {  	s1 =	simm.s32 $0x0;
	s8 =	simm.s32 $0x200  }
.LBB2_2:
0x1a: {  	p0 =	sne.s32 s8, $0xFE00;
	[tilespmem:s1+$0x2870] =	vst v0  }
0x1b: {  	[tilespmem:s1+$0x2800] =	vst v0  }
0x1c: {  	[tilespmem:s1+$0x2810] =	vst v0  }
.Ltmp0:
0x1d: {  	[tilespmem:s1+$0x2820] =	vst v0;
	(pc) =	sbr.rel @p0 .LBB2_2-.Ltmp0, $4  }
0x1e: {  	[tilespmem:s1+$0x2830] =	vst v0  }
0x1f: {  	[tilespmem:s1+$0x2840] =	vst v0  }
0x20: {  	[tilespmem:s1+$0x2850] =	vst v0  }
0x21: {  	[tilespmem:s1+$0x2860] =	vst v0;
	s1 =	sshra.s32 s8, $0x2;
	s8 =	sadd.s32 $0x200, s8  }
0x22: {  	[tilespmem:s1+$0x2870] =	vst v0  }
0x23: {  	[tilespmem:s1+$0x2800] =	vst v0  }
0x24: {  	[tilespmem:s1+$0x2810] =	vst v0  }
0x25: {  	[tilespmem:s1+$0x2820] =	vst v0  }
0x26: {  	[tilespmem:s1+$0x2830] =	vst v0  }
0x27: {  	[tilespmem:s1+$0x2840] =	vst v0  }
0x28: {  	[tilespmem:s1+$0x2850] =	vst v0  }
0x29: {  	[tilespmem:s1+$0x2860] =	vst v0  }
0x2a: {  	[spmem:s5] =	stream.linear.scatter [tilespmem:s13], [sflag:$0x3], $0x4000, $0x38;
	[tilespmem:$0x1E800] =	vst v63  }
0x2b: {  	_ =	swait.ge [sflag:s14], $0x4000  }
0x2c: {  	[sflag:s14] =	ssyncset.done $0x0  }
0x2d: {  	s8 =	rddreg [dreg:$0x5];
	[sflag:s14] =	ssyncadd.s32 $0xFFFFC000  }
0x2e: {  	[spmem:s8] =	stream.linear.scatter [tilespmem:s13], [sflag:$0x3], $0x4000, $0x38;
	[tilespmem:$0x1E800] =	vst v63  }
0x2f: {  	_ =	swait.ge [sflag:s14], $0x4000  }
0x30: {  	[sflag:s14] =	ssyncset.done $0x0  }
0x31: {  	[sflag:s14] =	ssyncadd.s32 $0xFFFFC000  }
0x32: {  	[spmem:s10] =	stream.linear.scatter [tilespmem:s13], [sflag:$0x3], $0x4000, $0x38;
	[tilespmem:$0x1E800] =	vst v63  }
0x33: {  	_ =	swait.ge [sflag:s14], $0x4000  }
0x34: {  	[sflag:s14] =	ssyncset.done $0x0  }
0x35: {  	[sflag:s14] =	ssyncadd.s32 $0xFFFFC000  }
0x36: {  	[spmem:s11] =	stream.linear.scatter [tilespmem:s13], [sflag:$0x3], $0x4000, $0x38;
	[tilespmem:$0x1E800] =	vst v63  }
0x37: {  	_ =	swait.ge [sflag:s14], $0x4000  }
0x38: {  	[sflag:s14] =	ssyncset.done $0x0  }
0x39: {  	[sflag:s14] =	ssyncadd.s32 $0xFFFFC000  }
0x3a: {  	[spmem:s12] =	stream.linear.scatter [tilespmem:s13], [sflag:$0x3], $0x4000, $0x38;
	[tilespmem:$0x1E800] =	vst v63  }
0x3b: {  	_ =	swait.ge [sflag:s14], $0x4000  }
0x3c: {  	[sflag:s14] =	ssyncset.done $0x0  }
0x3d: {  	[sflag:s14] =	ssyncadd.s32 $0xFFFFC000  }
0x3e: {  	s9 =	simm.s32 $0x0;
	[bflag:$0x0] =	sbarrier.arrive $0xFFFF  }
0x3f: {  	[tilespmem:s9], [sflag:$0x3] =	stream.linear.gather [hbm4b:s6+s9], $0x1400, $0x38;
	[tilespmem:$0x1E800] =	vst v63  }
0x40: {  	_ =	swait.ge [sflag:s14], $0x1400  }
0x41: {  	[sflag:s14] =	ssyncset.done $0x0  }
0x42: {  	[sflag:s14] =	ssyncadd.s32 $0xFFFFEC00  }
0x43: {  	[tilespmem:s15], [sflag:$0x3] =	stream.linear.gather [hbm4b:s7+s9], $0x1400, $0x38;
	[tilespmem:$0x1E800] =	vst v63  }
0x44: {  	_ =	swait.ge [sflag:s14], $0x1400  }
0x45: {  	[sflag:s14] =	ssyncset.done $0x0  }
0x46: {  	[sflag:s14] =	ssyncadd.s32 $0xFFFFEC00  }
0x47: {  	[tilespmem:s13], [sflag:$0x1] =	stream.indirect.gather [hbm4b:s4+s21], $0x80, s9, s21, $0xb8;
	[tilespmem:$0x1E800] =	vst v63  }
0x48: {  	_ =	swait.ge [sflag:s26], $0x4000  }
0x49: {  	[sflag:s26] =	ssyncset.done $0x0  }
0x4a: {  	s8 =	simm.s32 $0x80;
	[sflag:s26] =	ssyncadd.s32 $0xFFFFC000  }
0x4b: {  	[tilespmem:s28], [sflag:$0x2] =	stream.indirect.gather [hbm4b:s4+s21], $0x80, s8, s21, $0xb8;
	[tilespmem:$0x1E800] =	vst v63  }
0x4c: {  	s9 =	simm.s32 $0x1400  }
0x4d: {  	[spmem:s2] =	stream.indirect.scatter.add.f32 [tilespmem:s13], [sflag:$0x3], $0x80, s9, s21, $0xb8;
	[tilespmem:$0x1E800] =	vst v63  }
0x4e: {  	_ =	swait.ge [sflag:s14], $0x4000  }
0x4f: {  	[sflag:s14] =	ssyncset.done $0x0  }
0x50: {  	[sflag:s14] =	ssyncadd.s32 $0xFFFFC000  }
0x51: {  	_ =	swait.ge [sflag:s29], $0x4000  }
0x52: {  	[sflag:s29] =	ssyncset.done $0x0  }
0x53: {  	s8 =	simm.s32 $0x100;
	[sflag:s29] =	ssyncadd.s32 $0xFFFFC000  }
0x54: {  	[tilespmem:s13], [sflag:$0x1] =	stream.indirect.gather [hbm4b:s4+s21], $0x80, s8, s21, $0xb8;
	[tilespmem:$0x1E800] =	vst v63  }
0x55: {  	s9 =	simm.s32 $0x1480  }
0x56: {  	[spmem:s2] =	stream.indirect.scatter.add.f32 [tilespmem:s28], [sflag:$0x3], $0x80, s9, s21, $0xb8;
	[tilespmem:$0x1E800] =	vst v63  }
0x57: {  	_ =	swait.ge [sflag:s14], $0x4000  }
0x58: {  	s1 =	simm.s32 $0x400;
	[sflag:s14] =	ssyncset.done $0x0  }
.LBB2_4:
0x59: {  	p0 =	sne.s32 s1, $0x4800  }
0x5a: {  	[sflag:s14] =	ssyncadd.s32 $0xFFFFC000;
	s8 =	smov.u32 s1;
	s1 =	sadd.s32 $0x400, s1  }
0x5b: {  	_ = 	snop  }
0x5c: {  	_ =	swait.ge [sflag:s26], $0x4000  }
0x5d: {  	s8 =	sshra.s32 s8, $0x2;
	[sflag:s26] =	ssyncset.done $0x0  }
0x5e: {  	s9 =	sadd.s32 $0x80, s8;
	[sflag:s26] =	ssyncadd.s32 $0xFFFFC000  }
0x5f: {  	[tilespmem:s28], [sflag:$0x2] =	stream.indirect.gather [hbm4b:s4+s21], $0x80, s9, s21, $0xb8;
	[tilespmem:$0x1E800] =	vst v63  }
0x60: {  	s9 =	sadd.s32 $0x1400, s8  }
0x61: {  	[spmem:s2] =	stream.indirect.scatter.add.f32 [tilespmem:s13], [sflag:$0x3], $0x80, s9, s21, $0xb8;
	[tilespmem:$0x1E800] =	vst v63  }
0x62: {  	_ =	swait.ge [sflag:s14], $0x4000  }
0x63: {  	[sflag:s14] =	ssyncset.done $0x0  }
0x64: {  	[sflag:s14] =	ssyncadd.s32 $0xFFFFC000  }
0x65: {  	_ =	swait.ge [sflag:s29], $0x4000  }
0x66: {  	[sflag:s29] =	ssyncset.done $0x0  }
0x67: {  	s9 =	sadd.s32 $0x100, s8;
	[sflag:s29] =	ssyncadd.s32 $0xFFFFC000  }
0x68: {  	[tilespmem:s13], [sflag:$0x1] =	stream.indirect.gather [hbm4b:s4+s21], $0x80, s9, s21, $0xb8;
	[tilespmem:$0x1E800] =	vst v63  }
.Ltmp1:
0x69: {  	_ = 	snop;
	(pc) =	sbr.rel @p0 .LBB2_4-.Ltmp1, $4  }
0x6a: {  	s8 =	sadd.s32 $0x1480, s8  }
0x6b: {  	[spmem:s2] =	stream.indirect.scatter.add.f32 [tilespmem:s28], [sflag:$0x3], $0x80, s8, s21, $0xb8;
	[tilespmem:$0x1E800] =	vst v63  }
0x6c: {  	_ =	swait.ge [sflag:s14], $0x4000  }
0x6d: {  	[sflag:s14] =	ssyncset.done $0x0  }
0x6e: {  	[sflag:s14] =	ssyncadd.s32 $0xFFFFC000  }
0x6f: {  	_ =	swait.ge [sflag:s26], $0x4000  }
0x70: {  	[sflag:s26] =	ssyncset.done $0x0  }
0x71: {  	[sflag:s26] =	ssyncadd.s32 $0xFFFFC000  }
0x72: {  	[tilespmem:s28], [sflag:$0x2] =	stream.indirect.gather [hbm4b:s4+s21], $0x80, s30, s21, $0xb8;
	[tilespmem:$0x1E800] =	vst v63  }
0x73: {  	_ = 	snop  }
0x74: {  	[spmem:s2] =	stream.indirect.scatter.add.f32 [tilespmem:s13], [sflag:$0x3], $0x80, s31, s21, $0xb8;
	[tilespmem:$0x1E800] =	vst v63  }
0x75: {  	_ =	swait.ge [sflag:s14], $0x4000  }
0x76: {  	[sflag:s14] =	ssyncset.done $0x0  }
0x77: {  	[sflag:s14] =	ssyncadd.s32 $0xFFFFC000  }
0x78: {  	_ =	swait.ge [sflag:s29], $0x4000  }
0x79: {  	[sflag:s29] =	ssyncset.done $0x0  }
0x7a: {  	[sflag:s29] =	ssyncadd.s32 $0xFFFFC000  }
0x7b: {  	[spmem:s2] =	stream.indirect.scatter.add.f32 [tilespmem:s28], [sflag:$0x3], $0x80, s0, s21, $0xb8;
	[tilespmem:$0x1E800] =	vst v63  }
0x7c: {  	_ =	swait.ge [sflag:s14], $0x4000  }
0x7d: {  	[sflag:s14] =	ssyncset.done $0x0  }
0x7e: {  	s1 =	sadd.s32 $0x280, s6;
	s8 =	simm.s32 $0x0;
	[sflag:s14] =	ssyncadd.s32 $0xFFFFC000  }
0x7f: {  	[tilespmem:s8], [sflag:$0x3] =	stream.linear.gather [hbm4b:s1+s8], $0x1400, $0x38;
	[tilespmem:$0x1E800] =	vst v63  }
0x80: {  	_ =	swait.ge [sflag:s14], $0x1400  }
0x81: {  	[sflag:s14] =	ssyncset.done $0x0  }
0x82: {  	s9 =	sadd.s32 $0x280, s7;
	[sflag:s14] =	ssyncadd.s32 $0xFFFFEC00  }
0x83: {  	[tilespmem:s15], [sflag:$0x3] =	stream.linear.gather [hbm4b:s9+s8], $0x1400, $0x38;
	[tilespmem:$0x1E800] =	vst v63  }
0x84: {  	_ =	swait.ge [sflag:s14], $0x1400  }
0x85: {  	[sflag:s14] =	ssyncset.done $0x0  }
0x86: {  	[sflag:s14] =	ssyncadd.s32 $0xFFFFEC00  }
0x87: {  	[tilespmem:s13], [sflag:$0x1] =	stream.indirect.gather [hbm4b:s4+s21], $0x80, s8, s21, $0xb8;
	[tilespmem:$0x1E800] =	vst v63  }
0x88: {  	_ =	swait.ge [sflag:s26], $0x4000  }
0x89: {  	[sflag:s26] =	ssyncset.done $0x0  }
0x8a: {  	s8 =	simm.s32 $0x80;
	[sflag:s26] =	ssyncadd.s32 $0xFFFFC000  }
0x8b: {  	[tilespmem:s28], [sflag:$0x2] =	stream.indirect.gather [hbm4b:s4+s21], $0x80, s8, s21, $0xb8;
	[tilespmem:$0x1E800] =	vst v63  }
0x8c: {  	s9 =	simm.s32 $0x1400  }
0x8d: {  	[spmem:s2] =	stream.indirect.scatter.add.f32 [tilespmem:s13], [sflag:$0x3], $0x80, s9, s21, $0xb8;
	[tilespmem:$0x1E800] =	vst v63  }
0x8e: {  	_ =	swait.ge [sflag:s14], $0x4000  }
0x8f: {  	[sflag:s14] =	ssyncset.done $0x0  }
0x90: {  	[sflag:s14] =	ssyncadd.s32 $0xFFFFC000  }
0x91: {  	_ =	swait.ge [sflag:s29], $0x4000  }
0x92: {  	[sflag:s29] =	ssyncset.done $0x0  }
0x93: {  	s8 =	simm.s32 $0x100;
	[sflag:s29] =	ssyncadd.s32 $0xFFFFC000  }
0x94: {  	[tilespmem:s13], [sflag:$0x1] =	stream.indirect.gather [hbm4b:s4+s21], $0x80, s8, s21, $0xb8;
	[tilespmem:$0x1E800] =	vst v63  }
0x95: {  	s9 =	simm.s32 $0x1480  }
0x96: {  	[spmem:s2] =	stream.indirect.scatter.add.f32 [tilespmem:s28], [sflag:$0x3], $0x80, s9, s21, $0xb8;
	[tilespmem:$0x1E800] =	vst v63  }
0x97: {  	_ =	swait.ge [sflag:s14], $0x4000  }
0x98: {  	s1 =	simm.s32 $0x400;
	[sflag:s14] =	ssyncset.done $0x0  }
.LBB2_6:
0x99: {  	p0 =	sne.s32 s1, $0x4800  }
0x9a: {  	[sflag:s14] =	ssyncadd.s32 $0xFFFFC000;
	s8 =	smov.u32 s1;
	s1 =	sadd.s32 $0x400, s1  }
0x9b: {  	_ = 	snop  }
0x9c: {  	_ =	swait.ge [sflag:s26], $0x4000  }
0x9d: {  	s8 =	sshra.s32 s8, $0x2;
	[sflag:s26] =	ssyncset.done $0x0  }
0x9e: {  	s9 =	sadd.s32 $0x80, s8;
	[sflag:s26] =	ssyncadd.s32 $0xFFFFC000  }
0x9f: {  	[tilespmem:s28], [sflag:$0x2] =	stream.indirect.gather [hbm4b:s4+s21], $0x80, s9, s21, $0xb8;
	[tilespmem:$0x1E800] =	vst v63  }
0xa0: {  	s9 =	sadd.s32 $0x1400, s8  }
0xa1: {  	[spmem:s2] =	stream.indirect.scatter.add.f32 [tilespmem:s13], [sflag:$0x3], $0x80, s9, s21, $0xb8;
	[tilespmem:$0x1E800] =	vst v63  }
0xa2: {  	_ =	swait.ge [sflag:s14], $0x4000  }
0xa3: {  	[sflag:s14] =	ssyncset.done $0x0  }
0xa4: {  	[sflag:s14] =	ssyncadd.s32 $0xFFFFC000  }
0xa5: {  	_ =	swait.ge [sflag:s29], $0x4000  }
0xa6: {  	[sflag:s29] =	ssyncset.done $0x0  }
0xa7: {  	s9 =	sadd.s32 $0x100, s8;
	[sflag:s29] =	ssyncadd.s32 $0xFFFFC000  }
0xa8: {  	[tilespmem:s13], [sflag:$0x1] =	stream.indirect.gather [hbm4b:s4+s21], $0x80, s9, s21, $0xb8;
	[tilespmem:$0x1E800] =	vst v63  }
.Ltmp2:
0xa9: {  	_ = 	snop;
	(pc) =	sbr.rel @p0 .LBB2_6-.Ltmp2, $4  }
0xaa: {  	s8 =	sadd.s32 $0x1480, s8  }
0xab: {  	[spmem:s2] =	stream.indirect.scatter.add.f32 [tilespmem:s28], [sflag:$0x3], $0x80, s8, s21, $0xb8;
	[tilespmem:$0x1E800] =	vst v63  }
0xac: {  	_ =	swait.ge [sflag:s14], $0x4000  }
0xad: {  	[sflag:s14] =	ssyncset.done $0x0  }
0xae: {  	[sflag:s14] =	ssyncadd.s32 $0xFFFFC000  }
0xaf: {  	_ =	swait.ge [sflag:s26], $0x4000  }
0xb0: {  	[sflag:s26] =	ssyncset.done $0x0  }
0xb1: {  	[sflag:s26] =	ssyncadd.s32 $0xFFFFC000  }
0xb2: {  	[tilespmem:s28], [sflag:$0x2] =	stream.indirect.gather [hbm4b:s4+s21], $0x80, s30, s21, $0xb8;
	[tilespmem:$0x1E800] =	vst v63  }
0xb3: {  	_ = 	snop  }
0xb4: {  	[spmem:s2] =	stream.indirect.scatter.add.f32 [tilespmem:s13], [sflag:$0x3], $0x80, s31, s21, $0xb8;
	[tilespmem:$0x1E800] =	vst v63  }
0xb5: {  	_ =	swait.ge [sflag:s14], $0x4000  }
0xb6: {  	[sflag:s14] =	ssyncset.done $0x0  }
0xb7: {  	[sflag:s14] =	ssyncadd.s32 $0xFFFFC000  }
0xb8: {  	_ =	swait.ge [sflag:s29], $0x4000  }
0xb9: {  	[sflag:s29] =	ssyncset.done $0x0  }
0xba: {  	[sflag:s29] =	ssyncadd.s32 $0xFFFFC000  }
0xbb: {  	[spmem:s2] =	stream.indirect.scatter.add.f32 [tilespmem:s28], [sflag:$0x3], $0x80, s0, s21, $0xb8;
	[tilespmem:$0x1E800] =	vst v63  }
0xbc: {  	_ =	swait.ge [sflag:s14], $0x4000  }
0xbd: {  	s1 =	stileid.u32;
	[sflag:s14] =	ssyncset.done $0x0  }
0xbe: {  	s1 =	sshll.u32 s1, $0x6;
	[sflag:s14] =	ssyncadd.s32 $0xFFFFC000  }
0xbf: {  	s8 =	sshrl.u32 s5, $0x3;
	s1 =	sor.u32 $0x1C03, s1;
	[bflag:$0x0] =	sbarrier.arrive $0xFFFF  }
0xc0: {  	[hbm:s16], [sflag:s1] =	dma.local [spmem:s8], $0x800  }
0xc1: {  	_ =	swait.ge [sflag:s14], $0x800  }
0xc2: {  	[sflag:s14] =	ssyncset.done $0x0  }
0xc3: {  	[sflag:s14] =	ssyncadd.s32 $0xFFFFF800  }
0xc4: {  	[hbm:s17], [sflag:s1] =	dma.local [spmem:s22], $0x800  }
0xc5: {  	_ =	swait.ge [sflag:s14], $0x800  }
0xc6: {  	[sflag:s14] =	ssyncset.done $0x0  }
0xc7: {  	[sflag:s14] =	ssyncadd.s32 $0xFFFFF800  }
0xc8: {  	[hbm:s18], [sflag:s1] =	dma.local [spmem:s23], $0x800  }
0xc9: {  	_ =	swait.ge [sflag:s14], $0x800  }
0xca: {  	[sflag:s14] =	ssyncset.done $0x0  }
0xcb: {  	[sflag:s14] =	ssyncadd.s32 $0xFFFFF800  }
0xcc: {  	[hbm:s19], [sflag:s1] =	dma.local [spmem:s24], $0x800  }
0xcd: {  	_ =	swait.ge [sflag:s14], $0x800  }
0xce: {  	[sflag:s14] =	ssyncset.done $0x0  }
0xcf: {  	[sflag:s14] =	ssyncadd.s32 $0xFFFFF800  }
0xd0: {  	[hbm:s20], [sflag:s1] =	dma.local [spmem:s25], $0x800  }
0xd1: {  	_ =	swait.ge [sflag:s14], $0x800  }
0xd2: {  	s3 =	sadd.s32 $0x1, s3;
	s9 =	rddreg [dreg:$0x4]  }
0xd3: {  	p0 =	sne.s32 s3, s9  }
.Ltmp3:
0xd4: {  	_ = 	snop;
	(pc) =	sbr.rel @p0 .LBB2_1-.Ltmp3, $3  }
0xd5: {  	_ =	sdelay $0x1  }
0xd6: {  	[sflag:s14] =	ssyncset.done $0x0  }
0xd7: {  	[sflag:s14] =	ssyncadd.s32 $0xFFFFF800  }
0xd8: {  	_ =	sfence.sel $0x180000  }
0xd9: {  	[bflag:$0x0] =	sbarrier.arrive $0xFFFF  }
0xda: {  	_ =	strace $0x90000050  }
0xdb: {  	s0 =	stileid.u32;
	[bflag:$0x2] =	sbarrier.arrive $0xFFFF  }
0xdc: {  	p0 =	sne.s32 s0, $0x0;
	s0 =	rddreg [dreg:$0x3]  }
0xdd: {  	s0 =	sadd.s32 @!p0 $0x100000, s0  }
0xde: {  	[sflag:s0] =	ssyncadd.tile.s32 @!p0 $0x1;
	_ =	shalt  }
.Lfunc_end2:
_tile_overlayer_lowered:
.L_overlay_start_2:
0xdf: {  	(tag) =	ssettag $0x2  }
0xe0: {  	s0 =	rddreg [dreg:$0x0];
	s2 =	stileid.u32  }
0xe1: {  	s1 =	rddreg [dreg:$0x1];
	p0 =	sne.s32 s2, $0x0  }
0xe2: {  	s3 =	rddreg [dreg:$0x2];
	[bflag:$0x3] =	sbarrier.arrive $0xFFFF;
	s2 =	simm.s32 @!p0 $0x1C03  }
0xe3: {  	[timem:s3], [sflag:s2] =	dma.local @!p0 [hbm:s0], s1  }
0xe4: {  	s0 =	simm.s32 @!p0 $0x3  }
0xe5: {  	_ =	swait.ge @!p0 [sflag:s0], s1  }
0xe6: {  	s1 =	ssub.s32 @!p0 $0x0, s1;
	[sflag:s0] =	ssyncset.done @!p0 $0x0  }
0xe7: {  	[sflag:s0] =	ssyncadd.s32 @!p0 s1  }
0xe8: {  	[bflag:$0x3] =	sbarrier.arrive $0xFFFF  }
0xe9: {  	_ =	shalt  }

// kernel: kernel.24.cloned.1.call-start
scs
__scs_entry_jumppad:
0x0: {  	(pc) =	sbr.rel $0x88, $3  }
0x1: {  	(tag) =	ssettag $0x0;
	lr =	simm.s32 $0x1  }
0x2: {  	[smem:$0x3F8D] =	sst lr;
	_ =	strace $0xD0000000  }
0x3: {  	_ = 	snop  }
0x4: {  	_ = 	snop  }
0x5: {  	_ = 	snop  }
0x6: {  	_ = 	snop  }
0x7: {  	_ = 	snop  }
__scs_overlays_trampoline_lowered:
0x8: {  	[smem:$0x3F9C] =	sst s0  }
0x9: {  	[smem:$0x3F9D] =	sst s1  }
0xa: {  	[smem:$0x3F9E] =	sst s2  }
0xb: {  	[smem:$0x3F9F] =	sst s3  }
0xc: {  	[smem:$0x3FA0] =	sst s4  }
0xd: {  	[smem:$0x3FA1] =	sst s5  }
0xe: {  	[smem:$0x3FA2] =	sst s6  }
0xf: {  	[smem:$0x3FA3] =	sst s7  }
0x10: {  	[smem:$0x3FA4] =	sst s8  }
0x11: {  	[smem:$0x3FA5] =	sst s9;
	s0 =	simm.s32 @!p0 $0x0  }
0x12: {  	s1 =	sld [smem:$0x3F8B];
	s0 =	simm.s32 @p0 $0x1  }
0x13: {  	[smem:$0x3FA6] =	sst s0;
	s0 =	simm.s32 @!p1 $0x0  }
0x14: {  	s2 =	sld [smem:$0x3F8A];
	s0 =	simm.s32 @p1 $0x1  }
0x15: {  	[smem:$0x3FA7] =	sst s0;
	s0 =	simm.s32 @!p2 $0x0  }
0x16: {  	s3 =	sld [smem:$0x3FDB];
	s0 =	simm.s32 @p2 $0x1  }
0x17: {  	s4 =	simm.s32 $0x1BF5;
	[smem:$0x3FA9] =	sst s0  }
0x18: {  	s0 =	sld [smem:$0x3F8C];
	_ =	swait.ge [sflag:s4], $0x0  }
0x19: {  	s7 =	sld [smem:$0x3F8D]  }
0x1a: {  	s8 =	sadd.s32 $0xFFFFE003, lr  }
0x1b: {  	s9 =	sadd.s32 $0xFFFFFEF7, lr;
	s5 =	simm.s32 $0xFFFFFFFF;
	p2 =	slt.u32 s8, $0xFFFFF086  }
0x1c: {  	p1 =	slt.u32 s9, $0xF7A;
	s5 =	simm.s32 @!p2 $0x0  }
0x1d: {  	s5 =	simm.s32 @p1 $0x1;
	p0 =	seq.s32 s7, s2  }
0x1e: {  	s7 =	smul.u32 @!p0 $0xF7A, s2;
	p2 =	seq.s32 @!p0 s5, $0x0  }
0x1f: {  	s9 =	smul.u32 $0xF7A, s1;
	s8 =	simm.s32 @!p0 $0x1BF5;
	p2 =	por !p2, p0  }
0x20: {  	[sflag:s8] =	ssyncset.s32 @!p0 $0xFFFFF086;
	s6 =	sadd.s32 @!p0 s3, s7;
	s7 =	simm.s32 @!p0 $0x108  }
0x21: {  	s3 =	sadd.s32 s3, s9;
	s6 =	sadd.s32 @!p0 $0x88, s6;
	s7 =	simm.s32 @p2 $0x1082  }
0x22: {  	[simem:s7], [sflag:s8] =	dma.local @!p0 [hbm:s6], $0xF7A  }
0x23: {  	s9 =	sor.u32 $0xD0000000, s2;
	s6 =	simm.s32 $0x108;
	_ =	swait.ge @!p0 [sflag:s8], $0x0  }
0x24: {  	s3 =	sadd.s32 $0x88, s3;
	s6 =	simm.s32 @!p1 $0x1082;
	[sflag:s4] =	ssyncset.s32 $0xFFFFF086  }
0x25: {  	[simem:s6], [sflag:s4] =	dma.local [hbm:s3], $0xF7A  }
0x26: {  	[smem:$0x3F8D] =	sst s1;
	(tag) =	ssettag s2;
	_ =	strace s9  }
0x27: {  	s1 =	sld [smem:$0x3F9D]  }
0x28: {  	s2 =	sld [smem:$0x3F9E]  }
0x29: {  	s4 =	sld [smem:$0x3FA0]  }
0x2a: {  	p0 =	seq.s32 s5, $0x0;
	s5 =	sld [smem:$0x3FA1]  }
0x2b: {  	s6 =	sld [smem:$0x3FA2]  }
0x2c: {  	s7 =	sld [smem:$0x3FA3]  }
0x2d: {  	s3 =	simm.s32 $0x108;
	s8 =	sld [smem:$0x3FA4]  }
0x2e: {  	s3 =	simm.s32 @!p0 $0x1082;
	s9 =	sld [smem:$0x3FA5]  }
0x2f: {  	lr =	sadd.s32 s0, s3;
	s0 =	sld [smem:$0x3F9C]  }
0x30: {  	s3 =	sld [smem:$0x3F9F]  }
0x31: {  	[smem:$0x3FA8] =	sst s10  }
0x32: {  	s10 =	sld [smem:$0x3FA6];
	_ =	sdelay $0x3  }
0x33: {  	p0 =	seq.s32 s10, $0x1;
	s10 =	sld [smem:$0x3FA8];
	_ =	sdelay $0x3  }
0x34: {  	[smem:$0x3FA8] =	sst s10  }
0x35: {  	s10 =	sld [smem:$0x3FA7];
	_ =	sdelay $0x3  }
0x36: {  	p1 =	seq.s32 s10, $0x1;
	s10 =	sld [smem:$0x3FA8];
	_ =	sdelay $0x3  }
0x37: {  	[smem:$0x3FA8] =	sst s10  }
0x38: {  	s10 =	sld [smem:$0x3FA9]  }
0x39: {  	_ = 	snop;
	(pc) =	sbr.ind lr, $3  }
0x3a: {  	_ = 	snop  }
0x3b: {  	_ = 	snop  }
0x3c: {  	p2 =	seq.s32 s10, $0x1;
	s10 =	sld [smem:$0x3FA8]  }
0x3d: {  	_ =	shalt  }
0x3e: {  	_ =	shalt  }
0x3f: {  	_ =	shalt  }
0x40: {  	_ =	shalt  }
0x41: {  	_ =	shalt  }
0x42: {  	_ =	shalt  }
0x43: {  	_ =	shalt  }
0x44: {  	_ =	shalt  }
0x45: {  	_ =	shalt  }
0x46: {  	_ =	shalt  }
0x47: {  	_ =	shalt  }
0x48: {  	_ =	shalt  }
0x49: {  	_ =	shalt  }
0x4a: {  	_ =	shalt  }
0x4b: {  	_ =	shalt  }
0x4c: {  	_ =	shalt  }
0x4d: {  	_ =	shalt  }
0x4e: {  	_ =	shalt  }
0x4f: {  	_ =	shalt  }
0x50: {  	_ =	shalt  }
0x51: {  	_ =	shalt  }
0x52: {  	_ =	shalt  }
0x53: {  	_ =	shalt  }
0x54: {  	_ =	shalt  }
0x55: {  	_ =	shalt  }
0x56: {  	_ =	shalt  }
0x57: {  	_ =	shalt  }
0x58: {  	_ =	shalt  }
0x59: {  	_ =	shalt  }
0x5a: {  	_ =	shalt  }
0x5b: {  	_ =	shalt  }
0x5c: {  	_ =	shalt  }
0x5d: {  	_ =	shalt  }
0x5e: {  	_ =	shalt  }
0x5f: {  	_ =	shalt  }
0x60: {  	_ =	shalt  }
0x61: {  	_ =	shalt  }
0x62: {  	_ =	shalt  }
0x63: {  	_ =	shalt  }
0x64: {  	_ =	shalt  }
0x65: {  	_ =	shalt  }
0x66: {  	_ =	shalt  }
0x67: {  	_ =	shalt  }
0x68: {  	_ =	shalt  }
0x69: {  	_ =	shalt  }
0x6a: {  	_ =	shalt  }
0x6b: {  	_ =	shalt  }
0x6c: {  	_ =	shalt  }
0x6d: {  	_ =	shalt  }
0x6e: {  	_ =	shalt  }
0x6f: {  	_ =	shalt  }
0x70: {  	_ =	shalt  }
0x71: {  	_ =	shalt  }
0x72: {  	_ =	shalt  }
0x73: {  	_ =	shalt  }
0x74: {  	_ =	shalt  }
0x75: {  	_ =	shalt  }
0x76: {  	_ =	shalt  }
0x77: {  	_ =	shalt  }
0x78: {  	_ =	shalt  }
0x79: {  	_ =	shalt  }
0x7a: {  	_ =	shalt  }
0x7b: {  	_ =	shalt  }
0x7c: {  	_ =	shalt  }
0x7d: {  	_ =	shalt  }
0x7e: {  	_ =	shalt  }
0x7f: {  	_ =	shalt  }
0x80: {  	_ =	shalt  }
0x81: {  	_ =	shalt  }
0x82: {  	_ =	shalt  }
0x83: {  	_ =	shalt  }
0x84: {  	_ =	shalt  }
0x85: {  	_ =	shalt  }
0x86: {  	_ =	shalt  }
0x87: {  	_ =	shalt  }
.Lfunc_end0:
.L_simem_size_0:
called_computation.4_lowered:
.L_overlay_start_0:
0x88: {  	s2 =	sld [smem:$0x3FD9]  }
0x89: {  	s3 =	sld [smem:$0x3FFE];
	_ =	sdelay $0x1  }
0x8a: {  	s1 =	srdreg.scid  }
0x8b: {  	s0 =	sand.u32 $0x1, s1  }
0x8c: {  	s17 =	sshll.u32 s0, $0xA;
	s2 =	sadd.s32 s3, s2  }
0x8d: {  	s2 =	sadd.s32 s2, s17  }
0x8e: {  	[smem:$0x3FB4] =	sst s2  }
0x8f: {  	_ = 	snop  }
0x90: {  	s2 =	sld [smem:$0x3FD0];
	(tm) =	ssettm $0x1  }
0x91: {  	s18 =	sld [smem:$0x3FFB];
	_ =	sdelay $0x3  }
0x92: {  	_ =	strace s18  }
0x93: {  	s3 =	sld [smem:$0x3FFC];
	_ =	sdelay $0x3  }
0x94: {  	_ =	strace s3  }
0x95: {  	s3 =	sld [smem:$0x3FFD];
	_ =	sdelay $0x3  }
0x96: {  	_ =	strace s3  }
0x97: {  	_ =	strace $0x8FFFFFFF  }
0x98: {  	s19 =	sld [smem:$0x3FDB];
	_ =	sdelay $0x1  }
0x99: {  	s4 =	simm.s32 $_scs_section_size  }
0x9a: {  	s5 =	simm.s32 $_size__tile_overlayer_lowered;
	s6 =	simm.s32 $_tile_overlayer_lowered  }
0x9b: {  	s22 =	simm.s32 $0x1BFF;
	s21 =	sshll.u32 s6, $0x1;
	s3 =	sadd.s32 s4, s19  }
0x9c: {  	s7 =	simm.s32 $0x0;
	s20 =	sshll.u32 s5, $0x1;
	s5 =	sadd.s32 s21, s3  }
0x9d: {  	[timem:s7], [sflag:s22] =	dma.local [hbm:s5], s20  }
0x9e: {  	_ =	swait.ge [sflag:s22], s20  }
0x9f: {  	s4 =	ssub.s32 $0x0, s20;
	[sflag:s22] =	ssyncset.done $0x0  }
0xa0: {  	[sflag:s22] =	ssyncadd.s32 s4;
	_ =	sdelay $0x1  }
0xa1: {  	s23 =	simm.s32 $0x1B8B  }
0xa2: {  	_ =	swait.ge [sflag:s23], $0x1  }
0xa3: {  	[sflag:s23] =	ssyncset.done $0x0  }
0xa4: {  	s25 =	simm.s32 $0x1B8E;
	s24 =	sld [smem:$0x3FFE];
	[sflag:s23] =	ssyncadd.s32 $0xFFFFFFFF  }
0xa5: {  	s26 =	simm.s32 $execute0_lowered;
	[smem:$0x3FD2] =	sst s25  }
0xa6: {  	s5 =	sshll.u32 s26, $0x1;
	_ =	strace $0x80000052;
	[dreg:$0x1] =	wrdreg $0xFFFFFFFF  }
0xa7: {  	s28 =	simm.s32 $_size_execute0_lowered;
	s3 =	sadd.s32 s3, s5;
	[dreg:$0x0] =	wrdreg $0x0  }
0xa8: {  	s5 =	sshll.u32 s28, $0x1;
	[dreg:$0x2] =	wrdreg s3  }
0xa9: {  	[dreg:$0x3] =	wrdreg s5  }
0xaa: {  	[dreg:$0x4] =	wrdreg $0xC0  }
0xab: {  	_ =	task [dreg:s7], $0x5FFFF  }
0xac: {  	[dreg:$0x1] =	wrdreg $0xFFFFFFFF  }
0xad: {  	[dreg:$0x0] =	wrdreg $0x60  }
0xae: {  	[dreg:$0x2] =	wrdreg s24  }
0xaf: {  	[dreg:$0x3] =	wrdreg s2  }
0xb0: {  	[dreg:$0x4] =	wrdreg $0xA8000  }
0xb1: {  	[dreg:$0x5] =	wrdreg $0x9  }
0xb2: {  	_ =	task.clear_ibuf [dreg:s7], $0x6FFFF;
	_ =	strace $0x90000052  }
0xb3: {  	s29 =	simm.s32 $0x9;
	_ =	strace $0x80000054  }
0xb4: {  	_ =	swait.ge [sflag:s29], $0x1  }
0xb5: {  	[sflag:s29] =	ssyncadd.s32 $0xFFFFFFFF  }
0xb6: {  	_ =	strace $0x90000054  }
0xb7: {  	_ =	sfence  }
0xb8: {  	s30 =	sld [smem:$0x0];
	_ =	sdelay $0x2  }
0xb9: {  	s31 =	sshll.u32 s1, $0xD;
	s1 =	sshrl.u32 s1, $0x2  }
0xba: {  	s3 =	sand.u32 $0x4000, s31;
	s1 =	sadd.s32 s1, s30  }
0xbb: {  	s0 =	sor.u32 s3, s0;
	s1 =	sshll.u32 s1, $0x11  }
0xbc: {  	s0 =	sor.u32 s1, s0  }
0xbd: {  	s0 =	sadd.s32 $0x8F2B, s0  }
0xbe: {  	[sflag:s0] =	ssyncadd.remote.s32 $0x1  }
0xbf: {  	_ =	sfence.sel $0xFFFF  }
0xc0: {  	[dreg:$0x0] =	wrdreg $0xFFFFFFFF;
	(pc) =	sbr.abs _section_cstart, $3  }
0xc1: {  	[dreg:$0x1] =	wrdreg $0xFFFFFFFF  }
0xc2: {  	_ =	task.clear_ibuf [dreg:s7], $0x2FFFF;
	_ =	strace $0x9FFFFFFF  }
0xc3: {  	(tm) =	ssettm $0x7FFFFFFF  }
tec
execute0_lowered:
.L_overlay_start_1:
0x0: {  	(tag) =	ssettag $0x1  }
0x1: {  	s0 =	rddreg [dreg:$0x0]  }
0x2: {  	s1 =	srdreg.scid;
	s6 =	rddreg [dreg:$0x1]  }
0x3: {  	s2 =	rddreg [dreg:$0x2];
	s11 =	stileid.u32;
	s3 =	simm.s32 $0x0  }
0x4: {  	s15 =	simm.s32 $0x1400;
	s28 =	simm.s32 $0x6800;
	s29 =	simm.s32 $0x2  }
0x5: {  	s30 =	simm.s32 $0x1380;
	s31 =	simm.s32 $0x2700;
	s5 =	smul.u32 $0x50000, s11  }
0x6: {  	s1 =	sand.u32 $0x1, s1;
	[smem:$0x7FF] =	sst s3;
	s17 =	smul.u32 $0x280, s11  }
0x7: {  	s16 =	smul.u32 $0x2800, s11;
	s4 =	sshll.u32 s1, $0x4;
	_ =	strace $0x80000053  }
0x8: {  	s8 =	smul.u32 $0x28000, s1;
	s1 =	ssub.s32 $0x2, s1;
	s4 =	sor.u32 s11, s4  }
0x9: {  	s10 =	sshrl.u32 s1, $0x1;
	s5 =	sshrl.u32 s5, $0x2;
	s19 =	sadd.s32 $0x80, s17  }
0xa: {  	s14 =	sadd.s32 $0x100, s17;
	s21 =	sadd.s32 $0x180, s17;
	s7 =	smul.u32 $0x500, s4  }
0xb: {  	s4 =	sadd.s32 $0x10400, s0;
	s1 =	ssub.s32 s1, s10;
	s5 =	sadd.s32 s5, s2  }
0xc: {  	s13 =	sshll.u32 s19, $0x7;
	s20 =	sshll.u32 s14, $0x7;
	s25 =	sshll.u32 s21, $0x7  }
0xd: {  	s1 =	smax.u32 s1, $0x1;
	s18 =	sadd.s32 $0x4000, s5;
	s10 =	sadd.s32 $0x8000, s5  }
0xe: {  	s11 =	sadd.s32 $0xC000, s5;
	s12 =	sadd.s32 $0x10000, s5;
	s22 =	sadd.s32 s13, s2  }
0xf: {  	s23 =	sadd.s32 s20, s2;
	s24 =	sadd.s32 s25, s2;
	s13 =	simm.s32 $0x2800  }
0x10: {  	s9 =	sadd.s32 s7, s0;
	s0 =	sadd.s32 s8, s0;
	[dreg:$0x4] =	wrdreg s1  }
0x11: {  	s6 =	sadd.s32 s6, s7;
	[dreg:$0x5] =	wrdreg s18;
	s1 =	sshll.u32 s19, $0x4  }
0x12: {  	s18 =	sshll.u32 s14, $0x4;
	s8 =	sadd.s32 $0x200, s17;
	s19 =	sshll.u32 s21, $0x4  }
0x13: {  	s14 =	simm.s32 $0x3;
	s21 =	simm.s32 $0x80;
	s22 =	sshrl.u32 s22, $0x3  }
0x14: {  	s23 =	sshrl.u32 s23, $0x3;
	s24 =	sshrl.u32 s24, $0x3;
	s7 =	sadd.s32 $0x6400, s9  }
0x15: {  	s0 =	sadd.s32 $0x37600, s0;
	s26 =	sshll.u32 s8, $0x7;
	s8 =	sshll.u32 s8, $0x4  }
0x16: {  	s25 =	sadd.s32 s26, s2;
	s16 =	sadd.s32 s16, s0;
	s17 =	sadd.s32 s1, s0  }
0x17: {  	s18 =	sadd.s32 s18, s0;
	s19 =	sadd.s32 s19, s0;
	s20 =	sadd.s32 s8, s0  }
0x18: {  	v0 =	vimm.f32 $0.0e+00;
	s26 =	simm.s32 $0x1;
	s0 =	simm.s32 $0x2780;
	s25 =	sshrl.u32 s25, $0x3  }
.LBB2_1:
0x19: {  	s1 =	simm.s32 $0x0;
	s8 =	simm.s32 $0x200  }
.LBB2_2:
0x1a: {  	p0 =	sne.s32 s8, $0xFE00;
	[tilespmem:s1+$0x2870] =	vst v0  }
0x1b: {  	[tilespmem:s1+$0x2800] =	vst v0  }
0x1c: {  	[tilespmem:s1+$0x2810] =	vst v0  }
.Ltmp0:
0x1d: {  	[tilespmem:s1+$0x2820] =	vst v0;
	(pc) =	sbr.rel @p0 .LBB2_2-.Ltmp0, $4  }
0x1e: {  	[tilespmem:s1+$0x2830] =	vst v0  }
0x1f: {  	[tilespmem:s1+$0x2840] =	vst v0  }
0x20: {  	[tilespmem:s1+$0x2850] =	vst v0  }
0x21: {  	[tilespmem:s1+$0x2860] =	vst v0;
	s1 =	sshra.s32 s8, $0x2;
	s8 =	sadd.s32 $0x200, s8  }
0x22: {  	[tilespmem:s1+$0x2870] =	vst v0  }
0x23: {  	[tilespmem:s1+$0x2800] =	vst v0  }
0x24: {  	[tilespmem:s1+$0x2810] =	vst v0  }
0x25: {  	[tilespmem:s1+$0x2820] =	vst v0  }
0x26: {  	[tilespmem:s1+$0x2830] =	vst v0  }
0x27: {  	[tilespmem:s1+$0x2840] =	vst v0  }
0x28: {  	[tilespmem:s1+$0x2850] =	vst v0  }
0x29: {  	[tilespmem:s1+$0x2860] =	vst v0  }
0x2a: {  	[spmem:s5] =	stream.linear.scatter [tilespmem:s13], [sflag:$0x3], $0x4000, $0x38;
	[tilespmem:$0x1E800] =	vst v63  }
0x2b: {  	_ =	swait.ge [sflag:s14], $0x4000  }
0x2c: {  	[sflag:s14] =	ssyncset.done $0x0  }
0x2d: {  	s8 =	rddreg [dreg:$0x5];
	[sflag:s14] =	ssyncadd.s32 $0xFFFFC000  }
0x2e: {  	[spmem:s8] =	stream.linear.scatter [tilespmem:s13], [sflag:$0x3], $0x4000, $0x38;
	[tilespmem:$0x1E800] =	vst v63  }
0x2f: {  	_ =	swait.ge [sflag:s14], $0x4000  }
0x30: {  	[sflag:s14] =	ssyncset.done $0x0  }
0x31: {  	[sflag:s14] =	ssyncadd.s32 $0xFFFFC000  }
0x32: {  	[spmem:s10] =	stream.linear.scatter [tilespmem:s13], [sflag:$0x3], $0x4000, $0x38;
	[tilespmem:$0x1E800] =	vst v63  }
0x33: {  	_ =	swait.ge [sflag:s14], $0x4000  }
0x34: {  	[sflag:s14] =	ssyncset.done $0x0  }
0x35: {  	[sflag:s14] =	ssyncadd.s32 $0xFFFFC000  }
0x36: {  	[spmem:s11] =	stream.linear.scatter [tilespmem:s13], [sflag:$0x3], $0x4000, $0x38;
	[tilespmem:$0x1E800] =	vst v63  }
0x37: {  	_ =	swait.ge [sflag:s14], $0x4000  }
0x38: {  	[sflag:s14] =	ssyncset.done $0x0  }
0x39: {  	[sflag:s14] =	ssyncadd.s32 $0xFFFFC000  }
0x3a: {  	[spmem:s12] =	stream.linear.scatter [tilespmem:s13], [sflag:$0x3], $0x4000, $0x38;
	[tilespmem:$0x1E800] =	vst v63  }
0x3b: {  	_ =	swait.ge [sflag:s14], $0x4000  }
0x3c: {  	[sflag:s14] =	ssyncset.done $0x0  }
0x3d: {  	[sflag:s14] =	ssyncadd.s32 $0xFFFFC000  }
0x3e: {  	s9 =	simm.s32 $0x0;
	[bflag:$0x0] =	sbarrier.arrive $0xFFFF  }
0x3f: {  	[tilespmem:s9], [sflag:$0x3] =	stream.linear.gather [hbm4b:s6+s9], $0x1400, $0x38;
	[tilespmem:$0x1E800] =	vst v63  }
0x40: {  	_ =	swait.ge [sflag:s14], $0x1400  }
0x41: {  	[sflag:s14] =	ssyncset.done $0x0  }
0x42: {  	[sflag:s14] =	ssyncadd.s32 $0xFFFFEC00  }
0x43: {  	[tilespmem:s15], [sflag:$0x3] =	stream.linear.gather [hbm4b:s7+s9], $0x1400, $0x38;
	[tilespmem:$0x1E800] =	vst v63  }
0x44: {  	_ =	swait.ge [sflag:s14], $0x1400  }
0x45: {  	[sflag:s14] =	ssyncset.done $0x0  }
0x46: {  	[sflag:s14] =	ssyncadd.s32 $0xFFFFEC00  }
0x47: {  	[tilespmem:s13], [sflag:$0x1] =	stream.indirect.gather [hbm4b:s4+s21], $0x80, s9, s21, $0xb8;
	[tilespmem:$0x1E800] =	vst v63  }
0x48: {  	_ =	swait.ge [sflag:s26], $0x4000  }
0x49: {  	[sflag:s26] =	ssyncset.done $0x0  }
0x4a: {  	s8 =	simm.s32 $0x80;
	[sflag:s26] =	ssyncadd.s32 $0xFFFFC000  }
0x4b: {  	[tilespmem:s28], [sflag:$0x2] =	stream.indirect.gather [hbm4b:s4+s21], $0x80, s8, s21, $0xb8;
	[tilespmem:$0x1E800] =	vst v63  }
0x4c: {  	s9 =	simm.s32 $0x1400  }
0x4d: {  	[spmem:s2] =	stream.indirect.scatter.add.f32 [tilespmem:s13], [sflag:$0x3], $0x80, s9, s21, $0xb8;
	[tilespmem:$0x1E800] =	vst v63  }
0x4e: {  	_ =	swait.ge [sflag:s14], $0x4000  }
0x4f: {  	[sflag:s14] =	ssyncset.done $0x0  }
0x50: {  	[sflag:s14] =	ssyncadd.s32 $0xFFFFC000  }
0x51: {  	_ =	swait.ge [sflag:s29], $0x4000  }
0x52: {  	[sflag:s29] =	ssyncset.done $0x0  }
0x53: {  	s8 =	simm.s32 $0x100;
	[sflag:s29] =	ssyncadd.s32 $0xFFFFC000  }
0x54: {  	[tilespmem:s13], [sflag:$0x1] =	stream.indirect.gather [hbm4b:s4+s21], $0x80, s8, s21, $0xb8;
	[tilespmem:$0x1E800] =	vst v63  }
0x55: {  	s9 =	simm.s32 $0x1480  }
0x56: {  	[spmem:s2] =	stream.indirect.scatter.add.f32 [tilespmem:s28], [sflag:$0x3], $0x80, s9, s21, $0xb8;
	[tilespmem:$0x1E800] =	vst v63  }
0x57: {  	_ =	swait.ge [sflag:s14], $0x4000  }
0x58: {  	s1 =	simm.s32 $0x400;
	[sflag:s14] =	ssyncset.done $0x0  }
.LBB2_4:
0x59: {  	p0 =	sne.s32 s1, $0x4800  }
0x5a: {  	[sflag:s14] =	ssyncadd.s32 $0xFFFFC000;
	s8 =	smov.u32 s1;
	s1 =	sadd.s32 $0x400, s1  }
0x5b: {  	_ = 	snop  }
0x5c: {  	_ =	swait.ge [sflag:s26], $0x4000  }
0x5d: {  	s8 =	sshra.s32 s8, $0x2;
	[sflag:s26] =	ssyncset.done $0x0  }
0x5e: {  	s9 =	sadd.s32 $0x80, s8;
	[sflag:s26] =	ssyncadd.s32 $0xFFFFC000  }
0x5f: {  	[tilespmem:s28], [sflag:$0x2] =	stream.indirect.gather [hbm4b:s4+s21], $0x80, s9, s21, $0xb8;
	[tilespmem:$0x1E800] =	vst v63  }
0x60: {  	s9 =	sadd.s32 $0x1400, s8  }
0x61: {  	[spmem:s2] =	stream.indirect.scatter.add.f32 [tilespmem:s13], [sflag:$0x3], $0x80, s9, s21, $0xb8;
	[tilespmem:$0x1E800] =	vst v63  }
0x62: {  	_ =	swait.ge [sflag:s14], $0x4000  }
0x63: {  	[sflag:s14] =	ssyncset.done $0x0  }
0x64: {  	[sflag:s14] =	ssyncadd.s32 $0xFFFFC000  }
0x65: {  	_ =	swait.ge [sflag:s29], $0x4000  }
0x66: {  	[sflag:s29] =	ssyncset.done $0x0  }
0x67: {  	s9 =	sadd.s32 $0x100, s8;
	[sflag:s29] =	ssyncadd.s32 $0xFFFFC000  }
0x68: {  	[tilespmem:s13], [sflag:$0x1] =	stream.indirect.gather [hbm4b:s4+s21], $0x80, s9, s21, $0xb8;
	[tilespmem:$0x1E800] =	vst v63  }
.Ltmp1:
0x69: {  	_ = 	snop;
	(pc) =	sbr.rel @p0 .LBB2_4-.Ltmp1, $4  }
0x6a: {  	s8 =	sadd.s32 $0x1480, s8  }
0x6b: {  	[spmem:s2] =	stream.indirect.scatter.add.f32 [tilespmem:s28], [sflag:$0x3], $0x80, s8, s21, $0xb8;
	[tilespmem:$0x1E800] =	vst v63  }
0x6c: {  	_ =	swait.ge [sflag:s14], $0x4000  }
0x6d: {  	[sflag:s14] =	ssyncset.done $0x0  }
0x6e: {  	[sflag:s14] =	ssyncadd.s32 $0xFFFFC000  }
0x6f: {  	_ =	swait.ge [sflag:s26], $0x4000  }
0x70: {  	[sflag:s26] =	ssyncset.done $0x0  }
0x71: {  	[sflag:s26] =	ssyncadd.s32 $0xFFFFC000  }
0x72: {  	[tilespmem:s28], [sflag:$0x2] =	stream.indirect.gather [hbm4b:s4+s21], $0x80, s30, s21, $0xb8;
	[tilespmem:$0x1E800] =	vst v63  }
0x73: {  	_ = 	snop  }
0x74: {  	[spmem:s2] =	stream.indirect.scatter.add.f32 [tilespmem:s13], [sflag:$0x3], $0x80, s31, s21, $0xb8;
	[tilespmem:$0x1E800] =	vst v63  }
0x75: {  	_ =	swait.ge [sflag:s14], $0x4000  }
0x76: {  	[sflag:s14] =	ssyncset.done $0x0  }
0x77: {  	[sflag:s14] =	ssyncadd.s32 $0xFFFFC000  }
0x78: {  	_ =	swait.ge [sflag:s29], $0x4000  }
0x79: {  	[sflag:s29] =	ssyncset.done $0x0  }
0x7a: {  	[sflag:s29] =	ssyncadd.s32 $0xFFFFC000  }
0x7b: {  	[spmem:s2] =	stream.indirect.scatter.add.f32 [tilespmem:s28], [sflag:$0x3], $0x80, s0, s21, $0xb8;
	[tilespmem:$0x1E800] =	vst v63  }
0x7c: {  	_ =	swait.ge [sflag:s14], $0x4000  }
0x7d: {  	[sflag:s14] =	ssyncset.done $0x0  }
0x7e: {  	s1 =	sadd.s32 $0x280, s6;
	s8 =	simm.s32 $0x0;
	[sflag:s14] =	ssyncadd.s32 $0xFFFFC000  }
0x7f: {  	[tilespmem:s8], [sflag:$0x3] =	stream.linear.gather [hbm4b:s1+s8], $0x1400, $0x38;
	[tilespmem:$0x1E800] =	vst v63  }
0x80: {  	_ =	swait.ge [sflag:s14], $0x1400  }
0x81: {  	[sflag:s14] =	ssyncset.done $0x0  }
0x82: {  	s9 =	sadd.s32 $0x280, s7;
	[sflag:s14] =	ssyncadd.s32 $0xFFFFEC00  }
0x83: {  	[tilespmem:s15], [sflag:$0x3] =	stream.linear.gather [hbm4b:s9+s8], $0x1400, $0x38;
	[tilespmem:$0x1E800] =	vst v63  }
0x84: {  	_ =	swait.ge [sflag:s14], $0x1400  }
0x85: {  	[sflag:s14] =	ssyncset.done $0x0  }
0x86: {  	[sflag:s14] =	ssyncadd.s32 $0xFFFFEC00  }
0x87: {  	[tilespmem:s13], [sflag:$0x1] =	stream.indirect.gather [hbm4b:s4+s21], $0x80, s8, s21, $0xb8;
	[tilespmem:$0x1E800] =	vst v63  }
0x88: {  	_ =	swait.ge [sflag:s26], $0x4000  }
0x89: {  	[sflag:s26] =	ssyncset.done $0x0  }
0x8a: {  	s8 =	simm.s32 $0x80;
	[sflag:s26] =	ssyncadd.s32 $0xFFFFC000  }
0x8b: {  	[tilespmem:s28], [sflag:$0x2] =	stream.indirect.gather [hbm4b:s4+s21], $0x80, s8, s21, $0xb8;
	[tilespmem:$0x1E800] =	vst v63  }
0x8c: {  	s9 =	simm.s32 $0x1400  }
0x8d: {  	[spmem:s2] =	stream.indirect.scatter.add.f32 [tilespmem:s13], [sflag:$0x3], $0x80, s9, s21, $0xb8;
	[tilespmem:$0x1E800] =	vst v63  }
0x8e: {  	_ =	swait.ge [sflag:s14], $0x4000  }
0x8f: {  	[sflag:s14] =	ssyncset.done $0x0  }
0x90: {  	[sflag:s14] =	ssyncadd.s32 $0xFFFFC000  }
0x91: {  	_ =	swait.ge [sflag:s29], $0x4000  }
0x92: {  	[sflag:s29] =	ssyncset.done $0x0  }
0x93: {  	s8 =	simm.s32 $0x100;
	[sflag:s29] =	ssyncadd.s32 $0xFFFFC000  }
0x94: {  	[tilespmem:s13], [sflag:$0x1] =	stream.indirect.gather [hbm4b:s4+s21], $0x80, s8, s21, $0xb8;
	[tilespmem:$0x1E800] =	vst v63  }
0x95: {  	s9 =	simm.s32 $0x1480  }
0x96: {  	[spmem:s2] =	stream.indirect.scatter.add.f32 [tilespmem:s28], [sflag:$0x3], $0x80, s9, s21, $0xb8;
	[tilespmem:$0x1E800] =	vst v63  }
0x97: {  	_ =	swait.ge [sflag:s14], $0x4000  }
0x98: {  	s1 =	simm.s32 $0x400;
	[sflag:s14] =	ssyncset.done $0x0  }
.LBB2_6:
0x99: {  	p0 =	sne.s32 s1, $0x4800  }
0x9a: {  	[sflag:s14] =	ssyncadd.s32 $0xFFFFC000;
	s8 =	smov.u32 s1;
	s1 =	sadd.s32 $0x400, s1  }
0x9b: {  	_ = 	snop  }
0x9c: {  	_ =	swait.ge [sflag:s26], $0x4000  }
0x9d: {  	s8 =	sshra.s32 s8, $0x2;
	[sflag:s26] =	ssyncset.done $0x0  }
0x9e: {  	s9 =	sadd.s32 $0x80, s8;
	[sflag:s26] =	ssyncadd.s32 $0xFFFFC000  }
0x9f: {  	[tilespmem:s28], [sflag:$0x2] =	stream.indirect.gather [hbm4b:s4+s21], $0x80, s9, s21, $0xb8;
	[tilespmem:$0x1E800] =	vst v63  }
0xa0: {  	s9 =	sadd.s32 $0x1400, s8  }
0xa1: {  	[spmem:s2] =	stream.indirect.scatter.add.f32 [tilespmem:s13], [sflag:$0x3], $0x80, s9, s21, $0xb8;
	[tilespmem:$0x1E800] =	vst v63  }
0xa2: {  	_ =	swait.ge [sflag:s14], $0x4000  }
0xa3: {  	[sflag:s14] =	ssyncset.done $0x0  }
0xa4: {  	[sflag:s14] =	ssyncadd.s32 $0xFFFFC000  }
0xa5: {  	_ =	swait.ge [sflag:s29], $0x4000  }
0xa6: {  	[sflag:s29] =	ssyncset.done $0x0  }
0xa7: {  	s9 =	sadd.s32 $0x100, s8;
	[sflag:s29] =	ssyncadd.s32 $0xFFFFC000  }
0xa8: {  	[tilespmem:s13], [sflag:$0x1] =	stream.indirect.gather [hbm4b:s4+s21], $0x80, s9, s21, $0xb8;
	[tilespmem:$0x1E800] =	vst v63  }
.Ltmp2:
0xa9: {  	_ = 	snop;
	(pc) =	sbr.rel @p0 .LBB2_6-.Ltmp2, $4  }
0xaa: {  	s8 =	sadd.s32 $0x1480, s8  }
0xab: {  	[spmem:s2] =	stream.indirect.scatter.add.f32 [tilespmem:s28], [sflag:$0x3], $0x80, s8, s21, $0xb8;
	[tilespmem:$0x1E800] =	vst v63  }
0xac: {  	_ =	swait.ge [sflag:s14], $0x4000  }
0xad: {  	[sflag:s14] =	ssyncset.done $0x0  }
0xae: {  	[sflag:s14] =	ssyncadd.s32 $0xFFFFC000  }
0xaf: {  	_ =	swait.ge [sflag:s26], $0x4000  }
0xb0: {  	[sflag:s26] =	ssyncset.done $0x0  }
0xb1: {  	[sflag:s26] =	ssyncadd.s32 $0xFFFFC000  }
0xb2: {  	[tilespmem:s28], [sflag:$0x2] =	stream.indirect.gather [hbm4b:s4+s21], $0x80, s30, s21, $0xb8;
	[tilespmem:$0x1E800] =	vst v63  }
0xb3: {  	_ = 	snop  }
0xb4: {  	[spmem:s2] =	stream.indirect.scatter.add.f32 [tilespmem:s13], [sflag:$0x3], $0x80, s31, s21, $0xb8;
	[tilespmem:$0x1E800] =	vst v63  }
0xb5: {  	_ =	swait.ge [sflag:s14], $0x4000  }
0xb6: {  	[sflag:s14] =	ssyncset.done $0x0  }
0xb7: {  	[sflag:s14] =	ssyncadd.s32 $0xFFFFC000  }
0xb8: {  	_ =	swait.ge [sflag:s29], $0x4000  }
0xb9: {  	[sflag:s29] =	ssyncset.done $0x0  }
0xba: {  	[sflag:s29] =	ssyncadd.s32 $0xFFFFC000  }
0xbb: {  	[spmem:s2] =	stream.indirect.scatter.add.f32 [tilespmem:s28], [sflag:$0x3], $0x80, s0, s21, $0xb8;
	[tilespmem:$0x1E800] =	vst v63  }
0xbc: {  	_ =	swait.ge [sflag:s14], $0x4000  }
0xbd: {  	s1 =	stileid.u32;
	[sflag:s14] =	ssyncset.done $0x0  }
0xbe: {  	s1 =	sshll.u32 s1, $0x6;
	[sflag:s14] =	ssyncadd.s32 $0xFFFFC000  }
0xbf: {  	s8 =	sshrl.u32 s5, $0x3;
	s1 =	sor.u32 $0x1C03, s1;
	[bflag:$0x0] =	sbarrier.arrive $0xFFFF  }
0xc0: {  	[hbm:s16], [sflag:s1] =	dma.local [spmem:s8], $0x800  }
0xc1: {  	_ =	swait.ge [sflag:s14], $0x800  }
0xc2: {  	[sflag:s14] =	ssyncset.done $0x0  }
0xc3: {  	[sflag:s14] =	ssyncadd.s32 $0xFFFFF800  }
0xc4: {  	[hbm:s17], [sflag:s1] =	dma.local [spmem:s22], $0x800  }
0xc5: {  	_ =	swait.ge [sflag:s14], $0x800  }
0xc6: {  	[sflag:s14] =	ssyncset.done $0x0  }
0xc7: {  	[sflag:s14] =	ssyncadd.s32 $0xFFFFF800  }
0xc8: {  	[hbm:s18], [sflag:s1] =	dma.local [spmem:s23], $0x800  }
0xc9: {  	_ =	swait.ge [sflag:s14], $0x800  }
0xca: {  	[sflag:s14] =	ssyncset.done $0x0  }
0xcb: {  	[sflag:s14] =	ssyncadd.s32 $0xFFFFF800  }
0xcc: {  	[hbm:s19], [sflag:s1] =	dma.local [spmem:s24], $0x800  }
0xcd: {  	_ =	swait.ge [sflag:s14], $0x800  }
0xce: {  	[sflag:s14] =	ssyncset.done $0x0  }
0xcf: {  	[sflag:s14] =	ssyncadd.s32 $0xFFFFF800  }
0xd0: {  	[hbm:s20], [sflag:s1] =	dma.local [spmem:s25], $0x800  }
0xd1: {  	_ =	swait.ge [sflag:s14], $0x800  }
0xd2: {  	s3 =	sadd.s32 $0x1, s3;
	s9 =	rddreg [dreg:$0x4]  }
0xd3: {  	p0 =	sne.s32 s3, s9  }
.Ltmp3:
0xd4: {  	_ = 	snop;
	(pc) =	sbr.rel @p0 .LBB2_1-.Ltmp3, $3  }
0xd5: {  	_ =	sdelay $0x1  }
0xd6: {  	[sflag:s14] =	ssyncset.done $0x0  }
0xd7: {  	[sflag:s14] =	ssyncadd.s32 $0xFFFFF800  }
0xd8: {  	_ =	sfence.sel $0x180000  }
0xd9: {  	[bflag:$0x0] =	sbarrier.arrive $0xFFFF  }
0xda: {  	_ =	strace $0x90000053  }
0xdb: {  	s0 =	stileid.u32;
	[bflag:$0x2] =	sbarrier.arrive $0xFFFF  }
0xdc: {  	p0 =	sne.s32 s0, $0x0;
	s0 =	rddreg [dreg:$0x3]  }
0xdd: {  	s0 =	sadd.s32 @!p0 $0x100000, s0  }
0xde: {  	[sflag:s0] =	ssyncadd.tile.s32 @!p0 $0x1;
	_ =	shalt  }
.Lfunc_end2:
_tile_overlayer_lowered:
.L_overlay_start_2:
0xdf: {  	(tag) =	ssettag $0x2  }
0xe0: {  	s0 =	rddreg [dreg:$0x0];
	s2 =	stileid.u32  }
0xe1: {  	s1 =	rddreg [dreg:$0x1];
	p0 =	sne.s32 s2, $0x0  }
0xe2: {  	s3 =	rddreg [dreg:$0x2];
	[bflag:$0x3] =	sbarrier.arrive $0xFFFF;
	s2 =	simm.s32 @!p0 $0x1C03  }
0xe3: {  	[timem:s3], [sflag:s2] =	dma.local @!p0 [hbm:s0], s1  }
0xe4: {  	s0 =	simm.s32 @!p0 $0x3  }
0xe5: {  	_ =	swait.ge @!p0 [sflag:s0], s1  }
0xe6: {  	s1 =	ssub.s32 @!p0 $0x0, s1;
	[sflag:s0] =	ssyncset.done @!p0 $0x0  }
0xe7: {  	[sflag:s0] =	ssyncadd.s32 @!p0 s1  }
0xe8: {  	[bflag:$0x3] =	sbarrier.arrive $0xFFFF  }
0xe9: {  	_ =	shalt  }

</sc_bundles>
